<compile_context>
chip_gen: v7x
topology: tpu7x:2x2x1
jax: 0.10.2.dev20260603
libtpu: 0.0.44.dev20260713+nightly
codegen_flags: <defaults>
</compile_context>

<pallas_src>
import functools

import jax
import jax.numpy as jnp
from jax import lax
from jax.experimental import pallas as pl
from jax.experimental.pallas import tpu as pltpu
from jax.experimental.pallas import tpu_sc as plsc

_N, _C, _A = 32, 81, 8732
_AB = 4480
_J = (_A + _AB - 1) // _AB
_AP = _J * _AB
_BN = 8
_GN = _N // _BN
_ASC = 8736
_FULL = (_A // 16) * 16



def _sc_sl1_body(ploc_hbm, gloc_hbm, glab_hbm, out_hbm, p4_v, g4_v, gl_v,
                 res_v):
    wid = lax.axis_index("s") * 2 + lax.axis_index("c")
    pltpu.sync_copy(ploc_hbm.at[wid], p4_v)
    pltpu.sync_copy(gloc_hbm.at[wid], g4_v)
    pltpu.sync_copy(glab_hbm.at[wid], gl_v)
    iot = lax.iota(jnp.int32, 16)

    def smooth_l1(pv, gv):
        d = pv - gv
        ad = jnp.abs(d)
        return jnp.where(ad < 1.0, 0.5 * d * d, ad - 0.5)

    def body(i, acc):
        base = i * 16
        gl = gl_v[pl.ds(base, 16)]
        mf = jnp.where(gl > 0, 1.0, 0.0)
        idx4 = (base + iot) * 4
        s = jnp.zeros((16,), jnp.float32)
        for c in range(4):
            pv = p4_v[pl.ds(c * _A + base, 16)]
            gv = plsc.load_gather(g4_v, [idx4 + c])
            s = s + smooth_l1(pv, gv)
        return acc + mf * s

    acc = lax.fori_loop(0, _FULL // 16, body, jnp.zeros((16,), jnp.float32))

    a_idx = _FULL + iot
    valid = a_idx < _A
    idxc = jnp.minimum(a_idx, _A - 1)
    gl = gl_v[pl.ds(_FULL, 16)]
    mf = jnp.where((gl > 0) & valid, 1.0, 0.0)
    s = jnp.zeros((16,), jnp.float32)
    for c in range(4):
        pv = plsc.load_gather(p4_v, [c * _A + idxc])
        gv = plsc.load_gather(g4_v, [idxc * 4 + c])
        s = s + smooth_l1(pv, gv)
    acc = acc + mf * s

    res_v[...] = acc
    pltpu.sync_copy(res_v, out_hbm.at[wid, pl.ds(0, 16)])


_sc_sl1 = functools.partial(
    pl.kernel,
    out_type=jax.ShapeDtypeStruct((_N, 128), jnp.float32),
    mesh=plsc.VectorSubcoreMesh(core_axis_name="c", subcore_axis_name="s"),
    compiler_params=pltpu.CompilerParams(needs_layout_passes=False),
    scratch_types=[
        pltpu.VMEM((4 * _A,), jnp.float32),
        pltpu.VMEM((_A * 4,), jnp.float32),
        pltpu.VMEM((_ASC,), jnp.int32),
        pltpu.VMEM((16,), jnp.float32),
    ],
)(_sc_sl1_body)



def _one_sample(b, g, j, plabel_ref, glab_ref, con_s, vneg_s, scal_s):
    pb = plabel_ref[b]
    gl = glab_ref[b:b + 1, :]
    lane = jax.lax.broadcasted_iota(jnp.int32, (1, _AB), 1)
    valid = (j * _AB + lane) < _A

    e = jnp.exp(pb)
    s = jnp.sum(e, axis=0, keepdims=True)
    crow = jax.lax.broadcasted_iota(jnp.int32, (_C, _AB), 0)
    psel = jnp.where(crow == gl, pb, 0.0)
    sel = jnp.sum(psel, axis=0, keepdims=True)
    logpt = sel - jnp.log(s)
    pt = jnp.exp(logpt)
    con = -((1.0 - pt) * (1.0 - pt)) * logpt
    con = jnp.where(valid, con, 0.0)

    posb = (gl > 0) & valid
    posf = posb.astype(jnp.float32)

    row = g * _BN + b
    con_s[pl.ds(row, 1), pl.ds(j * _AB, _AB)] = con
    vneg_s[pl.ds(row, 1), pl.ds(j * _AB, _AB)] = jnp.where(
        valid, jnp.where(posb, 0.0, con), -1.0)

    pos_s = jnp.sum(posf)
    conpos_s = jnp.sum(posf * con)

    li = jax.lax.broadcasted_iota(jnp.int32, (1, 128), 1)
    vec = jnp.where(li == 0, pos_s, 0.0) + jnp.where(li == 1, conpos_s, 0.0)

    @pl.when(j == 0)
    def _():
        scal_s[pl.ds(row, 1), :] = vec

    @pl.when(j != 0)
    def _():
        scal_s[pl.ds(row, 1), :] = scal_s[pl.ds(row, 1), :] + vec


def _mine(con_s, vneg_s, scal_s, out_ref):
    v = vneg_s[...]
    c = con_s[...]
    kraw = jax.lax.bitcast_convert_type(v, jnp.int32)
    keys = jnp.where(kraw >= 0, kraw, kraw ^ jnp.int32(0x7FFFFFFF))

    scal = scal_s[...]
    pos = scal[:, 0:1]
    conpos = scal[:, 1:2]
    k = jnp.minimum(3.0 * pos, float(_A))

    def bs_body(i, tau):
        cand = tau | jax.lax.shift_left(jnp.int32(1), 30 - i)
        cnt = jnp.sum((keys >= cand).astype(jnp.float32), axis=1, keepdims=True)
        return jnp.where(cnt >= k, cand, tau)

    tau = jax.lax.fori_loop(0, 31, bs_body, jnp.zeros((_N, 1), jnp.int32))

    gt = keys > tau
    num_gt = jnp.sum(gt.astype(jnp.float32), axis=1, keepdims=True)
    ties_wanted = k - num_gt
    s_gt = jnp.sum(jnp.where(gt, c, 0.0), axis=1, keepdims=True)

    r128 = jax.lax.broadcasted_iota(jnp.int32, (128, 128), 0)
    c128 = jax.lax.broadcasted_iota(jnp.int32, (128, 128), 1)
    tri = (r128 <= c128).astype(jnp.float32)

    off = jnp.zeros((_N, 1), jnp.float32)
    s_tie = jnp.zeros((_N, 1), jnp.float32)
    for i in range(_AP // 128):
        kk = keys[:, i * 128:(i + 1) * 128]
        cc = c[:, i * 128:(i + 1) * 128]
        eq = (kk == tau).astype(jnp.float32)
        incl = jax.lax.dot(eq, tri, precision=jax.lax.Precision.HIGHEST)
        excl = incl - eq
        take = (eq > 0.0) & ((off + excl) < ties_wanted)
        s_tie = s_tie + jnp.sum(jnp.where(take, cc, 0.0), axis=1, keepdims=True)
        off = off + jnp.sum(eq, axis=1, keepdims=True)

    s_sel = s_gt + s_tie

    li = jax.lax.broadcasted_iota(jnp.int32, (_N, 128), 1)
    out_ref[...] = (jnp.where(li == 0, s_sel, 0.0)
                    + jnp.where(li == 1, conpos, 0.0)
                    + jnp.where(li == 2, pos, 0.0))


def _fused(plabel_ref, glab_ref, out_ref, con_s, vneg_s, scal_s):
    g = pl.program_id(0)
    j = pl.program_id(1)
    for b in range(_BN):
        _one_sample(b, g, j, plabel_ref, glab_ref, con_s, vneg_s, scal_s)

    @pl.when((g * _J + j) == (_GN * _J - 1))
    def _():
        _mine(con_s, vneg_s, scal_s, out_ref)


def _combine(mo_ref, sl1_ref, dom_ref, out_ref):
    s_sel = mo_ref[:, 0:1]
    conpos = mo_ref[:, 1:2]
    pos = mo_ref[:, 2:3]
    sl1 = jnp.sum(sl1_ref[:, 0:16], axis=1, keepdims=True)
    src = (dom_ref[:, 0:1] == 0).astype(jnp.float32)
    closs = conpos * src + s_sel
    total = sl1 * src + closs
    num_mask = (pos > 0).astype(jnp.float32)
    posc = jnp.maximum(pos, 1e-6)
    per = total * num_mask / posc
    out_ref[...] = jnp.zeros((1, 128), jnp.float32) + jnp.sum(per) / _N


@jax.jit
def kernel(ploc, plabel, gloc, glabel, domain_label):
    glab = glabel.astype(jnp.int32)
    glab_sc = jnp.pad(glab, ((0, 0), (0, _ASC - _A)))
    dom = jnp.broadcast_to(domain_label.astype(jnp.int32).reshape(_N, 1),
                           (_N, 128))

    sl1_arr = _sc_sl1(ploc.reshape(_N, 4 * _A), gloc.reshape(_N, _A * 4),
                      glab_sc)

    mine_out = pl.pallas_call(
        _fused,
        grid=(_GN, _J),
        in_specs=[
            pl.BlockSpec((_BN, _C, _AB), lambda g, j: (g, 0, j)),
            pl.BlockSpec((_BN, _AB), lambda g, j: (g, j)),
        ],
        out_specs=pl.BlockSpec((_N, 128), lambda g, j: (0, 0)),
        out_shape=jax.ShapeDtypeStruct((_N, 128), jnp.float32),
        scratch_shapes=[
            pltpu.VMEM((_N, _AP), jnp.float32),
            pltpu.VMEM((_N, _AP), jnp.float32),
            pltpu.VMEM((_N, 128), jnp.float32),
        ],
    )(plabel, glab)

    out = pl.pallas_call(
        _combine,
        out_shape=jax.ShapeDtypeStruct((1, 128), jnp.float32),
    )(mine_out, sl1_arr, dom)
    return out[0, 0]

# --- scband reference (transcript-rebuilt; emitter-appended) ---
"""Pipeline reference for scband-adaptive-ssdloss-43679817400828 (READ-ONLY COPY).

The authoritative reference and input builder live on the scoring server;
editing this copy changes nothing except your own understanding.
"""

import jax, jax.numpy as jnp
import numpy as np


def smooth_l1(pred, target):
    d = pred - target
    ad = jnp.abs(d)
    return jnp.where(ad < 1.0, 0.5 * d * d, ad - 0.5)


def focal_loss(plabel, glabel, gamma=2.0):
    # plabel: [N, C, A] logits; glabel: [N, A] int labels
    logpt = jax.nn.log_softmax(plabel, axis=1)
    logpt = jnp.take_along_axis(logpt, glabel[:, None, :], axis=1)[:, 0, :]  # [N, A]
    pt = jnp.exp(logpt)
    return -((1.0 - pt) ** gamma) * logpt  # per-anchor loss (size_average=False)


def setup_inputs(seed: int = 0):
    key = jax.random.key(seed)
    k1, k2, k3, k4, k5 = jax.random.split(key, 5)
    N, C, A = 32, 81, 8732
    ploc = jax.random.normal(k1, (N, 4, A), dtype=jnp.float32)
    plabel = jax.random.normal(k2, (N, C, A), dtype=jnp.float32)
    gloc = jax.random.normal(k3, (N, A, 4), dtype=jnp.float32)
    glabel = jax.random.randint(k4, (N, A), 0, C).astype(jnp.int64)
    domain_label = jax.random.randint(k5, (N,), 0, 2).astype(jnp.int64)
    return {"ploc": ploc, "plabel": plabel, "gloc": gloc,
            "glabel": glabel, "domain_label": domain_label}


def reference(ploc, plabel, gloc, glabel, domain_label):
    alpha = 1.0
    gloc_t = jnp.transpose(gloc, (0, 2, 1))  # [N, 4, A]
    mask = glabel > 0  # [N, A]
    maskf = mask.astype(jnp.float32)
    pos_num = mask.sum(axis=1)  # [N]
    source_mask = (domain_label == 0)[:, None].astype(jnp.float32)  # [N, 1]

    sl1 = smooth_l1(ploc, gloc_t).sum(axis=1)  # [N, A]
    sl1 = (source_mask * maskf * sl1).sum(axis=1)  # [N]

    con = focal_loss(plabel, glabel)  # [N, A]

    # hard negative mining via double argsort (rank computation)
    con_neg = jnp.where(mask, 0.0, con)
    con_idx = jnp.argsort(-con_neg, axis=1)   # descending sort indices
    con_rank = jnp.argsort(con_idx, axis=1)   # rank of each anchor
    neg_num = jnp.minimum(3 * pos_num, mask.shape[1])[:, None]
    neg_mask = (con_rank < neg_num).astype(jnp.float32)

    closs = (con * (source_mask * maskf + neg_mask)).sum(axis=1)  # [N]

    total_loss = sl1 + alpha * closs
    num_mask = (pos_num > 0).astype(jnp.float32)
    pos_f = jnp.clip(pos_num.astype(jnp.float32), 1e-06, None)
    ret = (total_loss * num_mask / pos_f).mean(axis=0)
    return ret

if __name__ == "__main__":
    import jax
    _d = setup_inputs()
    print(jax.jit(kernel)(*tuple(_d.values())))

</pallas_src>

<mosaic_0001>
#map = affine_map<(d0, d1) -> (0, 0)>
module attributes {stable_mosaic.version = 14 : i64} {
  func.func @_sc_sl1_body(%arg0: i32, %arg1: i32, %arg2: memref<32x34928xf32, #tpu.memory_space<hbm>>, %arg3: memref<32x34928xf32, #tpu.memory_space<hbm>>, %arg4: memref<32x8736xi32, #tpu.memory_space<hbm>>, %arg5: memref<32x128xf32, #tpu.memory_space<hbm>>, %arg6: memref<34928xf32, #tpu.memory_space<vmem>>, %arg7: memref<34928xf32, #tpu.memory_space<vmem>>, %arg8: memref<8736xi32, #tpu.memory_space<vmem>>, %arg9: memref<16xf32, #tpu.memory_space<vmem>>) attributes {dimension_semantics = [#tpu.dimension_semantics<core_parallel>, #tpu.dimension_semantics<subcore_parallel>], iteration_bounds = array<i64: 2, 16>, scalar_prefetch = 0 : i64, scratch_operands = 4 : i64, tpu.core_type = #tpu.core_type<sc_vector_subcore>, window_params = [{transform_indices = #map}, {transform_indices = #map}, {transform_indices = #map}, {transform_indices = #map}]} {
    %mul3A = arith.constant 2 : i32
    %mul3A_0 = arith.muli %arg1, %mul3A : i32
    %add3A = arith.addi %mul3A_0, %arg0 : i32
    "tpu.region"() ({
      %run_scoped3A = tpu.sem_alloc : memref<!tpu.dma_semaphore, #tpu.memory_space<semaphore_mem>>
      %dma_start3A = arith.constant 0 : i32
      %dma_start3A_122 = tpu.memref_slice %arg2[%add3A, %dma_start3A] : memref<32x34928xf32, #tpu.memory_space<hbm>> -> memref<1x34928xf32, #tpu.memory_space<hbm>>
      %dma_start3A_123 = tpu.memref_squeeze %dma_start3A_122 : memref<1x34928xf32, #tpu.memory_space<hbm>> -> memref<34928xf32, #tpu.memory_space<hbm>>
      %dma_start3A_124 = arith.constant 0 : i32
      %dma_start3A_125 = tpu.memref_slice %arg2[%add3A, %dma_start3A_124] : memref<32x34928xf32, #tpu.memory_space<hbm>> -> memref<1x34928xf32, #tpu.memory_space<hbm>>
      %dma_start3A_126 = tpu.memref_squeeze %dma_start3A_125 : memref<1x34928xf32, #tpu.memory_space<hbm>> -> memref<34928xf32, #tpu.memory_space<hbm>>
      tpu.enqueue_dma source(%dma_start3A_126 : memref<34928xf32, #tpu.memory_space<hbm>>) target(%arg6 : memref<34928xf32, #tpu.memory_space<vmem>>) target_semaphore(%run_scoped3A : memref<!tpu.dma_semaphore, #tpu.memory_space<semaphore_mem>>)
      %dma_wait3A = arith.constant 0 : i32
      %dma_wait3A_127 = tpu.memref_slice %arg2[%add3A, %dma_wait3A] : memref<32x34928xf32, #tpu.memory_space<hbm>> -> memref<1x34928xf32, #tpu.memory_space<hbm>>
      %dma_wait3A_128 = tpu.memref_squeeze %dma_wait3A_127 : memref<1x34928xf32, #tpu.memory_space<hbm>> -> memref<34928xf32, #tpu.memory_space<hbm>>
      %dma_wait3A_129 = arith.constant 0 : i32
      %dma_wait3A_130 = tpu.memref_slice %arg2[%add3A, %dma_wait3A_129] : memref<32x34928xf32, #tpu.memory_space<hbm>> -> memref<1x34928xf32, #tpu.memory_space<hbm>>
      %dma_wait3A_131 = tpu.memref_squeeze %dma_wait3A_130 : memref<1x34928xf32, #tpu.memory_space<hbm>> -> memref<34928xf32, #tpu.memory_space<hbm>>
      tpu.wait_dma2 semaphore(%run_scoped3A : memref<!tpu.dma_semaphore, #tpu.memory_space<semaphore_mem>>) src(%dma_wait3A_131 : memref<34928xf32, #tpu.memory_space<hbm>>) dst(%arg6 : memref<34928xf32, #tpu.memory_space<vmem>>)
      tpu.yield
    }) : () -> ()
    "tpu.region"() ({
      %run_scoped3A = tpu.sem_alloc : memref<!tpu.dma_semaphore, #tpu.memory_space<semaphore_mem>>
      %dma_start3A = arith.constant 0 : i32
      %dma_start3A_122 = tpu.memref_slice %arg3[%add3A, %dma_start3A] : memref<32x34928xf32, #tpu.memory_space<hbm>> -> memref<1x34928xf32, #tpu.memory_space<hbm>>
      %dma_start3A_123 = tpu.memref_squeeze %dma_start3A_122 : memref<1x34928xf32, #tpu.memory_space<hbm>> -> memref<34928xf32, #tpu.memory_space<hbm>>
      %dma_start3A_124 = arith.constant 0 : i32
      %dma_start3A_125 = tpu.memref_slice %arg3[%add3A, %dma_start3A_124] : memref<32x34928xf32, #tpu.memory_space<hbm>> -> memref<1x34928xf32, #tpu.memory_space<hbm>>
      %dma_start3A_126 = tpu.memref_squeeze %dma_start3A_125 : memref<1x34928xf32, #tpu.memory_space<hbm>> -> memref<34928xf32, #tpu.memory_space<hbm>>
      tpu.enqueue_dma source(%dma_start3A_126 : memref<34928xf32, #tpu.memory_space<hbm>>) target(%arg7 : memref<34928xf32, #tpu.memory_space<vmem>>) target_semaphore(%run_scoped3A : memref<!tpu.dma_semaphore, #tpu.memory_space<semaphore_mem>>)
      %dma_wait3A = arith.constant 0 : i32
      %dma_wait3A_127 = tpu.memref_slice %arg3[%add3A, %dma_wait3A] : memref<32x34928xf32, #tpu.memory_space<hbm>> -> memref<1x34928xf32, #tpu.memory_space<hbm>>
      %dma_wait3A_128 = tpu.memref_squeeze %dma_wait3A_127 : memref<1x34928xf32, #tpu.memory_space<hbm>> -> memref<34928xf32, #tpu.memory_space<hbm>>
      %dma_wait3A_129 = arith.constant 0 : i32
      %dma_wait3A_130 = tpu.memref_slice %arg3[%add3A, %dma_wait3A_129] : memref<32x34928xf32, #tpu.memory_space<hbm>> -> memref<1x34928xf32, #tpu.memory_space<hbm>>
      %dma_wait3A_131 = tpu.memref_squeeze %dma_wait3A_130 : memref<1x34928xf32, #tpu.memory_space<hbm>> -> memref<34928xf32, #tpu.memory_space<hbm>>
      tpu.wait_dma2 semaphore(%run_scoped3A : memref<!tpu.dma_semaphore, #tpu.memory_space<semaphore_mem>>) src(%dma_wait3A_131 : memref<34928xf32, #tpu.memory_space<hbm>>) dst(%arg7 : memref<34928xf32, #tpu.memory_space<vmem>>)
      tpu.yield
    }) : () -> ()
    "tpu.region"() ({
      %run_scoped3A = tpu.sem_alloc : memref<!tpu.dma_semaphore, #tpu.memory_space<semaphore_mem>>
      %dma_start3A = arith.constant 0 : i32
      %dma_start3A_122 = tpu.memref_slice %arg4[%add3A, %dma_start3A] : memref<32x8736xi32, #tpu.memory_space<hbm>> -> memref<1x8736xi32, #tpu.memory_space<hbm>>
      %dma_start3A_123 = tpu.memref_squeeze %dma_start3A_122 : memref<1x8736xi32, #tpu.memory_space<hbm>> -> memref<8736xi32, #tpu.memory_space<hbm>>
      %dma_start3A_124 = arith.constant 0 : i32
      %dma_start3A_125 = tpu.memref_slice %arg4[%add3A, %dma_start3A_124] : memref<32x8736xi32, #tpu.memory_space<hbm>> -> memref<1x8736xi32, #tpu.memory_space<hbm>>
      %dma_start3A_126 = tpu.memref_squeeze %dma_start3A_125 : memref<1x8736xi32, #tpu.memory_space<hbm>> -> memref<8736xi32, #tpu.memory_space<hbm>>
      tpu.enqueue_dma source(%dma_start3A_126 : memref<8736xi32, #tpu.memory_space<hbm>>) target(%arg8 : memref<8736xi32, #tpu.memory_space<vmem>>) target_semaphore(%run_scoped3A : memref<!tpu.dma_semaphore, #tpu.memory_space<semaphore_mem>>)
      %dma_wait3A = arith.constant 0 : i32
      %dma_wait3A_127 = tpu.memref_slice %arg4[%add3A, %dma_wait3A] : memref<32x8736xi32, #tpu.memory_space<hbm>> -> memref<1x8736xi32, #tpu.memory_space<hbm>>
      %dma_wait3A_128 = tpu.memref_squeeze %dma_wait3A_127 : memref<1x8736xi32, #tpu.memory_space<hbm>> -> memref<8736xi32, #tpu.memory_space<hbm>>
      %dma_wait3A_129 = arith.constant 0 : i32
      %dma_wait3A_130 = tpu.memref_slice %arg4[%add3A, %dma_wait3A_129] : memref<32x8736xi32, #tpu.memory_space<hbm>> -> memref<1x8736xi32, #tpu.memory_space<hbm>>
      %dma_wait3A_131 = tpu.memref_squeeze %dma_wait3A_130 : memref<1x8736xi32, #tpu.memory_space<hbm>> -> memref<8736xi32, #tpu.memory_space<hbm>>
      tpu.wait_dma2 semaphore(%run_scoped3A : memref<!tpu.dma_semaphore, #tpu.memory_space<semaphore_mem>>) src(%dma_wait3A_131 : memref<8736xi32, #tpu.memory_space<hbm>>) dst(%arg8 : memref<8736xi32, #tpu.memory_space<vmem>>)
      tpu.yield
    }) : () -> ()
    %iota3A = tpu.iota {dimensions = array<i32: 0>} : vector<16xi32>
    %broadcast_in_dim3A = arith.constant 0.000000e+00 : f32
    %broadcast_in_dim3A_1 = vector.broadcast %broadcast_in_dim3A : f32 to vector<16xf32>
    %scan3A = arith.constant 0 : i32
    %scan3A_2 = arith.constant 545 : i32
    %scan3A_3 = arith.addi %scan3A, %scan3A_2 : i32
    %scan3A_4 = arith.constant 1 : i32
    %scan3A_5 = scf.for %scan3A_122 = %scan3A to %scan3A_3 step %scan3A_4 iter_args(%scan3A_123 = %broadcast_in_dim3A_1) -> (vector<16xf32>)  : i32 {
      %mul3A_124 = arith.constant 16 : i32
      %mul3A_125 = arith.muli %scan3A_122, %mul3A_124 : i32
      %get3A_126 = arith.index_cast %mul3A_125 : i32 to index
      %get3A_127 = tpu.vector_load %arg8[%get3A_126] {strides = array<i32>} : memref<8736xi32, #tpu.memory_space<vmem>>, vector<16xi32>,
      %gt3A_128 = arith.constant 0 : i32
      %gt3A_129 = vector.broadcast %gt3A_128 : i32 to vector<16xi32>
      %gt3A_130 = arith.cmpi sgt, %get3A_127, %gt3A_129 : vector<16xi32>
      %jit3A_131 = arith.constant 1.000000e+00 : f32
      %jit3A_132 = arith.constant 0.000000e+00 : f32
      %broadcast_in_dim3A_133 = vector.broadcast %jit3A_131 : f32 to vector<16xf32>
      %broadcast_in_dim3A_134 = vector.broadcast %jit3A_132 : f32 to vector<16xf32>
      %select_n3A_135 = arith.select %gt3A_130, %broadcast_in_dim3A_133, %broadcast_in_dim3A_134 : vector<16xi1>, vector<16xf32>
      %add3A_136 = vector.broadcast %mul3A_125 : i32 to vector<16xi32>
      %add3A_137 = arith.addi %add3A_136, %iota3A : vector<16xi32>
      %mul3A_138 = arith.constant 4 : i32
      %mul3A_139 = vector.broadcast %mul3A_138 : i32 to vector<16xi32>
      %mul3A_140 = arith.muli %add3A_137, %mul3A_139 : vector<16xi32>
      %broadcast_in_dim3A_141 = arith.constant 0.000000e+00 : f32
      %broadcast_in_dim3A_142 = vector.broadcast %broadcast_in_dim3A_141 : f32 to vector<16xf32>
      %add3A_143 = arith.constant 0 : i32
      %add3A_144 = arith.addi %add3A_143, %mul3A_125 : i32
      %get3A_145 = arith.index_cast %add3A_144 : i32 to index
      %get3A_146 = tpu.vector_load %arg6[%get3A_145] {strides = array<i32>} : memref<34928xf32, #tpu.memory_space<vmem>>, vector<16xf32>,
      %add3A_147 = arith.constant 0 : i32
      %add3A_148 = vector.broadcast %add3A_147 : i32 to vector<16xi32>
      %add3A_149 = arith.addi %mul3A_140, %add3A_148 : vector<16xi32>
      %gather3A_150 = tpu.vector_load_idx %arg7[%add3A_149] : memref<34928xf32, #tpu.memory_space<vmem>>[vector<16xi32>], vector<16xf32>,
      %sub3A_151 = arith.subf %get3A_146, %gather3A_150 : vector<16xf32>
      %abs3A_152 = math.absf %sub3A_151 : vector<16xf32>
      %lt3A_153 = arith.constant 1.000000e+00 : f32
      %lt3A_154 = vector.broadcast %lt3A_153 : f32 to vector<16xf32>
      %lt3A_155 = arith.cmpf olt, %abs3A_152, %lt3A_154 : vector<16xf32>
      %mul3A_156 = arith.constant 5.000000e-01 : f32
      %mul3A_157 = vector.broadcast %mul3A_156 : f32 to vector<16xf32>
      %mul3A_158 = arith.mulf %mul3A_157, %sub3A_151 : vector<16xf32>
      %mul3A_159 = arith.mulf %mul3A_158, %sub3A_151 : vector<16xf32>
      %sub3A_160 = arith.constant 5.000000e-01 : f32
      %sub3A_161 = vector.broadcast %sub3A_160 : f32 to vector<16xf32>
      %sub3A_162 = arith.subf %abs3A_152, %sub3A_161 : vector<16xf32>
      %select_n3A_163 = arith.select %lt3A_155, %mul3A_159, %sub3A_162 : vector<16xi1>, vector<16xf32>
      %add3A_164 = arith.addf %broadcast_in_dim3A_142, %select_n3A_163 : vector<16xf32>
      %add3A_165 = arith.constant 8732 : i32
      %add3A_166 = arith.addi %add3A_165, %mul3A_125 : i32
      %get3A_167 = arith.index_cast %add3A_166 : i32 to index
      %get3A_168 = tpu.vector_load %arg6[%get3A_167] {strides = array<i32>} : memref<34928xf32, #tpu.memory_space<vmem>>, vector<16xf32>,
      %add3A_169 = arith.constant 1 : i32
      %add3A_170 = vector.broadcast %add3A_169 : i32 to vector<16xi32>
      %add3A_171 = arith.addi %mul3A_140, %add3A_170 : vector<16xi32>
      %gather3A_172 = tpu.vector_load_idx %arg7[%add3A_171] : memref<34928xf32, #tpu.memory_space<vmem>>[vector<16xi32>], vector<16xf32>,
      %sub3A_173 = arith.subf %get3A_168, %gather3A_172 : vector<16xf32>
      %abs3A_174 = math.absf %sub3A_173 : vector<16xf32>
      %lt3A_175 = arith.constant 1.000000e+00 : f32
      %lt3A_176 = vector.broadcast %lt3A_175 : f32 to vector<16xf32>
      %lt3A_177 = arith.cmpf olt, %abs3A_174, %lt3A_176 : vector<16xf32>
      %mul3A_178 = arith.constant 5.000000e-01 : f32
      %mul3A_179 = vector.broadcast %mul3A_178 : f32 to vector<16xf32>
      %mul3A_180 = arith.mulf %mul3A_179, %sub3A_173 : vector<16xf32>
      %mul3A_181 = arith.mulf %mul3A_180, %sub3A_173 : vector<16xf32>
      %sub3A_182 = arith.constant 5.000000e-01 : f32
      %sub3A_183 = vector.broadcast %sub3A_182 : f32 to vector<16xf32>
      %sub3A_184 = arith.subf %abs3A_174, %sub3A_183 : vector<16xf32>
      %select_n3A_185 = arith.select %lt3A_177, %mul3A_181, %sub3A_184 : vector<16xi1>, vector<16xf32>
      %add3A_186 = arith.addf %add3A_164, %select_n3A_185 : vector<16xf32>
      %add3A_187 = arith.constant 17464 : i32
      %add3A_188 = arith.addi %add3A_187, %mul3A_125 : i32
      %get3A_189 = arith.index_cast %add3A_188 : i32 to index
      %get3A_190 = tpu.vector_load %arg6[%get3A_189] {strides = array<i32>} : memref<34928xf32, #tpu.memory_space<vmem>>, vector<16xf32>,
      %add3A_191 = arith.constant 2 : i32
      %add3A_192 = vector.broadcast %add3A_191 : i32 to vector<16xi32>
      %add3A_193 = arith.addi %mul3A_140, %add3A_192 : vector<16xi32>
      %gather3A_194 = tpu.vector_load_idx %arg7[%add3A_193] : memref<34928xf32, #tpu.memory_space<vmem>>[vector<16xi32>], vector<16xf32>,
      %sub3A_195 = arith.subf %get3A_190, %gather3A_194 : vector<16xf32>
      %abs3A_196 = math.absf %sub3A_195 : vector<16xf32>
      %lt3A_197 = arith.constant 1.000000e+00 : f32
      %lt3A_198 = vector.broadcast %lt3A_197 : f32 to vector<16xf32>
      %lt3A_199 = arith.cmpf olt, %abs3A_196, %lt3A_198 : vector<16xf32>
      %mul3A_200 = arith.constant 5.000000e-01 : f32
      %mul3A_201 = vector.broadcast %mul3A_200 : f32 to vector<16xf32>
      %mul3A_202 = arith.mulf %mul3A_201, %sub3A_195 : vector<16xf32>
      %mul3A_203 = arith.mulf %mul3A_202, %sub3A_195 : vector<16xf32>
      %sub3A_204 = arith.constant 5.000000e-01 : f32
      %sub3A_205 = vector.broadcast %sub3A_204 : f32 to vector<16xf32>
      %sub3A_206 = arith.subf %abs3A_196, %sub3A_205 : vector<16xf32>
      %select_n3A_207 = arith.select %lt3A_199, %mul3A_203, %sub3A_206 : vector<16xi1>, vector<16xf32>
      %add3A_208 = arith.addf %add3A_186, %select_n3A_207 : vector<16xf32>
      %add3A_209 = arith.constant 26196 : i32
      %add3A_210 = arith.addi %add3A_209, %mul3A_125 : i32
      %get3A_211 = arith.index_cast %add3A_210 : i32 to index
      %get3A_212 = tpu.vector_load %arg6[%get3A_211] {strides = array<i32>} : memref<34928xf32, #tpu.memory_space<vmem>>, vector<16xf32>,
      %add3A_213 = arith.constant 3 : i32
      %add3A_214 = vector.broadcast %add3A_213 : i32 to vector<16xi32>
      %add3A_215 = arith.addi %mul3A_140, %add3A_214 : vector<16xi32>
      %gather3A_216 = tpu.vector_load_idx %arg7[%add3A_215] : memref<34928xf32, #tpu.memory_space<vmem>>[vector<16xi32>], vector<16xf32>,
      %sub3A_217 = arith.subf %get3A_212, %gather3A_216 : vector<16xf32>
      %abs3A_218 = math.absf %sub3A_217 : vector<16xf32>
      %lt3A_219 = arith.constant 1.000000e+00 : f32
      %lt3A_220 = vector.broadcast %lt3A_219 : f32 to vector<16xf32>
      %lt3A_221 = arith.cmpf olt, %abs3A_218, %lt3A_220 : vector<16xf32>
      %mul3A_222 = arith.constant 5.000000e-01 : f32
      %mul3A_223 = vector.broadcast %mul3A_222 : f32 to vector<16xf32>
      %mul3A_224 = arith.mulf %mul3A_223, %sub3A_217 : vector<16xf32>
      %mul3A_225 = arith.mulf %mul3A_224, %sub3A_217 : vector<16xf32>
      %sub3A_226 = arith.constant 5.000000e-01 : f32
      %sub3A_227 = vector.broadcast %sub3A_226 : f32 to vector<16xf32>
      %sub3A_228 = arith.subf %abs3A_218, %sub3A_227 : vector<16xf32>
      %select_n3A_229 = arith.select %lt3A_221, %mul3A_225, %sub3A_228 : vector<16xi1>, vector<16xf32>
      %add3A_230 = arith.addf %add3A_208, %select_n3A_229 : vector<16xf32>
      %mul3A_231 = arith.mulf %select_n3A_135, %add3A_230 : vector<16xf32>
      %add3A_232 = arith.addf %scan3A_123, %mul3A_231 : vector<16xf32>
      scf.yield %add3A_232 : vector<16xf32>
    }
    %scan3A_6 = arith.constant 545 : i32
    %add3A_7 = arith.constant 8720 : i32
    %add3A_8 = vector.broadcast %add3A_7 : i32 to vector<16xi32>
    %add3A_9 = arith.addi %add3A_8, %iota3A : vector<16xi32>
    %lt3A = arith.constant 8732 : i32
    %lt3A_10 = vector.broadcast %lt3A : i32 to vector<16xi32>
    %lt3A_11 = arith.cmpi slt, %add3A_9, %lt3A_10 : vector<16xi32>
    %min3A = arith.constant 8731 : i32
    %min3A_12 = vector.broadcast %min3A : i32 to vector<16xi32>
    %min3A_13 = arith.minsi %add3A_9, %min3A_12 : vector<16xi32>
    %get3A = arith.constant 8720 : index
    %get3A_14 = tpu.vector_load %arg8[%get3A] {strides = array<i32>} : memref<8736xi32, #tpu.memory_space<vmem>>, vector<16xi32>,
    %gt3A = arith.constant 0 : i32
    %gt3A_15 = vector.broadcast %gt3A : i32 to vector<16xi32>
    %gt3A_16 = arith.cmpi sgt, %get3A_14, %gt3A_15 : vector<16xi32>
    %and3A = arith.andi %gt3A_16, %lt3A_11 : vector<16xi1>
    %jit3A = arith.constant 1.000000e+00 : f32
    %jit3A_17 = arith.constant 0.000000e+00 : f32
    %broadcast_in_dim3A_18 = vector.broadcast %jit3A : f32 to vector<16xf32>
    %broadcast_in_dim3A_19 = vector.broadcast %jit3A_17 : f32 to vector<16xf32>
    %select_n3A = arith.select %and3A, %broadcast_in_dim3A_18, %broadcast_in_dim3A_19 : vector<16xi1>, vector<16xf32>
    %broadcast_in_dim3A_20 = arith.constant 0.000000e+00 : f32
    %broadcast_in_dim3A_21 = vector.broadcast %broadcast_in_dim3A_20 : f32 to vector<16xf32>
    %add3A_22 = arith.constant 0 : i32
    %add3A_23 = vector.broadcast %add3A_22 : i32 to vector<16xi32>
    %add3A_24 = arith.addi %add3A_23, %min3A_13 : vector<16xi32>
    %gather3A = tpu.vector_load_idx %arg6[%add3A_24] : memref<34928xf32, #tpu.memory_space<vmem>>[vector<16xi32>], vector<16xf32>,
    %mul3A_25 = arith.constant 4 : i32
    %mul3A_26 = vector.broadcast %mul3A_25 : i32 to vector<16xi32>
    %mul3A_27 = arith.muli %min3A_13, %mul3A_26 : vector<16xi32>
    %add3A_28 = arith.constant 0 : i32
    %add3A_29 = vector.broadcast %add3A_28 : i32 to vector<16xi32>
    %add3A_30 = arith.addi %mul3A_27, %add3A_29 : vector<16xi32>
    %gather3A_31 = tpu.vector_load_idx %arg7[%add3A_30] : memref<34928xf32, #tpu.memory_space<vmem>>[vector<16xi32>], vector<16xf32>,
    %sub3A = arith.subf %gather3A, %gather3A_31 : vector<16xf32>
    %abs3A = math.absf %sub3A : vector<16xf32>
    %lt3A_32 = arith.constant 1.000000e+00 : f32
    %lt3A_33 = vector.broadcast %lt3A_32 : f32 to vector<16xf32>
    %lt3A_34 = arith.cmpf olt, %abs3A, %lt3A_33 : vector<16xf32>
    %mul3A_35 = arith.constant 5.000000e-01 : f32
    %mul3A_36 = vector.broadcast %mul3A_35 : f32 to vector<16xf32>
    %mul3A_37 = arith.mulf %mul3A_36, %sub3A : vector<16xf32>
    %mul3A_38 = arith.mulf %mul3A_37, %sub3A : vector<16xf32>
    %sub3A_39 = arith.constant 5.000000e-01 : f32
    %sub3A_40 = vector.broadcast %sub3A_39 : f32 to vector<16xf32>
    %sub3A_41 = arith.subf %abs3A, %sub3A_40 : vector<16xf32>
    %select_n3A_42 = arith.select %lt3A_34, %mul3A_38, %sub3A_41 : vector<16xi1>, vector<16xf32>
    %add3A_43 = arith.addf %broadcast_in_dim3A_21, %select_n3A_42 : vector<16xf32>
    %add3A_44 = arith.constant 8732 : i32
    %add3A_45 = vector.broadcast %add3A_44 : i32 to vector<16xi32>
    %add3A_46 = arith.addi %add3A_45, %min3A_13 : vector<16xi32>
    %gather3A_47 = tpu.vector_load_idx %arg6[%add3A_46] : memref<34928xf32, #tpu.memory_space<vmem>>[vector<16xi32>], vector<16xf32>,
    %mul3A_48 = arith.constant 4 : i32
    %mul3A_49 = vector.broadcast %mul3A_48 : i32 to vector<16xi32>
    %mul3A_50 = arith.muli %min3A_13, %mul3A_49 : vector<16xi32>
    %add3A_51 = arith.constant 1 : i32
    %add3A_52 = vector.broadcast %add3A_51 : i32 to vector<16xi32>
    %add3A_53 = arith.addi %mul3A_50, %add3A_52 : vector<16xi32>
    %gather3A_54 = tpu.vector_load_idx %arg7[%add3A_53] : memref<34928xf32, #tpu.memory_space<vmem>>[vector<16xi32>], vector<16xf32>,
    %sub3A_55 = arith.subf %gather3A_47, %gather3A_54 : vector<16xf32>
    %abs3A_56 = math.absf %sub3A_55 : vector<16xf32>
    %lt3A_57 = arith.constant 1.000000e+00 : f32
    %lt3A_58 = vector.broadcast %lt3A_57 : f32 to vector<16xf32>
    %lt3A_59 = arith.cmpf olt, %abs3A_56, %lt3A_58 : vector<16xf32>
    %mul3A_60 = arith.constant 5.000000e-01 : f32
    %mul3A_61 = vector.broadcast %mul3A_60 : f32 to vector<16xf32>
    %mul3A_62 = arith.mulf %mul3A_61, %sub3A_55 : vector<16xf32>
    %mul3A_63 = arith.mulf %mul3A_62, %sub3A_55 : vector<16xf32>
    %sub3A_64 = arith.constant 5.000000e-01 : f32
    %sub3A_65 = vector.broadcast %sub3A_64 : f32 to vector<16xf32>
    %sub3A_66 = arith.subf %abs3A_56, %sub3A_65 : vector<16xf32>
    %select_n3A_67 = arith.select %lt3A_59, %mul3A_63, %sub3A_66 : vector<16xi1>, vector<16xf32>
    %add3A_68 = arith.addf %add3A_43, %select_n3A_67 : vector<16xf32>
    %add3A_69 = arith.constant 17464 : i32
    %add3A_70 = vector.broadcast %add3A_69 : i32 to vector<16xi32>
    %add3A_71 = arith.addi %add3A_70, %min3A_13 : vector<16xi32>
    %gather3A_72 = tpu.vector_load_idx %arg6[%add3A_71] : memref<34928xf32, #tpu.memory_space<vmem>>[vector<16xi32>], vector<16xf32>,
    %mul3A_73 = arith.constant 4 : i32
    %mul3A_74 = vector.broadcast %mul3A_73 : i32 to vector<16xi32>
    %mul3A_75 = arith.muli %min3A_13, %mul3A_74 : vector<16xi32>
    %add3A_76 = arith.constant 2 : i32
    %add3A_77 = vector.broadcast %add3A_76 : i32 to vector<16xi32>
    %add3A_78 = arith.addi %mul3A_75, %add3A_77 : vector<16xi32>
    %gather3A_79 = tpu.vector_load_idx %arg7[%add3A_78] : memref<34928xf32, #tpu.memory_space<vmem>>[vector<16xi32>], vector<16xf32>,
    %sub3A_80 = arith.subf %gather3A_72, %gather3A_79 : vector<16xf32>
    %abs3A_81 = math.absf %sub3A_80 : vector<16xf32>
    %lt3A_82 = arith.constant 1.000000e+00 : f32
    %lt3A_83 = vector.broadcast %lt3A_82 : f32 to vector<16xf32>
    %lt3A_84 = arith.cmpf olt, %abs3A_81, %lt3A_83 : vector<16xf32>
    %mul3A_85 = arith.constant 5.000000e-01 : f32
    %mul3A_86 = vector.broadcast %mul3A_85 : f32 to vector<16xf32>
    %mul3A_87 = arith.mulf %mul3A_86, %sub3A_80 : vector<16xf32>
    %mul3A_88 = arith.mulf %mul3A_87, %sub3A_80 : vector<16xf32>
    %sub3A_89 = arith.constant 5.000000e-01 : f32
    %sub3A_90 = vector.broadcast %sub3A_89 : f32 to vector<16xf32>
    %sub3A_91 = arith.subf %abs3A_81, %sub3A_90 : vector<16xf32>
    %select_n3A_92 = arith.select %lt3A_84, %mul3A_88, %sub3A_91 : vector<16xi1>, vector<16xf32>
    %add3A_93 = arith.addf %add3A_68, %select_n3A_92 : vector<16xf32>
    %add3A_94 = arith.constant 26196 : i32
    %add3A_95 = vector.broadcast %add3A_94 : i32 to vector<16xi32>
    %add3A_96 = arith.addi %add3A_95, %min3A_13 : vector<16xi32>
    %gather3A_97 = tpu.vector_load_idx %arg6[%add3A_96] : memref<34928xf32, #tpu.memory_space<vmem>>[vector<16xi32>], vector<16xf32>,
    %mul3A_98 = arith.constant 4 : i32
    %mul3A_99 = vector.broadcast %mul3A_98 : i32 to vector<16xi32>
    %mul3A_100 = arith.muli %min3A_13, %mul3A_99 : vector<16xi32>
    %add3A_101 = arith.constant 3 : i32
    %add3A_102 = vector.broadcast %add3A_101 : i32 to vector<16xi32>
    %add3A_103 = arith.addi %mul3A_100, %add3A_102 : vector<16xi32>
    %gather3A_104 = tpu.vector_load_idx %arg7[%add3A_103] : memref<34928xf32, #tpu.memory_space<vmem>>[vector<16xi32>], vector<16xf32>,
    %sub3A_105 = arith.subf %gather3A_97, %gather3A_104 : vector<16xf32>
    %abs3A_106 = math.absf %sub3A_105 : vector<16xf32>
    %lt3A_107 = arith.constant 1.000000e+00 : f32
    %lt3A_108 = vector.broadcast %lt3A_107 : f32 to vector<16xf32>
    %lt3A_109 = arith.cmpf olt, %abs3A_106, %lt3A_108 : vector<16xf32>
    %mul3A_110 = arith.constant 5.000000e-01 : f32
    %mul3A_111 = vector.broadcast %mul3A_110 : f32 to vector<16xf32>
    %mul3A_112 = arith.mulf %mul3A_111, %sub3A_105 : vector<16xf32>
    %mul3A_113 = arith.mulf %mul3A_112, %sub3A_105 : vector<16xf32>
    %sub3A_114 = arith.constant 5.000000e-01 : f32
    %sub3A_115 = vector.broadcast %sub3A_114 : f32 to vector<16xf32>
    %sub3A_116 = arith.subf %abs3A_106, %sub3A_115 : vector<16xf32>
    %select_n3A_117 = arith.select %lt3A_109, %mul3A_113, %sub3A_116 : vector<16xi1>, vector<16xf32>
    %add3A_118 = arith.addf %add3A_93, %select_n3A_117 : vector<16xf32>
    %mul3A_119 = arith.mulf %select_n3A, %add3A_118 : vector<16xf32>
    %add3A_120 = arith.addf %scan3A_5, %mul3A_119 : vector<16xf32>
    %swap3A = arith.constant 0 : index
    %swap3A_121 = tpu.vector_load %arg9[%swap3A] {strides = array<i32>} : memref<16xf32, #tpu.memory_space<vmem>>, vector<16xf32>,
    tpu.vector_store %arg9[%swap3A], %add3A_120 {strides = array<i32>} : memref<16xf32, #tpu.memory_space<vmem>>, vector<16xf32>,
    "tpu.region"() ({
      %run_scoped3A = tpu.sem_alloc : memref<!tpu.dma_semaphore, #tpu.memory_space<semaphore_mem>>
      %dma_start3A = arith.constant 0 : i32
      %dma_start3A_122 = tpu.memref_slice %arg5[%add3A, %dma_start3A] : memref<32x128xf32, #tpu.memory_space<hbm>> -> memref<1x16xf32, #tpu.memory_space<hbm>>
      %dma_start3A_123 = tpu.memref_squeeze %dma_start3A_122 : memref<1x16xf32, #tpu.memory_space<hbm>> -> memref<16xf32, #tpu.memory_space<hbm>>
      %dma_start3A_124 = arith.constant 0 : i32
      %dma_start3A_125 = tpu.memref_slice %arg5[%add3A, %dma_start3A_124] : memref<32x128xf32, #tpu.memory_space<hbm>> -> memref<1x16xf32, #tpu.memory_space<hbm>>
      %dma_start3A_126 = tpu.memref_squeeze %dma_start3A_125 : memref<1x16xf32, #tpu.memory_space<hbm>> -> memref<16xf32, #tpu.memory_space<hbm>>
      tpu.enqueue_dma source(%arg9 : memref<16xf32, #tpu.memory_space<vmem>>) target(%dma_start3A_126 : memref<16xf32, #tpu.memory_space<hbm>>) target_semaphore(%run_scoped3A : memref<!tpu.dma_semaphore, #tpu.memory_space<semaphore_mem>>)
      %dma_wait3A = arith.constant 0 : i32
      %dma_wait3A_127 = tpu.memref_slice %arg5[%add3A, %dma_wait3A] : memref<32x128xf32, #tpu.memory_space<hbm>> -> memref<1x16xf32, #tpu.memory_space<hbm>>
      %dma_wait3A_128 = tpu.memref_squeeze %dma_wait3A_127 : memref<1x16xf32, #tpu.memory_space<hbm>> -> memref<16xf32, #tpu.memory_space<hbm>>
      %dma_wait3A_129 = arith.constant 0 : i32
      %dma_wait3A_130 = tpu.memref_slice %arg5[%add3A, %dma_wait3A_129] : memref<32x128xf32, #tpu.memory_space<hbm>> -> memref<1x16xf32, #tpu.memory_space<hbm>>
      %dma_wait3A_131 = tpu.memref_squeeze %dma_wait3A_130 : memref<1x16xf32, #tpu.memory_space<hbm>> -> memref<16xf32, #tpu.memory_space<hbm>>
      tpu.wait_dma2 semaphore(%run_scoped3A : memref<!tpu.dma_semaphore, #tpu.memory_space<semaphore_mem>>) src(%arg9 : memref<16xf32, #tpu.memory_space<vmem>>) dst(%dma_wait3A_131 : memref<16xf32, #tpu.memory_space<hbm>>)
      tpu.yield
    }) : () -> ()
    return
  }
}

module attributes {stable_mosaic.version = 14 : i64} {
  func.func @_fused(%arg0: i32, %arg1: i32, %arg2: memref<8x81x4480xf32, #tpu.memory_space<vmem>>, %arg3: memref<8x4480xi32, #tpu.memory_space<vmem>>, %arg4: memref<32x128xf32, #tpu.memory_space<vmem>>, %arg5: memref<32x8960xf32, #tpu.memory_space<vmem>>, %arg6: memref<32x8960xf32, #tpu.memory_space<vmem>>, %arg7: memref<32x128xf32, #tpu.memory_space<vmem>>) attributes {dimension_semantics = [#tpu.dimension_semantics<arbitrary>, #tpu.dimension_semantics<arbitrary>], iteration_bounds = array<i64: 4, 2>, scalar_prefetch = 0 : i64, scratch_operands = 3 : i64, tpu.core_type = #tpu.core_type<tc>, window_params = [{transform_indices = @transform_0, window_bounds = array<i64: 8, 81, 4480>}, {transform_indices = @transform_1, window_bounds = array<i64: 8, 4480>}, {pipeline_mode = #tpu.pipeline_mode<synchronous>, transform_indices = @transform_2, window_bounds = array<i64: 32, 128>}]} {
    %get3A = arith.constant 0 : index
    %get3A_0 = arith.constant 0 : index
    %get3A_1 = arith.constant 0 : index
    %get3A_2 = vector.load %arg2[%get3A, %get3A_0, %get3A_1] : memref<8x81x4480xf32, #tpu.memory_space<vmem>>, vector<1x81x4480xf32>
    %get3A_3 = vector.shape_cast %get3A_2 : vector<1x81x4480xf32> to vector<81x4480xf32>
    %get3A_4 = arith.constant 0 : index
    %get3A_5 = arith.constant 0 : index
    %get3A_6 = vector.load %arg3[%get3A_4, %get3A_5] : memref<8x4480xi32, #tpu.memory_space<vmem>>, vector<1x4480xi32>
    %iota3A = tpu.iota {dimensions = array<i32: 1>} : vector<1x4480xi32>
    %mul3A = arith.constant 4480 : i32
    %mul3A_7 = arith.muli %arg1, %mul3A : i32
    %add3A = vector.broadcast %mul3A_7 : i32 to vector<1x4480xi32>
    %add3A_8 = arith.addi %add3A, %iota3A : vector<1x4480xi32>
    %lt3A = arith.constant 8732 : i32
    %lt3A_9 = vector.broadcast %lt3A : i32 to vector<1x4480xi32>
    %lt3A_10 = arith.cmpi slt, %add3A_8, %lt3A_9 : vector<1x4480xi32>
    %exp3A = math.exp %get3A_3 : vector<81x4480xf32>
    %reduce_sum3A = arith.constant dense<0.000000e+00> : vector<4480xf32>
    %reduce_sum3A_11 = vector.multi_reduction <add>, %exp3A, %reduce_sum3A [0] : vector<81x4480xf32> to vector<4480xf32>
    %broadcast_in_dim3A = vector.shape_cast %reduce_sum3A_11 : vector<4480xf32> to vector<1x4480xf32>
    %iota3A_12 = tpu.iota {dimensions = array<i32: 0>} : vector<81x4480xi32>
    %eq3A = vector.broadcast %get3A_6 : vector<1x4480xi32> to vector<81x4480xi32>
    %eq3A_13 = arith.cmpi eq, %iota3A_12, %eq3A : vector<81x4480xi32>
    %jit3A = arith.constant 0.000000e+00 : f32
    %broadcast_in_dim3A_14 = vector.broadcast %jit3A : f32 to vector<81x4480xf32>
    %select_n3A = arith.select %eq3A_13, %get3A_3, %broadcast_in_dim3A_14 : vector<81x4480xi1>, vector<81x4480xf32>
    %reduce_sum3A_15 = arith.constant dense<0.000000e+00> : vector<4480xf32>
    %reduce_sum3A_16 = vector.multi_reduction <add>, %select_n3A, %reduce_sum3A_15 [0] : vector<81x4480xf32> to vector<4480xf32>
    %broadcast_in_dim3A_17 = vector.shape_cast %reduce_sum3A_16 : vector<4480xf32> to vector<1x4480xf32>
    %log3A = math.log %broadcast_in_dim3A : vector<1x4480xf32>
    %sub3A = arith.subf %broadcast_in_dim3A_17, %log3A : vector<1x4480xf32>
    %exp3A_18 = math.exp %sub3A : vector<1x4480xf32>
    %sub3A_19 = arith.constant 1.000000e+00 : f32
    %sub3A_20 = vector.broadcast %sub3A_19 : f32 to vector<1x4480xf32>
    %sub3A_21 = arith.subf %sub3A_20, %exp3A_18 : vector<1x4480xf32>
    %sub3A_22 = arith.constant 1.000000e+00 : f32
    %sub3A_23 = vector.broadcast %sub3A_22 : f32 to vector<1x4480xf32>
    %sub3A_24 = arith.subf %sub3A_23, %exp3A_18 : vector<1x4480xf32>
    %mul3A_25 = arith.mulf %sub3A_21, %sub3A_24 : vector<1x4480xf32>
    %neg3A = arith.constant 0.000000e+00 : f32
    %neg3A_26 = vector.broadcast %neg3A : f32 to vector<1x4480xf32>
    %neg3A_27 = arith.subf %neg3A_26, %mul3A_25 : vector<1x4480xf32>
    %mul3A_28 = arith.mulf %neg3A_27, %sub3A : vector<1x4480xf32>
    %jit3A_29 = arith.constant 0.000000e+00 : f32
    %broadcast_in_dim3A_30 = vector.broadcast %jit3A_29 : f32 to vector<1x4480xf32>
    %select_n3A_31 = arith.select %lt3A_10, %mul3A_28, %broadcast_in_dim3A_30 : vector<1x4480xi1>, vector<1x4480xf32>
    %gt3A = arith.constant 0 : i32
    %gt3A_32 = vector.broadcast %gt3A : i32 to vector<1x4480xi32>
    %gt3A_33 = arith.cmpi sgt, %get3A_6, %gt3A_32 : vector<1x4480xi32>
    %and3A = arith.andi %gt3A_33, %lt3A_10 : vector<1x4480xi1>
    %convert_element_type3A = arith.extui %and3A : vector<1x4480xi1> to vector<1x4480xi32>
    %convert_element_type3A_34 = arith.sitofp %convert_element_type3A : vector<1x4480xi32> to vector<1x4480xf32>
    %mul3A_35 = arith.constant 8 : i32
    %mul3A_36 = arith.muli %arg0, %mul3A_35 : i32
    %add3A_37 = arith.constant 0 : i32
    %add3A_38 = arith.addi %mul3A_36, %add3A_37 : i32
    %mul3A_39 = arith.constant 4480 : i32
    %mul3A_40 = arith.muli %arg1, %mul3A_39 : i32
    %swap3A = arith.index_cast %add3A_38 : i32 to index
    %swap3A_41 = arith.index_cast %mul3A_40 : i32 to index
    %swap3A_42 = vector.load %arg5[%swap3A, %swap3A_41] : memref<32x8960xf32, #tpu.memory_space<vmem>>, vector<1x4480xf32>
    tpu.vector_store %arg5[%swap3A, %swap3A_41], %select_n3A_31 {strides = array<i32>} : memref<32x8960xf32, #tpu.memory_space<vmem>>, vector<1x4480xf32>,
    %jit3A_43 = arith.constant 0.000000e+00 : f32
    %broadcast_in_dim3A_44 = vector.broadcast %jit3A_43 : f32 to vector<1x4480xf32>
    %select_n3A_45 = arith.select %and3A, %broadcast_in_dim3A_44, %select_n3A_31 : vector<1x4480xi1>, vector<1x4480xf32>
    %jit3A_46 = arith.constant -1.000000e+00 : f32
    %broadcast_in_dim3A_47 = vector.broadcast %jit3A_46 : f32 to vector<1x4480xf32>
    %select_n3A_48 = arith.select %lt3A_10, %select_n3A_45, %broadcast_in_dim3A_47 : vector<1x4480xi1>, vector<1x4480xf32>
    %mul3A_49 = arith.constant 4480 : i32
    %mul3A_50 = arith.muli %arg1, %mul3A_49 : i32
    %swap3A_51 = arith.index_cast %add3A_38 : i32 to index
    %swap3A_52 = arith.index_cast %mul3A_50 : i32 to index
    %swap3A_53 = vector.load %arg6[%swap3A_51, %swap3A_52] : memref<32x8960xf32, #tpu.memory_space<vmem>>, vector<1x4480xf32>
    tpu.vector_store %arg6[%swap3A_51, %swap3A_52], %select_n3A_48 {strides = array<i32>} : memref<32x8960xf32, #tpu.memory_space<vmem>>, vector<1x4480xf32>,
    %reduce_sum3A_54 = vector.shape_cast %convert_element_type3A_34 : vector<1x4480xf32> to vector<1x1x4480xf32>
    %reduce_sum3A_55 = arith.constant dense<0.000000e+00> : vector<1xf32>
    %reduce_sum3A_56 = vector.multi_reduction <add>, %reduce_sum3A_54, %reduce_sum3A_55 [1, 2] : vector<1x1x4480xf32> to vector<1xf32>
    %reduce_sum3A_57 = vector.shape_cast %reduce_sum3A_56 : vector<1xf32> to vector<1x1x1xf32>
    %reduce_sum3A_58 = vector.extract %reduce_sum3A_57[0, 0, 0] : f32 from vector<1x1x1xf32>
    %mul3A_59 = arith.mulf %convert_element_type3A_34, %select_n3A_31 : vector<1x4480xf32>
    %reduce_sum3A_60 = vector.shape_cast %mul3A_59 : vector<1x4480xf32> to vector<1x1x4480xf32>
    %reduce_sum3A_61 = arith.constant dense<0.000000e+00> : vector<1xf32>
    %reduce_sum3A_62 = vector.multi_reduction <add>, %reduce_sum3A_60, %reduce_sum3A_61 [1, 2] : vector<1x1x4480xf32> to vector<1xf32>
    %reduce_sum3A_63 = vector.shape_cast %reduce_sum3A_62 : vector<1xf32> to vector<1x1x1xf32>
    %reduce_sum3A_64 = vector.extract %reduce_sum3A_63[0, 0, 0] : f32 from vector<1x1x1xf32>
    %iota3A_65 = tpu.iota {dimensions = array<i32: 1>} : vector<1x128xi32>
    %eq3A_66 = arith.constant 0 : i32
    %eq3A_67 = vector.broadcast %eq3A_66 : i32 to vector<1x128xi32>
    %eq3A_68 = arith.cmpi eq, %iota3A_65, %eq3A_67 : vector<1x128xi32>
    %jit3A_69 = arith.constant 0.000000e+00 : f32
    %broadcast_in_dim3A_70 = vector.broadcast %reduce_sum3A_58 : f32 to vector<1x128xf32>
    %broadcast_in_dim3A_71 = vector.broadcast %jit3A_69 : f32 to vector<1x128xf32>
    %select_n3A_72 = arith.select %eq3A_68, %broadcast_in_dim3A_70, %broadcast_in_dim3A_71 : vector<1x128xi1>, vector<1x128xf32>
    %eq3A_73 = arith.constant 1 : i32
    %eq3A_74 = vector.broadcast %eq3A_73 : i32 to vector<1x128xi32>
    %eq3A_75 = arith.cmpi eq, %iota3A_65, %eq3A_74 : vector<1x128xi32>
    %jit3A_76 = arith.constant 0.000000e+00 : f32
    %broadcast_in_dim3A_77 = vector.broadcast %reduce_sum3A_64 : f32 to vector<1x128xf32>
    %broadcast_in_dim3A_78 = vector.broadcast %jit3A_76 : f32 to vector<1x128xf32>
    %select_n3A_79 = arith.select %eq3A_75, %broadcast_in_dim3A_77, %broadcast_in_dim3A_78 : vector<1x128xi1>, vector<1x128xf32>
    %add3A_80 = arith.addf %select_n3A_72, %select_n3A_79 : vector<1x128xf32>
    %eq3A_81 = arith.constant 0 : i32
    %eq3A_82 = arith.cmpi eq, %arg1, %eq3A_81 : i32
    %convert_element_type3A_83 = arith.extui %eq3A_82 : i1 to i32
    %cond3A = arith.constant 0 : i32
    %cond3A_84 = arith.cmpi ne, %convert_element_type3A_83, %cond3A : i32
    scf.if %cond3A_84 {
      %swap3A_860 = arith.index_cast %add3A_38 : i32 to index
      %swap3A_861 = arith.constant 0 : index
      %swap3A_862 = vector.load %arg7[%swap3A_860, %swap3A_861] : memref<32x128xf32, #tpu.memory_space<vmem>>, vector<1x128xf32>
      tpu.vector_store %arg7[%swap3A_860, %swap3A_861], %add3A_80 {strides = array<i32>} : memref<32x128xf32, #tpu.memory_space<vmem>>, vector<1x128xf32>,
    } else {
    }
    %ne3A = arith.constant 0 : i32
    %ne3A_85 = arith.cmpi ne, %arg1, %ne3A : i32
    %convert_element_type3A_86 = arith.extui %ne3A_85 : i1 to i32
    %cond3A_87 = arith.constant 0 : i32
    %cond3A_88 = arith.cmpi ne, %convert_element_type3A_86, %cond3A_87 : i32
    scf.if %cond3A_88 {
      %get3A_860 = arith.index_cast %add3A_38 : i32 to index
      %get3A_861 = arith.constant 0 : index
      %get3A_862 = vector.load %arg7[%get3A_860, %get3A_861] : memref<32x128xf32, #tpu.memory_space<vmem>>, vector<1x128xf32>
      %add3A_863 = arith.addf %get3A_862, %add3A_80 : vector<1x128xf32>
      %swap3A_864 = arith.index_cast %add3A_38 : i32 to index
      %swap3A_865 = arith.constant 0 : index
      %swap3A_866 = vector.load %arg7[%swap3A_864, %swap3A_865] : memref<32x128xf32, #tpu.memory_space<vmem>>, vector<1x128xf32>
      tpu.vector_store %arg7[%swap3A_864, %swap3A_865], %add3A_863 {strides = array<i32>} : memref<32x128xf32, #tpu.memory_space<vmem>>, vector<1x128xf32>,
    } else {
    }
    %get3A_89 = arith.constant 1 : index
    %get3A_90 = arith.constant 0 : index
    %get3A_91 = arith.constant 0 : index
    %get3A_92 = vector.load %arg2[%get3A_89, %get3A_90, %get3A_91] : memref<8x81x4480xf32, #tpu.memory_space<vmem>>, vector<1x81x4480xf32>
    %get3A_93 = vector.shape_cast %get3A_92 : vector<1x81x4480xf32> to vector<81x4480xf32>
    %get3A_94 = arith.constant 1 : index
    %get3A_95 = arith.constant 0 : index
    %get3A_96 = vector.load %arg3[%get3A_94, %get3A_95] : memref<8x4480xi32, #tpu.memory_space<vmem>>, vector<1x4480xi32>
    %iota3A_97 = tpu.iota {dimensions = array<i32: 1>} : vector<1x4480xi32>
    %mul3A_98 = arith.constant 4480 : i32
    %mul3A_99 = arith.muli %arg1, %mul3A_98 : i32
    %add3A_100 = vector.broadcast %mul3A_99 : i32 to vector<1x4480xi32>
    %add3A_101 = arith.addi %add3A_100, %iota3A_97 : vector<1x4480xi32>
    %lt3A_102 = arith.constant 8732 : i32
    %lt3A_103 = vector.broadcast %lt3A_102 : i32 to vector<1x4480xi32>
    %lt3A_104 = arith.cmpi slt, %add3A_101, %lt3A_103 : vector<1x4480xi32>
    %exp3A_105 = math.exp %get3A_93 : vector<81x4480xf32>
    %reduce_sum3A_106 = arith.constant dense<0.000000e+00> : vector<4480xf32>
    %reduce_sum3A_107 = vector.multi_reduction <add>, %exp3A_105, %reduce_sum3A_106 [0] : vector<81x4480xf32> to vector<4480xf32>
    %broadcast_in_dim3A_108 = vector.shape_cast %reduce_sum3A_107 : vector<4480xf32> to vector<1x4480xf32>
    %iota3A_109 = tpu.iota {dimensions = array<i32: 0>} : vector<81x4480xi32>
    %eq3A_110 = vector.broadcast %get3A_96 : vector<1x4480xi32> to vector<81x4480xi32>
    %eq3A_111 = arith.cmpi eq, %iota3A_109, %eq3A_110 : vector<81x4480xi32>
    %jit3A_112 = arith.constant 0.000000e+00 : f32
    %broadcast_in_dim3A_113 = vector.broadcast %jit3A_112 : f32 to vector<81x4480xf32>
    %select_n3A_114 = arith.select %eq3A_111, %get3A_93, %broadcast_in_dim3A_113 : vector<81x4480xi1>, vector<81x4480xf32>
    %reduce_sum3A_115 = arith.constant dense<0.000000e+00> : vector<4480xf32>
    %reduce_sum3A_116 = vector.multi_reduction <add>, %select_n3A_114, %reduce_sum3A_115 [0] : vector<81x4480xf32> to vector<4480xf32>
    %broadcast_in_dim3A_117 = vector.shape_cast %reduce_sum3A_116 : vector<4480xf32> to vector<1x4480xf32>
    %log3A_118 = math.log %broadcast_in_dim3A_108 : vector<1x4480xf32>
    %sub3A_119 = arith.subf %broadcast_in_dim3A_117, %log3A_118 : vector<1x4480xf32>
    %exp3A_120 = math.exp %sub3A_119 : vector<1x4480xf32>
    %sub3A_121 = arith.constant 1.000000e+00 : f32
    %sub3A_122 = vector.broadcast %sub3A_121 : f32 to vector<1x4480xf32>
    %sub3A_123 = arith.subf %sub3A_122, %exp3A_120 : vector<1x4480xf32>
    %sub3A_124 = arith.constant 1.000000e+00 : f32
    %sub3A_125 = vector.broadcast %sub3A_124 : f32 to vector<1x4480xf32>
    %sub3A_126 = arith.subf %sub3A_125, %exp3A_120 : vector<1x4480xf32>
    %mul3A_127 = arith.mulf %sub3A_123, %sub3A_126 : vector<1x4480xf32>
    %neg3A_128 = arith.constant 0.000000e+00 : f32
    %neg3A_129 = vector.broadcast %neg3A_128 : f32 to vector<1x4480xf32>
    %neg3A_130 = arith.subf %neg3A_129, %mul3A_127 : vector<1x4480xf32>
    %mul3A_131 = arith.mulf %neg3A_130, %sub3A_119 : vector<1x4480xf32>
    %jit3A_132 = arith.constant 0.000000e+00 : f32
    %broadcast_in_dim3A_133 = vector.broadcast %jit3A_132 : f32 to vector<1x4480xf32>
    %select_n3A_134 = arith.select %lt3A_104, %mul3A_131, %broadcast_in_dim3A_133 : vector<1x4480xi1>, vector<1x4480xf32>
    %gt3A_135 = arith.constant 0 : i32
    %gt3A_136 = vector.broadcast %gt3A_135 : i32 to vector<1x4480xi32>
    %gt3A_137 = arith.cmpi sgt, %get3A_96, %gt3A_136 : vector<1x4480xi32>
    %and3A_138 = arith.andi %gt3A_137, %lt3A_104 : vector<1x4480xi1>
    %convert_element_type3A_139 = arith.extui %and3A_138 : vector<1x4480xi1> to vector<1x4480xi32>
    %convert_element_type3A_140 = arith.sitofp %convert_element_type3A_139 : vector<1x4480xi32> to vector<1x4480xf32>
    %mul3A_141 = arith.constant 8 : i32
    %mul3A_142 = arith.muli %arg0, %mul3A_141 : i32
    %add3A_143 = arith.constant 1 : i32
    %add3A_144 = arith.addi %mul3A_142, %add3A_143 : i32
    %mul3A_145 = arith.constant 4480 : i32
    %mul3A_146 = arith.muli %arg1, %mul3A_145 : i32
    %swap3A_147 = arith.index_cast %add3A_144 : i32 to index
    %swap3A_148 = arith.index_cast %mul3A_146 : i32 to index
    %swap3A_149 = vector.load %arg5[%swap3A_147, %swap3A_148] : memref<32x8960xf32, #tpu.memory_space<vmem>>, vector<1x4480xf32>
    tpu.vector_store %arg5[%swap3A_147, %swap3A_148], %select_n3A_134 {strides = array<i32>} : memref<32x8960xf32, #tpu.memory_space<vmem>>, vector<1x4480xf32>,
    %jit3A_150 = arith.constant 0.000000e+00 : f32
    %broadcast_in_dim3A_151 = vector.broadcast %jit3A_150 : f32 to vector<1x4480xf32>
    %select_n3A_152 = arith.select %and3A_138, %broadcast_in_dim3A_151, %select_n3A_134 : vector<1x4480xi1>, vector<1x4480xf32>
    %jit3A_153 = arith.constant -1.000000e+00 : f32
    %broadcast_in_dim3A_154 = vector.broadcast %jit3A_153 : f32 to vector<1x4480xf32>
    %select_n3A_155 = arith.select %lt3A_104, %select_n3A_152, %broadcast_in_dim3A_154 : vector<1x4480xi1>, vector<1x4480xf32>
    %mul3A_156 = arith.constant 4480 : i32
    %mul3A_157 = arith.muli %arg1, %mul3A_156 : i32
    %swap3A_158 = arith.index_cast %add3A_144 : i32 to index
    %swap3A_159 = arith.index_cast %mul3A_157 : i32 to index
    %swap3A_160 = vector.load %arg6[%swap3A_158, %swap3A_159] : memref<32x8960xf32, #tpu.memory_space<vmem>>, vector<1x4480xf32>
    tpu.vector_store %arg6[%swap3A_158, %swap3A_159], %select_n3A_155 {strides = array<i32>} : memref<32x8960xf32, #tpu.memory_space<vmem>>, vector<1x4480xf32>,
    %reduce_sum3A_161 = vector.shape_cast %convert_element_type3A_140 : vector<1x4480xf32> to vector<1x1x4480xf32>
    %reduce_sum3A_162 = arith.constant dense<0.000000e+00> : vector<1xf32>
    %reduce_sum3A_163 = vector.multi_reduction <add>, %reduce_sum3A_161, %reduce_sum3A_162 [1, 2] : vector<1x1x4480xf32> to vector<1xf32>
    %reduce_sum3A_164 = vector.shape_cast %reduce_sum3A_163 : vector<1xf32> to vector<1x1x1xf32>
    %reduce_sum3A_165 = vector.extract %reduce_sum3A_164[0, 0, 0] : f32 from vector<1x1x1xf32>
    %mul3A_166 = arith.mulf %convert_element_type3A_140, %select_n3A_134 : vector<1x4480xf32>
    %reduce_sum3A_167 = vector.shape_cast %mul3A_166 : vector<1x4480xf32> to vector<1x1x4480xf32>
    %reduce_sum3A_168 = arith.constant dense<0.000000e+00> : vector<1xf32>
    %reduce_sum3A_169 = vector.multi_reduction <add>, %reduce_sum3A_167, %reduce_sum3A_168 [1, 2] : vector<1x1x4480xf32> to vector<1xf32>
    %reduce_sum3A_170 = vector.shape_cast %reduce_sum3A_169 : vector<1xf32> to vector<1x1x1xf32>
    %reduce_sum3A_171 = vector.extract %reduce_sum3A_170[0, 0, 0] : f32 from vector<1x1x1xf32>
    %iota3A_172 = tpu.iota {dimensions = array<i32: 1>} : vector<1x128xi32>
    %eq3A_173 = arith.constant 0 : i32
    %eq3A_174 = vector.broadcast %eq3A_173 : i32 to vector<1x128xi32>
    %eq3A_175 = arith.cmpi eq, %iota3A_172, %eq3A_174 : vector<1x128xi32>
    %jit3A_176 = arith.constant 0.000000e+00 : f32
    %broadcast_in_dim3A_177 = vector.broadcast %reduce_sum3A_165 : f32 to vector<1x128xf32>
    %broadcast_in_dim3A_178 = vector.broadcast %jit3A_176 : f32 to vector<1x128xf32>
    %select_n3A_179 = arith.select %eq3A_175, %broadcast_in_dim3A_177, %broadcast_in_dim3A_178 : vector<1x128xi1>, vector<1x128xf32>
    %eq3A_180 = arith.constant 1 : i32
    %eq3A_181 = vector.broadcast %eq3A_180 : i32 to vector<1x128xi32>
    %eq3A_182 = arith.cmpi eq, %iota3A_172, %eq3A_181 : vector<1x128xi32>
    %jit3A_183 = arith.constant 0.000000e+00 : f32
    %broadcast_in_dim3A_184 = vector.broadcast %reduce_sum3A_171 : f32 to vector<1x128xf32>
    %broadcast_in_dim3A_185 = vector.broadcast %jit3A_183 : f32 to vector<1x128xf32>
    %select_n3A_186 = arith.select %eq3A_182, %broadcast_in_dim3A_184, %broadcast_in_dim3A_185 : vector<1x128xi1>, vector<1x128xf32>
    %add3A_187 = arith.addf %select_n3A_179, %select_n3A_186 : vector<1x128xf32>
    %eq3A_188 = arith.constant 0 : i32
    %eq3A_189 = arith.cmpi eq, %arg1, %eq3A_188 : i32
    %convert_element_type3A_190 = arith.extui %eq3A_189 : i1 to i32
    %cond3A_191 = arith.constant 0 : i32
    %cond3A_192 = arith.cmpi ne, %convert_element_type3A_190, %cond3A_191 : i32
    scf.if %cond3A_192 {
      %swap3A_860 = arith.index_cast %add3A_144 : i32 to index
      %swap3A_861 = arith.constant 0 : index
      %swap3A_862 = vector.load %arg7[%swap3A_860, %swap3A_861] : memref<32x128xf32, #tpu.memory_space<vmem>>, vector<1x128xf32>
      tpu.vector_store %arg7[%swap3A_860, %swap3A_861], %add3A_187 {strides = array<i32>} : memref<32x128xf32, #tpu.memory_space<vmem>>, vector<1x128xf32>,
    } else {
    }
    %ne3A_193 = arith.constant 0 : i32
    %ne3A_194 = arith.cmpi ne, %arg1, %ne3A_193 : i32
    %convert_element_type3A_195 = arith.extui %ne3A_194 : i1 to i32
    %cond3A_196 = arith.constant 0 : i32
    %cond3A_197 = arith.cmpi ne, %convert_element_type3A_195, %cond3A_196 : i32
    scf.if %cond3A_197 {
      %get3A_860 = arith.index_cast %add3A_144 : i32 to index
      %get3A_861 = arith.constant 0 : index
      %get3A_862 = vector.load %arg7[%get3A_860, %get3A_861] : memref<32x128xf32, #tpu.memory_space<vmem>>, vector<1x128xf32>
      %add3A_863 = arith.addf %get3A_862, %add3A_187 : vector<1x128xf32>
      %swap3A_864 = arith.index_cast %add3A_144 : i32 to index
      %swap3A_865 = arith.constant 0 : index
      %swap3A_866 = vector.load %arg7[%swap3A_864, %swap3A_865] : memref<32x128xf32, #tpu.memory_space<vmem>>, vector<1x128xf32>
      tpu.vector_store %arg7[%swap3A_864, %swap3A_865], %add3A_863 {strides = array<i32>} : memref<32x128xf32, #tpu.memory_space<vmem>>, vector<1x128xf32>,
    } else {
    }
    %get3A_198 = arith.constant 2 : index
    %get3A_199 = arith.constant 0 : index
    %get3A_200 = arith.constant 0 : index
    %get3A_201 = vector.load %arg2[%get3A_198, %get3A_199, %get3A_200] : memref<8x81x4480xf32, #tpu.memory_space<vmem>>, vector<1x81x4480xf32>
    %get3A_202 = vector.shape_cast %get3A_201 : vector<1x81x4480xf32> to vector<81x4480xf32>
    %get3A_203 = arith.constant 2 : index
    %get3A_204 = arith.constant 0 : index
    %get3A_205 = vector.load %arg3[%get3A_203, %get3A_204] : memref<8x4480xi32, #tpu.memory_space<vmem>>, vector<1x4480xi32>
    %iota3A_206 = tpu.iota {dimensions = array<i32: 1>} : vector<1x4480xi32>
    %mul3A_207 = arith.constant 4480 : i32
    %mul3A_208 = arith.muli %arg1, %mul3A_207 : i32
    %add3A_209 = vector.broadcast %mul3A_208 : i32 to vector<1x4480xi32>
    %add3A_210 = arith.addi %add3A_209, %iota3A_206 : vector<1x4480xi32>
    %lt3A_211 = arith.constant 8732 : i32
    %lt3A_212 = vector.broadcast %lt3A_211 : i32 to vector<1x4480xi32>
    %lt3A_213 = arith.cmpi slt, %add3A_210, %lt3A_212 : vector<1x4480xi32>
    %exp3A_214 = math.exp %get3A_202 : vector<81x4480xf32>
    %reduce_sum3A_215 = arith.constant dense<0.000000e+00> : vector<4480xf32>
    %reduce_sum3A_216 = vector.multi_reduction <add>, %exp3A_214, %reduce_sum3A_215 [0] : vector<81x4480xf32> to vector<4480xf32>
    %broadcast_in_dim3A_217 = vector.shape_cast %reduce_sum3A_216 : vector<4480xf32> to vector<1x4480xf32>
    %iota3A_218 = tpu.iota {dimensions = array<i32: 0>} : vector<81x4480xi32>
    %eq3A_219 = vector.broadcast %get3A_205 : vector<1x4480xi32> to vector<81x4480xi32>
    %eq3A_220 = arith.cmpi eq, %iota3A_218, %eq3A_219 : vector<81x4480xi32>
    %jit3A_221 = arith.constant 0.000000e+00 : f32
    %broadcast_in_dim3A_222 = vector.broadcast %jit3A_221 : f32 to vector<81x4480xf32>
    %select_n3A_223 = arith.select %eq3A_220, %get3A_202, %broadcast_in_dim3A_222 : vector<81x4480xi1>, vector<81x4480xf32>
    %reduce_sum3A_224 = arith.constant dense<0.000000e+00> : vector<4480xf32>
    %reduce_sum3A_225 = vector.multi_reduction <add>, %select_n3A_223, %reduce_sum3A_224 [0] : vector<81x4480xf32> to vector<4480xf32>
    %broadcast_in_dim3A_226 = vector.shape_cast %reduce_sum3A_225 : vector<4480xf32> to vector<1x4480xf32>
    %log3A_227 = math.log %broadcast_in_dim3A_217 : vector<1x4480xf32>
    %sub3A_228 = arith.subf %broadcast_in_dim3A_226, %log3A_227 : vector<1x4480xf32>
    %exp3A_229 = math.exp %sub3A_228 : vector<1x4480xf32>
    %sub3A_230 = arith.constant 1.000000e+00 : f32
    %sub3A_231 = vector.broadcast %sub3A_230 : f32 to vector<1x4480xf32>
    %sub3A_232 = arith.subf %sub3A_231, %exp3A_229 : vector<1x4480xf32>
    %sub3A_233 = arith.constant 1.000000e+00 : f32
    %sub3A_234 = vector.broadcast %sub3A_233 : f32 to vector<1x4480xf32>
    %sub3A_235 = arith.subf %sub3A_234, %exp3A_229 : vector<1x4480xf32>
    %mul3A_236 = arith.mulf %sub3A_232, %sub3A_235 : vector<1x4480xf32>
    %neg3A_237 = arith.constant 0.000000e+00 : f32
    %neg3A_238 = vector.broadcast %neg3A_237 : f32 to vector<1x4480xf32>
    %neg3A_239 = arith.subf %neg3A_238, %mul3A_236 : vector<1x4480xf32>
    %mul3A_240 = arith.mulf %neg3A_239, %sub3A_228 : vector<1x4480xf32>
    %jit3A_241 = arith.constant 0.000000e+00 : f32
    %broadcast_in_dim3A_242 = vector.broadcast %jit3A_241 : f32 to vector<1x4480xf32>
    %select_n3A_243 = arith.select %lt3A_213, %mul3A_240, %broadcast_in_dim3A_242 : vector<1x4480xi1>, vector<1x4480xf32>
    %gt3A_244 = arith.constant 0 : i32
    %gt3A_245 = vector.broadcast %gt3A_244 : i32 to vector<1x4480xi32>
    %gt3A_246 = arith.cmpi sgt, %get3A_205, %gt3A_245 : vector<1x4480xi32>
    %and3A_247 = arith.andi %gt3A_246, %lt3A_213 : vector<1x4480xi1>
    %convert_element_type3A_248 = arith.extui %and3A_247 : vector<1x4480xi1> to vector<1x4480xi32>
    %convert_element_type3A_249 = arith.sitofp %convert_element_type3A_248 : vector<1x4480xi32> to vector<1x4480xf32>
    %mul3A_250 = arith.constant 8 : i32
    %mul3A_251 = arith.muli %arg0, %mul3A_250 : i32
    %add3A_252 = arith.constant 2 : i32
    %add3A_253 = arith.addi %mul3A_251, %add3A_252 : i32
    %mul3A_254 = arith.constant 4480 : i32
    %mul3A_255 = arith.muli %arg1, %mul3A_254 : i32
    %swap3A_256 = arith.index_cast %add3A_253 : i32 to index
    %swap3A_257 = arith.index_cast %mul3A_255 : i32 to index
    %swap3A_258 = vector.load %arg5[%swap3A_256, %swap3A_257] : memref<32x8960xf32, #tpu.memory_space<vmem>>, vector<1x4480xf32>
    tpu.vector_store %arg5[%swap3A_256, %swap3A_257], %select_n3A_243 {strides = array<i32>} : memref<32x8960xf32, #tpu.memory_space<vmem>>, vector<1x4480xf32>,
    %jit3A_259 = arith.constant 0.000000e+00 : f32
    %broadcast_in_dim3A_260 = vector.broadcast %jit3A_259 : f32 to vector<1x4480xf32>
    %select_n3A_261 = arith.select %and3A_247, %broadcast_in_dim3A_260, %select_n3A_243 : vector<1x4480xi1>, vector<1x4480xf32>
    %jit3A_262 = arith.constant -1.000000e+00 : f32
    %broadcast_in_dim3A_263 = vector.broadcast %jit3A_262 : f32 to vector<1x4480xf32>
    %select_n3A_264 = arith.select %lt3A_213, %select_n3A_261, %broadcast_in_dim3A_263 : vector<1x4480xi1>, vector<1x4480xf32>
    %mul3A_265 = arith.constant 4480 : i32
    %mul3A_266 = arith.muli %arg1, %mul3A_265 : i32
    %swap3A_267 = arith.index_cast %add3A_253 : i32 to index
    %swap3A_268 = arith.index_cast %mul3A_266 : i32 to index
    %swap3A_269 = vector.load %arg6[%swap3A_267, %swap3A_268] : memref<32x8960xf32, #tpu.memory_space<vmem>>, vector<1x4480xf32>
    tpu.vector_store %arg6[%swap3A_267, %swap3A_268], %select_n3A_264 {strides = array<i32>} : memref<32x8960xf32, #tpu.memory_space<vmem>>, vector<1x4480xf32>,
    %reduce_sum3A_270 = vector.shape_cast %convert_element_type3A_249 : vector<1x4480xf32> to vector<1x1x4480xf32>
    %reduce_sum3A_271 = arith.constant dense<0.000000e+00> : vector<1xf32>
    %reduce_sum3A_272 = vector.multi_reduction <add>, %reduce_sum3A_270, %reduce_sum3A_271 [1, 2] : vector<1x1x4480xf32> to vector<1xf32>
    %reduce_sum3A_273 = vector.shape_cast %reduce_sum3A_272 : vector<1xf32> to vector<1x1x1xf32>
    %reduce_sum3A_274 = vector.extract %reduce_sum3A_273[0, 0, 0] : f32 from vector<1x1x1xf32>
    %mul3A_275 = arith.mulf %convert_element_type3A_249, %select_n3A_243 : vector<1x4480xf32>
    %reduce_sum3A_276 = vector.shape_cast %mul3A_275 : vector<1x4480xf32> to vector<1x1x4480xf32>
    %reduce_sum3A_277 = arith.constant dense<0.000000e+00> : vector<1xf32>
    %reduce_sum3A_278 = vector.multi_reduction <add>, %reduce_sum3A_276, %reduce_sum3A_277 [1, 2] : vector<1x1x4480xf32> to vector<1xf32>
    %reduce_sum3A_279 = vector.shape_cast %reduce_sum3A_278 : vector<1xf32> to vector<1x1x1xf32>
    %reduce_sum3A_280 = vector.extract %reduce_sum3A_279[0, 0, 0] : f32 from vector<1x1x1xf32>
    %iota3A_281 = tpu.iota {dimensions = array<i32: 1>} : vector<1x128xi32>
    %eq3A_282 = arith.constant 0 : i32
    %eq3A_283 = vector.broadcast %eq3A_282 : i32 to vector<1x128xi32>
    %eq3A_284 = arith.cmpi eq, %iota3A_281, %eq3A_283 : vector<1x128xi32>
    %jit3A_285 = arith.constant 0.000000e+00 : f32
    %broadcast_in_dim3A_286 = vector.broadcast %reduce_sum3A_274 : f32 to vector<1x128xf32>
    %broadcast_in_dim3A_287 = vector.broadcast %jit3A_285 : f32 to vector<1x128xf32>
    %select_n3A_288 = arith.select %eq3A_284, %broadcast_in_dim3A_286, %broadcast_in_dim3A_287 : vector<1x128xi1>, vector<1x128xf32>
    %eq3A_289 = arith.constant 1 : i32
    %eq3A_290 = vector.broadcast %eq3A_289 : i32 to vector<1x128xi32>
    %eq3A_291 = arith.cmpi eq, %iota3A_281, %eq3A_290 : vector<1x128xi32>
    %jit3A_292 = arith.constant 0.000000e+00 : f32
    %broadcast_in_dim3A_293 = vector.broadcast %reduce_sum3A_280 : f32 to vector<1x128xf32>
    %broadcast_in_dim3A_294 = vector.broadcast %jit3A_292 : f32 to vector<1x128xf32>
    %select_n3A_295 = arith.select %eq3A_291, %broadcast_in_dim3A_293, %broadcast_in_dim3A_294 : vector<1x128xi1>, vector<1x128xf32>
    %add3A_296 = arith.addf %select_n3A_288, %select_n3A_295 : vector<1x128xf32>
    %eq3A_297 = arith.constant 0 : i32
    %eq3A_298 = arith.cmpi eq, %arg1, %eq3A_297 : i32
    %convert_element_type3A_299 = arith.extui %eq3A_298 : i1 to i32
    %cond3A_300 = arith.constant 0 : i32
    %cond3A_301 = arith.cmpi ne, %convert_element_type3A_299, %cond3A_300 : i32
    scf.if %cond3A_301 {
      %swap3A_860 = arith.index_cast %add3A_253 : i32 to index
      %swap3A_861 = arith.constant 0 : index
      %swap3A_862 = vector.load %arg7[%swap3A_860, %swap3A_861] : memref<32x128xf32, #tpu.memory_space<vmem>>, vector<1x128xf32>
      tpu.vector_store %arg7[%swap3A_860, %swap3A_861], %add3A_296 {strides = array<i32>} : memref<32x128xf32, #tpu.memory_space<vmem>>, vector<1x128xf32>,
    } else {
    }
    %ne3A_302 = arith.constant 0 : i32
    %ne3A_303 = arith.cmpi ne, %arg1, %ne3A_302 : i32
    %convert_element_type3A_304 = arith.extui %ne3A_303 : i1 to i32
    %cond3A_305 = arith.constant 0 : i32
    %cond3A_306 = arith.cmpi ne, %convert_element_type3A_304, %cond3A_305 : i32
    scf.if %cond3A_306 {
      %get3A_860 = arith.index_cast %add3A_253 : i32 to index
      %get3A_861 = arith.constant 0 : index
      %get3A_862 = vector.load %arg7[%get3A_860, %get3A_861] : memref<32x128xf32, #tpu.memory_space<vmem>>, vector<1x128xf32>
      %add3A_863 = arith.addf %get3A_862, %add3A_296 : vector<1x128xf32>
      %swap3A_864 = arith.index_cast %add3A_253 : i32 to index
      %swap3A_865 = arith.constant 0 : index
      %swap3A_866 = vector.load %arg7[%swap3A_864, %swap3A_865] : memref<32x128xf32, #tpu.memory_space<vmem>>, vector<1x128xf32>
      tpu.vector_store %arg7[%swap3A_864, %swap3A_865], %add3A_863 {strides = array<i32>} : memref<32x128xf32, #tpu.memory_space<vmem>>, vector<1x128xf32>,
    } else {
    }
    %get3A_307 = arith.constant 3 : index
    %get3A_308 = arith.constant 0 : index
    %get3A_309 = arith.constant 0 : index
    %get3A_310 = vector.load %arg2[%get3A_307, %get3A_308, %get3A_309] : memref<8x81x4480xf32, #tpu.memory_space<vmem>>, vector<1x81x4480xf32>
    %get3A_311 = vector.shape_cast %get3A_310 : vector<1x81x4480xf32> to vector<81x4480xf32>
    %get3A_312 = arith.constant 3 : index
    %get3A_313 = arith.constant 0 : index
    %get3A_314 = vector.load %arg3[%get3A_312, %get3A_313] : memref<8x4480xi32, #tpu.memory_space<vmem>>, vector<1x4480xi32>
    %iota3A_315 = tpu.iota {dimensions = array<i32: 1>} : vector<1x4480xi32>
    %mul3A_316 = arith.constant 4480 : i32
    %mul3A_317 = arith.muli %arg1, %mul3A_316 : i32
    %add3A_318 = vector.broadcast %mul3A_317 : i32 to vector<1x4480xi32>
    %add3A_319 = arith.addi %add3A_318, %iota3A_315 : vector<1x4480xi32>
    %lt3A_320 = arith.constant 8732 : i32
    %lt3A_321 = vector.broadcast %lt3A_320 : i32 to vector<1x4480xi32>
    %lt3A_322 = arith.cmpi slt, %add3A_319, %lt3A_321 : vector<1x4480xi32>
    %exp3A_323 = math.exp %get3A_311 : vector<81x4480xf32>
    %reduce_sum3A_324 = arith.constant dense<0.000000e+00> : vector<4480xf32>
    %reduce_sum3A_325 = vector.multi_reduction <add>, %exp3A_323, %reduce_sum3A_324 [0] : vector<81x4480xf32> to vector<4480xf32>
    %broadcast_in_dim3A_326 = vector.shape_cast %reduce_sum3A_325 : vector<4480xf32> to vector<1x4480xf32>
    %iota3A_327 = tpu.iota {dimensions = array<i32: 0>} : vector<81x4480xi32>
    %eq3A_328 = vector.broadcast %get3A_314 : vector<1x4480xi32> to vector<81x4480xi32>
    %eq3A_329 = arith.cmpi eq, %iota3A_327, %eq3A_328 : vector<81x4480xi32>
    %jit3A_330 = arith.constant 0.000000e+00 : f32
    %broadcast_in_dim3A_331 = vector.broadcast %jit3A_330 : f32 to vector<81x4480xf32>
    %select_n3A_332 = arith.select %eq3A_329, %get3A_311, %broadcast_in_dim3A_331 : vector<81x4480xi1>, vector<81x4480xf32>
    %reduce_sum3A_333 = arith.constant dense<0.000000e+00> : vector<4480xf32>
    %reduce_sum3A_334 = vector.multi_reduction <add>, %select_n3A_332, %reduce_sum3A_333 [0] : vector<81x4480xf32> to vector<4480xf32>
    %broadcast_in_dim3A_335 = vector.shape_cast %reduce_sum3A_334 : vector<4480xf32> to vector<1x4480xf32>
    %log3A_336 = math.log %broadcast_in_dim3A_326 : vector<1x4480xf32>
    %sub3A_337 = arith.subf %broadcast_in_dim3A_335, %log3A_336 : vector<1x4480xf32>
    %exp3A_338 = math.exp %sub3A_337 : vector<1x4480xf32>
    %sub3A_339 = arith.constant 1.000000e+00 : f32
    %sub3A_340 = vector.broadcast %sub3A_339 : f32 to vector<1x4480xf32>
    %sub3A_341 = arith.subf %sub3A_340, %exp3A_338 : vector<1x4480xf32>
    %sub3A_342 = arith.constant 1.000000e+00 : f32
    %sub3A_343 = vector.broadcast %sub3A_342 : f32 to vector<1x4480xf32>
    %sub3A_344 = arith.subf %sub3A_343, %exp3A_338 : vector<1x4480xf32>
    %mul3A_345 = arith.mulf %sub3A_341, %sub3A_344 : vector<1x4480xf32>
    %neg3A_346 = arith.constant 0.000000e+00 : f32
    %neg3A_347 = vector.broadcast %neg3A_346 : f32 to vector<1x4480xf32>
    %neg3A_348 = arith.subf %neg3A_347, %mul3A_345 : vector<1x4480xf32>
    %mul3A_349 = arith.mulf %neg3A_348, %sub3A_337 : vector<1x4480xf32>
    %jit3A_350 = arith.constant 0.000000e+00 : f32
    %broadcast_in_dim3A_351 = vector.broadcast %jit3A_350 : f32 to vector<1x4480xf32>
    %select_n3A_352 = arith.select %lt3A_322, %mul3A_349, %broadcast_in_dim3A_351 : vector<1x4480xi1>, vector<1x4480xf32>
    %gt3A_353 = arith.constant 0 : i32
    %gt3A_354 = vector.broadcast %gt3A_353 : i32 to vector<1x4480xi32>
    %gt3A_355 = arith.cmpi sgt, %get3A_314, %gt3A_354 : vector<1x4480xi32>
    %and3A_356 = arith.andi %gt3A_355, %lt3A_322 : vector<1x4480xi1>
    %convert_element_type3A_357 = arith.extui %and3A_356 : vector<1x4480xi1> to vector<1x4480xi32>
    %convert_element_type3A_358 = arith.sitofp %convert_element_type3A_357 : vector<1x4480xi32> to vector<1x4480xf32>
    %mul3A_359 = arith.constant 8 : i32
    %mul3A_360 = arith.muli %arg0, %mul3A_359 : i32
    %add3A_361 = arith.constant 3 : i32
    %add3A_362 = arith.addi %mul3A_360, %add3A_361 : i32
    %mul3A_363 = arith.constant 4480 : i32
    %mul3A_364 = arith.muli %arg1, %mul3A_363 : i32
    %swap3A_365 = arith.index_cast %add3A_362 : i32 to index
    %swap3A_366 = arith.index_cast %mul3A_364 : i32 to index
    %swap3A_367 = vector.load %arg5[%swap3A_365, %swap3A_366] : memref<32x8960xf32, #tpu.memory_space<vmem>>, vector<1x4480xf32>
    tpu.vector_store %arg5[%swap3A_365, %swap3A_366], %select_n3A_352 {strides = array<i32>} : memref<32x8960xf32, #tpu.memory_space<vmem>>, vector<1x4480xf32>,
    %jit3A_368 = arith.constant 0.000000e+00 : f32
    %broadcast_in_dim3A_369 = vector.broadcast %jit3A_368 : f32 to vector<1x4480xf32>
    %select_n3A_370 = arith.select %and3A_356, %broadcast_in_dim3A_369, %select_n3A_352 : vector<1x4480xi1>, vector<1x4480xf32>
    %jit3A_371 = arith.constant -1.000000e+00 : f32
    %broadcast_in_dim3A_372 = vector.broadcast %jit3A_371 : f32 to vector<1x4480xf32>
    %select_n3A_373 = arith.select %lt3A_322, %select_n3A_370, %broadcast_in_dim3A_372 : vector<1x4480xi1>, vector<1x4480xf32>
    %mul3A_374 = arith.constant 4480 : i32
    %mul3A_375 = arith.muli %arg1, %mul3A_374 : i32
    %swap3A_376 = arith.index_cast %add3A_362 : i32 to index
    %swap3A_377 = arith.index_cast %mul3A_375 : i32 to index
    %swap3A_378 = vector.load %arg6[%swap3A_376, %swap3A_377] : memref<32x8960xf32, #tpu.memory_space<vmem>>, vector<1x4480xf32>
    tpu.vector_store %arg6[%swap3A_376, %swap3A_377], %select_n3A_373 {strides = array<i32>} : memref<32x8960xf32, #tpu.memory_space<vmem>>, vector<1x4480xf32>,
    %reduce_sum3A_379 = vector.shape_cast %convert_element_type3A_358 : vector<1x4480xf32> to vector<1x1x4480xf32>
    %reduce_sum3A_380 = arith.constant dense<0.000000e+00> : vector<1xf32>
    %reduce_sum3A_381 = vector.multi_reduction <add>, %reduce_sum3A_379, %reduce_sum3A_380 [1, 2] : vector<1x1x4480xf32> to vector<1xf32>
    %reduce_sum3A_382 = vector.shape_cast %reduce_sum3A_381 : vector<1xf32> to vector<1x1x1xf32>
    %reduce_sum3A_383 = vector.extract %reduce_sum3A_382[0, 0, 0] : f32 from vector<1x1x1xf32>
    %mul3A_384 = arith.mulf %convert_element_type3A_358, %select_n3A_352 : vector<1x4480xf32>
    %reduce_sum3A_385 = vector.shape_cast %mul3A_384 : vector<1x4480xf32> to vector<1x1x4480xf32>
    %reduce_sum3A_386 = arith.constant dense<0.000000e+00> : vector<1xf32>
    %reduce_sum3A_387 = vector.multi_reduction <add>, %reduce_sum3A_385, %reduce_sum3A_386 [1, 2] : vector<1x1x4480xf32> to vector<1xf32>
    %reduce_sum3A_388 = vector.shape_cast %reduce_sum3A_387 : vector<1xf32> to vector<1x1x1xf32>
    %reduce_sum3A_389 = vector.extract %reduce_sum3A_388[0, 0, 0] : f32 from vector<1x1x1xf32>
    %iota3A_390 = tpu.iota {dimensions = array<i32: 1>} : vector<1x128xi32>
    %eq3A_391 = arith.constant 0 : i32
    %eq3A_392 = vector.broadcast %eq3A_391 : i32 to vector<1x128xi32>
    %eq3A_393 = arith.cmpi eq, %iota3A_390, %eq3A_392 : vector<1x128xi32>
    %jit3A_394 = arith.constant 0.000000e+00 : f32
    %broadcast_in_dim3A_395 = vector.broadcast %reduce_sum3A_383 : f32 to vector<1x128xf32>
    %broadcast_in_dim3A_396 = vector.broadcast %jit3A_394 : f32 to vector<1x128xf32>
    %select_n3A_397 = arith.select %eq3A_393, %broadcast_in_dim3A_395, %broadcast_in_dim3A_396 : vector<1x128xi1>, vector<1x128xf32>
    %eq3A_398 = arith.constant 1 : i32
    %eq3A_399 = vector.broadcast %eq3A_398 : i32 to vector<1x128xi32>
    %eq3A_400 = arith.cmpi eq, %iota3A_390, %eq3A_399 : vector<1x128xi32>
    %jit3A_401 = arith.constant 0.000000e+00 : f32
    %broadcast_in_dim3A_402 = vector.broadcast %reduce_sum3A_389 : f32 to vector<1x128xf32>
    %broadcast_in_dim3A_403 = vector.broadcast %jit3A_401 : f32 to vector<1x128xf32>
    %select_n3A_404 = arith.select %eq3A_400, %broadcast_in_dim3A_402, %broadcast_in_dim3A_403 : vector<1x128xi1>, vector<1x128xf32>
    %add3A_405 = arith.addf %select_n3A_397, %select_n3A_404 : vector<1x128xf32>
    %eq3A_406 = arith.constant 0 : i32
    %eq3A_407 = arith.cmpi eq, %arg1, %eq3A_406 : i32
    %convert_element_type3A_408 = arith.extui %eq3A_407 : i1 to i32
    %cond3A_409 = arith.constant 0 : i32
    %cond3A_410 = arith.cmpi ne, %convert_element_type3A_408, %cond3A_409 : i32
    scf.if %cond3A_410 {
      %swap3A_860 = arith.index_cast %add3A_362 : i32 to index
      %swap3A_861 = arith.constant 0 : index
      %swap3A_862 = vector.load %arg7[%swap3A_860, %swap3A_861] : memref<32x128xf32, #tpu.memory_space<vmem>>, vector<1x128xf32>
      tpu.vector_store %arg7[%swap3A_860, %swap3A_861], %add3A_405 {strides = array<i32>} : memref<32x128xf32, #tpu.memory_space<vmem>>, vector<1x128xf32>,
    } else {
    }
    %ne3A_411 = arith.constant 0 : i32
    %ne3A_412 = arith.cmpi ne, %arg1, %ne3A_411 : i32
    %convert_element_type3A_413 = arith.extui %ne3A_412 : i1 to i32
    %cond3A_414 = arith.constant 0 : i32
    %cond3A_415 = arith.cmpi ne, %convert_element_type3A_413, %cond3A_414 : i32
    scf.if %cond3A_415 {
      %get3A_860 = arith.index_cast %add3A_362 : i32 to index
      %get3A_861 = arith.constant 0 : index
      %get3A_862 = vector.load %arg7[%get3A_860, %get3A_861] : memref<32x128xf32, #tpu.memory_space<vmem>>, vector<1x128xf32>
      %add3A_863 = arith.addf %get3A_862, %add3A_405 : vector<1x128xf32>
      %swap3A_864 = arith.index_cast %add3A_362 : i32 to index
      %swap3A_865 = arith.constant 0 : index
      %swap3A_866 = vector.load %arg7[%swap3A_864, %swap3A_865] : memref<32x128xf32, #tpu.memory_space<vmem>>, vector<1x128xf32>
      tpu.vector_store %arg7[%swap3A_864, %swap3A_865], %add3A_863 {strides = array<i32>} : memref<32x128xf32, #tpu.memory_space<vmem>>, vector<1x128xf32>,
    } else {
    }
    %get3A_416 = arith.constant 4 : index
    %get3A_417 = arith.constant 0 : index
    %get3A_418 = arith.constant 0 : index
    %get3A_419 = vector.load %arg2[%get3A_416, %get3A_417, %get3A_418] : memref<8x81x4480xf32, #tpu.memory_space<vmem>>, vector<1x81x4480xf32>
    %get3A_420 = vector.shape_cast %get3A_419 : vector<1x81x4480xf32> to vector<81x4480xf32>
    %get3A_421 = arith.constant 4 : index
    %get3A_422 = arith.constant 0 : index
    %get3A_423 = vector.load %arg3[%get3A_421, %get3A_422] : memref<8x4480xi32, #tpu.memory_space<vmem>>, vector<1x4480xi32>
    %iota3A_424 = tpu.iota {dimensions = array<i32: 1>} : vector<1x4480xi32>
    %mul3A_425 = arith.constant 4480 : i32
    %mul3A_426 = arith.muli %arg1, %mul3A_425 : i32
    %add3A_427 = vector.broadcast %mul3A_426 : i32 to vector<1x4480xi32>
    %add3A_428 = arith.addi %add3A_427, %iota3A_424 : vector<1x4480xi32>
    %lt3A_429 = arith.constant 8732 : i32
    %lt3A_430 = vector.broadcast %lt3A_429 : i32 to vector<1x4480xi32>
    %lt3A_431 = arith.cmpi slt, %add3A_428, %lt3A_430 : vector<1x4480xi32>
    %exp3A_432 = math.exp %get3A_420 : vector<81x4480xf32>
    %reduce_sum3A_433 = arith.constant dense<0.000000e+00> : vector<4480xf32>
    %reduce_sum3A_434 = vector.multi_reduction <add>, %exp3A_432, %reduce_sum3A_433 [0] : vector<81x4480xf32> to vector<4480xf32>
    %broadcast_in_dim3A_435 = vector.shape_cast %reduce_sum3A_434 : vector<4480xf32> to vector<1x4480xf32>
    %iota3A_436 = tpu.iota {dimensions = array<i32: 0>} : vector<81x4480xi32>
    %eq3A_437 = vector.broadcast %get3A_423 : vector<1x4480xi32> to vector<81x4480xi32>
    %eq3A_438 = arith.cmpi eq, %iota3A_436, %eq3A_437 : vector<81x4480xi32>
    %jit3A_439 = arith.constant 0.000000e+00 : f32
    %broadcast_in_dim3A_440 = vector.broadcast %jit3A_439 : f32 to vector<81x4480xf32>
    %select_n3A_441 = arith.select %eq3A_438, %get3A_420, %broadcast_in_dim3A_440 : vector<81x4480xi1>, vector<81x4480xf32>
    %reduce_sum3A_442 = arith.constant dense<0.000000e+00> : vector<4480xf32>
    %reduce_sum3A_443 = vector.multi_reduction <add>, %select_n3A_441, %reduce_sum3A_442 [0] : vector<81x4480xf32> to vector<4480xf32>
    %broadcast_in_dim3A_444 = vector.shape_cast %reduce_sum3A_443 : vector<4480xf32> to vector<1x4480xf32>
    %log3A_445 = math.log %broadcast_in_dim3A_435 : vector<1x4480xf32>
    %sub3A_446 = arith.subf %broadcast_in_dim3A_444, %log3A_445 : vector<1x4480xf32>
    %exp3A_447 = math.exp %sub3A_446 : vector<1x4480xf32>
    %sub3A_448 = arith.constant 1.000000e+00 : f32
    %sub3A_449 = vector.broadcast %sub3A_448 : f32 to vector<1x4480xf32>
    %sub3A_450 = arith.subf %sub3A_449, %exp3A_447 : vector<1x4480xf32>
    %sub3A_451 = arith.constant 1.000000e+00 : f32
    %sub3A_452 = vector.broadcast %sub3A_451 : f32 to vector<1x4480xf32>
    %sub3A_453 = arith.subf %sub3A_452, %exp3A_447 : vector<1x4480xf32>
    %mul3A_454 = arith.mulf %sub3A_450, %sub3A_453 : vector<1x4480xf32>
    %neg3A_455 = arith.constant 0.000000e+00 : f32
    %neg3A_456 = vector.broadcast %neg3A_455 : f32 to vector<1x4480xf32>
    %neg3A_457 = arith.subf %neg3A_456, %mul3A_454 : vector<1x4480xf32>
    %mul3A_458 = arith.mulf %neg3A_457, %sub3A_446 : vector<1x4480xf32>
    %jit3A_459 = arith.constant 0.000000e+00 : f32
    %broadcast_in_dim3A_460 = vector.broadcast %jit3A_459 : f32 to vector<1x4480xf32>
    %select_n3A_461 = arith.select %lt3A_431, %mul3A_458, %broadcast_in_dim3A_460 : vector<1x4480xi1>, vector<1x4480xf32>
    %gt3A_462 = arith.constant 0 : i32
    %gt3A_463 = vector.broadcast %gt3A_462 : i32 to vector<1x4480xi32>
    %gt3A_464 = arith.cmpi sgt, %get3A_423, %gt3A_463 : vector<1x4480xi32>
    %and3A_465 = arith.andi %gt3A_464, %lt3A_431 : vector<1x4480xi1>
    %convert_element_type3A_466 = arith.extui %and3A_465 : vector<1x4480xi1> to vector<1x4480xi32>
    %convert_element_type3A_467 = arith.sitofp %convert_element_type3A_466 : vector<1x4480xi32> to vector<1x4480xf32>
    %mul3A_468 = arith.constant 8 : i32
    %mul3A_469 = arith.muli %arg0, %mul3A_468 : i32
    %add3A_470 = arith.constant 4 : i32
    %add3A_471 = arith.addi %mul3A_469, %add3A_470 : i32
    %mul3A_472 = arith.constant 4480 : i32
    %mul3A_473 = arith.muli %arg1, %mul3A_472 : i32
    %swap3A_474 = arith.index_cast %add3A_471 : i32 to index
    %swap3A_475 = arith.index_cast %mul3A_473 : i32 to index
    %swap3A_476 = vector.load %arg5[%swap3A_474, %swap3A_475] : memref<32x8960xf32, #tpu.memory_space<vmem>>, vector<1x4480xf32>
    tpu.vector_store %arg5[%swap3A_474, %swap3A_475], %select_n3A_461 {strides = array<i32>} : memref<32x8960xf32, #tpu.memory_space<vmem>>, vector<1x4480xf32>,
    %jit3A_477 = arith.constant 0.000000e+00 : f32
    %broadcast_in_dim3A_478 = vector.broadcast %jit3A_477 : f32 to vector<1x4480xf32>
    %select_n3A_479 = arith.select %and3A_465, %broadcast_in_dim3A_478, %select_n3A_461 : vector<1x4480xi1>, vector<1x4480xf32>
    %jit3A_480 = arith.constant -1.000000e+00 : f32
    %broadcast_in_dim3A_481 = vector.broadcast %jit3A_480 : f32 to vector<1x4480xf32>
    %select_n3A_482 = arith.select %lt3A_431, %select_n3A_479, %broadcast_in_dim3A_481 : vector<1x4480xi1>, vector<1x4480xf32>
    %mul3A_483 = arith.constant 4480 : i32
    %mul3A_484 = arith.muli %arg1, %mul3A_483 : i32
    %swap3A_485 = arith.index_cast %add3A_471 : i32 to index
    %swap3A_486 = arith.index_cast %mul3A_484 : i32 to index
    %swap3A_487 = vector.load %arg6[%swap3A_485, %swap3A_486] : memref<32x8960xf32, #tpu.memory_space<vmem>>, vector<1x4480xf32>
    tpu.vector_store %arg6[%swap3A_485, %swap3A_486], %select_n3A_482 {strides = array<i32>} : memref<32x8960xf32, #tpu.memory_space<vmem>>, vector<1x4480xf32>,
    %reduce_sum3A_488 = vector.shape_cast %convert_element_type3A_467 : vector<1x4480xf32> to vector<1x1x4480xf32>
    %reduce_sum3A_489 = arith.constant dense<0.000000e+00> : vector<1xf32>
    %reduce_sum3A_490 = vector.multi_reduction <add>, %reduce_sum3A_488, %reduce_sum3A_489 [1, 2] : vector<1x1x4480xf32> to vector<1xf32>
    %reduce_sum3A_491 = vector.shape_cast %reduce_sum3A_490 : vector<1xf32> to vector<1x1x1xf32>
    %reduce_sum3A_492 = vector.extract %reduce_sum3A_491[0, 0, 0] : f32 from vector<1x1x1xf32>
    %mul3A_493 = arith.mulf %convert_element_type3A_467, %select_n3A_461 : vector<1x4480xf32>
    %reduce_sum3A_494 = vector.shape_cast %mul3A_493 : vector<1x4480xf32> to vector<1x1x4480xf32>
    %reduce_sum3A_495 = arith.constant dense<0.000000e+00> : vector<1xf32>
    %reduce_sum3A_496 = vector.multi_reduction <add>, %reduce_sum3A_494, %reduce_sum3A_495 [1, 2] : vector<1x1x4480xf32> to vector<1xf32>
    %reduce_sum3A_497 = vector.shape_cast %reduce_sum3A_496 : vector<1xf32> to vector<1x1x1xf32>
    %reduce_sum3A_498 = vector.extract %reduce_sum3A_497[0, 0, 0] : f32 from vector<1x1x1xf32>
    %iota3A_499 = tpu.iota {dimensions = array<i32: 1>} : vector<1x128xi32>
    %eq3A_500 = arith.constant 0 : i32
    %eq3A_501 = vector.broadcast %eq3A_500 : i32 to vector<1x128xi32>
    %eq3A_502 = arith.cmpi eq, %iota3A_499, %eq3A_501 : vector<1x128xi32>
    %jit3A_503 = arith.constant 0.000000e+00 : f32
    %broadcast_in_dim3A_504 = vector.broadcast %reduce_sum3A_492 : f32 to vector<1x128xf32>
    %broadcast_in_dim3A_505 = vector.broadcast %jit3A_503 : f32 to vector<1x128xf32>
    %select_n3A_506 = arith.select %eq3A_502, %broadcast_in_dim3A_504, %broadcast_in_dim3A_505 : vector<1x128xi1>, vector<1x128xf32>
    %eq3A_507 = arith.constant 1 : i32
    %eq3A_508 = vector.broadcast %eq3A_507 : i32 to vector<1x128xi32>
    %eq3A_509 = arith.cmpi eq, %iota3A_499, %eq3A_508 : vector<1x128xi32>
    %jit3A_510 = arith.constant 0.000000e+00 : f32
    %broadcast_in_dim3A_511 = vector.broadcast %reduce_sum3A_498 : f32 to vector<1x128xf32>
    %broadcast_in_dim3A_512 = vector.broadcast %jit3A_510 : f32 to vector<1x128xf32>
    %select_n3A_513 = arith.select %eq3A_509, %broadcast_in_dim3A_511, %broadcast_in_dim3A_512 : vector<1x128xi1>, vector<1x128xf32>
    %add3A_514 = arith.addf %select_n3A_506, %select_n3A_513 : vector<1x128xf32>
    %eq3A_515 = arith.constant 0 : i32
    %eq3A_516 = arith.cmpi eq, %arg1, %eq3A_515 : i32
    %convert_element_type3A_517 = arith.extui %eq3A_516 : i1 to i32
    %cond3A_518 = arith.constant 0 : i32
    %cond3A_519 = arith.cmpi ne, %convert_element_type3A_517, %cond3A_518 : i32
    scf.if %cond3A_519 {
      %swap3A_860 = arith.index_cast %add3A_471 : i32 to index
      %swap3A_861 = arith.constant 0 : index
      %swap3A_862 = vector.load %arg7[%swap3A_860, %swap3A_861] : memref<32x128xf32, #tpu.memory_space<vmem>>, vector<1x128xf32>
      tpu.vector_store %arg7[%swap3A_860, %swap3A_861], %add3A_514 {strides = array<i32>} : memref<32x128xf32, #tpu.memory_space<vmem>>, vector<1x128xf32>,
    } else {
    }
    %ne3A_520 = arith.constant 0 : i32
    %ne3A_521 = arith.cmpi ne, %arg1, %ne3A_520 : i32
    %convert_element_type3A_522 = arith.extui %ne3A_521 : i1 to i32
    %cond3A_523 = arith.constant 0 : i32
    %cond3A_524 = arith.cmpi ne, %convert_element_type3A_522, %cond3A_523 : i32
    scf.if %cond3A_524 {
      %get3A_860 = arith.index_cast %add3A_471 : i32 to index
      %get3A_861 = arith.constant 0 : index
      %get3A_862 = vector.load %arg7[%get3A_860, %get3A_861] : memref<32x128xf32, #tpu.memory_space<vmem>>, vector<1x128xf32>
      %add3A_863 = arith.addf %get3A_862, %add3A_514 : vector<1x128xf32>
      %swap3A_864 = arith.index_cast %add3A_471 : i32 to index
      %swap3A_865 = arith.constant 0 : index
      %swap3A_866 = vector.load %arg7[%swap3A_864, %swap3A_865] : memref<32x128xf32, #tpu.memory_space<vmem>>, vector<1x128xf32>
      tpu.vector_store %arg7[%swap3A_864, %swap3A_865], %add3A_863 {strides = array<i32>} : memref<32x128xf32, #tpu.memory_space<vmem>>, vector<1x128xf32>,
    } else {
    }
    %get3A_525 = arith.constant 5 : index
    %get3A_526 = arith.constant 0 : index
    %get3A_527 = arith.constant 0 : index
    %get3A_528 = vector.load %arg2[%get3A_525, %get3A_526, %get3A_527] : memref<8x81x4480xf32, #tpu.memory_space<vmem>>, vector<1x81x4480xf32>
    %get3A_529 = vector.shape_cast %get3A_528 : vector<1x81x4480xf32> to vector<81x4480xf32>
    %get3A_530 = arith.constant 5 : index
    %get3A_531 = arith.constant 0 : index
    %get3A_532 = vector.load %arg3[%get3A_530, %get3A_531] : memref<8x4480xi32, #tpu.memory_space<vmem>>, vector<1x4480xi32>
    %iota3A_533 = tpu.iota {dimensions = array<i32: 1>} : vector<1x4480xi32>
    %mul3A_534 = arith.constant 4480 : i32
    %mul3A_535 = arith.muli %arg1, %mul3A_534 : i32
    %add3A_536 = vector.broadcast %mul3A_535 : i32 to vector<1x4480xi32>
    %add3A_537 = arith.addi %add3A_536, %iota3A_533 : vector<1x4480xi32>
    %lt3A_538 = arith.constant 8732 : i32
    %lt3A_539 = vector.broadcast %lt3A_538 : i32 to vector<1x4480xi32>
    %lt3A_540 = arith.cmpi slt, %add3A_537, %lt3A_539 : vector<1x4480xi32>
    %exp3A_541 = math.exp %get3A_529 : vector<81x4480xf32>
    %reduce_sum3A_542 = arith.constant dense<0.000000e+00> : vector<4480xf32>
    %reduce_sum3A_543 = vector.multi_reduction <add>, %exp3A_541, %reduce_sum3A_542 [0] : vector<81x4480xf32> to vector<4480xf32>
    %broadcast_in_dim3A_544 = vector.shape_cast %reduce_sum3A_543 : vector<4480xf32> to vector<1x4480xf32>
    %iota3A_545 = tpu.iota {dimensions = array<i32: 0>} : vector<81x4480xi32>
    %eq3A_546 = vector.broadcast %get3A_532 : vector<1x4480xi32> to vector<81x4480xi32>
    %eq3A_547 = arith.cmpi eq, %iota3A_545, %eq3A_546 : vector<81x4480xi32>
    %jit3A_548 = arith.constant 0.000000e+00 : f32
    %broadcast_in_dim3A_549 = vector.broadcast %jit3A_548 : f32 to vector<81x4480xf32>
    %select_n3A_550 = arith.select %eq3A_547, %get3A_529, %broadcast_in_dim3A_549 : vector<81x4480xi1>, vector<81x4480xf32>
    %reduce_sum3A_551 = arith.constant dense<0.000000e+00> : vector<4480xf32>
    %reduce_sum3A_552 = vector.multi_reduction <add>, %select_n3A_550, %reduce_sum3A_551 [0] : vector<81x4480xf32> to vector<4480xf32>
    %broadcast_in_dim3A_553 = vector.shape_cast %reduce_sum3A_552 : vector<4480xf32> to vector<1x4480xf32>
    %log3A_554 = math.log %broadcast_in_dim3A_544 : vector<1x4480xf32>
    %sub3A_555 = arith.subf %broadcast_in_dim3A_553, %log3A_554 : vector<1x4480xf32>
    %exp3A_556 = math.exp %sub3A_555 : vector<1x4480xf32>
    %sub3A_557 = arith.constant 1.000000e+00 : f32
    %sub3A_558 = vector.broadcast %sub3A_557 : f32 to vector<1x4480xf32>
    %sub3A_559 = arith.subf %sub3A_558, %exp3A_556 : vector<1x4480xf32>
    %sub3A_560 = arith.constant 1.000000e+00 : f32
    %sub3A_561 = vector.broadcast %sub3A_560 : f32 to vector<1x4480xf32>
    %sub3A_562 = arith.subf %sub3A_561, %exp3A_556 : vector<1x4480xf32>
    %mul3A_563 = arith.mulf %sub3A_559, %sub3A_562 : vector<1x4480xf32>
    %neg3A_564 = arith.constant 0.000000e+00 : f32
    %neg3A_565 = vector.broadcast %neg3A_564 : f32 to vector<1x4480xf32>
    %neg3A_566 = arith.subf %neg3A_565, %mul3A_563 : vector<1x4480xf32>
    %mul3A_567 = arith.mulf %neg3A_566, %sub3A_555 : vector<1x4480xf32>
    %jit3A_568 = arith.constant 0.000000e+00 : f32
    %broadcast_in_dim3A_569 = vector.broadcast %jit3A_568 : f32 to vector<1x4480xf32>
    %select_n3A_570 = arith.select %lt3A_540, %mul3A_567, %broadcast_in_dim3A_569 : vector<1x4480xi1>, vector<1x4480xf32>
    %gt3A_571 = arith.constant 0 : i32
    %gt3A_572 = vector.broadcast %gt3A_571 : i32 to vector<1x4480xi32>
    %gt3A_573 = arith.cmpi sgt, %get3A_532, %gt3A_572 : vector<1x4480xi32>
    %and3A_574 = arith.andi %gt3A_573, %lt3A_540 : vector<1x4480xi1>
    %convert_element_type3A_575 = arith.extui %and3A_574 : vector<1x4480xi1> to vector<1x4480xi32>
    %convert_element_type3A_576 = arith.sitofp %convert_element_type3A_575 : vector<1x4480xi32> to vector<1x4480xf32>
    %mul3A_577 = arith.constant 8 : i32
    %mul3A_578 = arith.muli %arg0, %mul3A_577 : i32
    %add3A_579 = arith.constant 5 : i32
    %add3A_580 = arith.addi %mul3A_578, %add3A_579 : i32
    %mul3A_581 = arith.constant 4480 : i32
    %mul3A_582 = arith.muli %arg1, %mul3A_581 : i32
    %swap3A_583 = arith.index_cast %add3A_580 : i32 to index
    %swap3A_584 = arith.index_cast %mul3A_582 : i32 to index
    %swap3A_585 = vector.load %arg5[%swap3A_583, %swap3A_584] : memref<32x8960xf32, #tpu.memory_space<vmem>>, vector<1x4480xf32>
    tpu.vector_store %arg5[%swap3A_583, %swap3A_584], %select_n3A_570 {strides = array<i32>} : memref<32x8960xf32, #tpu.memory_space<vmem>>, vector<1x4480xf32>,
    %jit3A_586 = arith.constant 0.000000e+00 : f32
    %broadcast_in_dim3A_587 = vector.broadcast %jit3A_586 : f32 to vector<1x4480xf32>
    %select_n3A_588 = arith.select %and3A_574, %broadcast_in_dim3A_587, %select_n3A_570 : vector<1x4480xi1>, vector<1x4480xf32>
    %jit3A_589 = arith.constant -1.000000e+00 : f32
    %broadcast_in_dim3A_590 = vector.broadcast %jit3A_589 : f32 to vector<1x4480xf32>
    %select_n3A_591 = arith.select %lt3A_540, %select_n3A_588, %broadcast_in_dim3A_590 : vector<1x4480xi1>, vector<1x4480xf32>
    %mul3A_592 = arith.constant 4480 : i32
    %mul3A_593 = arith.muli %arg1, %mul3A_592 : i32
    %swap3A_594 = arith.index_cast %add3A_580 : i32 to index
    %swap3A_595 = arith.index_cast %mul3A_593 : i32 to index
    %swap3A_596 = vector.load %arg6[%swap3A_594, %swap3A_595] : memref<32x8960xf32, #tpu.memory_space<vmem>>, vector<1x4480xf32>
    tpu.vector_store %arg6[%swap3A_594, %swap3A_595], %select_n3A_591 {strides = array<i32>} : memref<32x8960xf32, #tpu.memory_space<vmem>>, vector<1x4480xf32>,
    %reduce_sum3A_597 = vector.shape_cast %convert_element_type3A_576 : vector<1x4480xf32> to vector<1x1x4480xf32>
    %reduce_sum3A_598 = arith.constant dense<0.000000e+00> : vector<1xf32>
    %reduce_sum3A_599 = vector.multi_reduction <add>, %reduce_sum3A_597, %reduce_sum3A_598 [1, 2] : vector<1x1x4480xf32> to vector<1xf32>
    %reduce_sum3A_600 = vector.shape_cast %reduce_sum3A_599 : vector<1xf32> to vector<1x1x1xf32>
    %reduce_sum3A_601 = vector.extract %reduce_sum3A_600[0, 0, 0] : f32 from vector<1x1x1xf32>
    %mul3A_602 = arith.mulf %convert_element_type3A_576, %select_n3A_570 : vector<1x4480xf32>
    %reduce_sum3A_603 = vector.shape_cast %mul3A_602 : vector<1x4480xf32> to vector<1x1x4480xf32>
    %reduce_sum3A_604 = arith.constant dense<0.000000e+00> : vector<1xf32>
    %reduce_sum3A_605 = vector.multi_reduction <add>, %reduce_sum3A_603, %reduce_sum3A_604 [1, 2] : vector<1x1x4480xf32> to vector<1xf32>
    %reduce_sum3A_606 = vector.shape_cast %reduce_sum3A_605 : vector<1xf32> to vector<1x1x1xf32>
    %reduce_sum3A_607 = vector.extract %reduce_sum3A_606[0, 0, 0] : f32 from vector<1x1x1xf32>
    %iota3A_608 = tpu.iota {dimensions = array<i32: 1>} : vector<1x128xi32>
    %eq3A_609 = arith.constant 0 : i32
    %eq3A_610 = vector.broadcast %eq3A_609 : i32 to vector<1x128xi32>
    %eq3A_611 = arith.cmpi eq, %iota3A_608, %eq3A_610 : vector<1x128xi32>
    %jit3A_612 = arith.constant 0.000000e+00 : f32
    %broadcast_in_dim3A_613 = vector.broadcast %reduce_sum3A_601 : f32 to vector<1x128xf32>
    %broadcast_in_dim3A_614 = vector.broadcast %jit3A_612 : f32 to vector<1x128xf32>
    %select_n3A_615 = arith.select %eq3A_611, %broadcast_in_dim3A_613, %broadcast_in_dim3A_614 : vector<1x128xi1>, vector<1x128xf32>
    %eq3A_616 = arith.constant 1 : i32
    %eq3A_617 = vector.broadcast %eq3A_616 : i32 to vector<1x128xi32>
    %eq3A_618 = arith.cmpi eq, %iota3A_608, %eq3A_617 : vector<1x128xi32>
    %jit3A_619 = arith.constant 0.000000e+00 : f32
    %broadcast_in_dim3A_620 = vector.broadcast %reduce_sum3A_607 : f32 to vector<1x128xf32>
    %broadcast_in_dim3A_621 = vector.broadcast %jit3A_619 : f32 to vector<1x128xf32>
    %select_n3A_622 = arith.select %eq3A_618, %broadcast_in_dim3A_620, %broadcast_in_dim3A_621 : vector<1x128xi1>, vector<1x128xf32>
    %add3A_623 = arith.addf %select_n3A_615, %select_n3A_622 : vector<1x128xf32>
    %eq3A_624 = arith.constant 0 : i32
    %eq3A_625 = arith.cmpi eq, %arg1, %eq3A_624 : i32
    %convert_element_type3A_626 = arith.extui %eq3A_625 : i1 to i32
    %cond3A_627 = arith.constant 0 : i32
    %cond3A_628 = arith.cmpi ne, %convert_element_type3A_626, %cond3A_627 : i32
    scf.if %cond3A_628 {
      %swap3A_860 = arith.index_cast %add3A_580 : i32 to index
      %swap3A_861 = arith.constant 0 : index
      %swap3A_862 = vector.load %arg7[%swap3A_860, %swap3A_861] : memref<32x128xf32, #tpu.memory_space<vmem>>, vector<1x128xf32>
      tpu.vector_store %arg7[%swap3A_860, %swap3A_861], %add3A_623 {strides = array<i32>} : memref<32x128xf32, #tpu.memory_space<vmem>>, vector<1x128xf32>,
    } else {
    }
    %ne3A_629 = arith.constant 0 : i32
    %ne3A_630 = arith.cmpi ne, %arg1, %ne3A_629 : i32
    %convert_element_type3A_631 = arith.extui %ne3A_630 : i1 to i32
    %cond3A_632 = arith.constant 0 : i32
    %cond3A_633 = arith.cmpi ne, %convert_element_type3A_631, %cond3A_632 : i32
    scf.if %cond3A_633 {
      %get3A_860 = arith.index_cast %add3A_580 : i32 to index
      %get3A_861 = arith.constant 0 : index
      %get3A_862 = vector.load %arg7[%get3A_860, %get3A_861] : memref<32x128xf32, #tpu.memory_space<vmem>>, vector<1x128xf32>
      %add3A_863 = arith.addf %get3A_862, %add3A_623 : vector<1x128xf32>
      %swap3A_864 = arith.index_cast %add3A_580 : i32 to index
      %swap3A_865 = arith.constant 0 : index
      %swap3A_866 = vector.load %arg7[%swap3A_864, %swap3A_865] : memref<32x128xf32, #tpu.memory_space<vmem>>, vector<1x128xf32>
      tpu.vector_store %arg7[%swap3A_864, %swap3A_865], %add3A_863 {strides = array<i32>} : memref<32x128xf32, #tpu.memory_space<vmem>>, vector<1x128xf32>,
    } else {
    }
    %get3A_634 = arith.constant 6 : index
    %get3A_635 = arith.constant 0 : index
    %get3A_636 = arith.constant 0 : index
    %get3A_637 = vector.load %arg2[%get3A_634, %get3A_635, %get3A_636] : memref<8x81x4480xf32, #tpu.memory_space<vmem>>, vector<1x81x4480xf32>
    %get3A_638 = vector.shape_cast %get3A_637 : vector<1x81x4480xf32> to vector<81x4480xf32>
    %get3A_639 = arith.constant 6 : index
    %get3A_640 = arith.constant 0 : index
    %get3A_641 = vector.load %arg3[%get3A_639, %get3A_640] : memref<8x4480xi32, #tpu.memory_space<vmem>>, vector<1x4480xi32>
    %iota3A_642 = tpu.iota {dimensions = array<i32: 1>} : vector<1x4480xi32>
    %mul3A_643 = arith.constant 4480 : i32
    %mul3A_644 = arith.muli %arg1, %mul3A_643 : i32
    %add3A_645 = vector.broadcast %mul3A_644 : i32 to vector<1x4480xi32>
    %add3A_646 = arith.addi %add3A_645, %iota3A_642 : vector<1x4480xi32>
    %lt3A_647 = arith.constant 8732 : i32
    %lt3A_648 = vector.broadcast %lt3A_647 : i32 to vector<1x4480xi32>
    %lt3A_649 = arith.cmpi slt, %add3A_646, %lt3A_648 : vector<1x4480xi32>
    %exp3A_650 = math.exp %get3A_638 : vector<81x4480xf32>
    %reduce_sum3A_651 = arith.constant dense<0.000000e+00> : vector<4480xf32>
    %reduce_sum3A_652 = vector.multi_reduction <add>, %exp3A_650, %reduce_sum3A_651 [0] : vector<81x4480xf32> to vector<4480xf32>
    %broadcast_in_dim3A_653 = vector.shape_cast %reduce_sum3A_652 : vector<4480xf32> to vector<1x4480xf32>
    %iota3A_654 = tpu.iota {dimensions = array<i32: 0>} : vector<81x4480xi32>
    %eq3A_655 = vector.broadcast %get3A_641 : vector<1x4480xi32> to vector<81x4480xi32>
    %eq3A_656 = arith.cmpi eq, %iota3A_654, %eq3A_655 : vector<81x4480xi32>
    %jit3A_657 = arith.constant 0.000000e+00 : f32
    %broadcast_in_dim3A_658 = vector.broadcast %jit3A_657 : f32 to vector<81x4480xf32>
    %select_n3A_659 = arith.select %eq3A_656, %get3A_638, %broadcast_in_dim3A_658 : vector<81x4480xi1>, vector<81x4480xf32>
    %reduce_sum3A_660 = arith.constant dense<0.000000e+00> : vector<4480xf32>
    %reduce_sum3A_661 = vector.multi_reduction <add>, %select_n3A_659, %reduce_sum3A_660 [0] : vector<81x4480xf32> to vector<4480xf32>
    %broadcast_in_dim3A_662 = vector.shape_cast %reduce_sum3A_661 : vector<4480xf32> to vector<1x4480xf32>
    %log3A_663 = math.log %broadcast_in_dim3A_653 : vector<1x4480xf32>
    %sub3A_664 = arith.subf %broadcast_in_dim3A_662, %log3A_663 : vector<1x4480xf32>
    %exp3A_665 = math.exp %sub3A_664 : vector<1x4480xf32>
    %sub3A_666 = arith.constant 1.000000e+00 : f32
    %sub3A_667 = vector.broadcast %sub3A_666 : f32 to vector<1x4480xf32>
    %sub3A_668 = arith.subf %sub3A_667, %exp3A_665 : vector<1x4480xf32>
    %sub3A_669 = arith.constant 1.000000e+00 : f32
    %sub3A_670 = vector.broadcast %sub3A_669 : f32 to vector<1x4480xf32>
    %sub3A_671 = arith.subf %sub3A_670, %exp3A_665 : vector<1x4480xf32>
    %mul3A_672 = arith.mulf %sub3A_668, %sub3A_671 : vector<1x4480xf32>
    %neg3A_673 = arith.constant 0.000000e+00 : f32
    %neg3A_674 = vector.broadcast %neg3A_673 : f32 to vector<1x4480xf32>
    %neg3A_675 = arith.subf %neg3A_674, %mul3A_672 : vector<1x4480xf32>
    %mul3A_676 = arith.mulf %neg3A_675, %sub3A_664 : vector<1x4480xf32>
    %jit3A_677 = arith.constant 0.000000e+00 : f32
    %broadcast_in_dim3A_678 = vector.broadcast %jit3A_677 : f32 to vector<1x4480xf32>
    %select_n3A_679 = arith.select %lt3A_649, %mul3A_676, %broadcast_in_dim3A_678 : vector<1x4480xi1>, vector<1x4480xf32>
    %gt3A_680 = arith.constant 0 : i32
    %gt3A_681 = vector.broadcast %gt3A_680 : i32 to vector<1x4480xi32>
    %gt3A_682 = arith.cmpi sgt, %get3A_641, %gt3A_681 : vector<1x4480xi32>
    %and3A_683 = arith.andi %gt3A_682, %lt3A_649 : vector<1x4480xi1>
    %convert_element_type3A_684 = arith.extui %and3A_683 : vector<1x4480xi1> to vector<1x4480xi32>
    %convert_element_type3A_685 = arith.sitofp %convert_element_type3A_684 : vector<1x4480xi32> to vector<1x4480xf32>
    %mul3A_686 = arith.constant 8 : i32
    %mul3A_687 = arith.muli %arg0, %mul3A_686 : i32
    %add3A_688 = arith.constant 6 : i32
    %add3A_689 = arith.addi %mul3A_687, %add3A_688 : i32
    %mul3A_690 = arith.constant 4480 : i32
    %mul3A_691 = arith.muli %arg1, %mul3A_690 : i32
    %swap3A_692 = arith.index_cast %add3A_689 : i32 to index
    %swap3A_693 = arith.index_cast %mul3A_691 : i32 to index
    %swap3A_694 = vector.load %arg5[%swap3A_692, %swap3A_693] : memref<32x8960xf32, #tpu.memory_space<vmem>>, vector<1x4480xf32>
    tpu.vector_store %arg5[%swap3A_692, %swap3A_693], %select_n3A_679 {strides = array<i32>} : memref<32x8960xf32, #tpu.memory_space<vmem>>, vector<1x4480xf32>,
    %jit3A_695 = arith.constant 0.000000e+00 : f32
    %broadcast_in_dim3A_696 = vector.broadcast %jit3A_695 : f32 to vector<1x4480xf32>
    %select_n3A_697 = arith.select %and3A_683, %broadcast_in_dim3A_696, %select_n3A_679 : vector<1x4480xi1>, vector<1x4480xf32>
    %jit3A_698 = arith.constant -1.000000e+00 : f32
    %broadcast_in_dim3A_699 = vector.broadcast %jit3A_698 : f32 to vector<1x4480xf32>
    %select_n3A_700 = arith.select %lt3A_649, %select_n3A_697, %broadcast_in_dim3A_699 : vector<1x4480xi1>, vector<1x4480xf32>
    %mul3A_701 = arith.constant 4480 : i32
    %mul3A_702 = arith.muli %arg1, %mul3A_701 : i32
    %swap3A_703 = arith.index_cast %add3A_689 : i32 to index
    %swap3A_704 = arith.index_cast %mul3A_702 : i32 to index
    %swap3A_705 = vector.load %arg6[%swap3A_703, %swap3A_704] : memref<32x8960xf32, #tpu.memory_space<vmem>>, vector<1x4480xf32>
    tpu.vector_store %arg6[%swap3A_703, %swap3A_704], %select_n3A_700 {strides = array<i32>} : memref<32x8960xf32, #tpu.memory_space<vmem>>, vector<1x4480xf32>,
    %reduce_sum3A_706 = vector.shape_cast %convert_element_type3A_685 : vector<1x4480xf32> to vector<1x1x4480xf32>
    %reduce_sum3A_707 = arith.constant dense<0.000000e+00> : vector<1xf32>
    %reduce_sum3A_708 = vector.multi_reduction <add>, %reduce_sum3A_706, %reduce_sum3A_707 [1, 2] : vector<1x1x4480xf32> to vector<1xf32>
    %reduce_sum3A_709 = vector.shape_cast %reduce_sum3A_708 : vector<1xf32> to vector<1x1x1xf32>
    %reduce_sum3A_710 = vector.extract %reduce_sum3A_709[0, 0, 0] : f32 from vector<1x1x1xf32>
    %mul3A_711 = arith.mulf %convert_element_type3A_685, %select_n3A_679 : vector<1x4480xf32>
    %reduce_sum3A_712 = vector.shape_cast %mul3A_711 : vector<1x4480xf32> to vector<1x1x4480xf32>
    %reduce_sum3A_713 = arith.constant dense<0.000000e+00> : vector<1xf32>
    %reduce_sum3A_714 = vector.multi_reduction <add>, %reduce_sum3A_712, %reduce_sum3A_713 [1, 2] : vector<1x1x4480xf32> to vector<1xf32>
    %reduce_sum3A_715 = vector.shape_cast %reduce_sum3A_714 : vector<1xf32> to vector<1x1x1xf32>
    %reduce_sum3A_716 = vector.extract %reduce_sum3A_715[0, 0, 0] : f32 from vector<1x1x1xf32>
    %iota3A_717 = tpu.iota {dimensions = array<i32: 1>} : vector<1x128xi32>
    %eq3A_718 = arith.constant 0 : i32
    %eq3A_719 = vector.broadcast %eq3A_718 : i32 to vector<1x128xi32>
    %eq3A_720 = arith.cmpi eq, %iota3A_717, %eq3A_719 : vector<1x128xi32>
    %jit3A_721 = arith.constant 0.000000e+00 : f32
    %broadcast_in_dim3A_722 = vector.broadcast %reduce_sum3A_710 : f32 to vector<1x128xf32>
    %broadcast_in_dim3A_723 = vector.broadcast %jit3A_721 : f32 to vector<1x128xf32>
    %select_n3A_724 = arith.select %eq3A_720, %broadcast_in_dim3A_722, %broadcast_in_dim3A_723 : vector<1x128xi1>, vector<1x128xf32>
    %eq3A_725 = arith.constant 1 : i32
    %eq3A_726 = vector.broadcast %eq3A_725 : i32 to vector<1x128xi32>
    %eq3A_727 = arith.cmpi eq, %iota3A_717, %eq3A_726 : vector<1x128xi32>
    %jit3A_728 = arith.constant 0.000000e+00 : f32
    %broadcast_in_dim3A_729 = vector.broadcast %reduce_sum3A_716 : f32 to vector<1x128xf32>
    %broadcast_in_dim3A_730 = vector.broadcast %jit3A_728 : f32 to vector<1x128xf32>
    %select_n3A_731 = arith.select %eq3A_727, %broadcast_in_dim3A_729, %broadcast_in_dim3A_730 : vector<1x128xi1>, vector<1x128xf32>
    %add3A_732 = arith.addf %select_n3A_724, %select_n3A_731 : vector<1x128xf32>
    %eq3A_733 = arith.constant 0 : i32
    %eq3A_734 = arith.cmpi eq, %arg1, %eq3A_733 : i32
    %convert_element_type3A_735 = arith.extui %eq3A_734 : i1 to i32
    %cond3A_736 = arith.constant 0 : i32
    %cond3A_737 = arith.cmpi ne, %convert_element_type3A_735, %cond3A_736 : i32
    scf.if %cond3A_737 {
      %swap3A_860 = arith.index_cast %add3A_689 : i32 to index
      %swap3A_861 = arith.constant 0 : index
      %swap3A_862 = vector.load %arg7[%swap3A_860, %swap3A_861] : memref<32x128xf32, #tpu.memory_space<vmem>>, vector<1x128xf32>
      tpu.vector_store %arg7[%swap3A_860, %swap3A_861], %add3A_732 {strides = array<i32>} : memref<32x128xf32, #tpu.memory_space<vmem>>, vector<1x128xf32>,
    } else {
    }
    %ne3A_738 = arith.constant 0 : i32
    %ne3A_739 = arith.cmpi ne, %arg1, %ne3A_738 : i32
    %convert_element_type3A_740 = arith.extui %ne3A_739 : i1 to i32
    %cond3A_741 = arith.constant 0 : i32
    %cond3A_742 = arith.cmpi ne, %convert_element_type3A_740, %cond3A_741 : i32
    scf.if %cond3A_742 {
      %get3A_860 = arith.index_cast %add3A_689 : i32 to index
      %get3A_861 = arith.constant 0 : index
      %get3A_862 = vector.load %arg7[%get3A_860, %get3A_861] : memref<32x128xf32, #tpu.memory_space<vmem>>, vector<1x128xf32>
      %add3A_863 = arith.addf %get3A_862, %add3A_732 : vector<1x128xf32>
      %swap3A_864 = arith.index_cast %add3A_689 : i32 to index
      %swap3A_865 = arith.constant 0 : index
      %swap3A_866 = vector.load %arg7[%swap3A_864, %swap3A_865] : memref<32x128xf32, #tpu.memory_space<vmem>>, vector<1x128xf32>
      tpu.vector_store %arg7[%swap3A_864, %swap3A_865], %add3A_863 {strides = array<i32>} : memref<32x128xf32, #tpu.memory_space<vmem>>, vector<1x128xf32>,
    } else {
    }
    %get3A_743 = arith.constant 7 : index
    %get3A_744 = arith.constant 0 : index
    %get3A_745 = arith.constant 0 : index
    %get3A_746 = vector.load %arg2[%get3A_743, %get3A_744, %get3A_745] : memref<8x81x4480xf32, #tpu.memory_space<vmem>>, vector<1x81x4480xf32>
    %get3A_747 = vector.shape_cast %get3A_746 : vector<1x81x4480xf32> to vector<81x4480xf32>
    %get3A_748 = arith.constant 7 : index
    %get3A_749 = arith.constant 0 : index
    %get3A_750 = vector.load %arg3[%get3A_748, %get3A_749] : memref<8x4480xi32, #tpu.memory_space<vmem>>, vector<1x4480xi32>
    %iota3A_751 = tpu.iota {dimensions = array<i32: 1>} : vector<1x4480xi32>
    %mul3A_752 = arith.constant 4480 : i32
    %mul3A_753 = arith.muli %arg1, %mul3A_752 : i32
    %add3A_754 = vector.broadcast %mul3A_753 : i32 to vector<1x4480xi32>
    %add3A_755 = arith.addi %add3A_754, %iota3A_751 : vector<1x4480xi32>
    %lt3A_756 = arith.constant 8732 : i32
    %lt3A_757 = vector.broadcast %lt3A_756 : i32 to vector<1x4480xi32>
    %lt3A_758 = arith.cmpi slt, %add3A_755, %lt3A_757 : vector<1x4480xi32>
    %exp3A_759 = math.exp %get3A_747 : vector<81x4480xf32>
    %reduce_sum3A_760 = arith.constant dense<0.000000e+00> : vector<4480xf32>
    %reduce_sum3A_761 = vector.multi_reduction <add>, %exp3A_759, %reduce_sum3A_760 [0] : vector<81x4480xf32> to vector<4480xf32>
    %broadcast_in_dim3A_762 = vector.shape_cast %reduce_sum3A_761 : vector<4480xf32> to vector<1x4480xf32>
    %iota3A_763 = tpu.iota {dimensions = array<i32: 0>} : vector<81x4480xi32>
    %eq3A_764 = vector.broadcast %get3A_750 : vector<1x4480xi32> to vector<81x4480xi32>
    %eq3A_765 = arith.cmpi eq, %iota3A_763, %eq3A_764 : vector<81x4480xi32>
    %jit3A_766 = arith.constant 0.000000e+00 : f32
    %broadcast_in_dim3A_767 = vector.broadcast %jit3A_766 : f32 to vector<81x4480xf32>
    %select_n3A_768 = arith.select %eq3A_765, %get3A_747, %broadcast_in_dim3A_767 : vector<81x4480xi1>, vector<81x4480xf32>
    %reduce_sum3A_769 = arith.constant dense<0.000000e+00> : vector<4480xf32>
    %reduce_sum3A_770 = vector.multi_reduction <add>, %select_n3A_768, %reduce_sum3A_769 [0] : vector<81x4480xf32> to vector<4480xf32>
    %broadcast_in_dim3A_771 = vector.shape_cast %reduce_sum3A_770 : vector<4480xf32> to vector<1x4480xf32>
    %log3A_772 = math.log %broadcast_in_dim3A_762 : vector<1x4480xf32>
    %sub3A_773 = arith.subf %broadcast_in_dim3A_771, %log3A_772 : vector<1x4480xf32>
    %exp3A_774 = math.exp %sub3A_773 : vector<1x4480xf32>
    %sub3A_775 = arith.constant 1.000000e+00 : f32
    %sub3A_776 = vector.broadcast %sub3A_775 : f32 to vector<1x4480xf32>
    %sub3A_777 = arith.subf %sub3A_776, %exp3A_774 : vector<1x4480xf32>
    %sub3A_778 = arith.constant 1.000000e+00 : f32
    %sub3A_779 = vector.broadcast %sub3A_778 : f32 to vector<1x4480xf32>
    %sub3A_780 = arith.subf %sub3A_779, %exp3A_774 : vector<1x4480xf32>
    %mul3A_781 = arith.mulf %sub3A_777, %sub3A_780 : vector<1x4480xf32>
    %neg3A_782 = arith.constant 0.000000e+00 : f32
    %neg3A_783 = vector.broadcast %neg3A_782 : f32 to vector<1x4480xf32>
    %neg3A_784 = arith.subf %neg3A_783, %mul3A_781 : vector<1x4480xf32>
    %mul3A_785 = arith.mulf %neg3A_784, %sub3A_773 : vector<1x4480xf32>
    %jit3A_786 = arith.constant 0.000000e+00 : f32
    %broadcast_in_dim3A_787 = vector.broadcast %jit3A_786 : f32 to vector<1x4480xf32>
    %select_n3A_788 = arith.select %lt3A_758, %mul3A_785, %broadcast_in_dim3A_787 : vector<1x4480xi1>, vector<1x4480xf32>
    %gt3A_789 = arith.constant 0 : i32
    %gt3A_790 = vector.broadcast %gt3A_789 : i32 to vector<1x4480xi32>
    %gt3A_791 = arith.cmpi sgt, %get3A_750, %gt3A_790 : vector<1x4480xi32>
    %and3A_792 = arith.andi %gt3A_791, %lt3A_758 : vector<1x4480xi1>
    %convert_element_type3A_793 = arith.extui %and3A_792 : vector<1x4480xi1> to vector<1x4480xi32>
    %convert_element_type3A_794 = arith.sitofp %convert_element_type3A_793 : vector<1x4480xi32> to vector<1x4480xf32>
    %mul3A_795 = arith.constant 8 : i32
    %mul3A_796 = arith.muli %arg0, %mul3A_795 : i32
    %add3A_797 = arith.constant 7 : i32
    %add3A_798 = arith.addi %mul3A_796, %add3A_797 : i32
    %mul3A_799 = arith.constant 4480 : i32
    %mul3A_800 = arith.muli %arg1, %mul3A_799 : i32
    %swap3A_801 = arith.index_cast %add3A_798 : i32 to index
    %swap3A_802 = arith.index_cast %mul3A_800 : i32 to index
    %swap3A_803 = vector.load %arg5[%swap3A_801, %swap3A_802] : memref<32x8960xf32, #tpu.memory_space<vmem>>, vector<1x4480xf32>
    tpu.vector_store %arg5[%swap3A_801, %swap3A_802], %select_n3A_788 {strides = array<i32>} : memref<32x8960xf32, #tpu.memory_space<vmem>>, vector<1x4480xf32>,
    %jit3A_804 = arith.constant 0.000000e+00 : f32
    %broadcast_in_dim3A_805 = vector.broadcast %jit3A_804 : f32 to vector<1x4480xf32>
    %select_n3A_806 = arith.select %and3A_792, %broadcast_in_dim3A_805, %select_n3A_788 : vector<1x4480xi1>, vector<1x4480xf32>
    %jit3A_807 = arith.constant -1.000000e+00 : f32
    %broadcast_in_dim3A_808 = vector.broadcast %jit3A_807 : f32 to vector<1x4480xf32>
    %select_n3A_809 = arith.select %lt3A_758, %select_n3A_806, %broadcast_in_dim3A_808 : vector<1x4480xi1>, vector<1x4480xf32>
    %mul3A_810 = arith.constant 4480 : i32
    %mul3A_811 = arith.muli %arg1, %mul3A_810 : i32
    %swap3A_812 = arith.index_cast %add3A_798 : i32 to index
    %swap3A_813 = arith.index_cast %mul3A_811 : i32 to index
    %swap3A_814 = vector.load %arg6[%swap3A_812, %swap3A_813] : memref<32x8960xf32, #tpu.memory_space<vmem>>, vector<1x4480xf32>
    tpu.vector_store %arg6[%swap3A_812, %swap3A_813], %select_n3A_809 {strides = array<i32>} : memref<32x8960xf32, #tpu.memory_space<vmem>>, vector<1x4480xf32>,
    %reduce_sum3A_815 = vector.shape_cast %convert_element_type3A_794 : vector<1x4480xf32> to vector<1x1x4480xf32>
    %reduce_sum3A_816 = arith.constant dense<0.000000e+00> : vector<1xf32>
    %reduce_sum3A_817 = vector.multi_reduction <add>, %reduce_sum3A_815, %reduce_sum3A_816 [1, 2] : vector<1x1x4480xf32> to vector<1xf32>
    %reduce_sum3A_818 = vector.shape_cast %reduce_sum3A_817 : vector<1xf32> to vector<1x1x1xf32>
    %reduce_sum3A_819 = vector.extract %reduce_sum3A_818[0, 0, 0] : f32 from vector<1x1x1xf32>
    %mul3A_820 = arith.mulf %convert_element_type3A_794, %select_n3A_788 : vector<1x4480xf32>
    %reduce_sum3A_821 = vector.shape_cast %mul3A_820 : vector<1x4480xf32> to vector<1x1x4480xf32>
    %reduce_sum3A_822 = arith.constant dense<0.000000e+00> : vector<1xf32>
    %reduce_sum3A_823 = vector.multi_reduction <add>, %reduce_sum3A_821, %reduce_sum3A_822 [1, 2] : vector<1x1x4480xf32> to vector<1xf32>
    %reduce_sum3A_824 = vector.shape_cast %reduce_sum3A_823 : vector<1xf32> to vector<1x1x1xf32>
    %reduce_sum3A_825 = vector.extract %reduce_sum3A_824[0, 0, 0] : f32 from vector<1x1x1xf32>
    %iota3A_826 = tpu.iota {dimensions = array<i32: 1>} : vector<1x128xi32>
    %eq3A_827 = arith.constant 0 : i32
    %eq3A_828 = vector.broadcast %eq3A_827 : i32 to vector<1x128xi32>
    %eq3A_829 = arith.cmpi eq, %iota3A_826, %eq3A_828 : vector<1x128xi32>
    %jit3A_830 = arith.constant 0.000000e+00 : f32
    %broadcast_in_dim3A_831 = vector.broadcast %reduce_sum3A_819 : f32 to vector<1x128xf32>
    %broadcast_in_dim3A_832 = vector.broadcast %jit3A_830 : f32 to vector<1x128xf32>
    %select_n3A_833 = arith.select %eq3A_829, %broadcast_in_dim3A_831, %broadcast_in_dim3A_832 : vector<1x128xi1>, vector<1x128xf32>
    %eq3A_834 = arith.constant 1 : i32
    %eq3A_835 = vector.broadcast %eq3A_834 : i32 to vector<1x128xi32>
    %eq3A_836 = arith.cmpi eq, %iota3A_826, %eq3A_835 : vector<1x128xi32>
    %jit3A_837 = arith.constant 0.000000e+00 : f32
    %broadcast_in_dim3A_838 = vector.broadcast %reduce_sum3A_825 : f32 to vector<1x128xf32>
    %broadcast_in_dim3A_839 = vector.broadcast %jit3A_837 : f32 to vector<1x128xf32>
    %select_n3A_840 = arith.select %eq3A_836, %broadcast_in_dim3A_838, %broadcast_in_dim3A_839 : vector<1x128xi1>, vector<1x128xf32>
    %add3A_841 = arith.addf %select_n3A_833, %select_n3A_840 : vector<1x128xf32>
    %eq3A_842 = arith.constant 0 : i32
    %eq3A_843 = arith.cmpi eq, %arg1, %eq3A_842 : i32
    %convert_element_type3A_844 = arith.extui %eq3A_843 : i1 to i32
    %cond3A_845 = arith.constant 0 : i32
    %cond3A_846 = arith.cmpi ne, %convert_element_type3A_844, %cond3A_845 : i32
    scf.if %cond3A_846 {
      %swap3A_860 = arith.index_cast %add3A_798 : i32 to index
      %swap3A_861 = arith.constant 0 : index
      %swap3A_862 = vector.load %arg7[%swap3A_860, %swap3A_861] : memref<32x128xf32, #tpu.memory_space<vmem>>, vector<1x128xf32>
      tpu.vector_store %arg7[%swap3A_860, %swap3A_861], %add3A_841 {strides = array<i32>} : memref<32x128xf32, #tpu.memory_space<vmem>>, vector<1x128xf32>,
    } else {
    }
    %ne3A_847 = arith.constant 0 : i32
    %ne3A_848 = arith.cmpi ne, %arg1, %ne3A_847 : i32
    %convert_element_type3A_849 = arith.extui %ne3A_848 : i1 to i32
    %cond3A_850 = arith.constant 0 : i32
    %cond3A_851 = arith.cmpi ne, %convert_element_type3A_849, %cond3A_850 : i32
    scf.if %cond3A_851 {
      %get3A_860 = arith.index_cast %add3A_798 : i32 to index
      %get3A_861 = arith.constant 0 : index
      %get3A_862 = vector.load %arg7[%get3A_860, %get3A_861] : memref<32x128xf32, #tpu.memory_space<vmem>>, vector<1x128xf32>
      %add3A_863 = arith.addf %get3A_862, %add3A_841 : vector<1x128xf32>
      %swap3A_864 = arith.index_cast %add3A_798 : i32 to index
      %swap3A_865 = arith.constant 0 : index
      %swap3A_866 = vector.load %arg7[%swap3A_864, %swap3A_865] : memref<32x128xf32, #tpu.memory_space<vmem>>, vector<1x128xf32>
      tpu.vector_store %arg7[%swap3A_864, %swap3A_865], %add3A_863 {strides = array<i32>} : memref<32x128xf32, #tpu.memory_space<vmem>>, vector<1x128xf32>,
    } else {
    }
    %mul3A_852 = arith.constant 2 : i32
    %mul3A_853 = arith.muli %arg0, %mul3A_852 : i32
    %add3A_854 = arith.addi %mul3A_853, %arg1 : i32
    %eq3A_855 = arith.constant 7 : i32
    %eq3A_856 = arith.cmpi eq, %add3A_854, %eq3A_855 : i32
    %convert_element_type3A_857 = arith.extui %eq3A_856 : i1 to i32
    %cond3A_858 = arith.constant 0 : i32
    %cond3A_859 = arith.cmpi ne, %convert_element_type3A_857, %cond3A_858 : i32
    scf.if %cond3A_859 {
      %get3A_860 = arith.constant 0 : index
      %get3A_861 = arith.constant 0 : index
      %get3A_862 = vector.load %arg6[%get3A_860, %get3A_861] : memref<32x8960xf32, #tpu.memory_space<vmem>>, vector<32x8960xf32>
      %get3A_863 = arith.constant 0 : index
      %get3A_864 = arith.constant 0 : index
      %get3A_865 = vector.load %arg5[%get3A_863, %get3A_864] : memref<32x8960xf32, #tpu.memory_space<vmem>>, vector<32x8960xf32>
      %bitcast_convert_type3A = tpu.bitcast %get3A_862 : vector<32x8960xf32> -> vector<32x8960xi32>
      %ge3A = arith.constant 0 : i32
      %ge3A_866 = vector.broadcast %ge3A : i32 to vector<32x8960xi32>
      %ge3A_867 = arith.cmpi sge, %bitcast_convert_type3A, %ge3A_866 : vector<32x8960xi32>
      %xor3A = arith.constant 2147483647 : i32
      %xor3A_868 = vector.broadcast %xor3A : i32 to vector<32x8960xi32>
      %xor3A_869 = arith.xori %bitcast_convert_type3A, %xor3A_868 : vector<32x8960xi32>
      %select_n3A_870 = arith.select %ge3A_867, %bitcast_convert_type3A, %xor3A_869 : vector<32x8960xi1>, vector<32x8960xi32>
      %get3A_871 = arith.constant 0 : index
      %get3A_872 = arith.constant 0 : index
      %get3A_873 = vector.load %arg7[%get3A_871, %get3A_872] : memref<32x128xf32, #tpu.memory_space<vmem>>, vector<32x128xf32>
      %slice3A = vector.extract_strided_slice %get3A_873 {offsets = [0, 0], sizes = [32, 1], strides = [1, 1]} : vector<32x128xf32> to vector<32x1xf32>
      %slice3A_874 = vector.extract_strided_slice %get3A_873 {offsets = [0, 1], sizes = [32, 1], strides = [1, 1]} : vector<32x128xf32> to vector<32x1xf32>
      %mul3A_875 = arith.constant 3.000000e+00 : f32
      %mul3A_876 = vector.broadcast %mul3A_875 : f32 to vector<32x1xf32>
      %mul3A_877 = arith.mulf %mul3A_876, %slice3A : vector<32x1xf32>
      %min3A = arith.constant 8.732000e+03 : f32
      %min3A_878 = vector.broadcast %min3A : f32 to vector<32x1xf32>
      %min3A_879 = arith.minimumf %mul3A_877, %min3A_878 : vector<32x1xf32>
      %broadcast_in_dim3A_880 = arith.constant 0 : i32
      %broadcast_in_dim3A_881 = vector.broadcast %broadcast_in_dim3A_880 : i32 to vector<32x1xi32>
      %scan3A = arith.constant 0 : i32
      %scan3A_882 = arith.constant 31 : i32
      %scan3A_883 = arith.addi %scan3A, %scan3A_882 : i32
      %scan3A_884 = arith.constant 1 : i32
      %scan3A_885 = scf.for %scan3A_2895 = %scan3A to %scan3A_883 step %scan3A_884 iter_args(%scan3A_2896 = %broadcast_in_dim3A_881) -> (vector<32x1xi32>)  : i32 {
        %sub3A_2897 = arith.constant 30 : i32
        %sub3A_2898 = arith.subi %sub3A_2897, %scan3A_2895 : i32
        %shift_left3A = arith.constant 1 : i32
        %shift_left3A_2899 = arith.shli %shift_left3A, %sub3A_2898 : i32
        %or3A = vector.broadcast %shift_left3A_2899 : i32 to vector<32x1xi32>
        %or3A_2900 = arith.ori %scan3A_2896, %or3A : vector<32x1xi32>
        %ge3A_2901 = vector.broadcast %or3A_2900 : vector<32x1xi32> to vector<32x8960xi32>
        %ge3A_2902 = arith.cmpi sge, %select_n3A_870, %ge3A_2901 : vector<32x8960xi32>
        %convert_element_type3A_2903 = arith.extui %ge3A_2902 : vector<32x8960xi1> to vector<32x8960xi32>
        %convert_element_type3A_2904 = arith.sitofp %convert_element_type3A_2903 : vector<32x8960xi32> to vector<32x8960xf32>
        %reduce_sum3A_2905 = arith.constant dense<0.000000e+00> : vector<32xf32>
        %reduce_sum3A_2906 = vector.multi_reduction <add>, %convert_element_type3A_2904, %reduce_sum3A_2905 [1] : vector<32x8960xf32> to vector<32xf32>
        %broadcast_in_dim3A_2907 = vector.shape_cast %reduce_sum3A_2906 : vector<32xf32> to vector<32x1xf32>
        %ge3A_2908 = arith.cmpf oge, %broadcast_in_dim3A_2907, %min3A_879 : vector<32x1xf32>
        %select_n3A_2909 = arith.select %ge3A_2908, %or3A_2900, %scan3A_2896 : vector<32x1xi1>, vector<32x1xi32>
        scf.yield %select_n3A_2909 : vector<32x1xi32>
      }
      %scan3A_886 = arith.constant 31 : i32
      %gt3A_887 = vector.broadcast %scan3A_885 : vector<32x1xi32> to vector<32x8960xi32>
      %gt3A_888 = arith.cmpi sgt, %select_n3A_870, %gt3A_887 : vector<32x8960xi32>
      %convert_element_type3A_889 = arith.extui %gt3A_888 : vector<32x8960xi1> to vector<32x8960xi32>
      %convert_element_type3A_890 = arith.sitofp %convert_element_type3A_889 : vector<32x8960xi32> to vector<32x8960xf32>
      %reduce_sum3A_891 = arith.constant dense<0.000000e+00> : vector<32xf32>
      %reduce_sum3A_892 = vector.multi_reduction <add>, %convert_element_type3A_890, %reduce_sum3A_891 [1] : vector<32x8960xf32> to vector<32xf32>
      %broadcast_in_dim3A_893 = vector.shape_cast %reduce_sum3A_892 : vector<32xf32> to vector<32x1xf32>
      %sub3A_894 = arith.subf %min3A_879, %broadcast_in_dim3A_893 : vector<32x1xf32>
      %jit3A_895 = arith.constant 0.000000e+00 : f32
      %broadcast_in_dim3A_896 = vector.broadcast %jit3A_895 : f32 to vector<32x8960xf32>
      %select_n3A_897 = arith.select %gt3A_888, %get3A_865, %broadcast_in_dim3A_896 : vector<32x8960xi1>, vector<32x8960xf32>
      %reduce_sum3A_898 = arith.constant dense<0.000000e+00> : vector<32xf32>
      %reduce_sum3A_899 = vector.multi_reduction <add>, %select_n3A_897, %reduce_sum3A_898 [1] : vector<32x8960xf32> to vector<32xf32>
      %broadcast_in_dim3A_900 = vector.shape_cast %reduce_sum3A_899 : vector<32xf32> to vector<32x1xf32>
      %iota3A_901 = tpu.iota {dimensions = array<i32: 0>} : vector<128x128xi32>
      %iota3A_902 = tpu.iota {dimensions = array<i32: 1>} : vector<128x128xi32>
      %le3A = arith.cmpi sle, %iota3A_901, %iota3A_902 : vector<128x128xi32>
      %convert_element_type3A_903 = arith.extui %le3A : vector<128x128xi1> to vector<128x128xi32>
      %convert_element_type3A_904 = arith.sitofp %convert_element_type3A_903 : vector<128x128xi32> to vector<128x128xf32>
      %broadcast_in_dim3A_905 = arith.constant 0.000000e+00 : f32
      %broadcast_in_dim3A_906 = vector.broadcast %broadcast_in_dim3A_905 : f32 to vector<32x1xf32>
      %broadcast_in_dim3A_907 = arith.constant 0.000000e+00 : f32
      %broadcast_in_dim3A_908 = vector.broadcast %broadcast_in_dim3A_907 : f32 to vector<32x1xf32>
      %slice3A_909 = vector.extract_strided_slice %select_n3A_870 {offsets = [0, 0], sizes = [32, 128], strides = [1, 1]} : vector<32x8960xi32> to vector<32x128xi32>
      %slice3A_910 = vector.extract_strided_slice %get3A_865 {offsets = [0, 0], sizes = [32, 128], strides = [1, 1]} : vector<32x8960xf32> to vector<32x128xf32>
      %eq3A_911 = vector.broadcast %scan3A_885 : vector<32x1xi32> to vector<32x128xi32>
      %eq3A_912 = arith.cmpi eq, %slice3A_909, %eq3A_911 : vector<32x128xi32>
      %convert_element_type3A_913 = arith.extui %eq3A_912 : vector<32x128xi1> to vector<32x128xi32>
      %convert_element_type3A_914 = arith.sitofp %convert_element_type3A_913 : vector<32x128xi32> to vector<32x128xf32>
      %dot_general3A = arith.constant dense<0.000000e+00> : vector<32x128xf32>
      %dot_general3A_915 = tpu.matmul %convert_element_type3A_914, %convert_element_type3A_904, %dot_general3A {dimension_numbers = #tpu.dot_dimension_numbers<[1], [0], [0], [1], [0, 0, 1, 1], [], []>, precision = #tpu.contract_precision<fp32>, transpose_lhs_hint = false} : vector<32x128xf32>, vector<128x128xf32>, vector<32x128xf32> -> vector<32x128xf32>
      %sub3A_916 = arith.subf %dot_general3A_915, %convert_element_type3A_914 : vector<32x128xf32>
      %gt3A_917 = arith.constant 0.000000e+00 : f32
      %gt3A_918 = vector.broadcast %gt3A_917 : f32 to vector<32x128xf32>
      %gt3A_919 = arith.cmpf ogt, %convert_element_type3A_914, %gt3A_918 : vector<32x128xf32>
      %add3A_920 = vector.broadcast %broadcast_in_dim3A_906 : vector<32x1xf32> to vector<32x128xf32>
      %add3A_921 = arith.addf %add3A_920, %sub3A_916 : vector<32x128xf32>
      %lt3A_922 = vector.broadcast %sub3A_894 : vector<32x1xf32> to vector<32x128xf32>
      %lt3A_923 = arith.cmpf olt, %add3A_921, %lt3A_922 : vector<32x128xf32>
      %and3A_924 = arith.andi %gt3A_919, %lt3A_923 : vector<32x128xi1>
      %jit3A_925 = arith.constant 0.000000e+00 : f32
      %broadcast_in_dim3A_926 = vector.broadcast %jit3A_925 : f32 to vector<32x128xf32>
      %select_n3A_927 = arith.select %and3A_924, %slice3A_910, %broadcast_in_dim3A_926 : vector<32x128xi1>, vector<32x128xf32>
      %reduce_sum3A_928 = arith.constant dense<0.000000e+00> : vector<32xf32>
      %reduce_sum3A_929 = vector.multi_reduction <add>, %select_n3A_927, %reduce_sum3A_928 [1] : vector<32x128xf32> to vector<32xf32>
      %broadcast_in_dim3A_930 = vector.shape_cast %reduce_sum3A_929 : vector<32xf32> to vector<32x1xf32>
      %add3A_931 = arith.addf %broadcast_in_dim3A_908, %broadcast_in_dim3A_930 : vector<32x1xf32>
      %reduce_sum3A_932 = arith.constant dense<0.000000e+00> : vector<32xf32>
      %reduce_sum3A_933 = vector.multi_reduction <add>, %convert_element_type3A_914, %reduce_sum3A_932 [1] : vector<32x128xf32> to vector<32xf32>
      %broadcast_in_dim3A_934 = vector.shape_cast %reduce_sum3A_933 : vector<32xf32> to vector<32x1xf32>
      %add3A_935 = arith.addf %broadcast_in_dim3A_906, %broadcast_in_dim3A_934 : vector<32x1xf32>
      %slice3A_936 = vector.extract_strided_slice %select_n3A_870 {offsets = [0, 128], sizes = [32, 128], strides = [1, 1]} : vector<32x8960xi32> to vector<32x128xi32>
      %slice3A_937 = vector.extract_strided_slice %get3A_865 {offsets = [0, 128], sizes = [32, 128], strides = [1, 1]} : vector<32x8960xf32> to vector<32x128xf32>
      %eq3A_938 = vector.broadcast %scan3A_885 : vector<32x1xi32> to vector<32x128xi32>
      %eq3A_939 = arith.cmpi eq, %slice3A_936, %eq3A_938 : vector<32x128xi32>
      %convert_element_type3A_940 = arith.extui %eq3A_939 : vector<32x128xi1> to vector<32x128xi32>
      %convert_element_type3A_941 = arith.sitofp %convert_element_type3A_940 : vector<32x128xi32> to vector<32x128xf32>
      %dot_general3A_942 = arith.constant dense<0.000000e+00> : vector<32x128xf32>
      %dot_general3A_943 = tpu.matmul %convert_element_type3A_941, %convert_element_type3A_904, %dot_general3A_942 {dimension_numbers = #tpu.dot_dimension_numbers<[1], [0], [0], [1], [0, 0, 1, 1], [], []>, precision = #tpu.contract_precision<fp32>, transpose_lhs_hint = false} : vector<32x128xf32>, vector<128x128xf32>, vector<32x128xf32> -> vector<32x128xf32>
      %sub3A_944 = arith.subf %dot_general3A_943, %convert_element_type3A_941 : vector<32x128xf32>
      %gt3A_945 = arith.constant 0.000000e+00 : f32
      %gt3A_946 = vector.broadcast %gt3A_945 : f32 to vector<32x128xf32>
      %gt3A_947 = arith.cmpf ogt, %convert_element_type3A_941, %gt3A_946 : vector<32x128xf32>
      %add3A_948 = vector.broadcast %add3A_935 : vector<32x1xf32> to vector<32x128xf32>
      %add3A_949 = arith.addf %add3A_948, %sub3A_944 : vector<32x128xf32>
      %lt3A_950 = vector.broadcast %sub3A_894 : vector<32x1xf32> to vector<32x128xf32>
      %lt3A_951 = arith.cmpf olt, %add3A_949, %lt3A_950 : vector<32x128xf32>
      %and3A_952 = arith.andi %gt3A_947, %lt3A_951 : vector<32x128xi1>
      %jit3A_953 = arith.constant 0.000000e+00 : f32
      %broadcast_in_dim3A_954 = vector.broadcast %jit3A_953 : f32 to vector<32x128xf32>
      %select_n3A_955 = arith.select %and3A_952, %slice3A_937, %broadcast_in_dim3A_954 : vector<32x128xi1>, vector<32x128xf32>
      %reduce_sum3A_956 = arith.constant dense<0.000000e+00> : vector<32xf32>
      %reduce_sum3A_957 = vector.multi_reduction <add>, %select_n3A_955, %reduce_sum3A_956 [1] : vector<32x128xf32> to vector<32xf32>
      %broadcast_in_dim3A_958 = vector.shape_cast %reduce_sum3A_957 : vector<32xf32> to vector<32x1xf32>
      %add3A_959 = arith.addf %add3A_931, %broadcast_in_dim3A_958 : vector<32x1xf32>
      %reduce_sum3A_960 = arith.constant dense<0.000000e+00> : vector<32xf32>
      %reduce_sum3A_961 = vector.multi_reduction <add>, %convert_element_type3A_941, %reduce_sum3A_960 [1] : vector<32x128xf32> to vector<32xf32>
      %broadcast_in_dim3A_962 = vector.shape_cast %reduce_sum3A_961 : vector<32xf32> to vector<32x1xf32>
      %add3A_963 = arith.addf %add3A_935, %broadcast_in_dim3A_962 : vector<32x1xf32>
      %slice3A_964 = vector.extract_strided_slice %select_n3A_870 {offsets = [0, 256], sizes = [32, 128], strides = [1, 1]} : vector<32x8960xi32> to vector<32x128xi32>
      %slice3A_965 = vector.extract_strided_slice %get3A_865 {offsets = [0, 256], sizes = [32, 128], strides = [1, 1]} : vector<32x8960xf32> to vector<32x128xf32>
      %eq3A_966 = vector.broadcast %scan3A_885 : vector<32x1xi32> to vector<32x128xi32>
      %eq3A_967 = arith.cmpi eq, %slice3A_964, %eq3A_966 : vector<32x128xi32>
      %convert_element_type3A_968 = arith.extui %eq3A_967 : vector<32x128xi1> to vector<32x128xi32>
      %convert_element_type3A_969 = arith.sitofp %convert_element_type3A_968 : vector<32x128xi32> to vector<32x128xf32>
      %dot_general3A_970 = arith.constant dense<0.000000e+00> : vector<32x128xf32>
      %dot_general3A_971 = tpu.matmul %convert_element_type3A_969, %convert_element_type3A_904, %dot_general3A_970 {dimension_numbers = #tpu.dot_dimension_numbers<[1], [0], [0], [1], [0, 0, 1, 1], [], []>, precision = #tpu.contract_precision<fp32>, transpose_lhs_hint = false} : vector<32x128xf32>, vector<128x128xf32>, vector<32x128xf32> -> vector<32x128xf32>
      %sub3A_972 = arith.subf %dot_general3A_971, %convert_element_type3A_969 : vector<32x128xf32>
      %gt3A_973 = arith.constant 0.000000e+00 : f32
      %gt3A_974 = vector.broadcast %gt3A_973 : f32 to vector<32x128xf32>
      %gt3A_975 = arith.cmpf ogt, %convert_element_type3A_969, %gt3A_974 : vector<32x128xf32>
      %add3A_976 = vector.broadcast %add3A_963 : vector<32x1xf32> to vector<32x128xf32>
      %add3A_977 = arith.addf %add3A_976, %sub3A_972 : vector<32x128xf32>
      %lt3A_978 = vector.broadcast %sub3A_894 : vector<32x1xf32> to vector<32x128xf32>
      %lt3A_979 = arith.cmpf olt, %add3A_977, %lt3A_978 : vector<32x128xf32>
      %and3A_980 = arith.andi %gt3A_975, %lt3A_979 : vector<32x128xi1>
      %jit3A_981 = arith.constant 0.000000e+00 : f32
      %broadcast_in_dim3A_982 = vector.broadcast %jit3A_981 : f32 to vector<32x128xf32>
      %select_n3A_983 = arith.select %and3A_980, %slice3A_965, %broadcast_in_dim3A_982 : vector<32x128xi1>, vector<32x128xf32>
      %reduce_sum3A_984 = arith.constant dense<0.000000e+00> : vector<32xf32>
      %reduce_sum3A_985 = vector.multi_reduction <add>, %select_n3A_983, %reduce_sum3A_984 [1] : vector<32x128xf32> to vector<32xf32>
      %broadcast_in_dim3A_986 = vector.shape_cast %reduce_sum3A_985 : vector<32xf32> to vector<32x1xf32>
      %add3A_987 = arith.addf %add3A_959, %broadcast_in_dim3A_986 : vector<32x1xf32>
      %reduce_sum3A_988 = arith.constant dense<0.000000e+00> : vector<32xf32>
      %reduce_sum3A_989 = vector.multi_reduction <add>, %convert_element_type3A_969, %reduce_sum3A_988 [1] : vector<32x128xf32> to vector<32xf32>
      %broadcast_in_dim3A_990 = vector.shape_cast %reduce_sum3A_989 : vector<32xf32> to vector<32x1xf32>
      %add3A_991 = arith.addf %add3A_963, %broadcast_in_dim3A_990 : vector<32x1xf32>
      %slice3A_992 = vector.extract_strided_slice %select_n3A_870 {offsets = [0, 384], sizes = [32, 128], strides = [1, 1]} : vector<32x8960xi32> to vector<32x128xi32>
      %slice3A_993 = vector.extract_strided_slice %get3A_865 {offsets = [0, 384], sizes = [32, 128], strides = [1, 1]} : vector<32x8960xf32> to vector<32x128xf32>
      %eq3A_994 = vector.broadcast %scan3A_885 : vector<32x1xi32> to vector<32x128xi32>
      %eq3A_995 = arith.cmpi eq, %slice3A_992, %eq3A_994 : vector<32x128xi32>
      %convert_element_type3A_996 = arith.extui %eq3A_995 : vector<32x128xi1> to vector<32x128xi32>
      %convert_element_type3A_997 = arith.sitofp %convert_element_type3A_996 : vector<32x128xi32> to vector<32x128xf32>
      %dot_general3A_998 = arith.constant dense<0.000000e+00> : vector<32x128xf32>
      %dot_general3A_999 = tpu.matmul %convert_element_type3A_997, %convert_element_type3A_904, %dot_general3A_998 {dimension_numbers = #tpu.dot_dimension_numbers<[1], [0], [0], [1], [0, 0, 1, 1], [], []>, precision = #tpu.contract_precision<fp32>, transpose_lhs_hint = false} : vector<32x128xf32>, vector<128x128xf32>, vector<32x128xf32> -> vector<32x128xf32>
      %sub3A_1000 = arith.subf %dot_general3A_999, %convert_element_type3A_997 : vector<32x128xf32>
      %gt3A_1001 = arith.constant 0.000000e+00 : f32
      %gt3A_1002 = vector.broadcast %gt3A_1001 : f32 to vector<32x128xf32>
      %gt3A_1003 = arith.cmpf ogt, %convert_element_type3A_997, %gt3A_1002 : vector<32x128xf32>
      %add3A_1004 = vector.broadcast %add3A_991 : vector<32x1xf32> to vector<32x128xf32>
      %add3A_1005 = arith.addf %add3A_1004, %sub3A_1000 : vector<32x128xf32>
      %lt3A_1006 = vector.broadcast %sub3A_894 : vector<32x1xf32> to vector<32x128xf32>
      %lt3A_1007 = arith.cmpf olt, %add3A_1005, %lt3A_1006 : vector<32x128xf32>
      %and3A_1008 = arith.andi %gt3A_1003, %lt3A_1007 : vector<32x128xi1>
      %jit3A_1009 = arith.constant 0.000000e+00 : f32
      %broadcast_in_dim3A_1010 = vector.broadcast %jit3A_1009 : f32 to vector<32x128xf32>
      %select_n3A_1011 = arith.select %and3A_1008, %slice3A_993, %broadcast_in_dim3A_1010 : vector<32x128xi1>, vector<32x128xf32>
      %reduce_sum3A_1012 = arith.constant dense<0.000000e+00> : vector<32xf32>
      %reduce_sum3A_1013 = vector.multi_reduction <add>, %select_n3A_1011, %reduce_sum3A_1012 [1] : vector<32x128xf32> to vector<32xf32>
      %broadcast_in_dim3A_1014 = vector.shape_cast %reduce_sum3A_1013 : vector<32xf32> to vector<32x1xf32>
      %add3A_1015 = arith.addf %add3A_987, %broadcast_in_dim3A_1014 : vector<32x1xf32>
      %reduce_sum3A_1016 = arith.constant dense<0.000000e+00> : vector<32xf32>
      %reduce_sum3A_1017 = vector.multi_reduction <add>, %convert_element_type3A_997, %reduce_sum3A_1016 [1] : vector<32x128xf32> to vector<32xf32>
      %broadcast_in_dim3A_1018 = vector.shape_cast %reduce_sum3A_1017 : vector<32xf32> to vector<32x1xf32>
      %add3A_1019 = arith.addf %add3A_991, %broadcast_in_dim3A_1018 : vector<32x1xf32>
      %slice3A_1020 = vector.extract_strided_slice %select_n3A_870 {offsets = [0, 512], sizes = [32, 128], strides = [1, 1]} : vector<32x8960xi32> to vector<32x128xi32>
      %slice3A_1021 = vector.extract_strided_slice %get3A_865 {offsets = [0, 512], sizes = [32, 128], strides = [1, 1]} : vector<32x8960xf32> to vector<32x128xf32>
      %eq3A_1022 = vector.broadcast %scan3A_885 : vector<32x1xi32> to vector<32x128xi32>
      %eq3A_1023 = arith.cmpi eq, %slice3A_1020, %eq3A_1022 : vector<32x128xi32>
      %convert_element_type3A_1024 = arith.extui %eq3A_1023 : vector<32x128xi1> to vector<32x128xi32>
      %convert_element_type3A_1025 = arith.sitofp %convert_element_type3A_1024 : vector<32x128xi32> to vector<32x128xf32>
      %dot_general3A_1026 = arith.constant dense<0.000000e+00> : vector<32x128xf32>
      %dot_general3A_1027 = tpu.matmul %convert_element_type3A_1025, %convert_element_type3A_904, %dot_general3A_1026 {dimension_numbers = #tpu.dot_dimension_numbers<[1], [0], [0], [1], [0, 0, 1, 1], [], []>, precision = #tpu.contract_precision<fp32>, transpose_lhs_hint = false} : vector<32x128xf32>, vector<128x128xf32>, vector<32x128xf32> -> vector<32x128xf32>
      %sub3A_1028 = arith.subf %dot_general3A_1027, %convert_element_type3A_1025 : vector<32x128xf32>
      %gt3A_1029 = arith.constant 0.000000e+00 : f32
      %gt3A_1030 = vector.broadcast %gt3A_1029 : f32 to vector<32x128xf32>
      %gt3A_1031 = arith.cmpf ogt, %convert_element_type3A_1025, %gt3A_1030 : vector<32x128xf32>
      %add3A_1032 = vector.broadcast %add3A_1019 : vector<32x1xf32> to vector<32x128xf32>
      %add3A_1033 = arith.addf %add3A_1032, %sub3A_1028 : vector<32x128xf32>
      %lt3A_1034 = vector.broadcast %sub3A_894 : vector<32x1xf32> to vector<32x128xf32>
      %lt3A_1035 = arith.cmpf olt, %add3A_1033, %lt3A_1034 : vector<32x128xf32>
      %and3A_1036 = arith.andi %gt3A_1031, %lt3A_1035 : vector<32x128xi1>
      %jit3A_1037 = arith.constant 0.000000e+00 : f32
      %broadcast_in_dim3A_1038 = vector.broadcast %jit3A_1037 : f32 to vector<32x128xf32>
      %select_n3A_1039 = arith.select %and3A_1036, %slice3A_1021, %broadcast_in_dim3A_1038 : vector<32x128xi1>, vector<32x128xf32>
      %reduce_sum3A_1040 = arith.constant dense<0.000000e+00> : vector<32xf32>
      %reduce_sum3A_1041 = vector.multi_reduction <add>, %select_n3A_1039, %reduce_sum3A_1040 [1] : vector<32x128xf32> to vector<32xf32>
      %broadcast_in_dim3A_1042 = vector.shape_cast %reduce_sum3A_1041 : vector<32xf32> to vector<32x1xf32>
      %add3A_1043 = arith.addf %add3A_1015, %broadcast_in_dim3A_1042 : vector<32x1xf32>
      %reduce_sum3A_1044 = arith.constant dense<0.000000e+00> : vector<32xf32>
      %reduce_sum3A_1045 = vector.multi_reduction <add>, %convert_element_type3A_1025, %reduce_sum3A_1044 [1] : vector<32x128xf32> to vector<32xf32>
      %broadcast_in_dim3A_1046 = vector.shape_cast %reduce_sum3A_1045 : vector<32xf32> to vector<32x1xf32>
      %add3A_1047 = arith.addf %add3A_1019, %broadcast_in_dim3A_1046 : vector<32x1xf32>
      %slice3A_1048 = vector.extract_strided_slice %select_n3A_870 {offsets = [0, 640], sizes = [32, 128], strides = [1, 1]} : vector<32x8960xi32> to vector<32x128xi32>
      %slice3A_1049 = vector.extract_strided_slice %get3A_865 {offsets = [0, 640], sizes = [32, 128], strides = [1, 1]} : vector<32x8960xf32> to vector<32x128xf32>
      %eq3A_1050 = vector.broadcast %scan3A_885 : vector<32x1xi32> to vector<32x128xi32>
      %eq3A_1051 = arith.cmpi eq, %slice3A_1048, %eq3A_1050 : vector<32x128xi32>
      %convert_element_type3A_1052 = arith.extui %eq3A_1051 : vector<32x128xi1> to vector<32x128xi32>
      %convert_element_type3A_1053 = arith.sitofp %convert_element_type3A_1052 : vector<32x128xi32> to vector<32x128xf32>
      %dot_general3A_1054 = arith.constant dense<0.000000e+00> : vector<32x128xf32>
      %dot_general3A_1055 = tpu.matmul %convert_element_type3A_1053, %convert_element_type3A_904, %dot_general3A_1054 {dimension_numbers = #tpu.dot_dimension_numbers<[1], [0], [0], [1], [0, 0, 1, 1], [], []>, precision = #tpu.contract_precision<fp32>, transpose_lhs_hint = false} : vector<32x128xf32>, vector<128x128xf32>, vector<32x128xf32> -> vector<32x128xf32>
      %sub3A_1056 = arith.subf %dot_general3A_1055, %convert_element_type3A_1053 : vector<32x128xf32>
      %gt3A_1057 = arith.constant 0.000000e+00 : f32
      %gt3A_1058 = vector.broadcast %gt3A_1057 : f32 to vector<32x128xf32>
      %gt3A_1059 = arith.cmpf ogt, %convert_element_type3A_1053, %gt3A_1058 : vector<32x128xf32>
      %add3A_1060 = vector.broadcast %add3A_1047 : vector<32x1xf32> to vector<32x128xf32>
      %add3A_1061 = arith.addf %add3A_1060, %sub3A_1056 : vector<32x128xf32>
      %lt3A_1062 = vector.broadcast %sub3A_894 : vector<32x1xf32> to vector<32x128xf32>
      %lt3A_1063 = arith.cmpf olt, %add3A_1061, %lt3A_1062 : vector<32x128xf32>
      %and3A_1064 = arith.andi %gt3A_1059, %lt3A_1063 : vector<32x128xi1>
      %jit3A_1065 = arith.constant 0.000000e+00 : f32
      %broadcast_in_dim3A_1066 = vector.broadcast %jit3A_1065 : f32 to vector<32x128xf32>
      %select_n3A_1067 = arith.select %and3A_1064, %slice3A_1049, %broadcast_in_dim3A_1066 : vector<32x128xi1>, vector<32x128xf32>
      %reduce_sum3A_1068 = arith.constant dense<0.000000e+00> : vector<32xf32>
      %reduce_sum3A_1069 = vector.multi_reduction <add>, %select_n3A_1067, %reduce_sum3A_1068 [1] : vector<32x128xf32> to vector<32xf32>
      %broadcast_in_dim3A_1070 = vector.shape_cast %reduce_sum3A_1069 : vector<32xf32> to vector<32x1xf32>
      %add3A_1071 = arith.addf %add3A_1043, %broadcast_in_dim3A_1070 : vector<32x1xf32>
      %reduce_sum3A_1072 = arith.constant dense<0.000000e+00> : vector<32xf32>
      %reduce_sum3A_1073 = vector.multi_reduction <add>, %convert_element_type3A_1053, %reduce_sum3A_1072 [1] : vector<32x128xf32> to vector<32xf32>
      %broadcast_in_dim3A_1074 = vector.shape_cast %reduce_sum3A_1073 : vector<32xf32> to vector<32x1xf32>
      %add3A_1075 = arith.addf %add3A_1047, %broadcast_in_dim3A_1074 : vector<32x1xf32>
      %slice3A_1076 = vector.extract_strided_slice %select_n3A_870 {offsets = [0, 768], sizes = [32, 128], strides = [1, 1]} : vector<32x8960xi32> to vector<32x128xi32>
      %slice3A_1077 = vector.extract_strided_slice %get3A_865 {offsets = [0, 768], sizes = [32, 128], strides = [1, 1]} : vector<32x8960xf32> to vector<32x128xf32>
      %eq3A_1078 = vector.broadcast %scan3A_885 : vector<32x1xi32> to vector<32x128xi32>
      %eq3A_1079 = arith.cmpi eq, %slice3A_1076, %eq3A_1078 : vector<32x128xi32>
      %convert_element_type3A_1080 = arith.extui %eq3A_1079 : vector<32x128xi1> to vector<32x128xi32>
      %convert_element_type3A_1081 = arith.sitofp %convert_element_type3A_1080 : vector<32x128xi32> to vector<32x128xf32>
      %dot_general3A_1082 = arith.constant dense<0.000000e+00> : vector<32x128xf32>
      %dot_general3A_1083 = tpu.matmul %convert_element_type3A_1081, %convert_element_type3A_904, %dot_general3A_1082 {dimension_numbers = #tpu.dot_dimension_numbers<[1], [0], [0], [1], [0, 0, 1, 1], [], []>, precision = #tpu.contract_precision<fp32>, transpose_lhs_hint = false} : vector<32x128xf32>, vector<128x128xf32>, vector<32x128xf32> -> vector<32x128xf32>
      %sub3A_1084 = arith.subf %dot_general3A_1083, %convert_element_type3A_1081 : vector<32x128xf32>
      %gt3A_1085 = arith.constant 0.000000e+00 : f32
      %gt3A_1086 = vector.broadcast %gt3A_1085 : f32 to vector<32x128xf32>
      %gt3A_1087 = arith.cmpf ogt, %convert_element_type3A_1081, %gt3A_1086 : vector<32x128xf32>
      %add3A_1088 = vector.broadcast %add3A_1075 : vector<32x1xf32> to vector<32x128xf32>
      %add3A_1089 = arith.addf %add3A_1088, %sub3A_1084 : vector<32x128xf32>
      %lt3A_1090 = vector.broadcast %sub3A_894 : vector<32x1xf32> to vector<32x128xf32>
      %lt3A_1091 = arith.cmpf olt, %add3A_1089, %lt3A_1090 : vector<32x128xf32>
      %and3A_1092 = arith.andi %gt3A_1087, %lt3A_1091 : vector<32x128xi1>
      %jit3A_1093 = arith.constant 0.000000e+00 : f32
      %broadcast_in_dim3A_1094 = vector.broadcast %jit3A_1093 : f32 to vector<32x128xf32>
      %select_n3A_1095 = arith.select %and3A_1092, %slice3A_1077, %broadcast_in_dim3A_1094 : vector<32x128xi1>, vector<32x128xf32>
      %reduce_sum3A_1096 = arith.constant dense<0.000000e+00> : vector<32xf32>
      %reduce_sum3A_1097 = vector.multi_reduction <add>, %select_n3A_1095, %reduce_sum3A_1096 [1] : vector<32x128xf32> to vector<32xf32>
      %broadcast_in_dim3A_1098 = vector.shape_cast %reduce_sum3A_1097 : vector<32xf32> to vector<32x1xf32>
      %add3A_1099 = arith.addf %add3A_1071, %broadcast_in_dim3A_1098 : vector<32x1xf32>
      %reduce_sum3A_1100 = arith.constant dense<0.000000e+00> : vector<32xf32>
      %reduce_sum3A_1101 = vector.multi_reduction <add>, %convert_element_type3A_1081, %reduce_sum3A_1100 [1] : vector<32x128xf32> to vector<32xf32>
      %broadcast_in_dim3A_1102 = vector.shape_cast %reduce_sum3A_1101 : vector<32xf32> to vector<32x1xf32>
      %add3A_1103 = arith.addf %add3A_1075, %broadcast_in_dim3A_1102 : vector<32x1xf32>
      %slice3A_1104 = vector.extract_strided_slice %select_n3A_870 {offsets = [0, 896], sizes = [32, 128], strides = [1, 1]} : vector<32x8960xi32> to vector<32x128xi32>
      %slice3A_1105 = vector.extract_strided_slice %get3A_865 {offsets = [0, 896], sizes = [32, 128], strides = [1, 1]} : vector<32x8960xf32> to vector<32x128xf32>
      %eq3A_1106 = vector.broadcast %scan3A_885 : vector<32x1xi32> to vector<32x128xi32>
      %eq3A_1107 = arith.cmpi eq, %slice3A_1104, %eq3A_1106 : vector<32x128xi32>
      %convert_element_type3A_1108 = arith.extui %eq3A_1107 : vector<32x128xi1> to vector<32x128xi32>
      %convert_element_type3A_1109 = arith.sitofp %convert_element_type3A_1108 : vector<32x128xi32> to vector<32x128xf32>
      %dot_general3A_1110 = arith.constant dense<0.000000e+00> : vector<32x128xf32>
      %dot_general3A_1111 = tpu.matmul %convert_element_type3A_1109, %convert_element_type3A_904, %dot_general3A_1110 {dimension_numbers = #tpu.dot_dimension_numbers<[1], [0], [0], [1], [0, 0, 1, 1], [], []>, precision = #tpu.contract_precision<fp32>, transpose_lhs_hint = false} : vector<32x128xf32>, vector<128x128xf32>, vector<32x128xf32> -> vector<32x128xf32>
      %sub3A_1112 = arith.subf %dot_general3A_1111, %convert_element_type3A_1109 : vector<32x128xf32>
      %gt3A_1113 = arith.constant 0.000000e+00 : f32
      %gt3A_1114 = vector.broadcast %gt3A_1113 : f32 to vector<32x128xf32>
      %gt3A_1115 = arith.cmpf ogt, %convert_element_type3A_1109, %gt3A_1114 : vector<32x128xf32>
      %add3A_1116 = vector.broadcast %add3A_1103 : vector<32x1xf32> to vector<32x128xf32>
      %add3A_1117 = arith.addf %add3A_1116, %sub3A_1112 : vector<32x128xf32>
      %lt3A_1118 = vector.broadcast %sub3A_894 : vector<32x1xf32> to vector<32x128xf32>
      %lt3A_1119 = arith.cmpf olt, %add3A_1117, %lt3A_1118 : vector<32x128xf32>
      %and3A_1120 = arith.andi %gt3A_1115, %lt3A_1119 : vector<32x128xi1>
      %jit3A_1121 = arith.constant 0.000000e+00 : f32
      %broadcast_in_dim3A_1122 = vector.broadcast %jit3A_1121 : f32 to vector<32x128xf32>
      %select_n3A_1123 = arith.select %and3A_1120, %slice3A_1105, %broadcast_in_dim3A_1122 : vector<32x128xi1>, vector<32x128xf32>
      %reduce_sum3A_1124 = arith.constant dense<0.000000e+00> : vector<32xf32>
      %reduce_sum3A_1125 = vector.multi_reduction <add>, %select_n3A_1123, %reduce_sum3A_1124 [1] : vector<32x128xf32> to vector<32xf32>
      %broadcast_in_dim3A_1126 = vector.shape_cast %reduce_sum3A_1125 : vector<32xf32> to vector<32x1xf32>
      %add3A_1127 = arith.addf %add3A_1099, %broadcast_in_dim3A_1126 : vector<32x1xf32>
      %reduce_sum3A_1128 = arith.constant dense<0.000000e+00> : vector<32xf32>
      %reduce_sum3A_1129 = vector.multi_reduction <add>, %convert_element_type3A_1109, %reduce_sum3A_1128 [1] : vector<32x128xf32> to vector<32xf32>
      %broadcast_in_dim3A_1130 = vector.shape_cast %reduce_sum3A_1129 : vector<32xf32> to vector<32x1xf32>
      %add3A_1131 = arith.addf %add3A_1103, %broadcast_in_dim3A_1130 : vector<32x1xf32>
      %slice3A_1132 = vector.extract_strided_slice %select_n3A_870 {offsets = [0, 1024], sizes = [32, 128], strides = [1, 1]} : vector<32x8960xi32> to vector<32x128xi32>
      %slice3A_1133 = vector.extract_strided_slice %get3A_865 {offsets = [0, 1024], sizes = [32, 128], strides = [1, 1]} : vector<32x8960xf32> to vector<32x128xf32>
      %eq3A_1134 = vector.broadcast %scan3A_885 : vector<32x1xi32> to vector<32x128xi32>
      %eq3A_1135 = arith.cmpi eq, %slice3A_1132, %eq3A_1134 : vector<32x128xi32>
      %convert_element_type3A_1136 = arith.extui %eq3A_1135 : vector<32x128xi1> to vector<32x128xi32>
      %convert_element_type3A_1137 = arith.sitofp %convert_element_type3A_1136 : vector<32x128xi32> to vector<32x128xf32>
      %dot_general3A_1138 = arith.constant dense<0.000000e+00> : vector<32x128xf32>
      %dot_general3A_1139 = tpu.matmul %convert_element_type3A_1137, %convert_element_type3A_904, %dot_general3A_1138 {dimension_numbers = #tpu.dot_dimension_numbers<[1], [0], [0], [1], [0, 0, 1, 1], [], []>, precision = #tpu.contract_precision<fp32>, transpose_lhs_hint = false} : vector<32x128xf32>, vector<128x128xf32>, vector<32x128xf32> -> vector<32x128xf32>
      %sub3A_1140 = arith.subf %dot_general3A_1139, %convert_element_type3A_1137 : vector<32x128xf32>
      %gt3A_1141 = arith.constant 0.000000e+00 : f32
      %gt3A_1142 = vector.broadcast %gt3A_1141 : f32 to vector<32x128xf32>
      %gt3A_1143 = arith.cmpf ogt, %convert_element_type3A_1137, %gt3A_1142 : vector<32x128xf32>
      %add3A_1144 = vector.broadcast %add3A_1131 : vector<32x1xf32> to vector<32x128xf32>
      %add3A_1145 = arith.addf %add3A_1144, %sub3A_1140 : vector<32x128xf32>
      %lt3A_1146 = vector.broadcast %sub3A_894 : vector<32x1xf32> to vector<32x128xf32>
      %lt3A_1147 = arith.cmpf olt, %add3A_1145, %lt3A_1146 : vector<32x128xf32>
      %and3A_1148 = arith.andi %gt3A_1143, %lt3A_1147 : vector<32x128xi1>
      %jit3A_1149 = arith.constant 0.000000e+00 : f32
      %broadcast_in_dim3A_1150 = vector.broadcast %jit3A_1149 : f32 to vector<32x128xf32>
      %select_n3A_1151 = arith.select %and3A_1148, %slice3A_1133, %broadcast_in_dim3A_1150 : vector<32x128xi1>, vector<32x128xf32>
      %reduce_sum3A_1152 = arith.constant dense<0.000000e+00> : vector<32xf32>
      %reduce_sum3A_1153 = vector.multi_reduction <add>, %select_n3A_1151, %reduce_sum3A_1152 [1] : vector<32x128xf32> to vector<32xf32>
      %broadcast_in_dim3A_1154 = vector.shape_cast %reduce_sum3A_1153 : vector<32xf32> to vector<32x1xf32>
      %add3A_1155 = arith.addf %add3A_1127, %broadcast_in_dim3A_1154 : vector<32x1xf32>
      %reduce_sum3A_1156 = arith.constant dense<0.000000e+00> : vector<32xf32>
      %reduce_sum3A_1157 = vector.multi_reduction <add>, %convert_element_type3A_1137, %reduce_sum3A_1156 [1] : vector<32x128xf32> to vector<32xf32>
      %broadcast_in_dim3A_1158 = vector.shape_cast %reduce_sum3A_1157 : vector<32xf32> to vector<32x1xf32>
      %add3A_1159 = arith.addf %add3A_1131, %broadcast_in_dim3A_1158 : vector<32x1xf32>
      %slice3A_1160 = vector.extract_strided_slice %select_n3A_870 {offsets = [0, 1152], sizes = [32, 128], strides = [1, 1]} : vector<32x8960xi32> to vector<32x128xi32>
      %slice3A_1161 = vector.extract_strided_slice %get3A_865 {offsets = [0, 1152], sizes = [32, 128], strides = [1, 1]} : vector<32x8960xf32> to vector<32x128xf32>
      %eq3A_1162 = vector.broadcast %scan3A_885 : vector<32x1xi32> to vector<32x128xi32>
      %eq3A_1163 = arith.cmpi eq, %slice3A_1160, %eq3A_1162 : vector<32x128xi32>
      %convert_element_type3A_1164 = arith.extui %eq3A_1163 : vector<32x128xi1> to vector<32x128xi32>
      %convert_element_type3A_1165 = arith.sitofp %convert_element_type3A_1164 : vector<32x128xi32> to vector<32x128xf32>
      %dot_general3A_1166 = arith.constant dense<0.000000e+00> : vector<32x128xf32>
      %dot_general3A_1167 = tpu.matmul %convert_element_type3A_1165, %convert_element_type3A_904, %dot_general3A_1166 {dimension_numbers = #tpu.dot_dimension_numbers<[1], [0], [0], [1], [0, 0, 1, 1], [], []>, precision = #tpu.contract_precision<fp32>, transpose_lhs_hint = false} : vector<32x128xf32>, vector<128x128xf32>, vector<32x128xf32> -> vector<32x128xf32>
      %sub3A_1168 = arith.subf %dot_general3A_1167, %convert_element_type3A_1165 : vector<32x128xf32>
      %gt3A_1169 = arith.constant 0.000000e+00 : f32
      %gt3A_1170 = vector.broadcast %gt3A_1169 : f32 to vector<32x128xf32>
      %gt3A_1171 = arith.cmpf ogt, %convert_element_type3A_1165, %gt3A_1170 : vector<32x128xf32>
      %add3A_1172 = vector.broadcast %add3A_1159 : vector<32x1xf32> to vector<32x128xf32>
      %add3A_1173 = arith.addf %add3A_1172, %sub3A_1168 : vector<32x128xf32>
      %lt3A_1174 = vector.broadcast %sub3A_894 : vector<32x1xf32> to vector<32x128xf32>
      %lt3A_1175 = arith.cmpf olt, %add3A_1173, %lt3A_1174 : vector<32x128xf32>
      %and3A_1176 = arith.andi %gt3A_1171, %lt3A_1175 : vector<32x128xi1>
      %jit3A_1177 = arith.constant 0.000000e+00 : f32
      %broadcast_in_dim3A_1178 = vector.broadcast %jit3A_1177 : f32 to vector<32x128xf32>
      %select_n3A_1179 = arith.select %and3A_1176, %slice3A_1161, %broadcast_in_dim3A_1178 : vector<32x128xi1>, vector<32x128xf32>
      %reduce_sum3A_1180 = arith.constant dense<0.000000e+00> : vector<32xf32>
      %reduce_sum3A_1181 = vector.multi_reduction <add>, %select_n3A_1179, %reduce_sum3A_1180 [1] : vector<32x128xf32> to vector<32xf32>
      %broadcast_in_dim3A_1182 = vector.shape_cast %reduce_sum3A_1181 : vector<32xf32> to vector<32x1xf32>
      %add3A_1183 = arith.addf %add3A_1155, %broadcast_in_dim3A_1182 : vector<32x1xf32>
      %reduce_sum3A_1184 = arith.constant dense<0.000000e+00> : vector<32xf32>
      %reduce_sum3A_1185 = vector.multi_reduction <add>, %convert_element_type3A_1165, %reduce_sum3A_1184 [1] : vector<32x128xf32> to vector<32xf32>
      %broadcast_in_dim3A_1186 = vector.shape_cast %reduce_sum3A_1185 : vector<32xf32> to vector<32x1xf32>
      %add3A_1187 = arith.addf %add3A_1159, %broadcast_in_dim3A_1186 : vector<32x1xf32>
      %slice3A_1188 = vector.extract_strided_slice %select_n3A_870 {offsets = [0, 1280], sizes = [32, 128], strides = [1, 1]} : vector<32x8960xi32> to vector<32x128xi32>
      %slice3A_1189 = vector.extract_strided_slice %get3A_865 {offsets = [0, 1280], sizes = [32, 128], strides = [1, 1]} : vector<32x8960xf32> to vector<32x128xf32>
      %eq3A_1190 = vector.broadcast %scan3A_885 : vector<32x1xi32> to vector<32x128xi32>
      %eq3A_1191 = arith.cmpi eq, %slice3A_1188, %eq3A_1190 : vector<32x128xi32>
      %convert_element_type3A_1192 = arith.extui %eq3A_1191 : vector<32x128xi1> to vector<32x128xi32>
      %convert_element_type3A_1193 = arith.sitofp %convert_element_type3A_1192 : vector<32x128xi32> to vector<32x128xf32>
      %dot_general3A_1194 = arith.constant dense<0.000000e+00> : vector<32x128xf32>
      %dot_general3A_1195 = tpu.matmul %convert_element_type3A_1193, %convert_element_type3A_904, %dot_general3A_1194 {dimension_numbers = #tpu.dot_dimension_numbers<[1], [0], [0], [1], [0, 0, 1, 1], [], []>, precision = #tpu.contract_precision<fp32>, transpose_lhs_hint = false} : vector<32x128xf32>, vector<128x128xf32>, vector<32x128xf32> -> vector<32x128xf32>
      %sub3A_1196 = arith.subf %dot_general3A_1195, %convert_element_type3A_1193 : vector<32x128xf32>
      %gt3A_1197 = arith.constant 0.000000e+00 : f32
      %gt3A_1198 = vector.broadcast %gt3A_1197 : f32 to vector<32x128xf32>
      %gt3A_1199 = arith.cmpf ogt, %convert_element_type3A_1193, %gt3A_1198 : vector<32x128xf32>
      %add3A_1200 = vector.broadcast %add3A_1187 : vector<32x1xf32> to vector<32x128xf32>
      %add3A_1201 = arith.addf %add3A_1200, %sub3A_1196 : vector<32x128xf32>
      %lt3A_1202 = vector.broadcast %sub3A_894 : vector<32x1xf32> to vector<32x128xf32>
      %lt3A_1203 = arith.cmpf olt, %add3A_1201, %lt3A_1202 : vector<32x128xf32>
      %and3A_1204 = arith.andi %gt3A_1199, %lt3A_1203 : vector<32x128xi1>
      %jit3A_1205 = arith.constant 0.000000e+00 : f32
      %broadcast_in_dim3A_1206 = vector.broadcast %jit3A_1205 : f32 to vector<32x128xf32>
      %select_n3A_1207 = arith.select %and3A_1204, %slice3A_1189, %broadcast_in_dim3A_1206 : vector<32x128xi1>, vector<32x128xf32>
      %reduce_sum3A_1208 = arith.constant dense<0.000000e+00> : vector<32xf32>
      %reduce_sum3A_1209 = vector.multi_reduction <add>, %select_n3A_1207, %reduce_sum3A_1208 [1] : vector<32x128xf32> to vector<32xf32>
      %broadcast_in_dim3A_1210 = vector.shape_cast %reduce_sum3A_1209 : vector<32xf32> to vector<32x1xf32>
      %add3A_1211 = arith.addf %add3A_1183, %broadcast_in_dim3A_1210 : vector<32x1xf32>
      %reduce_sum3A_1212 = arith.constant dense<0.000000e+00> : vector<32xf32>
      %reduce_sum3A_1213 = vector.multi_reduction <add>, %convert_element_type3A_1193, %reduce_sum3A_1212 [1] : vector<32x128xf32> to vector<32xf32>
      %broadcast_in_dim3A_1214 = vector.shape_cast %reduce_sum3A_1213 : vector<32xf32> to vector<32x1xf32>
      %add3A_1215 = arith.addf %add3A_1187, %broadcast_in_dim3A_1214 : vector<32x1xf32>
      %slice3A_1216 = vector.extract_strided_slice %select_n3A_870 {offsets = [0, 1408], sizes = [32, 128], strides = [1, 1]} : vector<32x8960xi32> to vector<32x128xi32>
      %slice3A_1217 = vector.extract_strided_slice %get3A_865 {offsets = [0, 1408], sizes = [32, 128], strides = [1, 1]} : vector<32x8960xf32> to vector<32x128xf32>
      %eq3A_1218 = vector.broadcast %scan3A_885 : vector<32x1xi32> to vector<32x128xi32>
      %eq3A_1219 = arith.cmpi eq, %slice3A_1216, %eq3A_1218 : vector<32x128xi32>
      %convert_element_type3A_1220 = arith.extui %eq3A_1219 : vector<32x128xi1> to vector<32x128xi32>
      %convert_element_type3A_1221 = arith.sitofp %convert_element_type3A_1220 : vector<32x128xi32> to vector<32x128xf32>
      %dot_general3A_1222 = arith.constant dense<0.000000e+00> : vector<32x128xf32>
      %dot_general3A_1223 = tpu.matmul %convert_element_type3A_1221, %convert_element_type3A_904, %dot_general3A_1222 {dimension_numbers = #tpu.dot_dimension_numbers<[1], [0], [0], [1], [0, 0, 1, 1], [], []>, precision = #tpu.contract_precision<fp32>, transpose_lhs_hint = false} : vector<32x128xf32>, vector<128x128xf32>, vector<32x128xf32> -> vector<32x128xf32>
      %sub3A_1224 = arith.subf %dot_general3A_1223, %convert_element_type3A_1221 : vector<32x128xf32>
      %gt3A_1225 = arith.constant 0.000000e+00 : f32
      %gt3A_1226 = vector.broadcast %gt3A_1225 : f32 to vector<32x128xf32>
      %gt3A_1227 = arith.cmpf ogt, %convert_element_type3A_1221, %gt3A_1226 : vector<32x128xf32>
      %add3A_1228 = vector.broadcast %add3A_1215 : vector<32x1xf32> to vector<32x128xf32>
      %add3A_1229 = arith.addf %add3A_1228, %sub3A_1224 : vector<32x128xf32>
      %lt3A_1230 = vector.broadcast %sub3A_894 : vector<32x1xf32> to vector<32x128xf32>
      %lt3A_1231 = arith.cmpf olt, %add3A_1229, %lt3A_1230 : vector<32x128xf32>
      %and3A_1232 = arith.andi %gt3A_1227, %lt3A_1231 : vector<32x128xi1>
      %jit3A_1233 = arith.constant 0.000000e+00 : f32
      %broadcast_in_dim3A_1234 = vector.broadcast %jit3A_1233 : f32 to vector<32x128xf32>
      %select_n3A_1235 = arith.select %and3A_1232, %slice3A_1217, %broadcast_in_dim3A_1234 : vector<32x128xi1>, vector<32x128xf32>
      %reduce_sum3A_1236 = arith.constant dense<0.000000e+00> : vector<32xf32>
      %reduce_sum3A_1237 = vector.multi_reduction <add>, %select_n3A_1235, %reduce_sum3A_1236 [1] : vector<32x128xf32> to vector<32xf32>
      %broadcast_in_dim3A_1238 = vector.shape_cast %reduce_sum3A_1237 : vector<32xf32> to vector<32x1xf32>
      %add3A_1239 = arith.addf %add3A_1211, %broadcast_in_dim3A_1238 : vector<32x1xf32>
      %reduce_sum3A_1240 = arith.constant dense<0.000000e+00> : vector<32xf32>
      %reduce_sum3A_1241 = vector.multi_reduction <add>, %convert_element_type3A_1221, %reduce_sum3A_1240 [1] : vector<32x128xf32> to vector<32xf32>
      %broadcast_in_dim3A_1242 = vector.shape_cast %reduce_sum3A_1241 : vector<32xf32> to vector<32x1xf32>
      %add3A_1243 = arith.addf %add3A_1215, %broadcast_in_dim3A_1242 : vector<32x1xf32>
      %slice3A_1244 = vector.extract_strided_slice %select_n3A_870 {offsets = [0, 1536], sizes = [32, 128], strides = [1, 1]} : vector<32x8960xi32> to vector<32x128xi32>
      %slice3A_1245 = vector.extract_strided_slice %get3A_865 {offsets = [0, 1536], sizes = [32, 128], strides = [1, 1]} : vector<32x8960xf32> to vector<32x128xf32>
      %eq3A_1246 = vector.broadcast %scan3A_885 : vector<32x1xi32> to vector<32x128xi32>
      %eq3A_1247 = arith.cmpi eq, %slice3A_1244, %eq3A_1246 : vector<32x128xi32>
      %convert_element_type3A_1248 = arith.extui %eq3A_1247 : vector<32x128xi1> to vector<32x128xi32>
      %convert_element_type3A_1249 = arith.sitofp %convert_element_type3A_1248 : vector<32x128xi32> to vector<32x128xf32>
      %dot_general3A_1250 = arith.constant dense<0.000000e+00> : vector<32x128xf32>
      %dot_general3A_1251 = tpu.matmul %convert_element_type3A_1249, %convert_element_type3A_904, %dot_general3A_1250 {dimension_numbers = #tpu.dot_dimension_numbers<[1], [0], [0], [1], [0, 0, 1, 1], [], []>, precision = #tpu.contract_precision<fp32>, transpose_lhs_hint = false} : vector<32x128xf32>, vector<128x128xf32>, vector<32x128xf32> -> vector<32x128xf32>
      %sub3A_1252 = arith.subf %dot_general3A_1251, %convert_element_type3A_1249 : vector<32x128xf32>
      %gt3A_1253 = arith.constant 0.000000e+00 : f32
      %gt3A_1254 = vector.broadcast %gt3A_1253 : f32 to vector<32x128xf32>
      %gt3A_1255 = arith.cmpf ogt, %convert_element_type3A_1249, %gt3A_1254 : vector<32x128xf32>
      %add3A_1256 = vector.broadcast %add3A_1243 : vector<32x1xf32> to vector<32x128xf32>
      %add3A_1257 = arith.addf %add3A_1256, %sub3A_1252 : vector<32x128xf32>
      %lt3A_1258 = vector.broadcast %sub3A_894 : vector<32x1xf32> to vector<32x128xf32>
      %lt3A_1259 = arith.cmpf olt, %add3A_1257, %lt3A_1258 : vector<32x128xf32>
      %and3A_1260 = arith.andi %gt3A_1255, %lt3A_1259 : vector<32x128xi1>
      %jit3A_1261 = arith.constant 0.000000e+00 : f32
      %broadcast_in_dim3A_1262 = vector.broadcast %jit3A_1261 : f32 to vector<32x128xf32>
      %select_n3A_1263 = arith.select %and3A_1260, %slice3A_1245, %broadcast_in_dim3A_1262 : vector<32x128xi1>, vector<32x128xf32>
      %reduce_sum3A_1264 = arith.constant dense<0.000000e+00> : vector<32xf32>
      %reduce_sum3A_1265 = vector.multi_reduction <add>, %select_n3A_1263, %reduce_sum3A_1264 [1] : vector<32x128xf32> to vector<32xf32>
      %broadcast_in_dim3A_1266 = vector.shape_cast %reduce_sum3A_1265 : vector<32xf32> to vector<32x1xf32>
      %add3A_1267 = arith.addf %add3A_1239, %broadcast_in_dim3A_1266 : vector<32x1xf32>
      %reduce_sum3A_1268 = arith.constant dense<0.000000e+00> : vector<32xf32>
      %reduce_sum3A_1269 = vector.multi_reduction <add>, %convert_element_type3A_1249, %reduce_sum3A_1268 [1] : vector<32x128xf32> to vector<32xf32>
      %broadcast_in_dim3A_1270 = vector.shape_cast %reduce_sum3A_1269 : vector<32xf32> to vector<32x1xf32>
      %add3A_1271 = arith.addf %add3A_1243, %broadcast_in_dim3A_1270 : vector<32x1xf32>
      %slice3A_1272 = vector.extract_strided_slice %select_n3A_870 {offsets = [0, 1664], sizes = [32, 128], strides = [1, 1]} : vector<32x8960xi32> to vector<32x128xi32>
      %slice3A_1273 = vector.extract_strided_slice %get3A_865 {offsets = [0, 1664], sizes = [32, 128], strides = [1, 1]} : vector<32x8960xf32> to vector<32x128xf32>
      %eq3A_1274 = vector.broadcast %scan3A_885 : vector<32x1xi32> to vector<32x128xi32>
      %eq3A_1275 = arith.cmpi eq, %slice3A_1272, %eq3A_1274 : vector<32x128xi32>
      %convert_element_type3A_1276 = arith.extui %eq3A_1275 : vector<32x128xi1> to vector<32x128xi32>
      %convert_element_type3A_1277 = arith.sitofp %convert_element_type3A_1276 : vector<32x128xi32> to vector<32x128xf32>
      %dot_general3A_1278 = arith.constant dense<0.000000e+00> : vector<32x128xf32>
      %dot_general3A_1279 = tpu.matmul %convert_element_type3A_1277, %convert_element_type3A_904, %dot_general3A_1278 {dimension_numbers = #tpu.dot_dimension_numbers<[1], [0], [0], [1], [0, 0, 1, 1], [], []>, precision = #tpu.contract_precision<fp32>, transpose_lhs_hint = false} : vector<32x128xf32>, vector<128x128xf32>, vector<32x128xf32> -> vector<32x128xf32>
      %sub3A_1280 = arith.subf %dot_general3A_1279, %convert_element_type3A_1277 : vector<32x128xf32>
      %gt3A_1281 = arith.constant 0.000000e+00 : f32
      %gt3A_1282 = vector.broadcast %gt3A_1281 : f32 to vector<32x128xf32>
      %gt3A_1283 = arith.cmpf ogt, %convert_element_type3A_1277, %gt3A_1282 : vector<32x128xf32>
      %add3A_1284 = vector.broadcast %add3A_1271 : vector<32x1xf32> to vector<32x128xf32>
      %add3A_1285 = arith.addf %add3A_1284, %sub3A_1280 : vector<32x128xf32>
      %lt3A_1286 = vector.broadcast %sub3A_894 : vector<32x1xf32> to vector<32x128xf32>
      %lt3A_1287 = arith.cmpf olt, %add3A_1285, %lt3A_1286 : vector<32x128xf32>
      %and3A_1288 = arith.andi %gt3A_1283, %lt3A_1287 : vector<32x128xi1>
      %jit3A_1289 = arith.constant 0.000000e+00 : f32
      %broadcast_in_dim3A_1290 = vector.broadcast %jit3A_1289 : f32 to vector<32x128xf32>
      %select_n3A_1291 = arith.select %and3A_1288, %slice3A_1273, %broadcast_in_dim3A_1290 : vector<32x128xi1>, vector<32x128xf32>
      %reduce_sum3A_1292 = arith.constant dense<0.000000e+00> : vector<32xf32>
      %reduce_sum3A_1293 = vector.multi_reduction <add>, %select_n3A_1291, %reduce_sum3A_1292 [1] : vector<32x128xf32> to vector<32xf32>
      %broadcast_in_dim3A_1294 = vector.shape_cast %reduce_sum3A_1293 : vector<32xf32> to vector<32x1xf32>
      %add3A_1295 = arith.addf %add3A_1267, %broadcast_in_dim3A_1294 : vector<32x1xf32>
      %reduce_sum3A_1296 = arith.constant dense<0.000000e+00> : vector<32xf32>
      %reduce_sum3A_1297 = vector.multi_reduction <add>, %convert_element_type3A_1277, %reduce_sum3A_1296 [1] : vector<32x128xf32> to vector<32xf32>
      %broadcast_in_dim3A_1298 = vector.shape_cast %reduce_sum3A_1297 : vector<32xf32> to vector<32x1xf32>
      %add3A_1299 = arith.addf %add3A_1271, %broadcast_in_dim3A_1298 : vector<32x1xf32>
      %slice3A_1300 = vector.extract_strided_slice %select_n3A_870 {offsets = [0, 1792], sizes = [32, 128], strides = [1, 1]} : vector<32x8960xi32> to vector<32x128xi32>
      %slice3A_1301 = vector.extract_strided_slice %get3A_865 {offsets = [0, 1792], sizes = [32, 128], strides = [1, 1]} : vector<32x8960xf32> to vector<32x128xf32>
      %eq3A_1302 = vector.broadcast %scan3A_885 : vector<32x1xi32> to vector<32x128xi32>
      %eq3A_1303 = arith.cmpi eq, %slice3A_1300, %eq3A_1302 : vector<32x128xi32>
      %convert_element_type3A_1304 = arith.extui %eq3A_1303 : vector<32x128xi1> to vector<32x128xi32>
      %convert_element_type3A_1305 = arith.sitofp %convert_element_type3A_1304 : vector<32x128xi32> to vector<32x128xf32>
      %dot_general3A_1306 = arith.constant dense<0.000000e+00> : vector<32x128xf32>
      %dot_general3A_1307 = tpu.matmul %convert_element_type3A_1305, %convert_element_type3A_904, %dot_general3A_1306 {dimension_numbers = #tpu.dot_dimension_numbers<[1], [0], [0], [1], [0, 0, 1, 1], [], []>, precision = #tpu.contract_precision<fp32>, transpose_lhs_hint = false} : vector<32x128xf32>, vector<128x128xf32>, vector<32x128xf32> -> vector<32x128xf32>
      %sub3A_1308 = arith.subf %dot_general3A_1307, %convert_element_type3A_1305 : vector<32x128xf32>
      %gt3A_1309 = arith.constant 0.000000e+00 : f32
      %gt3A_1310 = vector.broadcast %gt3A_1309 : f32 to vector<32x128xf32>
      %gt3A_1311 = arith.cmpf ogt, %convert_element_type3A_1305, %gt3A_1310 : vector<32x128xf32>
      %add3A_1312 = vector.broadcast %add3A_1299 : vector<32x1xf32> to vector<32x128xf32>
      %add3A_1313 = arith.addf %add3A_1312, %sub3A_1308 : vector<32x128xf32>
      %lt3A_1314 = vector.broadcast %sub3A_894 : vector<32x1xf32> to vector<32x128xf32>
      %lt3A_1315 = arith.cmpf olt, %add3A_1313, %lt3A_1314 : vector<32x128xf32>
      %and3A_1316 = arith.andi %gt3A_1311, %lt3A_1315 : vector<32x128xi1>
      %jit3A_1317 = arith.constant 0.000000e+00 : f32
      %broadcast_in_dim3A_1318 = vector.broadcast %jit3A_1317 : f32 to vector<32x128xf32>
      %select_n3A_1319 = arith.select %and3A_1316, %slice3A_1301, %broadcast_in_dim3A_1318 : vector<32x128xi1>, vector<32x128xf32>
      %reduce_sum3A_1320 = arith.constant dense<0.000000e+00> : vector<32xf32>
      %reduce_sum3A_1321 = vector.multi_reduction <add>, %select_n3A_1319, %reduce_sum3A_1320 [1] : vector<32x128xf32> to vector<32xf32>
      %broadcast_in_dim3A_1322 = vector.shape_cast %reduce_sum3A_1321 : vector<32xf32> to vector<32x1xf32>
      %add3A_1323 = arith.addf %add3A_1295, %broadcast_in_dim3A_1322 : vector<32x1xf32>
      %reduce_sum3A_1324 = arith.constant dense<0.000000e+00> : vector<32xf32>
      %reduce_sum3A_1325 = vector.multi_reduction <add>, %convert_element_type3A_1305, %reduce_sum3A_1324 [1] : vector<32x128xf32> to vector<32xf32>
      %broadcast_in_dim3A_1326 = vector.shape_cast %reduce_sum3A_1325 : vector<32xf32> to vector<32x1xf32>
      %add3A_1327 = arith.addf %add3A_1299, %broadcast_in_dim3A_1326 : vector<32x1xf32>
      %slice3A_1328 = vector.extract_strided_slice %select_n3A_870 {offsets = [0, 1920], sizes = [32, 128], strides = [1, 1]} : vector<32x8960xi32> to vector<32x128xi32>
      %slice3A_1329 = vector.extract_strided_slice %get3A_865 {offsets = [0, 1920], sizes = [32, 128], strides = [1, 1]} : vector<32x8960xf32> to vector<32x128xf32>
      %eq3A_1330 = vector.broadcast %scan3A_885 : vector<32x1xi32> to vector<32x128xi32>
      %eq3A_1331 = arith.cmpi eq, %slice3A_1328, %eq3A_1330 : vector<32x128xi32>
      %convert_element_type3A_1332 = arith.extui %eq3A_1331 : vector<32x128xi1> to vector<32x128xi32>
      %convert_element_type3A_1333 = arith.sitofp %convert_element_type3A_1332 : vector<32x128xi32> to vector<32x128xf32>
      %dot_general3A_1334 = arith.constant dense<0.000000e+00> : vector<32x128xf32>
      %dot_general3A_1335 = tpu.matmul %convert_element_type3A_1333, %convert_element_type3A_904, %dot_general3A_1334 {dimension_numbers = #tpu.dot_dimension_numbers<[1], [0], [0], [1], [0, 0, 1, 1], [], []>, precision = #tpu.contract_precision<fp32>, transpose_lhs_hint = false} : vector<32x128xf32>, vector<128x128xf32>, vector<32x128xf32> -> vector<32x128xf32>
      %sub3A_1336 = arith.subf %dot_general3A_1335, %convert_element_type3A_1333 : vector<32x128xf32>
      %gt3A_1337 = arith.constant 0.000000e+00 : f32
      %gt3A_1338 = vector.broadcast %gt3A_1337 : f32 to vector<32x128xf32>
      %gt3A_1339 = arith.cmpf ogt, %convert_element_type3A_1333, %gt3A_1338 : vector<32x128xf32>
      %add3A_1340 = vector.broadcast %add3A_1327 : vector<32x1xf32> to vector<32x128xf32>
      %add3A_1341 = arith.addf %add3A_1340, %sub3A_1336 : vector<32x128xf32>
      %lt3A_1342 = vector.broadcast %sub3A_894 : vector<32x1xf32> to vector<32x128xf32>
      %lt3A_1343 = arith.cmpf olt, %add3A_1341, %lt3A_1342 : vector<32x128xf32>
      %and3A_1344 = arith.andi %gt3A_1339, %lt3A_1343 : vector<32x128xi1>
      %jit3A_1345 = arith.constant 0.000000e+00 : f32
      %broadcast_in_dim3A_1346 = vector.broadcast %jit3A_1345 : f32 to vector<32x128xf32>
      %select_n3A_1347 = arith.select %and3A_1344, %slice3A_1329, %broadcast_in_dim3A_1346 : vector<32x128xi1>, vector<32x128xf32>
      %reduce_sum3A_1348 = arith.constant dense<0.000000e+00> : vector<32xf32>
      %reduce_sum3A_1349 = vector.multi_reduction <add>, %select_n3A_1347, %reduce_sum3A_1348 [1] : vector<32x128xf32> to vector<32xf32>
      %broadcast_in_dim3A_1350 = vector.shape_cast %reduce_sum3A_1349 : vector<32xf32> to vector<32x1xf32>
      %add3A_1351 = arith.addf %add3A_1323, %broadcast_in_dim3A_1350 : vector<32x1xf32>
      %reduce_sum3A_1352 = arith.constant dense<0.000000e+00> : vector<32xf32>
      %reduce_sum3A_1353 = vector.multi_reduction <add>, %convert_element_type3A_1333, %reduce_sum3A_1352 [1] : vector<32x128xf32> to vector<32xf32>
      %broadcast_in_dim3A_1354 = vector.shape_cast %reduce_sum3A_1353 : vector<32xf32> to vector<32x1xf32>
      %add3A_1355 = arith.addf %add3A_1327, %broadcast_in_dim3A_1354 : vector<32x1xf32>
      %slice3A_1356 = vector.extract_strided_slice %select_n3A_870 {offsets = [0, 2048], sizes = [32, 128], strides = [1, 1]} : vector<32x8960xi32> to vector<32x128xi32>
      %slice3A_1357 = vector.extract_strided_slice %get3A_865 {offsets = [0, 2048], sizes = [32, 128], strides = [1, 1]} : vector<32x8960xf32> to vector<32x128xf32>
      %eq3A_1358 = vector.broadcast %scan3A_885 : vector<32x1xi32> to vector<32x128xi32>
      %eq3A_1359 = arith.cmpi eq, %slice3A_1356, %eq3A_1358 : vector<32x128xi32>
      %convert_element_type3A_1360 = arith.extui %eq3A_1359 : vector<32x128xi1> to vector<32x128xi32>
      %convert_element_type3A_1361 = arith.sitofp %convert_element_type3A_1360 : vector<32x128xi32> to vector<32x128xf32>
      %dot_general3A_1362 = arith.constant dense<0.000000e+00> : vector<32x128xf32>
      %dot_general3A_1363 = tpu.matmul %convert_element_type3A_1361, %convert_element_type3A_904, %dot_general3A_1362 {dimension_numbers = #tpu.dot_dimension_numbers<[1], [0], [0], [1], [0, 0, 1, 1], [], []>, precision = #tpu.contract_precision<fp32>, transpose_lhs_hint = false} : vector<32x128xf32>, vector<128x128xf32>, vector<32x128xf32> -> vector<32x128xf32>
      %sub3A_1364 = arith.subf %dot_general3A_1363, %convert_element_type3A_1361 : vector<32x128xf32>
      %gt3A_1365 = arith.constant 0.000000e+00 : f32
      %gt3A_1366 = vector.broadcast %gt3A_1365 : f32 to vector<32x128xf32>
      %gt3A_1367 = arith.cmpf ogt, %convert_element_type3A_1361, %gt3A_1366 : vector<32x128xf32>
      %add3A_1368 = vector.broadcast %add3A_1355 : vector<32x1xf32> to vector<32x128xf32>
      %add3A_1369 = arith.addf %add3A_1368, %sub3A_1364 : vector<32x128xf32>
      %lt3A_1370 = vector.broadcast %sub3A_894 : vector<32x1xf32> to vector<32x128xf32>
      %lt3A_1371 = arith.cmpf olt, %add3A_1369, %lt3A_1370 : vector<32x128xf32>
      %and3A_1372 = arith.andi %gt3A_1367, %lt3A_1371 : vector<32x128xi1>
      %jit3A_1373 = arith.constant 0.000000e+00 : f32
      %broadcast_in_dim3A_1374 = vector.broadcast %jit3A_1373 : f32 to vector<32x128xf32>
      %select_n3A_1375 = arith.select %and3A_1372, %slice3A_1357, %broadcast_in_dim3A_1374 : vector<32x128xi1>, vector<32x128xf32>
      %reduce_sum3A_1376 = arith.constant dense<0.000000e+00> : vector<32xf32>
      %reduce_sum3A_1377 = vector.multi_reduction <add>, %select_n3A_1375, %reduce_sum3A_1376 [1] : vector<32x128xf32> to vector<32xf32>
      %broadcast_in_dim3A_1378 = vector.shape_cast %reduce_sum3A_1377 : vector<32xf32> to vector<32x1xf32>
      %add3A_1379 = arith.addf %add3A_1351, %broadcast_in_dim3A_1378 : vector<32x1xf32>
      %reduce_sum3A_1380 = arith.constant dense<0.000000e+00> : vector<32xf32>
      %reduce_sum3A_1381 = vector.multi_reduction <add>, %convert_element_type3A_1361, %reduce_sum3A_1380 [1] : vector<32x128xf32> to vector<32xf32>
      %broadcast_in_dim3A_1382 = vector.shape_cast %reduce_sum3A_1381 : vector<32xf32> to vector<32x1xf32>
      %add3A_1383 = arith.addf %add3A_1355, %broadcast_in_dim3A_1382 : vector<32x1xf32>
      %slice3A_1384 = vector.extract_strided_slice %select_n3A_870 {offsets = [0, 2176], sizes = [32, 128], strides = [1, 1]} : vector<32x8960xi32> to vector<32x128xi32>
      %slice3A_1385 = vector.extract_strided_slice %get3A_865 {offsets = [0, 2176], sizes = [32, 128], strides = [1, 1]} : vector<32x8960xf32> to vector<32x128xf32>
      %eq3A_1386 = vector.broadcast %scan3A_885 : vector<32x1xi32> to vector<32x128xi32>
      %eq3A_1387 = arith.cmpi eq, %slice3A_1384, %eq3A_1386 : vector<32x128xi32>
      %convert_element_type3A_1388 = arith.extui %eq3A_1387 : vector<32x128xi1> to vector<32x128xi32>
      %convert_element_type3A_1389 = arith.sitofp %convert_element_type3A_1388 : vector<32x128xi32> to vector<32x128xf32>
      %dot_general3A_1390 = arith.constant dense<0.000000e+00> : vector<32x128xf32>
      %dot_general3A_1391 = tpu.matmul %convert_element_type3A_1389, %convert_element_type3A_904, %dot_general3A_1390 {dimension_numbers = #tpu.dot_dimension_numbers<[1], [0], [0], [1], [0, 0, 1, 1], [], []>, precision = #tpu.contract_precision<fp32>, transpose_lhs_hint = false} : vector<32x128xf32>, vector<128x128xf32>, vector<32x128xf32> -> vector<32x128xf32>
      %sub3A_1392 = arith.subf %dot_general3A_1391, %convert_element_type3A_1389 : vector<32x128xf32>
      %gt3A_1393 = arith.constant 0.000000e+00 : f32
      %gt3A_1394 = vector.broadcast %gt3A_1393 : f32 to vector<32x128xf32>
      %gt3A_1395 = arith.cmpf ogt, %convert_element_type3A_1389, %gt3A_1394 : vector<32x128xf32>
      %add3A_1396 = vector.broadcast %add3A_1383 : vector<32x1xf32> to vector<32x128xf32>
      %add3A_1397 = arith.addf %add3A_1396, %sub3A_1392 : vector<32x128xf32>
      %lt3A_1398 = vector.broadcast %sub3A_894 : vector<32x1xf32> to vector<32x128xf32>
      %lt3A_1399 = arith.cmpf olt, %add3A_1397, %lt3A_1398 : vector<32x128xf32>
      %and3A_1400 = arith.andi %gt3A_1395, %lt3A_1399 : vector<32x128xi1>
      %jit3A_1401 = arith.constant 0.000000e+00 : f32
      %broadcast_in_dim3A_1402 = vector.broadcast %jit3A_1401 : f32 to vector<32x128xf32>
      %select_n3A_1403 = arith.select %and3A_1400, %slice3A_1385, %broadcast_in_dim3A_1402 : vector<32x128xi1>, vector<32x128xf32>
      %reduce_sum3A_1404 = arith.constant dense<0.000000e+00> : vector<32xf32>
      %reduce_sum3A_1405 = vector.multi_reduction <add>, %select_n3A_1403, %reduce_sum3A_1404 [1] : vector<32x128xf32> to vector<32xf32>
      %broadcast_in_dim3A_1406 = vector.shape_cast %reduce_sum3A_1405 : vector<32xf32> to vector<32x1xf32>
      %add3A_1407 = arith.addf %add3A_1379, %broadcast_in_dim3A_1406 : vector<32x1xf32>
      %reduce_sum3A_1408 = arith.constant dense<0.000000e+00> : vector<32xf32>
      %reduce_sum3A_1409 = vector.multi_reduction <add>, %convert_element_type3A_1389, %reduce_sum3A_1408 [1] : vector<32x128xf32> to vector<32xf32>
      %broadcast_in_dim3A_1410 = vector.shape_cast %reduce_sum3A_1409 : vector<32xf32> to vector<32x1xf32>
      %add3A_1411 = arith.addf %add3A_1383, %broadcast_in_dim3A_1410 : vector<32x1xf32>
      %slice3A_1412 = vector.extract_strided_slice %select_n3A_870 {offsets = [0, 2304], sizes = [32, 128], strides = [1, 1]} : vector<32x8960xi32> to vector<32x128xi32>
      %slice3A_1413 = vector.extract_strided_slice %get3A_865 {offsets = [0, 2304], sizes = [32, 128], strides = [1, 1]} : vector<32x8960xf32> to vector<32x128xf32>
      %eq3A_1414 = vector.broadcast %scan3A_885 : vector<32x1xi32> to vector<32x128xi32>
      %eq3A_1415 = arith.cmpi eq, %slice3A_1412, %eq3A_1414 : vector<32x128xi32>
      %convert_element_type3A_1416 = arith.extui %eq3A_1415 : vector<32x128xi1> to vector<32x128xi32>
      %convert_element_type3A_1417 = arith.sitofp %convert_element_type3A_1416 : vector<32x128xi32> to vector<32x128xf32>
      %dot_general3A_1418 = arith.constant dense<0.000000e+00> : vector<32x128xf32>
      %dot_general3A_1419 = tpu.matmul %convert_element_type3A_1417, %convert_element_type3A_904, %dot_general3A_1418 {dimension_numbers = #tpu.dot_dimension_numbers<[1], [0], [0], [1], [0, 0, 1, 1], [], []>, precision = #tpu.contract_precision<fp32>, transpose_lhs_hint = false} : vector<32x128xf32>, vector<128x128xf32>, vector<32x128xf32> -> vector<32x128xf32>
      %sub3A_1420 = arith.subf %dot_general3A_1419, %convert_element_type3A_1417 : vector<32x128xf32>
      %gt3A_1421 = arith.constant 0.000000e+00 : f32
      %gt3A_1422 = vector.broadcast %gt3A_1421 : f32 to vector<32x128xf32>
      %gt3A_1423 = arith.cmpf ogt, %convert_element_type3A_1417, %gt3A_1422 : vector<32x128xf32>
      %add3A_1424 = vector.broadcast %add3A_1411 : vector<32x1xf32> to vector<32x128xf32>
      %add3A_1425 = arith.addf %add3A_1424, %sub3A_1420 : vector<32x128xf32>
      %lt3A_1426 = vector.broadcast %sub3A_894 : vector<32x1xf32> to vector<32x128xf32>
      %lt3A_1427 = arith.cmpf olt, %add3A_1425, %lt3A_1426 : vector<32x128xf32>
      %and3A_1428 = arith.andi %gt3A_1423, %lt3A_1427 : vector<32x128xi1>
      %jit3A_1429 = arith.constant 0.000000e+00 : f32
      %broadcast_in_dim3A_1430 = vector.broadcast %jit3A_1429 : f32 to vector<32x128xf32>
      %select_n3A_1431 = arith.select %and3A_1428, %slice3A_1413, %broadcast_in_dim3A_1430 : vector<32x128xi1>, vector<32x128xf32>
      %reduce_sum3A_1432 = arith.constant dense<0.000000e+00> : vector<32xf32>
      %reduce_sum3A_1433 = vector.multi_reduction <add>, %select_n3A_1431, %reduce_sum3A_1432 [1] : vector<32x128xf32> to vector<32xf32>
      %broadcast_in_dim3A_1434 = vector.shape_cast %reduce_sum3A_1433 : vector<32xf32> to vector<32x1xf32>
      %add3A_1435 = arith.addf %add3A_1407, %broadcast_in_dim3A_1434 : vector<32x1xf32>
      %reduce_sum3A_1436 = arith.constant dense<0.000000e+00> : vector<32xf32>
      %reduce_sum3A_1437 = vector.multi_reduction <add>, %convert_element_type3A_1417, %reduce_sum3A_1436 [1] : vector<32x128xf32> to vector<32xf32>
      %broadcast_in_dim3A_1438 = vector.shape_cast %reduce_sum3A_1437 : vector<32xf32> to vector<32x1xf32>
      %add3A_1439 = arith.addf %add3A_1411, %broadcast_in_dim3A_1438 : vector<32x1xf32>
      %slice3A_1440 = vector.extract_strided_slice %select_n3A_870 {offsets = [0, 2432], sizes = [32, 128], strides = [1, 1]} : vector<32x8960xi32> to vector<32x128xi32>
      %slice3A_1441 = vector.extract_strided_slice %get3A_865 {offsets = [0, 2432], sizes = [32, 128], strides = [1, 1]} : vector<32x8960xf32> to vector<32x128xf32>
      %eq3A_1442 = vector.broadcast %scan3A_885 : vector<32x1xi32> to vector<32x128xi32>
      %eq3A_1443 = arith.cmpi eq, %slice3A_1440, %eq3A_1442 : vector<32x128xi32>
      %convert_element_type3A_1444 = arith.extui %eq3A_1443 : vector<32x128xi1> to vector<32x128xi32>
      %convert_element_type3A_1445 = arith.sitofp %convert_element_type3A_1444 : vector<32x128xi32> to vector<32x128xf32>
      %dot_general3A_1446 = arith.constant dense<0.000000e+00> : vector<32x128xf32>
      %dot_general3A_1447 = tpu.matmul %convert_element_type3A_1445, %convert_element_type3A_904, %dot_general3A_1446 {dimension_numbers = #tpu.dot_dimension_numbers<[1], [0], [0], [1], [0, 0, 1, 1], [], []>, precision = #tpu.contract_precision<fp32>, transpose_lhs_hint = false} : vector<32x128xf32>, vector<128x128xf32>, vector<32x128xf32> -> vector<32x128xf32>
      %sub3A_1448 = arith.subf %dot_general3A_1447, %convert_element_type3A_1445 : vector<32x128xf32>
      %gt3A_1449 = arith.constant 0.000000e+00 : f32
      %gt3A_1450 = vector.broadcast %gt3A_1449 : f32 to vector<32x128xf32>
      %gt3A_1451 = arith.cmpf ogt, %convert_element_type3A_1445, %gt3A_1450 : vector<32x128xf32>
      %add3A_1452 = vector.broadcast %add3A_1439 : vector<32x1xf32> to vector<32x128xf32>
      %add3A_1453 = arith.addf %add3A_1452, %sub3A_1448 : vector<32x128xf32>
      %lt3A_1454 = vector.broadcast %sub3A_894 : vector<32x1xf32> to vector<32x128xf32>
      %lt3A_1455 = arith.cmpf olt, %add3A_1453, %lt3A_1454 : vector<32x128xf32>
      %and3A_1456 = arith.andi %gt3A_1451, %lt3A_1455 : vector<32x128xi1>
      %jit3A_1457 = arith.constant 0.000000e+00 : f32
      %broadcast_in_dim3A_1458 = vector.broadcast %jit3A_1457 : f32 to vector<32x128xf32>
      %select_n3A_1459 = arith.select %and3A_1456, %slice3A_1441, %broadcast_in_dim3A_1458 : vector<32x128xi1>, vector<32x128xf32>
      %reduce_sum3A_1460 = arith.constant dense<0.000000e+00> : vector<32xf32>
      %reduce_sum3A_1461 = vector.multi_reduction <add>, %select_n3A_1459, %reduce_sum3A_1460 [1] : vector<32x128xf32> to vector<32xf32>
      %broadcast_in_dim3A_1462 = vector.shape_cast %reduce_sum3A_1461 : vector<32xf32> to vector<32x1xf32>
      %add3A_1463 = arith.addf %add3A_1435, %broadcast_in_dim3A_1462 : vector<32x1xf32>
      %reduce_sum3A_1464 = arith.constant dense<0.000000e+00> : vector<32xf32>
      %reduce_sum3A_1465 = vector.multi_reduction <add>, %convert_element_type3A_1445, %reduce_sum3A_1464 [1] : vector<32x128xf32> to vector<32xf32>
      %broadcast_in_dim3A_1466 = vector.shape_cast %reduce_sum3A_1465 : vector<32xf32> to vector<32x1xf32>
      %add3A_1467 = arith.addf %add3A_1439, %broadcast_in_dim3A_1466 : vector<32x1xf32>
      %slice3A_1468 = vector.extract_strided_slice %select_n3A_870 {offsets = [0, 2560], sizes = [32, 128], strides = [1, 1]} : vector<32x8960xi32> to vector<32x128xi32>
      %slice3A_1469 = vector.extract_strided_slice %get3A_865 {offsets = [0, 2560], sizes = [32, 128], strides = [1, 1]} : vector<32x8960xf32> to vector<32x128xf32>
      %eq3A_1470 = vector.broadcast %scan3A_885 : vector<32x1xi32> to vector<32x128xi32>
      %eq3A_1471 = arith.cmpi eq, %slice3A_1468, %eq3A_1470 : vector<32x128xi32>
      %convert_element_type3A_1472 = arith.extui %eq3A_1471 : vector<32x128xi1> to vector<32x128xi32>
      %convert_element_type3A_1473 = arith.sitofp %convert_element_type3A_1472 : vector<32x128xi32> to vector<32x128xf32>
      %dot_general3A_1474 = arith.constant dense<0.000000e+00> : vector<32x128xf32>
      %dot_general3A_1475 = tpu.matmul %convert_element_type3A_1473, %convert_element_type3A_904, %dot_general3A_1474 {dimension_numbers = #tpu.dot_dimension_numbers<[1], [0], [0], [1], [0, 0, 1, 1], [], []>, precision = #tpu.contract_precision<fp32>, transpose_lhs_hint = false} : vector<32x128xf32>, vector<128x128xf32>, vector<32x128xf32> -> vector<32x128xf32>
      %sub3A_1476 = arith.subf %dot_general3A_1475, %convert_element_type3A_1473 : vector<32x128xf32>
      %gt3A_1477 = arith.constant 0.000000e+00 : f32
      %gt3A_1478 = vector.broadcast %gt3A_1477 : f32 to vector<32x128xf32>
      %gt3A_1479 = arith.cmpf ogt, %convert_element_type3A_1473, %gt3A_1478 : vector<32x128xf32>
      %add3A_1480 = vector.broadcast %add3A_1467 : vector<32x1xf32> to vector<32x128xf32>
      %add3A_1481 = arith.addf %add3A_1480, %sub3A_1476 : vector<32x128xf32>
      %lt3A_1482 = vector.broadcast %sub3A_894 : vector<32x1xf32> to vector<32x128xf32>
      %lt3A_1483 = arith.cmpf olt, %add3A_1481, %lt3A_1482 : vector<32x128xf32>
      %and3A_1484 = arith.andi %gt3A_1479, %lt3A_1483 : vector<32x128xi1>
      %jit3A_1485 = arith.constant 0.000000e+00 : f32
      %broadcast_in_dim3A_1486 = vector.broadcast %jit3A_1485 : f32 to vector<32x128xf32>
      %select_n3A_1487 = arith.select %and3A_1484, %slice3A_1469, %broadcast_in_dim3A_1486 : vector<32x128xi1>, vector<32x128xf32>
      %reduce_sum3A_1488 = arith.constant dense<0.000000e+00> : vector<32xf32>
      %reduce_sum3A_1489 = vector.multi_reduction <add>, %select_n3A_1487, %reduce_sum3A_1488 [1] : vector<32x128xf32> to vector<32xf32>
      %broadcast_in_dim3A_1490 = vector.shape_cast %reduce_sum3A_1489 : vector<32xf32> to vector<32x1xf32>
      %add3A_1491 = arith.addf %add3A_1463, %broadcast_in_dim3A_1490 : vector<32x1xf32>
      %reduce_sum3A_1492 = arith.constant dense<0.000000e+00> : vector<32xf32>
      %reduce_sum3A_1493 = vector.multi_reduction <add>, %convert_element_type3A_1473, %reduce_sum3A_1492 [1] : vector<32x128xf32> to vector<32xf32>
      %broadcast_in_dim3A_1494 = vector.shape_cast %reduce_sum3A_1493 : vector<32xf32> to vector<32x1xf32>
      %add3A_1495 = arith.addf %add3A_1467, %broadcast_in_dim3A_1494 : vector<32x1xf32>
      %slice3A_1496 = vector.extract_strided_slice %select_n3A_870 {offsets = [0, 2688], sizes = [32, 128], strides = [1, 1]} : vector<32x8960xi32> to vector<32x128xi32>
      %slice3A_1497 = vector.extract_strided_slice %get3A_865 {offsets = [0, 2688], sizes = [32, 128], strides = [1, 1]} : vector<32x8960xf32> to vector<32x128xf32>
      %eq3A_1498 = vector.broadcast %scan3A_885 : vector<32x1xi32> to vector<32x128xi32>
      %eq3A_1499 = arith.cmpi eq, %slice3A_1496, %eq3A_1498 : vector<32x128xi32>
      %convert_element_type3A_1500 = arith.extui %eq3A_1499 : vector<32x128xi1> to vector<32x128xi32>
      %convert_element_type3A_1501 = arith.sitofp %convert_element_type3A_1500 : vector<32x128xi32> to vector<32x128xf32>
      %dot_general3A_1502 = arith.constant dense<0.000000e+00> : vector<32x128xf32>
      %dot_general3A_1503 = tpu.matmul %convert_element_type3A_1501, %convert_element_type3A_904, %dot_general3A_1502 {dimension_numbers = #tpu.dot_dimension_numbers<[1], [0], [0], [1], [0, 0, 1, 1], [], []>, precision = #tpu.contract_precision<fp32>, transpose_lhs_hint = false} : vector<32x128xf32>, vector<128x128xf32>, vector<32x128xf32> -> vector<32x128xf32>
      %sub3A_1504 = arith.subf %dot_general3A_1503, %convert_element_type3A_1501 : vector<32x128xf32>
      %gt3A_1505 = arith.constant 0.000000e+00 : f32
      %gt3A_1506 = vector.broadcast %gt3A_1505 : f32 to vector<32x128xf32>
      %gt3A_1507 = arith.cmpf ogt, %convert_element_type3A_1501, %gt3A_1506 : vector<32x128xf32>
      %add3A_1508 = vector.broadcast %add3A_1495 : vector<32x1xf32> to vector<32x128xf32>
      %add3A_1509 = arith.addf %add3A_1508, %sub3A_1504 : vector<32x128xf32>
      %lt3A_1510 = vector.broadcast %sub3A_894 : vector<32x1xf32> to vector<32x128xf32>
      %lt3A_1511 = arith.cmpf olt, %add3A_1509, %lt3A_1510 : vector<32x128xf32>
      %and3A_1512 = arith.andi %gt3A_1507, %lt3A_1511 : vector<32x128xi1>
      %jit3A_1513 = arith.constant 0.000000e+00 : f32
      %broadcast_in_dim3A_1514 = vector.broadcast %jit3A_1513 : f32 to vector<32x128xf32>
      %select_n3A_1515 = arith.select %and3A_1512, %slice3A_1497, %broadcast_in_dim3A_1514 : vector<32x128xi1>, vector<32x128xf32>
      %reduce_sum3A_1516 = arith.constant dense<0.000000e+00> : vector<32xf32>
      %reduce_sum3A_1517 = vector.multi_reduction <add>, %select_n3A_1515, %reduce_sum3A_1516 [1] : vector<32x128xf32> to vector<32xf32>
      %broadcast_in_dim3A_1518 = vector.shape_cast %reduce_sum3A_1517 : vector<32xf32> to vector<32x1xf32>
      %add3A_1519 = arith.addf %add3A_1491, %broadcast_in_dim3A_1518 : vector<32x1xf32>
      %reduce_sum3A_1520 = arith.constant dense<0.000000e+00> : vector<32xf32>
      %reduce_sum3A_1521 = vector.multi_reduction <add>, %convert_element_type3A_1501, %reduce_sum3A_1520 [1] : vector<32x128xf32> to vector<32xf32>
      %broadcast_in_dim3A_1522 = vector.shape_cast %reduce_sum3A_1521 : vector<32xf32> to vector<32x1xf32>
      %add3A_1523 = arith.addf %add3A_1495, %broadcast_in_dim3A_1522 : vector<32x1xf32>
      %slice3A_1524 = vector.extract_strided_slice %select_n3A_870 {offsets = [0, 2816], sizes = [32, 128], strides = [1, 1]} : vector<32x8960xi32> to vector<32x128xi32>
      %slice3A_1525 = vector.extract_strided_slice %get3A_865 {offsets = [0, 2816], sizes = [32, 128], strides = [1, 1]} : vector<32x8960xf32> to vector<32x128xf32>
      %eq3A_1526 = vector.broadcast %scan3A_885 : vector<32x1xi32> to vector<32x128xi32>
      %eq3A_1527 = arith.cmpi eq, %slice3A_1524, %eq3A_1526 : vector<32x128xi32>
      %convert_element_type3A_1528 = arith.extui %eq3A_1527 : vector<32x128xi1> to vector<32x128xi32>
      %convert_element_type3A_1529 = arith.sitofp %convert_element_type3A_1528 : vector<32x128xi32> to vector<32x128xf32>
      %dot_general3A_1530 = arith.constant dense<0.000000e+00> : vector<32x128xf32>
      %dot_general3A_1531 = tpu.matmul %convert_element_type3A_1529, %convert_element_type3A_904, %dot_general3A_1530 {dimension_numbers = #tpu.dot_dimension_numbers<[1], [0], [0], [1], [0, 0, 1, 1], [], []>, precision = #tpu.contract_precision<fp32>, transpose_lhs_hint = false} : vector<32x128xf32>, vector<128x128xf32>, vector<32x128xf32> -> vector<32x128xf32>
      %sub3A_1532 = arith.subf %dot_general3A_1531, %convert_element_type3A_1529 : vector<32x128xf32>
      %gt3A_1533 = arith.constant 0.000000e+00 : f32
      %gt3A_1534 = vector.broadcast %gt3A_1533 : f32 to vector<32x128xf32>
      %gt3A_1535 = arith.cmpf ogt, %convert_element_type3A_1529, %gt3A_1534 : vector<32x128xf32>
      %add3A_1536 = vector.broadcast %add3A_1523 : vector<32x1xf32> to vector<32x128xf32>
      %add3A_1537 = arith.addf %add3A_1536, %sub3A_1532 : vector<32x128xf32>
      %lt3A_1538 = vector.broadcast %sub3A_894 : vector<32x1xf32> to vector<32x128xf32>
      %lt3A_1539 = arith.cmpf olt, %add3A_1537, %lt3A_1538 : vector<32x128xf32>
      %and3A_1540 = arith.andi %gt3A_1535, %lt3A_1539 : vector<32x128xi1>
      %jit3A_1541 = arith.constant 0.000000e+00 : f32
      %broadcast_in_dim3A_1542 = vector.broadcast %jit3A_1541 : f32 to vector<32x128xf32>
      %select_n3A_1543 = arith.select %and3A_1540, %slice3A_1525, %broadcast_in_dim3A_1542 : vector<32x128xi1>, vector<32x128xf32>
      %reduce_sum3A_1544 = arith.constant dense<0.000000e+00> : vector<32xf32>
      %reduce_sum3A_1545 = vector.multi_reduction <add>, %select_n3A_1543, %reduce_sum3A_1544 [1] : vector<32x128xf32> to vector<32xf32>
      %broadcast_in_dim3A_1546 = vector.shape_cast %reduce_sum3A_1545 : vector<32xf32> to vector<32x1xf32>
      %add3A_1547 = arith.addf %add3A_1519, %broadcast_in_dim3A_1546 : vector<32x1xf32>
      %reduce_sum3A_1548 = arith.constant dense<0.000000e+00> : vector<32xf32>
      %reduce_sum3A_1549 = vector.multi_reduction <add>, %convert_element_type3A_1529, %reduce_sum3A_1548 [1] : vector<32x128xf32> to vector<32xf32>
      %broadcast_in_dim3A_1550 = vector.shape_cast %reduce_sum3A_1549 : vector<32xf32> to vector<32x1xf32>
      %add3A_1551 = arith.addf %add3A_1523, %broadcast_in_dim3A_1550 : vector<32x1xf32>
      %slice3A_1552 = vector.extract_strided_slice %select_n3A_870 {offsets = [0, 2944], sizes = [32, 128], strides = [1, 1]} : vector<32x8960xi32> to vector<32x128xi32>
      %slice3A_1553 = vector.extract_strided_slice %get3A_865 {offsets = [0, 2944], sizes = [32, 128], strides = [1, 1]} : vector<32x8960xf32> to vector<32x128xf32>
      %eq3A_1554 = vector.broadcast %scan3A_885 : vector<32x1xi32> to vector<32x128xi32>
      %eq3A_1555 = arith.cmpi eq, %slice3A_1552, %eq3A_1554 : vector<32x128xi32>
      %convert_element_type3A_1556 = arith.extui %eq3A_1555 : vector<32x128xi1> to vector<32x128xi32>
      %convert_element_type3A_1557 = arith.sitofp %convert_element_type3A_1556 : vector<32x128xi32> to vector<32x128xf32>
      %dot_general3A_1558 = arith.constant dense<0.000000e+00> : vector<32x128xf32>
      %dot_general3A_1559 = tpu.matmul %convert_element_type3A_1557, %convert_element_type3A_904, %dot_general3A_1558 {dimension_numbers = #tpu.dot_dimension_numbers<[1], [0], [0], [1], [0, 0, 1, 1], [], []>, precision = #tpu.contract_precision<fp32>, transpose_lhs_hint = false} : vector<32x128xf32>, vector<128x128xf32>, vector<32x128xf32> -> vector<32x128xf32>
      %sub3A_1560 = arith.subf %dot_general3A_1559, %convert_element_type3A_1557 : vector<32x128xf32>
      %gt3A_1561 = arith.constant 0.000000e+00 : f32
      %gt3A_1562 = vector.broadcast %gt3A_1561 : f32 to vector<32x128xf32>
      %gt3A_1563 = arith.cmpf ogt, %convert_element_type3A_1557, %gt3A_1562 : vector<32x128xf32>
      %add3A_1564 = vector.broadcast %add3A_1551 : vector<32x1xf32> to vector<32x128xf32>
      %add3A_1565 = arith.addf %add3A_1564, %sub3A_1560 : vector<32x128xf32>
      %lt3A_1566 = vector.broadcast %sub3A_894 : vector<32x1xf32> to vector<32x128xf32>
      %lt3A_1567 = arith.cmpf olt, %add3A_1565, %lt3A_1566 : vector<32x128xf32>
      %and3A_1568 = arith.andi %gt3A_1563, %lt3A_1567 : vector<32x128xi1>
      %jit3A_1569 = arith.constant 0.000000e+00 : f32
      %broadcast_in_dim3A_1570 = vector.broadcast %jit3A_1569 : f32 to vector<32x128xf32>
      %select_n3A_1571 = arith.select %and3A_1568, %slice3A_1553, %broadcast_in_dim3A_1570 : vector<32x128xi1>, vector<32x128xf32>
      %reduce_sum3A_1572 = arith.constant dense<0.000000e+00> : vector<32xf32>
      %reduce_sum3A_1573 = vector.multi_reduction <add>, %select_n3A_1571, %reduce_sum3A_1572 [1] : vector<32x128xf32> to vector<32xf32>
      %broadcast_in_dim3A_1574 = vector.shape_cast %reduce_sum3A_1573 : vector<32xf32> to vector<32x1xf32>
      %add3A_1575 = arith.addf %add3A_1547, %broadcast_in_dim3A_1574 : vector<32x1xf32>
      %reduce_sum3A_1576 = arith.constant dense<0.000000e+00> : vector<32xf32>
      %reduce_sum3A_1577 = vector.multi_reduction <add>, %convert_element_type3A_1557, %reduce_sum3A_1576 [1] : vector<32x128xf32> to vector<32xf32>
      %broadcast_in_dim3A_1578 = vector.shape_cast %reduce_sum3A_1577 : vector<32xf32> to vector<32x1xf32>
      %add3A_1579 = arith.addf %add3A_1551, %broadcast_in_dim3A_1578 : vector<32x1xf32>
      %slice3A_1580 = vector.extract_strided_slice %select_n3A_870 {offsets = [0, 3072], sizes = [32, 128], strides = [1, 1]} : vector<32x8960xi32> to vector<32x128xi32>
      %slice3A_1581 = vector.extract_strided_slice %get3A_865 {offsets = [0, 3072], sizes = [32, 128], strides = [1, 1]} : vector<32x8960xf32> to vector<32x128xf32>
      %eq3A_1582 = vector.broadcast %scan3A_885 : vector<32x1xi32> to vector<32x128xi32>
      %eq3A_1583 = arith.cmpi eq, %slice3A_1580, %eq3A_1582 : vector<32x128xi32>
      %convert_element_type3A_1584 = arith.extui %eq3A_1583 : vector<32x128xi1> to vector<32x128xi32>
      %convert_element_type3A_1585 = arith.sitofp %convert_element_type3A_1584 : vector<32x128xi32> to vector<32x128xf32>
      %dot_general3A_1586 = arith.constant dense<0.000000e+00> : vector<32x128xf32>
      %dot_general3A_1587 = tpu.matmul %convert_element_type3A_1585, %convert_element_type3A_904, %dot_general3A_1586 {dimension_numbers = #tpu.dot_dimension_numbers<[1], [0], [0], [1], [0, 0, 1, 1], [], []>, precision = #tpu.contract_precision<fp32>, transpose_lhs_hint = false} : vector<32x128xf32>, vector<128x128xf32>, vector<32x128xf32> -> vector<32x128xf32>
      %sub3A_1588 = arith.subf %dot_general3A_1587, %convert_element_type3A_1585 : vector<32x128xf32>
      %gt3A_1589 = arith.constant 0.000000e+00 : f32
      %gt3A_1590 = vector.broadcast %gt3A_1589 : f32 to vector<32x128xf32>
      %gt3A_1591 = arith.cmpf ogt, %convert_element_type3A_1585, %gt3A_1590 : vector<32x128xf32>
      %add3A_1592 = vector.broadcast %add3A_1579 : vector<32x1xf32> to vector<32x128xf32>
      %add3A_1593 = arith.addf %add3A_1592, %sub3A_1588 : vector<32x128xf32>
      %lt3A_1594 = vector.broadcast %sub3A_894 : vector<32x1xf32> to vector<32x128xf32>
      %lt3A_1595 = arith.cmpf olt, %add3A_1593, %lt3A_1594 : vector<32x128xf32>
      %and3A_1596 = arith.andi %gt3A_1591, %lt3A_1595 : vector<32x128xi1>
      %jit3A_1597 = arith.constant 0.000000e+00 : f32
      %broadcast_in_dim3A_1598 = vector.broadcast %jit3A_1597 : f32 to vector<32x128xf32>
      %select_n3A_1599 = arith.select %and3A_1596, %slice3A_1581, %broadcast_in_dim3A_1598 : vector<32x128xi1>, vector<32x128xf32>
      %reduce_sum3A_1600 = arith.constant dense<0.000000e+00> : vector<32xf32>
      %reduce_sum3A_1601 = vector.multi_reduction <add>, %select_n3A_1599, %reduce_sum3A_1600 [1] : vector<32x128xf32> to vector<32xf32>
      %broadcast_in_dim3A_1602 = vector.shape_cast %reduce_sum3A_1601 : vector<32xf32> to vector<32x1xf32>
      %add3A_1603 = arith.addf %add3A_1575, %broadcast_in_dim3A_1602 : vector<32x1xf32>
      %reduce_sum3A_1604 = arith.constant dense<0.000000e+00> : vector<32xf32>
      %reduce_sum3A_1605 = vector.multi_reduction <add>, %convert_element_type3A_1585, %reduce_sum3A_1604 [1] : vector<32x128xf32> to vector<32xf32>
      %broadcast_in_dim3A_1606 = vector.shape_cast %reduce_sum3A_1605 : vector<32xf32> to vector<32x1xf32>
      %add3A_1607 = arith.addf %add3A_1579, %broadcast_in_dim3A_1606 : vector<32x1xf32>
      %slice3A_1608 = vector.extract_strided_slice %select_n3A_870 {offsets = [0, 3200], sizes = [32, 128], strides = [1, 1]} : vector<32x8960xi32> to vector<32x128xi32>
      %slice3A_1609 = vector.extract_strided_slice %get3A_865 {offsets = [0, 3200], sizes = [32, 128], strides = [1, 1]} : vector<32x8960xf32> to vector<32x128xf32>
      %eq3A_1610 = vector.broadcast %scan3A_885 : vector<32x1xi32> to vector<32x128xi32>
      %eq3A_1611 = arith.cmpi eq, %slice3A_1608, %eq3A_1610 : vector<32x128xi32>
      %convert_element_type3A_1612 = arith.extui %eq3A_1611 : vector<32x128xi1> to vector<32x128xi32>
      %convert_element_type3A_1613 = arith.sitofp %convert_element_type3A_1612 : vector<32x128xi32> to vector<32x128xf32>
      %dot_general3A_1614 = arith.constant dense<0.000000e+00> : vector<32x128xf32>
      %dot_general3A_1615 = tpu.matmul %convert_element_type3A_1613, %convert_element_type3A_904, %dot_general3A_1614 {dimension_numbers = #tpu.dot_dimension_numbers<[1], [0], [0], [1], [0, 0, 1, 1], [], []>, precision = #tpu.contract_precision<fp32>, transpose_lhs_hint = false} : vector<32x128xf32>, vector<128x128xf32>, vector<32x128xf32> -> vector<32x128xf32>
      %sub3A_1616 = arith.subf %dot_general3A_1615, %convert_element_type3A_1613 : vector<32x128xf32>
      %gt3A_1617 = arith.constant 0.000000e+00 : f32
      %gt3A_1618 = vector.broadcast %gt3A_1617 : f32 to vector<32x128xf32>
      %gt3A_1619 = arith.cmpf ogt, %convert_element_type3A_1613, %gt3A_1618 : vector<32x128xf32>
      %add3A_1620 = vector.broadcast %add3A_1607 : vector<32x1xf32> to vector<32x128xf32>
      %add3A_1621 = arith.addf %add3A_1620, %sub3A_1616 : vector<32x128xf32>
      %lt3A_1622 = vector.broadcast %sub3A_894 : vector<32x1xf32> to vector<32x128xf32>
      %lt3A_1623 = arith.cmpf olt, %add3A_1621, %lt3A_1622 : vector<32x128xf32>
      %and3A_1624 = arith.andi %gt3A_1619, %lt3A_1623 : vector<32x128xi1>
      %jit3A_1625 = arith.constant 0.000000e+00 : f32
      %broadcast_in_dim3A_1626 = vector.broadcast %jit3A_1625 : f32 to vector<32x128xf32>
      %select_n3A_1627 = arith.select %and3A_1624, %slice3A_1609, %broadcast_in_dim3A_1626 : vector<32x128xi1>, vector<32x128xf32>
      %reduce_sum3A_1628 = arith.constant dense<0.000000e+00> : vector<32xf32>
      %reduce_sum3A_1629 = vector.multi_reduction <add>, %select_n3A_1627, %reduce_sum3A_1628 [1] : vector<32x128xf32> to vector<32xf32>
      %broadcast_in_dim3A_1630 = vector.shape_cast %reduce_sum3A_1629 : vector<32xf32> to vector<32x1xf32>
      %add3A_1631 = arith.addf %add3A_1603, %broadcast_in_dim3A_1630 : vector<32x1xf32>
      %reduce_sum3A_1632 = arith.constant dense<0.000000e+00> : vector<32xf32>
      %reduce_sum3A_1633 = vector.multi_reduction <add>, %convert_element_type3A_1613, %reduce_sum3A_1632 [1] : vector<32x128xf32> to vector<32xf32>
      %broadcast_in_dim3A_1634 = vector.shape_cast %reduce_sum3A_1633 : vector<32xf32> to vector<32x1xf32>
      %add3A_1635 = arith.addf %add3A_1607, %broadcast_in_dim3A_1634 : vector<32x1xf32>
      %slice3A_1636 = vector.extract_strided_slice %select_n3A_870 {offsets = [0, 3328], sizes = [32, 128], strides = [1, 1]} : vector<32x8960xi32> to vector<32x128xi32>
      %slice3A_1637 = vector.extract_strided_slice %get3A_865 {offsets = [0, 3328], sizes = [32, 128], strides = [1, 1]} : vector<32x8960xf32> to vector<32x128xf32>
      %eq3A_1638 = vector.broadcast %scan3A_885 : vector<32x1xi32> to vector<32x128xi32>
      %eq3A_1639 = arith.cmpi eq, %slice3A_1636, %eq3A_1638 : vector<32x128xi32>
      %convert_element_type3A_1640 = arith.extui %eq3A_1639 : vector<32x128xi1> to vector<32x128xi32>
      %convert_element_type3A_1641 = arith.sitofp %convert_element_type3A_1640 : vector<32x128xi32> to vector<32x128xf32>
      %dot_general3A_1642 = arith.constant dense<0.000000e+00> : vector<32x128xf32>
      %dot_general3A_1643 = tpu.matmul %convert_element_type3A_1641, %convert_element_type3A_904, %dot_general3A_1642 {dimension_numbers = #tpu.dot_dimension_numbers<[1], [0], [0], [1], [0, 0, 1, 1], [], []>, precision = #tpu.contract_precision<fp32>, transpose_lhs_hint = false} : vector<32x128xf32>, vector<128x128xf32>, vector<32x128xf32> -> vector<32x128xf32>
      %sub3A_1644 = arith.subf %dot_general3A_1643, %convert_element_type3A_1641 : vector<32x128xf32>
      %gt3A_1645 = arith.constant 0.000000e+00 : f32
      %gt3A_1646 = vector.broadcast %gt3A_1645 : f32 to vector<32x128xf32>
      %gt3A_1647 = arith.cmpf ogt, %convert_element_type3A_1641, %gt3A_1646 : vector<32x128xf32>
      %add3A_1648 = vector.broadcast %add3A_1635 : vector<32x1xf32> to vector<32x128xf32>
      %add3A_1649 = arith.addf %add3A_1648, %sub3A_1644 : vector<32x128xf32>
      %lt3A_1650 = vector.broadcast %sub3A_894 : vector<32x1xf32> to vector<32x128xf32>
      %lt3A_1651 = arith.cmpf olt, %add3A_1649, %lt3A_1650 : vector<32x128xf32>
      %and3A_1652 = arith.andi %gt3A_1647, %lt3A_1651 : vector<32x128xi1>
      %jit3A_1653 = arith.constant 0.000000e+00 : f32
      %broadcast_in_dim3A_1654 = vector.broadcast %jit3A_1653 : f32 to vector<32x128xf32>
      %select_n3A_1655 = arith.select %and3A_1652, %slice3A_1637, %broadcast_in_dim3A_1654 : vector<32x128xi1>, vector<32x128xf32>
      %reduce_sum3A_1656 = arith.constant dense<0.000000e+00> : vector<32xf32>
      %reduce_sum3A_1657 = vector.multi_reduction <add>, %select_n3A_1655, %reduce_sum3A_1656 [1] : vector<32x128xf32> to vector<32xf32>
      %broadcast_in_dim3A_1658 = vector.shape_cast %reduce_sum3A_1657 : vector<32xf32> to vector<32x1xf32>
      %add3A_1659 = arith.addf %add3A_1631, %broadcast_in_dim3A_1658 : vector<32x1xf32>
      %reduce_sum3A_1660 = arith.constant dense<0.000000e+00> : vector<32xf32>
      %reduce_sum3A_1661 = vector.multi_reduction <add>, %convert_element_type3A_1641, %reduce_sum3A_1660 [1] : vector<32x128xf32> to vector<32xf32>
      %broadcast_in_dim3A_1662 = vector.shape_cast %reduce_sum3A_1661 : vector<32xf32> to vector<32x1xf32>
      %add3A_1663 = arith.addf %add3A_1635, %broadcast_in_dim3A_1662 : vector<32x1xf32>
      %slice3A_1664 = vector.extract_strided_slice %select_n3A_870 {offsets = [0, 3456], sizes = [32, 128], strides = [1, 1]} : vector<32x8960xi32> to vector<32x128xi32>
      %slice3A_1665 = vector.extract_strided_slice %get3A_865 {offsets = [0, 3456], sizes = [32, 128], strides = [1, 1]} : vector<32x8960xf32> to vector<32x128xf32>
      %eq3A_1666 = vector.broadcast %scan3A_885 : vector<32x1xi32> to vector<32x128xi32>
      %eq3A_1667 = arith.cmpi eq, %slice3A_1664, %eq3A_1666 : vector<32x128xi32>
      %convert_element_type3A_1668 = arith.extui %eq3A_1667 : vector<32x128xi1> to vector<32x128xi32>
      %convert_element_type3A_1669 = arith.sitofp %convert_element_type3A_1668 : vector<32x128xi32> to vector<32x128xf32>
      %dot_general3A_1670 = arith.constant dense<0.000000e+00> : vector<32x128xf32>
      %dot_general3A_1671 = tpu.matmul %convert_element_type3A_1669, %convert_element_type3A_904, %dot_general3A_1670 {dimension_numbers = #tpu.dot_dimension_numbers<[1], [0], [0], [1], [0, 0, 1, 1], [], []>, precision = #tpu.contract_precision<fp32>, transpose_lhs_hint = false} : vector<32x128xf32>, vector<128x128xf32>, vector<32x128xf32> -> vector<32x128xf32>
      %sub3A_1672 = arith.subf %dot_general3A_1671, %convert_element_type3A_1669 : vector<32x128xf32>
      %gt3A_1673 = arith.constant 0.000000e+00 : f32
      %gt3A_1674 = vector.broadcast %gt3A_1673 : f32 to vector<32x128xf32>
      %gt3A_1675 = arith.cmpf ogt, %convert_element_type3A_1669, %gt3A_1674 : vector<32x128xf32>
      %add3A_1676 = vector.broadcast %add3A_1663 : vector<32x1xf32> to vector<32x128xf32>
      %add3A_1677 = arith.addf %add3A_1676, %sub3A_1672 : vector<32x128xf32>
      %lt3A_1678 = vector.broadcast %sub3A_894 : vector<32x1xf32> to vector<32x128xf32>
      %lt3A_1679 = arith.cmpf olt, %add3A_1677, %lt3A_1678 : vector<32x128xf32>
      %and3A_1680 = arith.andi %gt3A_1675, %lt3A_1679 : vector<32x128xi1>
      %jit3A_1681 = arith.constant 0.000000e+00 : f32
      %broadcast_in_dim3A_1682 = vector.broadcast %jit3A_1681 : f32 to vector<32x128xf32>
      %select_n3A_1683 = arith.select %and3A_1680, %slice3A_1665, %broadcast_in_dim3A_1682 : vector<32x128xi1>, vector<32x128xf32>
      %reduce_sum3A_1684 = arith.constant dense<0.000000e+00> : vector<32xf32>
      %reduce_sum3A_1685 = vector.multi_reduction <add>, %select_n3A_1683, %reduce_sum3A_1684 [1] : vector<32x128xf32> to vector<32xf32>
      %broadcast_in_dim3A_1686 = vector.shape_cast %reduce_sum3A_1685 : vector<32xf32> to vector<32x1xf32>
      %add3A_1687 = arith.addf %add3A_1659, %broadcast_in_dim3A_1686 : vector<32x1xf32>
      %reduce_sum3A_1688 = arith.constant dense<0.000000e+00> : vector<32xf32>
      %reduce_sum3A_1689 = vector.multi_reduction <add>, %convert_element_type3A_1669, %reduce_sum3A_1688 [1] : vector<32x128xf32> to vector<32xf32>
      %broadcast_in_dim3A_1690 = vector.shape_cast %reduce_sum3A_1689 : vector<32xf32> to vector<32x1xf32>
      %add3A_1691 = arith.addf %add3A_1663, %broadcast_in_dim3A_1690 : vector<32x1xf32>
      %slice3A_1692 = vector.extract_strided_slice %select_n3A_870 {offsets = [0, 3584], sizes = [32, 128], strides = [1, 1]} : vector<32x8960xi32> to vector<32x128xi32>
      %slice3A_1693 = vector.extract_strided_slice %get3A_865 {offsets = [0, 3584], sizes = [32, 128], strides = [1, 1]} : vector<32x8960xf32> to vector<32x128xf32>
      %eq3A_1694 = vector.broadcast %scan3A_885 : vector<32x1xi32> to vector<32x128xi32>
      %eq3A_1695 = arith.cmpi eq, %slice3A_1692, %eq3A_1694 : vector<32x128xi32>
      %convert_element_type3A_1696 = arith.extui %eq3A_1695 : vector<32x128xi1> to vector<32x128xi32>
      %convert_element_type3A_1697 = arith.sitofp %convert_element_type3A_1696 : vector<32x128xi32> to vector<32x128xf32>
      %dot_general3A_1698 = arith.constant dense<0.000000e+00> : vector<32x128xf32>
      %dot_general3A_1699 = tpu.matmul %convert_element_type3A_1697, %convert_element_type3A_904, %dot_general3A_1698 {dimension_numbers = #tpu.dot_dimension_numbers<[1], [0], [0], [1], [0, 0, 1, 1], [], []>, precision = #tpu.contract_precision<fp32>, transpose_lhs_hint = false} : vector<32x128xf32>, vector<128x128xf32>, vector<32x128xf32> -> vector<32x128xf32>
      %sub3A_1700 = arith.subf %dot_general3A_1699, %convert_element_type3A_1697 : vector<32x128xf32>
      %gt3A_1701 = arith.constant 0.000000e+00 : f32
      %gt3A_1702 = vector.broadcast %gt3A_1701 : f32 to vector<32x128xf32>
      %gt3A_1703 = arith.cmpf ogt, %convert_element_type3A_1697, %gt3A_1702 : vector<32x128xf32>
      %add3A_1704 = vector.broadcast %add3A_1691 : vector<32x1xf32> to vector<32x128xf32>
      %add3A_1705 = arith.addf %add3A_1704, %sub3A_1700 : vector<32x128xf32>
      %lt3A_1706 = vector.broadcast %sub3A_894 : vector<32x1xf32> to vector<32x128xf32>
      %lt3A_1707 = arith.cmpf olt, %add3A_1705, %lt3A_1706 : vector<32x128xf32>
      %and3A_1708 = arith.andi %gt3A_1703, %lt3A_1707 : vector<32x128xi1>
      %jit3A_1709 = arith.constant 0.000000e+00 : f32
      %broadcast_in_dim3A_1710 = vector.broadcast %jit3A_1709 : f32 to vector<32x128xf32>
      %select_n3A_1711 = arith.select %and3A_1708, %slice3A_1693, %broadcast_in_dim3A_1710 : vector<32x128xi1>, vector<32x128xf32>
      %reduce_sum3A_1712 = arith.constant dense<0.000000e+00> : vector<32xf32>
      %reduce_sum3A_1713 = vector.multi_reduction <add>, %select_n3A_1711, %reduce_sum3A_1712 [1] : vector<32x128xf32> to vector<32xf32>
      %broadcast_in_dim3A_1714 = vector.shape_cast %reduce_sum3A_1713 : vector<32xf32> to vector<32x1xf32>
      %add3A_1715 = arith.addf %add3A_1687, %broadcast_in_dim3A_1714 : vector<32x1xf32>
      %reduce_sum3A_1716 = arith.constant dense<0.000000e+00> : vector<32xf32>
      %reduce_sum3A_1717 = vector.multi_reduction <add>, %convert_element_type3A_1697, %reduce_sum3A_1716 [1] : vector<32x128xf32> to vector<32xf32>
      %broadcast_in_dim3A_1718 = vector.shape_cast %reduce_sum3A_1717 : vector<32xf32> to vector<32x1xf32>
      %add3A_1719 = arith.addf %add3A_1691, %broadcast_in_dim3A_1718 : vector<32x1xf32>
      %slice3A_1720 = vector.extract_strided_slice %select_n3A_870 {offsets = [0, 3712], sizes = [32, 128], strides = [1, 1]} : vector<32x8960xi32> to vector<32x128xi32>
      %slice3A_1721 = vector.extract_strided_slice %get3A_865 {offsets = [0, 3712], sizes = [32, 128], strides = [1, 1]} : vector<32x8960xf32> to vector<32x128xf32>
      %eq3A_1722 = vector.broadcast %scan3A_885 : vector<32x1xi32> to vector<32x128xi32>
      %eq3A_1723 = arith.cmpi eq, %slice3A_1720, %eq3A_1722 : vector<32x128xi32>
      %convert_element_type3A_1724 = arith.extui %eq3A_1723 : vector<32x128xi1> to vector<32x128xi32>
      %convert_element_type3A_1725 = arith.sitofp %convert_element_type3A_1724 : vector<32x128xi32> to vector<32x128xf32>
      %dot_general3A_1726 = arith.constant dense<0.000000e+00> : vector<32x128xf32>
      %dot_general3A_1727 = tpu.matmul %convert_element_type3A_1725, %convert_element_type3A_904, %dot_general3A_1726 {dimension_numbers = #tpu.dot_dimension_numbers<[1], [0], [0], [1], [0, 0, 1, 1], [], []>, precision = #tpu.contract_precision<fp32>, transpose_lhs_hint = false} : vector<32x128xf32>, vector<128x128xf32>, vector<32x128xf32> -> vector<32x128xf32>
      %sub3A_1728 = arith.subf %dot_general3A_1727, %convert_element_type3A_1725 : vector<32x128xf32>
      %gt3A_1729 = arith.constant 0.000000e+00 : f32
      %gt3A_1730 = vector.broadcast %gt3A_1729 : f32 to vector<32x128xf32>
      %gt3A_1731 = arith.cmpf ogt, %convert_element_type3A_1725, %gt3A_1730 : vector<32x128xf32>
      %add3A_1732 = vector.broadcast %add3A_1719 : vector<32x1xf32> to vector<32x128xf32>
      %add3A_1733 = arith.addf %add3A_1732, %sub3A_1728 : vector<32x128xf32>
      %lt3A_1734 = vector.broadcast %sub3A_894 : vector<32x1xf32> to vector<32x128xf32>
      %lt3A_1735 = arith.cmpf olt, %add3A_1733, %lt3A_1734 : vector<32x128xf32>
      %and3A_1736 = arith.andi %gt3A_1731, %lt3A_1735 : vector<32x128xi1>
      %jit3A_1737 = arith.constant 0.000000e+00 : f32
      %broadcast_in_dim3A_1738 = vector.broadcast %jit3A_1737 : f32 to vector<32x128xf32>
      %select_n3A_1739 = arith.select %and3A_1736, %slice3A_1721, %broadcast_in_dim3A_1738 : vector<32x128xi1>, vector<32x128xf32>
      %reduce_sum3A_1740 = arith.constant dense<0.000000e+00> : vector<32xf32>
      %reduce_sum3A_1741 = vector.multi_reduction <add>, %select_n3A_1739, %reduce_sum3A_1740 [1] : vector<32x128xf32> to vector<32xf32>
      %broadcast_in_dim3A_1742 = vector.shape_cast %reduce_sum3A_1741 : vector<32xf32> to vector<32x1xf32>
      %add3A_1743 = arith.addf %add3A_1715, %broadcast_in_dim3A_1742 : vector<32x1xf32>
      %reduce_sum3A_1744 = arith.constant dense<0.000000e+00> : vector<32xf32>
      %reduce_sum3A_1745 = vector.multi_reduction <add>, %convert_element_type3A_1725, %reduce_sum3A_1744 [1] : vector<32x128xf32> to vector<32xf32>
      %broadcast_in_dim3A_1746 = vector.shape_cast %reduce_sum3A_1745 : vector<32xf32> to vector<32x1xf32>
      %add3A_1747 = arith.addf %add3A_1719, %broadcast_in_dim3A_1746 : vector<32x1xf32>
      %slice3A_1748 = vector.extract_strided_slice %select_n3A_870 {offsets = [0, 3840], sizes = [32, 128], strides = [1, 1]} : vector<32x8960xi32> to vector<32x128xi32>
      %slice3A_1749 = vector.extract_strided_slice %get3A_865 {offsets = [0, 3840], sizes = [32, 128], strides = [1, 1]} : vector<32x8960xf32> to vector<32x128xf32>
      %eq3A_1750 = vector.broadcast %scan3A_885 : vector<32x1xi32> to vector<32x128xi32>
      %eq3A_1751 = arith.cmpi eq, %slice3A_1748, %eq3A_1750 : vector<32x128xi32>
      %convert_element_type3A_1752 = arith.extui %eq3A_1751 : vector<32x128xi1> to vector<32x128xi32>
      %convert_element_type3A_1753 = arith.sitofp %convert_element_type3A_1752 : vector<32x128xi32> to vector<32x128xf32>
      %dot_general3A_1754 = arith.constant dense<0.000000e+00> : vector<32x128xf32>
      %dot_general3A_1755 = tpu.matmul %convert_element_type3A_1753, %convert_element_type3A_904, %dot_general3A_1754 {dimension_numbers = #tpu.dot_dimension_numbers<[1], [0], [0], [1], [0, 0, 1, 1], [], []>, precision = #tpu.contract_precision<fp32>, transpose_lhs_hint = false} : vector<32x128xf32>, vector<128x128xf32>, vector<32x128xf32> -> vector<32x128xf32>
      %sub3A_1756 = arith.subf %dot_general3A_1755, %convert_element_type3A_1753 : vector<32x128xf32>
      %gt3A_1757 = arith.constant 0.000000e+00 : f32
      %gt3A_1758 = vector.broadcast %gt3A_1757 : f32 to vector<32x128xf32>
      %gt3A_1759 = arith.cmpf ogt, %convert_element_type3A_1753, %gt3A_1758 : vector<32x128xf32>
      %add3A_1760 = vector.broadcast %add3A_1747 : vector<32x1xf32> to vector<32x128xf32>
      %add3A_1761 = arith.addf %add3A_1760, %sub3A_1756 : vector<32x128xf32>
      %lt3A_1762 = vector.broadcast %sub3A_894 : vector<32x1xf32> to vector<32x128xf32>
      %lt3A_1763 = arith.cmpf olt, %add3A_1761, %lt3A_1762 : vector<32x128xf32>
      %and3A_1764 = arith.andi %gt3A_1759, %lt3A_1763 : vector<32x128xi1>
      %jit3A_1765 = arith.constant 0.000000e+00 : f32
      %broadcast_in_dim3A_1766 = vector.broadcast %jit3A_1765 : f32 to vector<32x128xf32>
      %select_n3A_1767 = arith.select %and3A_1764, %slice3A_1749, %broadcast_in_dim3A_1766 : vector<32x128xi1>, vector<32x128xf32>
      %reduce_sum3A_1768 = arith.constant dense<0.000000e+00> : vector<32xf32>
      %reduce_sum3A_1769 = vector.multi_reduction <add>, %select_n3A_1767, %reduce_sum3A_1768 [1] : vector<32x128xf32> to vector<32xf32>
      %broadcast_in_dim3A_1770 = vector.shape_cast %reduce_sum3A_1769 : vector<32xf32> to vector<32x1xf32>
      %add3A_1771 = arith.addf %add3A_1743, %broadcast_in_dim3A_1770 : vector<32x1xf32>
      %reduce_sum3A_1772 = arith.constant dense<0.000000e+00> : vector<32xf32>
      %reduce_sum3A_1773 = vector.multi_reduction <add>, %convert_element_type3A_1753, %reduce_sum3A_1772 [1] : vector<32x128xf32> to vector<32xf32>
      %broadcast_in_dim3A_1774 = vector.shape_cast %reduce_sum3A_1773 : vector<32xf32> to vector<32x1xf32>
      %add3A_1775 = arith.addf %add3A_1747, %broadcast_in_dim3A_1774 : vector<32x1xf32>
      %slice3A_1776 = vector.extract_strided_slice %select_n3A_870 {offsets = [0, 3968], sizes = [32, 128], strides = [1, 1]} : vector<32x8960xi32> to vector<32x128xi32>
      %slice3A_1777 = vector.extract_strided_slice %get3A_865 {offsets = [0, 3968], sizes = [32, 128], strides = [1, 1]} : vector<32x8960xf32> to vector<32x128xf32>
      %eq3A_1778 = vector.broadcast %scan3A_885 : vector<32x1xi32> to vector<32x128xi32>
      %eq3A_1779 = arith.cmpi eq, %slice3A_1776, %eq3A_1778 : vector<32x128xi32>
      %convert_element_type3A_1780 = arith.extui %eq3A_1779 : vector<32x128xi1> to vector<32x128xi32>
      %convert_element_type3A_1781 = arith.sitofp %convert_element_type3A_1780 : vector<32x128xi32> to vector<32x128xf32>
      %dot_general3A_1782 = arith.constant dense<0.000000e+00> : vector<32x128xf32>
      %dot_general3A_1783 = tpu.matmul %convert_element_type3A_1781, %convert_element_type3A_904, %dot_general3A_1782 {dimension_numbers = #tpu.dot_dimension_numbers<[1], [0], [0], [1], [0, 0, 1, 1], [], []>, precision = #tpu.contract_precision<fp32>, transpose_lhs_hint = false} : vector<32x128xf32>, vector<128x128xf32>, vector<32x128xf32> -> vector<32x128xf32>
      %sub3A_1784 = arith.subf %dot_general3A_1783, %convert_element_type3A_1781 : vector<32x128xf32>
      %gt3A_1785 = arith.constant 0.000000e+00 : f32
      %gt3A_1786 = vector.broadcast %gt3A_1785 : f32 to vector<32x128xf32>
      %gt3A_1787 = arith.cmpf ogt, %convert_element_type3A_1781, %gt3A_1786 : vector<32x128xf32>
      %add3A_1788 = vector.broadcast %add3A_1775 : vector<32x1xf32> to vector<32x128xf32>
      %add3A_1789 = arith.addf %add3A_1788, %sub3A_1784 : vector<32x128xf32>
      %lt3A_1790 = vector.broadcast %sub3A_894 : vector<32x1xf32> to vector<32x128xf32>
      %lt3A_1791 = arith.cmpf olt, %add3A_1789, %lt3A_1790 : vector<32x128xf32>
      %and3A_1792 = arith.andi %gt3A_1787, %lt3A_1791 : vector<32x128xi1>
      %jit3A_1793 = arith.constant 0.000000e+00 : f32
      %broadcast_in_dim3A_1794 = vector.broadcast %jit3A_1793 : f32 to vector<32x128xf32>
      %select_n3A_1795 = arith.select %and3A_1792, %slice3A_1777, %broadcast_in_dim3A_1794 : vector<32x128xi1>, vector<32x128xf32>
      %reduce_sum3A_1796 = arith.constant dense<0.000000e+00> : vector<32xf32>
      %reduce_sum3A_1797 = vector.multi_reduction <add>, %select_n3A_1795, %reduce_sum3A_1796 [1] : vector<32x128xf32> to vector<32xf32>
      %broadcast_in_dim3A_1798 = vector.shape_cast %reduce_sum3A_1797 : vector<32xf32> to vector<32x1xf32>
      %add3A_1799 = arith.addf %add3A_1771, %broadcast_in_dim3A_1798 : vector<32x1xf32>
      %reduce_sum3A_1800 = arith.constant dense<0.000000e+00> : vector<32xf32>
      %reduce_sum3A_1801 = vector.multi_reduction <add>, %convert_element_type3A_1781, %reduce_sum3A_1800 [1] : vector<32x128xf32> to vector<32xf32>
      %broadcast_in_dim3A_1802 = vector.shape_cast %reduce_sum3A_1801 : vector<32xf32> to vector<32x1xf32>
      %add3A_1803 = arith.addf %add3A_1775, %broadcast_in_dim3A_1802 : vector<32x1xf32>
      %slice3A_1804 = vector.extract_strided_slice %select_n3A_870 {offsets = [0, 4096], sizes = [32, 128], strides = [1, 1]} : vector<32x8960xi32> to vector<32x128xi32>
      %slice3A_1805 = vector.extract_strided_slice %get3A_865 {offsets = [0, 4096], sizes = [32, 128], strides = [1, 1]} : vector<32x8960xf32> to vector<32x128xf32>
      %eq3A_1806 = vector.broadcast %scan3A_885 : vector<32x1xi32> to vector<32x128xi32>
      %eq3A_1807 = arith.cmpi eq, %slice3A_1804, %eq3A_1806 : vector<32x128xi32>
      %convert_element_type3A_1808 = arith.extui %eq3A_1807 : vector<32x128xi1> to vector<32x128xi32>
      %convert_element_type3A_1809 = arith.sitofp %convert_element_type3A_1808 : vector<32x128xi32> to vector<32x128xf32>
      %dot_general3A_1810 = arith.constant dense<0.000000e+00> : vector<32x128xf32>
      %dot_general3A_1811 = tpu.matmul %convert_element_type3A_1809, %convert_element_type3A_904, %dot_general3A_1810 {dimension_numbers = #tpu.dot_dimension_numbers<[1], [0], [0], [1], [0, 0, 1, 1], [], []>, precision = #tpu.contract_precision<fp32>, transpose_lhs_hint = false} : vector<32x128xf32>, vector<128x128xf32>, vector<32x128xf32> -> vector<32x128xf32>
      %sub3A_1812 = arith.subf %dot_general3A_1811, %convert_element_type3A_1809 : vector<32x128xf32>
      %gt3A_1813 = arith.constant 0.000000e+00 : f32
      %gt3A_1814 = vector.broadcast %gt3A_1813 : f32 to vector<32x128xf32>
      %gt3A_1815 = arith.cmpf ogt, %convert_element_type3A_1809, %gt3A_1814 : vector<32x128xf32>
      %add3A_1816 = vector.broadcast %add3A_1803 : vector<32x1xf32> to vector<32x128xf32>
      %add3A_1817 = arith.addf %add3A_1816, %sub3A_1812 : vector<32x128xf32>
      %lt3A_1818 = vector.broadcast %sub3A_894 : vector<32x1xf32> to vector<32x128xf32>
      %lt3A_1819 = arith.cmpf olt, %add3A_1817, %lt3A_1818 : vector<32x128xf32>
      %and3A_1820 = arith.andi %gt3A_1815, %lt3A_1819 : vector<32x128xi1>
      %jit3A_1821 = arith.constant 0.000000e+00 : f32
      %broadcast_in_dim3A_1822 = vector.broadcast %jit3A_1821 : f32 to vector<32x128xf32>
      %select_n3A_1823 = arith.select %and3A_1820, %slice3A_1805, %broadcast_in_dim3A_1822 : vector<32x128xi1>, vector<32x128xf32>
      %reduce_sum3A_1824 = arith.constant dense<0.000000e+00> : vector<32xf32>
      %reduce_sum3A_1825 = vector.multi_reduction <add>, %select_n3A_1823, %reduce_sum3A_1824 [1] : vector<32x128xf32> to vector<32xf32>
      %broadcast_in_dim3A_1826 = vector.shape_cast %reduce_sum3A_1825 : vector<32xf32> to vector<32x1xf32>
      %add3A_1827 = arith.addf %add3A_1799, %broadcast_in_dim3A_1826 : vector<32x1xf32>
      %reduce_sum3A_1828 = arith.constant dense<0.000000e+00> : vector<32xf32>
      %reduce_sum3A_1829 = vector.multi_reduction <add>, %convert_element_type3A_1809, %reduce_sum3A_1828 [1] : vector<32x128xf32> to vector<32xf32>
      %broadcast_in_dim3A_1830 = vector.shape_cast %reduce_sum3A_1829 : vector<32xf32> to vector<32x1xf32>
      %add3A_1831 = arith.addf %add3A_1803, %broadcast_in_dim3A_1830 : vector<32x1xf32>
      %slice3A_1832 = vector.extract_strided_slice %select_n3A_870 {offsets = [0, 4224], sizes = [32, 128], strides = [1, 1]} : vector<32x8960xi32> to vector<32x128xi32>
      %slice3A_1833 = vector.extract_strided_slice %get3A_865 {offsets = [0, 4224], sizes = [32, 128], strides = [1, 1]} : vector<32x8960xf32> to vector<32x128xf32>
      %eq3A_1834 = vector.broadcast %scan3A_885 : vector<32x1xi32> to vector<32x128xi32>
      %eq3A_1835 = arith.cmpi eq, %slice3A_1832, %eq3A_1834 : vector<32x128xi32>
      %convert_element_type3A_1836 = arith.extui %eq3A_1835 : vector<32x128xi1> to vector<32x128xi32>
      %convert_element_type3A_1837 = arith.sitofp %convert_element_type3A_1836 : vector<32x128xi32> to vector<32x128xf32>
      %dot_general3A_1838 = arith.constant dense<0.000000e+00> : vector<32x128xf32>
      %dot_general3A_1839 = tpu.matmul %convert_element_type3A_1837, %convert_element_type3A_904, %dot_general3A_1838 {dimension_numbers = #tpu.dot_dimension_numbers<[1], [0], [0], [1], [0, 0, 1, 1], [], []>, precision = #tpu.contract_precision<fp32>, transpose_lhs_hint = false} : vector<32x128xf32>, vector<128x128xf32>, vector<32x128xf32> -> vector<32x128xf32>
      %sub3A_1840 = arith.subf %dot_general3A_1839, %convert_element_type3A_1837 : vector<32x128xf32>
      %gt3A_1841 = arith.constant 0.000000e+00 : f32
      %gt3A_1842 = vector.broadcast %gt3A_1841 : f32 to vector<32x128xf32>
      %gt3A_1843 = arith.cmpf ogt, %convert_element_type3A_1837, %gt3A_1842 : vector<32x128xf32>
      %add3A_1844 = vector.broadcast %add3A_1831 : vector<32x1xf32> to vector<32x128xf32>
      %add3A_1845 = arith.addf %add3A_1844, %sub3A_1840 : vector<32x128xf32>
      %lt3A_1846 = vector.broadcast %sub3A_894 : vector<32x1xf32> to vector<32x128xf32>
      %lt3A_1847 = arith.cmpf olt, %add3A_1845, %lt3A_1846 : vector<32x128xf32>
      %and3A_1848 = arith.andi %gt3A_1843, %lt3A_1847 : vector<32x128xi1>
      %jit3A_1849 = arith.constant 0.000000e+00 : f32
      %broadcast_in_dim3A_1850 = vector.broadcast %jit3A_1849 : f32 to vector<32x128xf32>
      %select_n3A_1851 = arith.select %and3A_1848, %slice3A_1833, %broadcast_in_dim3A_1850 : vector<32x128xi1>, vector<32x128xf32>
      %reduce_sum3A_1852 = arith.constant dense<0.000000e+00> : vector<32xf32>
      %reduce_sum3A_1853 = vector.multi_reduction <add>, %select_n3A_1851, %reduce_sum3A_1852 [1] : vector<32x128xf32> to vector<32xf32>
      %broadcast_in_dim3A_1854 = vector.shape_cast %reduce_sum3A_1853 : vector<32xf32> to vector<32x1xf32>
      %add3A_1855 = arith.addf %add3A_1827, %broadcast_in_dim3A_1854 : vector<32x1xf32>
      %reduce_sum3A_1856 = arith.constant dense<0.000000e+00> : vector<32xf32>
      %reduce_sum3A_1857 = vector.multi_reduction <add>, %convert_element_type3A_1837, %reduce_sum3A_1856 [1] : vector<32x128xf32> to vector<32xf32>
      %broadcast_in_dim3A_1858 = vector.shape_cast %reduce_sum3A_1857 : vector<32xf32> to vector<32x1xf32>
      %add3A_1859 = arith.addf %add3A_1831, %broadcast_in_dim3A_1858 : vector<32x1xf32>
      %slice3A_1860 = vector.extract_strided_slice %select_n3A_870 {offsets = [0, 4352], sizes = [32, 128], strides = [1, 1]} : vector<32x8960xi32> to vector<32x128xi32>
      %slice3A_1861 = vector.extract_strided_slice %get3A_865 {offsets = [0, 4352], sizes = [32, 128], strides = [1, 1]} : vector<32x8960xf32> to vector<32x128xf32>
      %eq3A_1862 = vector.broadcast %scan3A_885 : vector<32x1xi32> to vector<32x128xi32>
      %eq3A_1863 = arith.cmpi eq, %slice3A_1860, %eq3A_1862 : vector<32x128xi32>
      %convert_element_type3A_1864 = arith.extui %eq3A_1863 : vector<32x128xi1> to vector<32x128xi32>
      %convert_element_type3A_1865 = arith.sitofp %convert_element_type3A_1864 : vector<32x128xi32> to vector<32x128xf32>
      %dot_general3A_1866 = arith.constant dense<0.000000e+00> : vector<32x128xf32>
      %dot_general3A_1867 = tpu.matmul %convert_element_type3A_1865, %convert_element_type3A_904, %dot_general3A_1866 {dimension_numbers = #tpu.dot_dimension_numbers<[1], [0], [0], [1], [0, 0, 1, 1], [], []>, precision = #tpu.contract_precision<fp32>, transpose_lhs_hint = false} : vector<32x128xf32>, vector<128x128xf32>, vector<32x128xf32> -> vector<32x128xf32>
      %sub3A_1868 = arith.subf %dot_general3A_1867, %convert_element_type3A_1865 : vector<32x128xf32>
      %gt3A_1869 = arith.constant 0.000000e+00 : f32
      %gt3A_1870 = vector.broadcast %gt3A_1869 : f32 to vector<32x128xf32>
      %gt3A_1871 = arith.cmpf ogt, %convert_element_type3A_1865, %gt3A_1870 : vector<32x128xf32>
      %add3A_1872 = vector.broadcast %add3A_1859 : vector<32x1xf32> to vector<32x128xf32>
      %add3A_1873 = arith.addf %add3A_1872, %sub3A_1868 : vector<32x128xf32>
      %lt3A_1874 = vector.broadcast %sub3A_894 : vector<32x1xf32> to vector<32x128xf32>
      %lt3A_1875 = arith.cmpf olt, %add3A_1873, %lt3A_1874 : vector<32x128xf32>
      %and3A_1876 = arith.andi %gt3A_1871, %lt3A_1875 : vector<32x128xi1>
      %jit3A_1877 = arith.constant 0.000000e+00 : f32
      %broadcast_in_dim3A_1878 = vector.broadcast %jit3A_1877 : f32 to vector<32x128xf32>
      %select_n3A_1879 = arith.select %and3A_1876, %slice3A_1861, %broadcast_in_dim3A_1878 : vector<32x128xi1>, vector<32x128xf32>
      %reduce_sum3A_1880 = arith.constant dense<0.000000e+00> : vector<32xf32>
      %reduce_sum3A_1881 = vector.multi_reduction <add>, %select_n3A_1879, %reduce_sum3A_1880 [1] : vector<32x128xf32> to vector<32xf32>
      %broadcast_in_dim3A_1882 = vector.shape_cast %reduce_sum3A_1881 : vector<32xf32> to vector<32x1xf32>
      %add3A_1883 = arith.addf %add3A_1855, %broadcast_in_dim3A_1882 : vector<32x1xf32>
      %reduce_sum3A_1884 = arith.constant dense<0.000000e+00> : vector<32xf32>
      %reduce_sum3A_1885 = vector.multi_reduction <add>, %convert_element_type3A_1865, %reduce_sum3A_1884 [1] : vector<32x128xf32> to vector<32xf32>
      %broadcast_in_dim3A_1886 = vector.shape_cast %reduce_sum3A_1885 : vector<32xf32> to vector<32x1xf32>
      %add3A_1887 = arith.addf %add3A_1859, %broadcast_in_dim3A_1886 : vector<32x1xf32>
      %slice3A_1888 = vector.extract_strided_slice %select_n3A_870 {offsets = [0, 4480], sizes = [32, 128], strides = [1, 1]} : vector<32x8960xi32> to vector<32x128xi32>
      %slice3A_1889 = vector.extract_strided_slice %get3A_865 {offsets = [0, 4480], sizes = [32, 128], strides = [1, 1]} : vector<32x8960xf32> to vector<32x128xf32>
      %eq3A_1890 = vector.broadcast %scan3A_885 : vector<32x1xi32> to vector<32x128xi32>
      %eq3A_1891 = arith.cmpi eq, %slice3A_1888, %eq3A_1890 : vector<32x128xi32>
      %convert_element_type3A_1892 = arith.extui %eq3A_1891 : vector<32x128xi1> to vector<32x128xi32>
      %convert_element_type3A_1893 = arith.sitofp %convert_element_type3A_1892 : vector<32x128xi32> to vector<32x128xf32>
      %dot_general3A_1894 = arith.constant dense<0.000000e+00> : vector<32x128xf32>
      %dot_general3A_1895 = tpu.matmul %convert_element_type3A_1893, %convert_element_type3A_904, %dot_general3A_1894 {dimension_numbers = #tpu.dot_dimension_numbers<[1], [0], [0], [1], [0, 0, 1, 1], [], []>, precision = #tpu.contract_precision<fp32>, transpose_lhs_hint = false} : vector<32x128xf32>, vector<128x128xf32>, vector<32x128xf32> -> vector<32x128xf32>
      %sub3A_1896 = arith.subf %dot_general3A_1895, %convert_element_type3A_1893 : vector<32x128xf32>
      %gt3A_1897 = arith.constant 0.000000e+00 : f32
      %gt3A_1898 = vector.broadcast %gt3A_1897 : f32 to vector<32x128xf32>
      %gt3A_1899 = arith.cmpf ogt, %convert_element_type3A_1893, %gt3A_1898 : vector<32x128xf32>
      %add3A_1900 = vector.broadcast %add3A_1887 : vector<32x1xf32> to vector<32x128xf32>
      %add3A_1901 = arith.addf %add3A_1900, %sub3A_1896 : vector<32x128xf32>
      %lt3A_1902 = vector.broadcast %sub3A_894 : vector<32x1xf32> to vector<32x128xf32>
      %lt3A_1903 = arith.cmpf olt, %add3A_1901, %lt3A_1902 : vector<32x128xf32>
      %and3A_1904 = arith.andi %gt3A_1899, %lt3A_1903 : vector<32x128xi1>
      %jit3A_1905 = arith.constant 0.000000e+00 : f32
      %broadcast_in_dim3A_1906 = vector.broadcast %jit3A_1905 : f32 to vector<32x128xf32>
      %select_n3A_1907 = arith.select %and3A_1904, %slice3A_1889, %broadcast_in_dim3A_1906 : vector<32x128xi1>, vector<32x128xf32>
      %reduce_sum3A_1908 = arith.constant dense<0.000000e+00> : vector<32xf32>
      %reduce_sum3A_1909 = vector.multi_reduction <add>, %select_n3A_1907, %reduce_sum3A_1908 [1] : vector<32x128xf32> to vector<32xf32>
      %broadcast_in_dim3A_1910 = vector.shape_cast %reduce_sum3A_1909 : vector<32xf32> to vector<32x1xf32>
      %add3A_1911 = arith.addf %add3A_1883, %broadcast_in_dim3A_1910 : vector<32x1xf32>
      %reduce_sum3A_1912 = arith.constant dense<0.000000e+00> : vector<32xf32>
      %reduce_sum3A_1913 = vector.multi_reduction <add>, %convert_element_type3A_1893, %reduce_sum3A_1912 [1] : vector<32x128xf32> to vector<32xf32>
      %broadcast_in_dim3A_1914 = vector.shape_cast %reduce_sum3A_1913 : vector<32xf32> to vector<32x1xf32>
      %add3A_1915 = arith.addf %add3A_1887, %broadcast_in_dim3A_1914 : vector<32x1xf32>
      %slice3A_1916 = vector.extract_strided_slice %select_n3A_870 {offsets = [0, 4608], sizes = [32, 128], strides = [1, 1]} : vector<32x8960xi32> to vector<32x128xi32>
      %slice3A_1917 = vector.extract_strided_slice %get3A_865 {offsets = [0, 4608], sizes = [32, 128], strides = [1, 1]} : vector<32x8960xf32> to vector<32x128xf32>
      %eq3A_1918 = vector.broadcast %scan3A_885 : vector<32x1xi32> to vector<32x128xi32>
      %eq3A_1919 = arith.cmpi eq, %slice3A_1916, %eq3A_1918 : vector<32x128xi32>
      %convert_element_type3A_1920 = arith.extui %eq3A_1919 : vector<32x128xi1> to vector<32x128xi32>
      %convert_element_type3A_1921 = arith.sitofp %convert_element_type3A_1920 : vector<32x128xi32> to vector<32x128xf32>
      %dot_general3A_1922 = arith.constant dense<0.000000e+00> : vector<32x128xf32>
      %dot_general3A_1923 = tpu.matmul %convert_element_type3A_1921, %convert_element_type3A_904, %dot_general3A_1922 {dimension_numbers = #tpu.dot_dimension_numbers<[1], [0], [0], [1], [0, 0, 1, 1], [], []>, precision = #tpu.contract_precision<fp32>, transpose_lhs_hint = false} : vector<32x128xf32>, vector<128x128xf32>, vector<32x128xf32> -> vector<32x128xf32>
      %sub3A_1924 = arith.subf %dot_general3A_1923, %convert_element_type3A_1921 : vector<32x128xf32>
      %gt3A_1925 = arith.constant 0.000000e+00 : f32
      %gt3A_1926 = vector.broadcast %gt3A_1925 : f32 to vector<32x128xf32>
      %gt3A_1927 = arith.cmpf ogt, %convert_element_type3A_1921, %gt3A_1926 : vector<32x128xf32>
      %add3A_1928 = vector.broadcast %add3A_1915 : vector<32x1xf32> to vector<32x128xf32>
      %add3A_1929 = arith.addf %add3A_1928, %sub3A_1924 : vector<32x128xf32>
      %lt3A_1930 = vector.broadcast %sub3A_894 : vector<32x1xf32> to vector<32x128xf32>
      %lt3A_1931 = arith.cmpf olt, %add3A_1929, %lt3A_1930 : vector<32x128xf32>
      %and3A_1932 = arith.andi %gt3A_1927, %lt3A_1931 : vector<32x128xi1>
      %jit3A_1933 = arith.constant 0.000000e+00 : f32
      %broadcast_in_dim3A_1934 = vector.broadcast %jit3A_1933 : f32 to vector<32x128xf32>
      %select_n3A_1935 = arith.select %and3A_1932, %slice3A_1917, %broadcast_in_dim3A_1934 : vector<32x128xi1>, vector<32x128xf32>
      %reduce_sum3A_1936 = arith.constant dense<0.000000e+00> : vector<32xf32>
      %reduce_sum3A_1937 = vector.multi_reduction <add>, %select_n3A_1935, %reduce_sum3A_1936 [1] : vector<32x128xf32> to vector<32xf32>
      %broadcast_in_dim3A_1938 = vector.shape_cast %reduce_sum3A_1937 : vector<32xf32> to vector<32x1xf32>
      %add3A_1939 = arith.addf %add3A_1911, %broadcast_in_dim3A_1938 : vector<32x1xf32>
      %reduce_sum3A_1940 = arith.constant dense<0.000000e+00> : vector<32xf32>
      %reduce_sum3A_1941 = vector.multi_reduction <add>, %convert_element_type3A_1921, %reduce_sum3A_1940 [1] : vector<32x128xf32> to vector<32xf32>
      %broadcast_in_dim3A_1942 = vector.shape_cast %reduce_sum3A_1941 : vector<32xf32> to vector<32x1xf32>
      %add3A_1943 = arith.addf %add3A_1915, %broadcast_in_dim3A_1942 : vector<32x1xf32>
      %slice3A_1944 = vector.extract_strided_slice %select_n3A_870 {offsets = [0, 4736], sizes = [32, 128], strides = [1, 1]} : vector<32x8960xi32> to vector<32x128xi32>
      %slice3A_1945 = vector.extract_strided_slice %get3A_865 {offsets = [0, 4736], sizes = [32, 128], strides = [1, 1]} : vector<32x8960xf32> to vector<32x128xf32>
      %eq3A_1946 = vector.broadcast %scan3A_885 : vector<32x1xi32> to vector<32x128xi32>
      %eq3A_1947 = arith.cmpi eq, %slice3A_1944, %eq3A_1946 : vector<32x128xi32>
      %convert_element_type3A_1948 = arith.extui %eq3A_1947 : vector<32x128xi1> to vector<32x128xi32>
      %convert_element_type3A_1949 = arith.sitofp %convert_element_type3A_1948 : vector<32x128xi32> to vector<32x128xf32>
      %dot_general3A_1950 = arith.constant dense<0.000000e+00> : vector<32x128xf32>
      %dot_general3A_1951 = tpu.matmul %convert_element_type3A_1949, %convert_element_type3A_904, %dot_general3A_1950 {dimension_numbers = #tpu.dot_dimension_numbers<[1], [0], [0], [1], [0, 0, 1, 1], [], []>, precision = #tpu.contract_precision<fp32>, transpose_lhs_hint = false} : vector<32x128xf32>, vector<128x128xf32>, vector<32x128xf32> -> vector<32x128xf32>
      %sub3A_1952 = arith.subf %dot_general3A_1951, %convert_element_type3A_1949 : vector<32x128xf32>
      %gt3A_1953 = arith.constant 0.000000e+00 : f32
      %gt3A_1954 = vector.broadcast %gt3A_1953 : f32 to vector<32x128xf32>
      %gt3A_1955 = arith.cmpf ogt, %convert_element_type3A_1949, %gt3A_1954 : vector<32x128xf32>
      %add3A_1956 = vector.broadcast %add3A_1943 : vector<32x1xf32> to vector<32x128xf32>
      %add3A_1957 = arith.addf %add3A_1956, %sub3A_1952 : vector<32x128xf32>
      %lt3A_1958 = vector.broadcast %sub3A_894 : vector<32x1xf32> to vector<32x128xf32>
      %lt3A_1959 = arith.cmpf olt, %add3A_1957, %lt3A_1958 : vector<32x128xf32>
      %and3A_1960 = arith.andi %gt3A_1955, %lt3A_1959 : vector<32x128xi1>
      %jit3A_1961 = arith.constant 0.000000e+00 : f32
      %broadcast_in_dim3A_1962 = vector.broadcast %jit3A_1961 : f32 to vector<32x128xf32>
      %select_n3A_1963 = arith.select %and3A_1960, %slice3A_1945, %broadcast_in_dim3A_1962 : vector<32x128xi1>, vector<32x128xf32>
      %reduce_sum3A_1964 = arith.constant dense<0.000000e+00> : vector<32xf32>
      %reduce_sum3A_1965 = vector.multi_reduction <add>, %select_n3A_1963, %reduce_sum3A_1964 [1] : vector<32x128xf32> to vector<32xf32>
      %broadcast_in_dim3A_1966 = vector.shape_cast %reduce_sum3A_1965 : vector<32xf32> to vector<32x1xf32>
      %add3A_1967 = arith.addf %add3A_1939, %broadcast_in_dim3A_1966 : vector<32x1xf32>
      %reduce_sum3A_1968 = arith.constant dense<0.000000e+00> : vector<32xf32>
      %reduce_sum3A_1969 = vector.multi_reduction <add>, %convert_element_type3A_1949, %reduce_sum3A_1968 [1] : vector<32x128xf32> to vector<32xf32>
      %broadcast_in_dim3A_1970 = vector.shape_cast %reduce_sum3A_1969 : vector<32xf32> to vector<32x1xf32>
      %add3A_1971 = arith.addf %add3A_1943, %broadcast_in_dim3A_1970 : vector<32x1xf32>
      %slice3A_1972 = vector.extract_strided_slice %select_n3A_870 {offsets = [0, 4864], sizes = [32, 128], strides = [1, 1]} : vector<32x8960xi32> to vector<32x128xi32>
      %slice3A_1973 = vector.extract_strided_slice %get3A_865 {offsets = [0, 4864], sizes = [32, 128], strides = [1, 1]} : vector<32x8960xf32> to vector<32x128xf32>
      %eq3A_1974 = vector.broadcast %scan3A_885 : vector<32x1xi32> to vector<32x128xi32>
      %eq3A_1975 = arith.cmpi eq, %slice3A_1972, %eq3A_1974 : vector<32x128xi32>
      %convert_element_type3A_1976 = arith.extui %eq3A_1975 : vector<32x128xi1> to vector<32x128xi32>
      %convert_element_type3A_1977 = arith.sitofp %convert_element_type3A_1976 : vector<32x128xi32> to vector<32x128xf32>
      %dot_general3A_1978 = arith.constant dense<0.000000e+00> : vector<32x128xf32>
      %dot_general3A_1979 = tpu.matmul %convert_element_type3A_1977, %convert_element_type3A_904, %dot_general3A_1978 {dimension_numbers = #tpu.dot_dimension_numbers<[1], [0], [0], [1], [0, 0, 1, 1], [], []>, precision = #tpu.contract_precision<fp32>, transpose_lhs_hint = false} : vector<32x128xf32>, vector<128x128xf32>, vector<32x128xf32> -> vector<32x128xf32>
      %sub3A_1980 = arith.subf %dot_general3A_1979, %convert_element_type3A_1977 : vector<32x128xf32>
      %gt3A_1981 = arith.constant 0.000000e+00 : f32
      %gt3A_1982 = vector.broadcast %gt3A_1981 : f32 to vector<32x128xf32>
      %gt3A_1983 = arith.cmpf ogt, %convert_element_type3A_1977, %gt3A_1982 : vector<32x128xf32>
      %add3A_1984 = vector.broadcast %add3A_1971 : vector<32x1xf32> to vector<32x128xf32>
      %add3A_1985 = arith.addf %add3A_1984, %sub3A_1980 : vector<32x128xf32>
      %lt3A_1986 = vector.broadcast %sub3A_894 : vector<32x1xf32> to vector<32x128xf32>
      %lt3A_1987 = arith.cmpf olt, %add3A_1985, %lt3A_1986 : vector<32x128xf32>
      %and3A_1988 = arith.andi %gt3A_1983, %lt3A_1987 : vector<32x128xi1>
      %jit3A_1989 = arith.constant 0.000000e+00 : f32
      %broadcast_in_dim3A_1990 = vector.broadcast %jit3A_1989 : f32 to vector<32x128xf32>
      %select_n3A_1991 = arith.select %and3A_1988, %slice3A_1973, %broadcast_in_dim3A_1990 : vector<32x128xi1>, vector<32x128xf32>
      %reduce_sum3A_1992 = arith.constant dense<0.000000e+00> : vector<32xf32>
      %reduce_sum3A_1993 = vector.multi_reduction <add>, %select_n3A_1991, %reduce_sum3A_1992 [1] : vector<32x128xf32> to vector<32xf32>
      %broadcast_in_dim3A_1994 = vector.shape_cast %reduce_sum3A_1993 : vector<32xf32> to vector<32x1xf32>
      %add3A_1995 = arith.addf %add3A_1967, %broadcast_in_dim3A_1994 : vector<32x1xf32>
      %reduce_sum3A_1996 = arith.constant dense<0.000000e+00> : vector<32xf32>
      %reduce_sum3A_1997 = vector.multi_reduction <add>, %convert_element_type3A_1977, %reduce_sum3A_1996 [1] : vector<32x128xf32> to vector<32xf32>
      %broadcast_in_dim3A_1998 = vector.shape_cast %reduce_sum3A_1997 : vector<32xf32> to vector<32x1xf32>
      %add3A_1999 = arith.addf %add3A_1971, %broadcast_in_dim3A_1998 : vector<32x1xf32>
      %slice3A_2000 = vector.extract_strided_slice %select_n3A_870 {offsets = [0, 4992], sizes = [32, 128], strides = [1, 1]} : vector<32x8960xi32> to vector<32x128xi32>
      %slice3A_2001 = vector.extract_strided_slice %get3A_865 {offsets = [0, 4992], sizes = [32, 128], strides = [1, 1]} : vector<32x8960xf32> to vector<32x128xf32>
      %eq3A_2002 = vector.broadcast %scan3A_885 : vector<32x1xi32> to vector<32x128xi32>
      %eq3A_2003 = arith.cmpi eq, %slice3A_2000, %eq3A_2002 : vector<32x128xi32>
      %convert_element_type3A_2004 = arith.extui %eq3A_2003 : vector<32x128xi1> to vector<32x128xi32>
      %convert_element_type3A_2005 = arith.sitofp %convert_element_type3A_2004 : vector<32x128xi32> to vector<32x128xf32>
      %dot_general3A_2006 = arith.constant dense<0.000000e+00> : vector<32x128xf32>
      %dot_general3A_2007 = tpu.matmul %convert_element_type3A_2005, %convert_element_type3A_904, %dot_general3A_2006 {dimension_numbers = #tpu.dot_dimension_numbers<[1], [0], [0], [1], [0, 0, 1, 1], [], []>, precision = #tpu.contract_precision<fp32>, transpose_lhs_hint = false} : vector<32x128xf32>, vector<128x128xf32>, vector<32x128xf32> -> vector<32x128xf32>
      %sub3A_2008 = arith.subf %dot_general3A_2007, %convert_element_type3A_2005 : vector<32x128xf32>
      %gt3A_2009 = arith.constant 0.000000e+00 : f32
      %gt3A_2010 = vector.broadcast %gt3A_2009 : f32 to vector<32x128xf32>
      %gt3A_2011 = arith.cmpf ogt, %convert_element_type3A_2005, %gt3A_2010 : vector<32x128xf32>
      %add3A_2012 = vector.broadcast %add3A_1999 : vector<32x1xf32> to vector<32x128xf32>
      %add3A_2013 = arith.addf %add3A_2012, %sub3A_2008 : vector<32x128xf32>
      %lt3A_2014 = vector.broadcast %sub3A_894 : vector<32x1xf32> to vector<32x128xf32>
      %lt3A_2015 = arith.cmpf olt, %add3A_2013, %lt3A_2014 : vector<32x128xf32>
      %and3A_2016 = arith.andi %gt3A_2011, %lt3A_2015 : vector<32x128xi1>
      %jit3A_2017 = arith.constant 0.000000e+00 : f32
      %broadcast_in_dim3A_2018 = vector.broadcast %jit3A_2017 : f32 to vector<32x128xf32>
      %select_n3A_2019 = arith.select %and3A_2016, %slice3A_2001, %broadcast_in_dim3A_2018 : vector<32x128xi1>, vector<32x128xf32>
      %reduce_sum3A_2020 = arith.constant dense<0.000000e+00> : vector<32xf32>
      %reduce_sum3A_2021 = vector.multi_reduction <add>, %select_n3A_2019, %reduce_sum3A_2020 [1] : vector<32x128xf32> to vector<32xf32>
      %broadcast_in_dim3A_2022 = vector.shape_cast %reduce_sum3A_2021 : vector<32xf32> to vector<32x1xf32>
      %add3A_2023 = arith.addf %add3A_1995, %broadcast_in_dim3A_2022 : vector<32x1xf32>
      %reduce_sum3A_2024 = arith.constant dense<0.000000e+00> : vector<32xf32>
      %reduce_sum3A_2025 = vector.multi_reduction <add>, %convert_element_type3A_2005, %reduce_sum3A_2024 [1] : vector<32x128xf32> to vector<32xf32>
      %broadcast_in_dim3A_2026 = vector.shape_cast %reduce_sum3A_2025 : vector<32xf32> to vector<32x1xf32>
      %add3A_2027 = arith.addf %add3A_1999, %broadcast_in_dim3A_2026 : vector<32x1xf32>
      %slice3A_2028 = vector.extract_strided_slice %select_n3A_870 {offsets = [0, 5120], sizes = [32, 128], strides = [1, 1]} : vector<32x8960xi32> to vector<32x128xi32>
      %slice3A_2029 = vector.extract_strided_slice %get3A_865 {offsets = [0, 5120], sizes = [32, 128], strides = [1, 1]} : vector<32x8960xf32> to vector<32x128xf32>
      %eq3A_2030 = vector.broadcast %scan3A_885 : vector<32x1xi32> to vector<32x128xi32>
      %eq3A_2031 = arith.cmpi eq, %slice3A_2028, %eq3A_2030 : vector<32x128xi32>
      %convert_element_type3A_2032 = arith.extui %eq3A_2031 : vector<32x128xi1> to vector<32x128xi32>
      %convert_element_type3A_2033 = arith.sitofp %convert_element_type3A_2032 : vector<32x128xi32> to vector<32x128xf32>
      %dot_general3A_2034 = arith.constant dense<0.000000e+00> : vector<32x128xf32>
      %dot_general3A_2035 = tpu.matmul %convert_element_type3A_2033, %convert_element_type3A_904, %dot_general3A_2034 {dimension_numbers = #tpu.dot_dimension_numbers<[1], [0], [0], [1], [0, 0, 1, 1], [], []>, precision = #tpu.contract_precision<fp32>, transpose_lhs_hint = false} : vector<32x128xf32>, vector<128x128xf32>, vector<32x128xf32> -> vector<32x128xf32>
      %sub3A_2036 = arith.subf %dot_general3A_2035, %convert_element_type3A_2033 : vector<32x128xf32>
      %gt3A_2037 = arith.constant 0.000000e+00 : f32
      %gt3A_2038 = vector.broadcast %gt3A_2037 : f32 to vector<32x128xf32>
      %gt3A_2039 = arith.cmpf ogt, %convert_element_type3A_2033, %gt3A_2038 : vector<32x128xf32>
      %add3A_2040 = vector.broadcast %add3A_2027 : vector<32x1xf32> to vector<32x128xf32>
      %add3A_2041 = arith.addf %add3A_2040, %sub3A_2036 : vector<32x128xf32>
      %lt3A_2042 = vector.broadcast %sub3A_894 : vector<32x1xf32> to vector<32x128xf32>
      %lt3A_2043 = arith.cmpf olt, %add3A_2041, %lt3A_2042 : vector<32x128xf32>
      %and3A_2044 = arith.andi %gt3A_2039, %lt3A_2043 : vector<32x128xi1>
      %jit3A_2045 = arith.constant 0.000000e+00 : f32
      %broadcast_in_dim3A_2046 = vector.broadcast %jit3A_2045 : f32 to vector<32x128xf32>
      %select_n3A_2047 = arith.select %and3A_2044, %slice3A_2029, %broadcast_in_dim3A_2046 : vector<32x128xi1>, vector<32x128xf32>
      %reduce_sum3A_2048 = arith.constant dense<0.000000e+00> : vector<32xf32>
      %reduce_sum3A_2049 = vector.multi_reduction <add>, %select_n3A_2047, %reduce_sum3A_2048 [1] : vector<32x128xf32> to vector<32xf32>
      %broadcast_in_dim3A_2050 = vector.shape_cast %reduce_sum3A_2049 : vector<32xf32> to vector<32x1xf32>
      %add3A_2051 = arith.addf %add3A_2023, %broadcast_in_dim3A_2050 : vector<32x1xf32>
      %reduce_sum3A_2052 = arith.constant dense<0.000000e+00> : vector<32xf32>
      %reduce_sum3A_2053 = vector.multi_reduction <add>, %convert_element_type3A_2033, %reduce_sum3A_2052 [1] : vector<32x128xf32> to vector<32xf32>
      %broadcast_in_dim3A_2054 = vector.shape_cast %reduce_sum3A_2053 : vector<32xf32> to vector<32x1xf32>
      %add3A_2055 = arith.addf %add3A_2027, %broadcast_in_dim3A_2054 : vector<32x1xf32>
      %slice3A_2056 = vector.extract_strided_slice %select_n3A_870 {offsets = [0, 5248], sizes = [32, 128], strides = [1, 1]} : vector<32x8960xi32> to vector<32x128xi32>
      %slice3A_2057 = vector.extract_strided_slice %get3A_865 {offsets = [0, 5248], sizes = [32, 128], strides = [1, 1]} : vector<32x8960xf32> to vector<32x128xf32>
      %eq3A_2058 = vector.broadcast %scan3A_885 : vector<32x1xi32> to vector<32x128xi32>
      %eq3A_2059 = arith.cmpi eq, %slice3A_2056, %eq3A_2058 : vector<32x128xi32>
      %convert_element_type3A_2060 = arith.extui %eq3A_2059 : vector<32x128xi1> to vector<32x128xi32>
      %convert_element_type3A_2061 = arith.sitofp %convert_element_type3A_2060 : vector<32x128xi32> to vector<32x128xf32>
      %dot_general3A_2062 = arith.constant dense<0.000000e+00> : vector<32x128xf32>
      %dot_general3A_2063 = tpu.matmul %convert_element_type3A_2061, %convert_element_type3A_904, %dot_general3A_2062 {dimension_numbers = #tpu.dot_dimension_numbers<[1], [0], [0], [1], [0, 0, 1, 1], [], []>, precision = #tpu.contract_precision<fp32>, transpose_lhs_hint = false} : vector<32x128xf32>, vector<128x128xf32>, vector<32x128xf32> -> vector<32x128xf32>
      %sub3A_2064 = arith.subf %dot_general3A_2063, %convert_element_type3A_2061 : vector<32x128xf32>
      %gt3A_2065 = arith.constant 0.000000e+00 : f32
      %gt3A_2066 = vector.broadcast %gt3A_2065 : f32 to vector<32x128xf32>
      %gt3A_2067 = arith.cmpf ogt, %convert_element_type3A_2061, %gt3A_2066 : vector<32x128xf32>
      %add3A_2068 = vector.broadcast %add3A_2055 : vector<32x1xf32> to vector<32x128xf32>
      %add3A_2069 = arith.addf %add3A_2068, %sub3A_2064 : vector<32x128xf32>
      %lt3A_2070 = vector.broadcast %sub3A_894 : vector<32x1xf32> to vector<32x128xf32>
      %lt3A_2071 = arith.cmpf olt, %add3A_2069, %lt3A_2070 : vector<32x128xf32>
      %and3A_2072 = arith.andi %gt3A_2067, %lt3A_2071 : vector<32x128xi1>
      %jit3A_2073 = arith.constant 0.000000e+00 : f32
      %broadcast_in_dim3A_2074 = vector.broadcast %jit3A_2073 : f32 to vector<32x128xf32>
      %select_n3A_2075 = arith.select %and3A_2072, %slice3A_2057, %broadcast_in_dim3A_2074 : vector<32x128xi1>, vector<32x128xf32>
      %reduce_sum3A_2076 = arith.constant dense<0.000000e+00> : vector<32xf32>
      %reduce_sum3A_2077 = vector.multi_reduction <add>, %select_n3A_2075, %reduce_sum3A_2076 [1] : vector<32x128xf32> to vector<32xf32>
      %broadcast_in_dim3A_2078 = vector.shape_cast %reduce_sum3A_2077 : vector<32xf32> to vector<32x1xf32>
      %add3A_2079 = arith.addf %add3A_2051, %broadcast_in_dim3A_2078 : vector<32x1xf32>
      %reduce_sum3A_2080 = arith.constant dense<0.000000e+00> : vector<32xf32>
      %reduce_sum3A_2081 = vector.multi_reduction <add>, %convert_element_type3A_2061, %reduce_sum3A_2080 [1] : vector<32x128xf32> to vector<32xf32>
      %broadcast_in_dim3A_2082 = vector.shape_cast %reduce_sum3A_2081 : vector<32xf32> to vector<32x1xf32>
      %add3A_2083 = arith.addf %add3A_2055, %broadcast_in_dim3A_2082 : vector<32x1xf32>
      %slice3A_2084 = vector.extract_strided_slice %select_n3A_870 {offsets = [0, 5376], sizes = [32, 128], strides = [1, 1]} : vector<32x8960xi32> to vector<32x128xi32>
      %slice3A_2085 = vector.extract_strided_slice %get3A_865 {offsets = [0, 5376], sizes = [32, 128], strides = [1, 1]} : vector<32x8960xf32> to vector<32x128xf32>
      %eq3A_2086 = vector.broadcast %scan3A_885 : vector<32x1xi32> to vector<32x128xi32>
      %eq3A_2087 = arith.cmpi eq, %slice3A_2084, %eq3A_2086 : vector<32x128xi32>
      %convert_element_type3A_2088 = arith.extui %eq3A_2087 : vector<32x128xi1> to vector<32x128xi32>
      %convert_element_type3A_2089 = arith.sitofp %convert_element_type3A_2088 : vector<32x128xi32> to vector<32x128xf32>
      %dot_general3A_2090 = arith.constant dense<0.000000e+00> : vector<32x128xf32>
      %dot_general3A_2091 = tpu.matmul %convert_element_type3A_2089, %convert_element_type3A_904, %dot_general3A_2090 {dimension_numbers = #tpu.dot_dimension_numbers<[1], [0], [0], [1], [0, 0, 1, 1], [], []>, precision = #tpu.contract_precision<fp32>, transpose_lhs_hint = false} : vector<32x128xf32>, vector<128x128xf32>, vector<32x128xf32> -> vector<32x128xf32>
      %sub3A_2092 = arith.subf %dot_general3A_2091, %convert_element_type3A_2089 : vector<32x128xf32>
      %gt3A_2093 = arith.constant 0.000000e+00 : f32
      %gt3A_2094 = vector.broadcast %gt3A_2093 : f32 to vector<32x128xf32>
      %gt3A_2095 = arith.cmpf ogt, %convert_element_type3A_2089, %gt3A_2094 : vector<32x128xf32>
      %add3A_2096 = vector.broadcast %add3A_2083 : vector<32x1xf32> to vector<32x128xf32>
      %add3A_2097 = arith.addf %add3A_2096, %sub3A_2092 : vector<32x128xf32>
      %lt3A_2098 = vector.broadcast %sub3A_894 : vector<32x1xf32> to vector<32x128xf32>
      %lt3A_2099 = arith.cmpf olt, %add3A_2097, %lt3A_2098 : vector<32x128xf32>
      %and3A_2100 = arith.andi %gt3A_2095, %lt3A_2099 : vector<32x128xi1>
      %jit3A_2101 = arith.constant 0.000000e+00 : f32
      %broadcast_in_dim3A_2102 = vector.broadcast %jit3A_2101 : f32 to vector<32x128xf32>
      %select_n3A_2103 = arith.select %and3A_2100, %slice3A_2085, %broadcast_in_dim3A_2102 : vector<32x128xi1>, vector<32x128xf32>
      %reduce_sum3A_2104 = arith.constant dense<0.000000e+00> : vector<32xf32>
      %reduce_sum3A_2105 = vector.multi_reduction <add>, %select_n3A_2103, %reduce_sum3A_2104 [1] : vector<32x128xf32> to vector<32xf32>
      %broadcast_in_dim3A_2106 = vector.shape_cast %reduce_sum3A_2105 : vector<32xf32> to vector<32x1xf32>
      %add3A_2107 = arith.addf %add3A_2079, %broadcast_in_dim3A_2106 : vector<32x1xf32>
      %reduce_sum3A_2108 = arith.constant dense<0.000000e+00> : vector<32xf32>
      %reduce_sum3A_2109 = vector.multi_reduction <add>, %convert_element_type3A_2089, %reduce_sum3A_2108 [1] : vector<32x128xf32> to vector<32xf32>
      %broadcast_in_dim3A_2110 = vector.shape_cast %reduce_sum3A_2109 : vector<32xf32> to vector<32x1xf32>
      %add3A_2111 = arith.addf %add3A_2083, %broadcast_in_dim3A_2110 : vector<32x1xf32>
      %slice3A_2112 = vector.extract_strided_slice %select_n3A_870 {offsets = [0, 5504], sizes = [32, 128], strides = [1, 1]} : vector<32x8960xi32> to vector<32x128xi32>
      %slice3A_2113 = vector.extract_strided_slice %get3A_865 {offsets = [0, 5504], sizes = [32, 128], strides = [1, 1]} : vector<32x8960xf32> to vector<32x128xf32>
      %eq3A_2114 = vector.broadcast %scan3A_885 : vector<32x1xi32> to vector<32x128xi32>
      %eq3A_2115 = arith.cmpi eq, %slice3A_2112, %eq3A_2114 : vector<32x128xi32>
      %convert_element_type3A_2116 = arith.extui %eq3A_2115 : vector<32x128xi1> to vector<32x128xi32>
      %convert_element_type3A_2117 = arith.sitofp %convert_element_type3A_2116 : vector<32x128xi32> to vector<32x128xf32>
      %dot_general3A_2118 = arith.constant dense<0.000000e+00> : vector<32x128xf32>
      %dot_general3A_2119 = tpu.matmul %convert_element_type3A_2117, %convert_element_type3A_904, %dot_general3A_2118 {dimension_numbers = #tpu.dot_dimension_numbers<[1], [0], [0], [1], [0, 0, 1, 1], [], []>, precision = #tpu.contract_precision<fp32>, transpose_lhs_hint = false} : vector<32x128xf32>, vector<128x128xf32>, vector<32x128xf32> -> vector<32x128xf32>
      %sub3A_2120 = arith.subf %dot_general3A_2119, %convert_element_type3A_2117 : vector<32x128xf32>
      %gt3A_2121 = arith.constant 0.000000e+00 : f32
      %gt3A_2122 = vector.broadcast %gt3A_2121 : f32 to vector<32x128xf32>
      %gt3A_2123 = arith.cmpf ogt, %convert_element_type3A_2117, %gt3A_2122 : vector<32x128xf32>
      %add3A_2124 = vector.broadcast %add3A_2111 : vector<32x1xf32> to vector<32x128xf32>
      %add3A_2125 = arith.addf %add3A_2124, %sub3A_2120 : vector<32x128xf32>
      %lt3A_2126 = vector.broadcast %sub3A_894 : vector<32x1xf32> to vector<32x128xf32>
      %lt3A_2127 = arith.cmpf olt, %add3A_2125, %lt3A_2126 : vector<32x128xf32>
      %and3A_2128 = arith.andi %gt3A_2123, %lt3A_2127 : vector<32x128xi1>
      %jit3A_2129 = arith.constant 0.000000e+00 : f32
      %broadcast_in_dim3A_2130 = vector.broadcast %jit3A_2129 : f32 to vector<32x128xf32>
      %select_n3A_2131 = arith.select %and3A_2128, %slice3A_2113, %broadcast_in_dim3A_2130 : vector<32x128xi1>, vector<32x128xf32>
      %reduce_sum3A_2132 = arith.constant dense<0.000000e+00> : vector<32xf32>
      %reduce_sum3A_2133 = vector.multi_reduction <add>, %select_n3A_2131, %reduce_sum3A_2132 [1] : vector<32x128xf32> to vector<32xf32>
      %broadcast_in_dim3A_2134 = vector.shape_cast %reduce_sum3A_2133 : vector<32xf32> to vector<32x1xf32>
      %add3A_2135 = arith.addf %add3A_2107, %broadcast_in_dim3A_2134 : vector<32x1xf32>
      %reduce_sum3A_2136 = arith.constant dense<0.000000e+00> : vector<32xf32>
      %reduce_sum3A_2137 = vector.multi_reduction <add>, %convert_element_type3A_2117, %reduce_sum3A_2136 [1] : vector<32x128xf32> to vector<32xf32>
      %broadcast_in_dim3A_2138 = vector.shape_cast %reduce_sum3A_2137 : vector<32xf32> to vector<32x1xf32>
      %add3A_2139 = arith.addf %add3A_2111, %broadcast_in_dim3A_2138 : vector<32x1xf32>
      %slice3A_2140 = vector.extract_strided_slice %select_n3A_870 {offsets = [0, 5632], sizes = [32, 128], strides = [1, 1]} : vector<32x8960xi32> to vector<32x128xi32>
      %slice3A_2141 = vector.extract_strided_slice %get3A_865 {offsets = [0, 5632], sizes = [32, 128], strides = [1, 1]} : vector<32x8960xf32> to vector<32x128xf32>
      %eq3A_2142 = vector.broadcast %scan3A_885 : vector<32x1xi32> to vector<32x128xi32>
      %eq3A_2143 = arith.cmpi eq, %slice3A_2140, %eq3A_2142 : vector<32x128xi32>
      %convert_element_type3A_2144 = arith.extui %eq3A_2143 : vector<32x128xi1> to vector<32x128xi32>
      %convert_element_type3A_2145 = arith.sitofp %convert_element_type3A_2144 : vector<32x128xi32> to vector<32x128xf32>
      %dot_general3A_2146 = arith.constant dense<0.000000e+00> : vector<32x128xf32>
      %dot_general3A_2147 = tpu.matmul %convert_element_type3A_2145, %convert_element_type3A_904, %dot_general3A_2146 {dimension_numbers = #tpu.dot_dimension_numbers<[1], [0], [0], [1], [0, 0, 1, 1], [], []>, precision = #tpu.contract_precision<fp32>, transpose_lhs_hint = false} : vector<32x128xf32>, vector<128x128xf32>, vector<32x128xf32> -> vector<32x128xf32>
      %sub3A_2148 = arith.subf %dot_general3A_2147, %convert_element_type3A_2145 : vector<32x128xf32>
      %gt3A_2149 = arith.constant 0.000000e+00 : f32
      %gt3A_2150 = vector.broadcast %gt3A_2149 : f32 to vector<32x128xf32>
      %gt3A_2151 = arith.cmpf ogt, %convert_element_type3A_2145, %gt3A_2150 : vector<32x128xf32>
      %add3A_2152 = vector.broadcast %add3A_2139 : vector<32x1xf32> to vector<32x128xf32>
      %add3A_2153 = arith.addf %add3A_2152, %sub3A_2148 : vector<32x128xf32>
      %lt3A_2154 = vector.broadcast %sub3A_894 : vector<32x1xf32> to vector<32x128xf32>
      %lt3A_2155 = arith.cmpf olt, %add3A_2153, %lt3A_2154 : vector<32x128xf32>
      %and3A_2156 = arith.andi %gt3A_2151, %lt3A_2155 : vector<32x128xi1>
      %jit3A_2157 = arith.constant 0.000000e+00 : f32
      %broadcast_in_dim3A_2158 = vector.broadcast %jit3A_2157 : f32 to vector<32x128xf32>
      %select_n3A_2159 = arith.select %and3A_2156, %slice3A_2141, %broadcast_in_dim3A_2158 : vector<32x128xi1>, vector<32x128xf32>
      %reduce_sum3A_2160 = arith.constant dense<0.000000e+00> : vector<32xf32>
      %reduce_sum3A_2161 = vector.multi_reduction <add>, %select_n3A_2159, %reduce_sum3A_2160 [1] : vector<32x128xf32> to vector<32xf32>
      %broadcast_in_dim3A_2162 = vector.shape_cast %reduce_sum3A_2161 : vector<32xf32> to vector<32x1xf32>
      %add3A_2163 = arith.addf %add3A_2135, %broadcast_in_dim3A_2162 : vector<32x1xf32>
      %reduce_sum3A_2164 = arith.constant dense<0.000000e+00> : vector<32xf32>
      %reduce_sum3A_2165 = vector.multi_reduction <add>, %convert_element_type3A_2145, %reduce_sum3A_2164 [1] : vector<32x128xf32> to vector<32xf32>
      %broadcast_in_dim3A_2166 = vector.shape_cast %reduce_sum3A_2165 : vector<32xf32> to vector<32x1xf32>
      %add3A_2167 = arith.addf %add3A_2139, %broadcast_in_dim3A_2166 : vector<32x1xf32>
      %slice3A_2168 = vector.extract_strided_slice %select_n3A_870 {offsets = [0, 5760], sizes = [32, 128], strides = [1, 1]} : vector<32x8960xi32> to vector<32x128xi32>
      %slice3A_2169 = vector.extract_strided_slice %get3A_865 {offsets = [0, 5760], sizes = [32, 128], strides = [1, 1]} : vector<32x8960xf32> to vector<32x128xf32>
      %eq3A_2170 = vector.broadcast %scan3A_885 : vector<32x1xi32> to vector<32x128xi32>
      %eq3A_2171 = arith.cmpi eq, %slice3A_2168, %eq3A_2170 : vector<32x128xi32>
      %convert_element_type3A_2172 = arith.extui %eq3A_2171 : vector<32x128xi1> to vector<32x128xi32>
      %convert_element_type3A_2173 = arith.sitofp %convert_element_type3A_2172 : vector<32x128xi32> to vector<32x128xf32>
      %dot_general3A_2174 = arith.constant dense<0.000000e+00> : vector<32x128xf32>
      %dot_general3A_2175 = tpu.matmul %convert_element_type3A_2173, %convert_element_type3A_904, %dot_general3A_2174 {dimension_numbers = #tpu.dot_dimension_numbers<[1], [0], [0], [1], [0, 0, 1, 1], [], []>, precision = #tpu.contract_precision<fp32>, transpose_lhs_hint = false} : vector<32x128xf32>, vector<128x128xf32>, vector<32x128xf32> -> vector<32x128xf32>
      %sub3A_2176 = arith.subf %dot_general3A_2175, %convert_element_type3A_2173 : vector<32x128xf32>
      %gt3A_2177 = arith.constant 0.000000e+00 : f32
      %gt3A_2178 = vector.broadcast %gt3A_2177 : f32 to vector<32x128xf32>
      %gt3A_2179 = arith.cmpf ogt, %convert_element_type3A_2173, %gt3A_2178 : vector<32x128xf32>
      %add3A_2180 = vector.broadcast %add3A_2167 : vector<32x1xf32> to vector<32x128xf32>
      %add3A_2181 = arith.addf %add3A_2180, %sub3A_2176 : vector<32x128xf32>
      %lt3A_2182 = vector.broadcast %sub3A_894 : vector<32x1xf32> to vector<32x128xf32>
      %lt3A_2183 = arith.cmpf olt, %add3A_2181, %lt3A_2182 : vector<32x128xf32>
      %and3A_2184 = arith.andi %gt3A_2179, %lt3A_2183 : vector<32x128xi1>
      %jit3A_2185 = arith.constant 0.000000e+00 : f32
      %broadcast_in_dim3A_2186 = vector.broadcast %jit3A_2185 : f32 to vector<32x128xf32>
      %select_n3A_2187 = arith.select %and3A_2184, %slice3A_2169, %broadcast_in_dim3A_2186 : vector<32x128xi1>, vector<32x128xf32>
      %reduce_sum3A_2188 = arith.constant dense<0.000000e+00> : vector<32xf32>
      %reduce_sum3A_2189 = vector.multi_reduction <add>, %select_n3A_2187, %reduce_sum3A_2188 [1] : vector<32x128xf32> to vector<32xf32>
      %broadcast_in_dim3A_2190 = vector.shape_cast %reduce_sum3A_2189 : vector<32xf32> to vector<32x1xf32>
      %add3A_2191 = arith.addf %add3A_2163, %broadcast_in_dim3A_2190 : vector<32x1xf32>
      %reduce_sum3A_2192 = arith.constant dense<0.000000e+00> : vector<32xf32>
      %reduce_sum3A_2193 = vector.multi_reduction <add>, %convert_element_type3A_2173, %reduce_sum3A_2192 [1] : vector<32x128xf32> to vector<32xf32>
      %broadcast_in_dim3A_2194 = vector.shape_cast %reduce_sum3A_2193 : vector<32xf32> to vector<32x1xf32>
      %add3A_2195 = arith.addf %add3A_2167, %broadcast_in_dim3A_2194 : vector<32x1xf32>
      %slice3A_2196 = vector.extract_strided_slice %select_n3A_870 {offsets = [0, 5888], sizes = [32, 128], strides = [1, 1]} : vector<32x8960xi32> to vector<32x128xi32>
      %slice3A_2197 = vector.extract_strided_slice %get3A_865 {offsets = [0, 5888], sizes = [32, 128], strides = [1, 1]} : vector<32x8960xf32> to vector<32x128xf32>
      %eq3A_2198 = vector.broadcast %scan3A_885 : vector<32x1xi32> to vector<32x128xi32>
      %eq3A_2199 = arith.cmpi eq, %slice3A_2196, %eq3A_2198 : vector<32x128xi32>
      %convert_element_type3A_2200 = arith.extui %eq3A_2199 : vector<32x128xi1> to vector<32x128xi32>
      %convert_element_type3A_2201 = arith.sitofp %convert_element_type3A_2200 : vector<32x128xi32> to vector<32x128xf32>
      %dot_general3A_2202 = arith.constant dense<0.000000e+00> : vector<32x128xf32>
      %dot_general3A_2203 = tpu.matmul %convert_element_type3A_2201, %convert_element_type3A_904, %dot_general3A_2202 {dimension_numbers = #tpu.dot_dimension_numbers<[1], [0], [0], [1], [0, 0, 1, 1], [], []>, precision = #tpu.contract_precision<fp32>, transpose_lhs_hint = false} : vector<32x128xf32>, vector<128x128xf32>, vector<32x128xf32> -> vector<32x128xf32>
      %sub3A_2204 = arith.subf %dot_general3A_2203, %convert_element_type3A_2201 : vector<32x128xf32>
      %gt3A_2205 = arith.constant 0.000000e+00 : f32
      %gt3A_2206 = vector.broadcast %gt3A_2205 : f32 to vector<32x128xf32>
      %gt3A_2207 = arith.cmpf ogt, %convert_element_type3A_2201, %gt3A_2206 : vector<32x128xf32>
      %add3A_2208 = vector.broadcast %add3A_2195 : vector<32x1xf32> to vector<32x128xf32>
      %add3A_2209 = arith.addf %add3A_2208, %sub3A_2204 : vector<32x128xf32>
      %lt3A_2210 = vector.broadcast %sub3A_894 : vector<32x1xf32> to vector<32x128xf32>
      %lt3A_2211 = arith.cmpf olt, %add3A_2209, %lt3A_2210 : vector<32x128xf32>
      %and3A_2212 = arith.andi %gt3A_2207, %lt3A_2211 : vector<32x128xi1>
      %jit3A_2213 = arith.constant 0.000000e+00 : f32
      %broadcast_in_dim3A_2214 = vector.broadcast %jit3A_2213 : f32 to vector<32x128xf32>
      %select_n3A_2215 = arith.select %and3A_2212, %slice3A_2197, %broadcast_in_dim3A_2214 : vector<32x128xi1>, vector<32x128xf32>
      %reduce_sum3A_2216 = arith.constant dense<0.000000e+00> : vector<32xf32>
      %reduce_sum3A_2217 = vector.multi_reduction <add>, %select_n3A_2215, %reduce_sum3A_2216 [1] : vector<32x128xf32> to vector<32xf32>
      %broadcast_in_dim3A_2218 = vector.shape_cast %reduce_sum3A_2217 : vector<32xf32> to vector<32x1xf32>
      %add3A_2219 = arith.addf %add3A_2191, %broadcast_in_dim3A_2218 : vector<32x1xf32>
      %reduce_sum3A_2220 = arith.constant dense<0.000000e+00> : vector<32xf32>
      %reduce_sum3A_2221 = vector.multi_reduction <add>, %convert_element_type3A_2201, %reduce_sum3A_2220 [1] : vector<32x128xf32> to vector<32xf32>
      %broadcast_in_dim3A_2222 = vector.shape_cast %reduce_sum3A_2221 : vector<32xf32> to vector<32x1xf32>
      %add3A_2223 = arith.addf %add3A_2195, %broadcast_in_dim3A_2222 : vector<32x1xf32>
      %slice3A_2224 = vector.extract_strided_slice %select_n3A_870 {offsets = [0, 6016], sizes = [32, 128], strides = [1, 1]} : vector<32x8960xi32> to vector<32x128xi32>
      %slice3A_2225 = vector.extract_strided_slice %get3A_865 {offsets = [0, 6016], sizes = [32, 128], strides = [1, 1]} : vector<32x8960xf32> to vector<32x128xf32>
      %eq3A_2226 = vector.broadcast %scan3A_885 : vector<32x1xi32> to vector<32x128xi32>
      %eq3A_2227 = arith.cmpi eq, %slice3A_2224, %eq3A_2226 : vector<32x128xi32>
      %convert_element_type3A_2228 = arith.extui %eq3A_2227 : vector<32x128xi1> to vector<32x128xi32>
      %convert_element_type3A_2229 = arith.sitofp %convert_element_type3A_2228 : vector<32x128xi32> to vector<32x128xf32>
      %dot_general3A_2230 = arith.constant dense<0.000000e+00> : vector<32x128xf32>
      %dot_general3A_2231 = tpu.matmul %convert_element_type3A_2229, %convert_element_type3A_904, %dot_general3A_2230 {dimension_numbers = #tpu.dot_dimension_numbers<[1], [0], [0], [1], [0, 0, 1, 1], [], []>, precision = #tpu.contract_precision<fp32>, transpose_lhs_hint = false} : vector<32x128xf32>, vector<128x128xf32>, vector<32x128xf32> -> vector<32x128xf32>
      %sub3A_2232 = arith.subf %dot_general3A_2231, %convert_element_type3A_2229 : vector<32x128xf32>
      %gt3A_2233 = arith.constant 0.000000e+00 : f32
      %gt3A_2234 = vector.broadcast %gt3A_2233 : f32 to vector<32x128xf32>
      %gt3A_2235 = arith.cmpf ogt, %convert_element_type3A_2229, %gt3A_2234 : vector<32x128xf32>
      %add3A_2236 = vector.broadcast %add3A_2223 : vector<32x1xf32> to vector<32x128xf32>
      %add3A_2237 = arith.addf %add3A_2236, %sub3A_2232 : vector<32x128xf32>
      %lt3A_2238 = vector.broadcast %sub3A_894 : vector<32x1xf32> to vector<32x128xf32>
      %lt3A_2239 = arith.cmpf olt, %add3A_2237, %lt3A_2238 : vector<32x128xf32>
      %and3A_2240 = arith.andi %gt3A_2235, %lt3A_2239 : vector<32x128xi1>
      %jit3A_2241 = arith.constant 0.000000e+00 : f32
      %broadcast_in_dim3A_2242 = vector.broadcast %jit3A_2241 : f32 to vector<32x128xf32>
      %select_n3A_2243 = arith.select %and3A_2240, %slice3A_2225, %broadcast_in_dim3A_2242 : vector<32x128xi1>, vector<32x128xf32>
      %reduce_sum3A_2244 = arith.constant dense<0.000000e+00> : vector<32xf32>
      %reduce_sum3A_2245 = vector.multi_reduction <add>, %select_n3A_2243, %reduce_sum3A_2244 [1] : vector<32x128xf32> to vector<32xf32>
      %broadcast_in_dim3A_2246 = vector.shape_cast %reduce_sum3A_2245 : vector<32xf32> to vector<32x1xf32>
      %add3A_2247 = arith.addf %add3A_2219, %broadcast_in_dim3A_2246 : vector<32x1xf32>
      %reduce_sum3A_2248 = arith.constant dense<0.000000e+00> : vector<32xf32>
      %reduce_sum3A_2249 = vector.multi_reduction <add>, %convert_element_type3A_2229, %reduce_sum3A_2248 [1] : vector<32x128xf32> to vector<32xf32>
      %broadcast_in_dim3A_2250 = vector.shape_cast %reduce_sum3A_2249 : vector<32xf32> to vector<32x1xf32>
      %add3A_2251 = arith.addf %add3A_2223, %broadcast_in_dim3A_2250 : vector<32x1xf32>
      %slice3A_2252 = vector.extract_strided_slice %select_n3A_870 {offsets = [0, 6144], sizes = [32, 128], strides = [1, 1]} : vector<32x8960xi32> to vector<32x128xi32>
      %slice3A_2253 = vector.extract_strided_slice %get3A_865 {offsets = [0, 6144], sizes = [32, 128], strides = [1, 1]} : vector<32x8960xf32> to vector<32x128xf32>
      %eq3A_2254 = vector.broadcast %scan3A_885 : vector<32x1xi32> to vector<32x128xi32>
      %eq3A_2255 = arith.cmpi eq, %slice3A_2252, %eq3A_2254 : vector<32x128xi32>
      %convert_element_type3A_2256 = arith.extui %eq3A_2255 : vector<32x128xi1> to vector<32x128xi32>
      %convert_element_type3A_2257 = arith.sitofp %convert_element_type3A_2256 : vector<32x128xi32> to vector<32x128xf32>
      %dot_general3A_2258 = arith.constant dense<0.000000e+00> : vector<32x128xf32>
      %dot_general3A_2259 = tpu.matmul %convert_element_type3A_2257, %convert_element_type3A_904, %dot_general3A_2258 {dimension_numbers = #tpu.dot_dimension_numbers<[1], [0], [0], [1], [0, 0, 1, 1], [], []>, precision = #tpu.contract_precision<fp32>, transpose_lhs_hint = false} : vector<32x128xf32>, vector<128x128xf32>, vector<32x128xf32> -> vector<32x128xf32>
      %sub3A_2260 = arith.subf %dot_general3A_2259, %convert_element_type3A_2257 : vector<32x128xf32>
      %gt3A_2261 = arith.constant 0.000000e+00 : f32
      %gt3A_2262 = vector.broadcast %gt3A_2261 : f32 to vector<32x128xf32>
      %gt3A_2263 = arith.cmpf ogt, %convert_element_type3A_2257, %gt3A_2262 : vector<32x128xf32>
      %add3A_2264 = vector.broadcast %add3A_2251 : vector<32x1xf32> to vector<32x128xf32>
      %add3A_2265 = arith.addf %add3A_2264, %sub3A_2260 : vector<32x128xf32>
      %lt3A_2266 = vector.broadcast %sub3A_894 : vector<32x1xf32> to vector<32x128xf32>
      %lt3A_2267 = arith.cmpf olt, %add3A_2265, %lt3A_2266 : vector<32x128xf32>
      %and3A_2268 = arith.andi %gt3A_2263, %lt3A_2267 : vector<32x128xi1>
      %jit3A_2269 = arith.constant 0.000000e+00 : f32
      %broadcast_in_dim3A_2270 = vector.broadcast %jit3A_2269 : f32 to vector<32x128xf32>
      %select_n3A_2271 = arith.select %and3A_2268, %slice3A_2253, %broadcast_in_dim3A_2270 : vector<32x128xi1>, vector<32x128xf32>
      %reduce_sum3A_2272 = arith.constant dense<0.000000e+00> : vector<32xf32>
      %reduce_sum3A_2273 = vector.multi_reduction <add>, %select_n3A_2271, %reduce_sum3A_2272 [1] : vector<32x128xf32> to vector<32xf32>
      %broadcast_in_dim3A_2274 = vector.shape_cast %reduce_sum3A_2273 : vector<32xf32> to vector<32x1xf32>
      %add3A_2275 = arith.addf %add3A_2247, %broadcast_in_dim3A_2274 : vector<32x1xf32>
      %reduce_sum3A_2276 = arith.constant dense<0.000000e+00> : vector<32xf32>
      %reduce_sum3A_2277 = vector.multi_reduction <add>, %convert_element_type3A_2257, %reduce_sum3A_2276 [1] : vector<32x128xf32> to vector<32xf32>
      %broadcast_in_dim3A_2278 = vector.shape_cast %reduce_sum3A_2277 : vector<32xf32> to vector<32x1xf32>
      %add3A_2279 = arith.addf %add3A_2251, %broadcast_in_dim3A_2278 : vector<32x1xf32>
      %slice3A_2280 = vector.extract_strided_slice %select_n3A_870 {offsets = [0, 6272], sizes = [32, 128], strides = [1, 1]} : vector<32x8960xi32> to vector<32x128xi32>
      %slice3A_2281 = vector.extract_strided_slice %get3A_865 {offsets = [0, 6272], sizes = [32, 128], strides = [1, 1]} : vector<32x8960xf32> to vector<32x128xf32>
      %eq3A_2282 = vector.broadcast %scan3A_885 : vector<32x1xi32> to vector<32x128xi32>
      %eq3A_2283 = arith.cmpi eq, %slice3A_2280, %eq3A_2282 : vector<32x128xi32>
      %convert_element_type3A_2284 = arith.extui %eq3A_2283 : vector<32x128xi1> to vector<32x128xi32>
      %convert_element_type3A_2285 = arith.sitofp %convert_element_type3A_2284 : vector<32x128xi32> to vector<32x128xf32>
      %dot_general3A_2286 = arith.constant dense<0.000000e+00> : vector<32x128xf32>
      %dot_general3A_2287 = tpu.matmul %convert_element_type3A_2285, %convert_element_type3A_904, %dot_general3A_2286 {dimension_numbers = #tpu.dot_dimension_numbers<[1], [0], [0], [1], [0, 0, 1, 1], [], []>, precision = #tpu.contract_precision<fp32>, transpose_lhs_hint = false} : vector<32x128xf32>, vector<128x128xf32>, vector<32x128xf32> -> vector<32x128xf32>
      %sub3A_2288 = arith.subf %dot_general3A_2287, %convert_element_type3A_2285 : vector<32x128xf32>
      %gt3A_2289 = arith.constant 0.000000e+00 : f32
      %gt3A_2290 = vector.broadcast %gt3A_2289 : f32 to vector<32x128xf32>
      %gt3A_2291 = arith.cmpf ogt, %convert_element_type3A_2285, %gt3A_2290 : vector<32x128xf32>
      %add3A_2292 = vector.broadcast %add3A_2279 : vector<32x1xf32> to vector<32x128xf32>
      %add3A_2293 = arith.addf %add3A_2292, %sub3A_2288 : vector<32x128xf32>
      %lt3A_2294 = vector.broadcast %sub3A_894 : vector<32x1xf32> to vector<32x128xf32>
      %lt3A_2295 = arith.cmpf olt, %add3A_2293, %lt3A_2294 : vector<32x128xf32>
      %and3A_2296 = arith.andi %gt3A_2291, %lt3A_2295 : vector<32x128xi1>
      %jit3A_2297 = arith.constant 0.000000e+00 : f32
      %broadcast_in_dim3A_2298 = vector.broadcast %jit3A_2297 : f32 to vector<32x128xf32>
      %select_n3A_2299 = arith.select %and3A_2296, %slice3A_2281, %broadcast_in_dim3A_2298 : vector<32x128xi1>, vector<32x128xf32>
      %reduce_sum3A_2300 = arith.constant dense<0.000000e+00> : vector<32xf32>
      %reduce_sum3A_2301 = vector.multi_reduction <add>, %select_n3A_2299, %reduce_sum3A_2300 [1] : vector<32x128xf32> to vector<32xf32>
      %broadcast_in_dim3A_2302 = vector.shape_cast %reduce_sum3A_2301 : vector<32xf32> to vector<32x1xf32>
      %add3A_2303 = arith.addf %add3A_2275, %broadcast_in_dim3A_2302 : vector<32x1xf32>
      %reduce_sum3A_2304 = arith.constant dense<0.000000e+00> : vector<32xf32>
      %reduce_sum3A_2305 = vector.multi_reduction <add>, %convert_element_type3A_2285, %reduce_sum3A_2304 [1] : vector<32x128xf32> to vector<32xf32>
      %broadcast_in_dim3A_2306 = vector.shape_cast %reduce_sum3A_2305 : vector<32xf32> to vector<32x1xf32>
      %add3A_2307 = arith.addf %add3A_2279, %broadcast_in_dim3A_2306 : vector<32x1xf32>
      %slice3A_2308 = vector.extract_strided_slice %select_n3A_870 {offsets = [0, 6400], sizes = [32, 128], strides = [1, 1]} : vector<32x8960xi32> to vector<32x128xi32>
      %slice3A_2309 = vector.extract_strided_slice %get3A_865 {offsets = [0, 6400], sizes = [32, 128], strides = [1, 1]} : vector<32x8960xf32> to vector<32x128xf32>
      %eq3A_2310 = vector.broadcast %scan3A_885 : vector<32x1xi32> to vector<32x128xi32>
      %eq3A_2311 = arith.cmpi eq, %slice3A_2308, %eq3A_2310 : vector<32x128xi32>
      %convert_element_type3A_2312 = arith.extui %eq3A_2311 : vector<32x128xi1> to vector<32x128xi32>
      %convert_element_type3A_2313 = arith.sitofp %convert_element_type3A_2312 : vector<32x128xi32> to vector<32x128xf32>
      %dot_general3A_2314 = arith.constant dense<0.000000e+00> : vector<32x128xf32>
      %dot_general3A_2315 = tpu.matmul %convert_element_type3A_2313, %convert_element_type3A_904, %dot_general3A_2314 {dimension_numbers = #tpu.dot_dimension_numbers<[1], [0], [0], [1], [0, 0, 1, 1], [], []>, precision = #tpu.contract_precision<fp32>, transpose_lhs_hint = false} : vector<32x128xf32>, vector<128x128xf32>, vector<32x128xf32> -> vector<32x128xf32>
      %sub3A_2316 = arith.subf %dot_general3A_2315, %convert_element_type3A_2313 : vector<32x128xf32>
      %gt3A_2317 = arith.constant 0.000000e+00 : f32
      %gt3A_2318 = vector.broadcast %gt3A_2317 : f32 to vector<32x128xf32>
      %gt3A_2319 = arith.cmpf ogt, %convert_element_type3A_2313, %gt3A_2318 : vector<32x128xf32>
      %add3A_2320 = vector.broadcast %add3A_2307 : vector<32x1xf32> to vector<32x128xf32>
      %add3A_2321 = arith.addf %add3A_2320, %sub3A_2316 : vector<32x128xf32>
      %lt3A_2322 = vector.broadcast %sub3A_894 : vector<32x1xf32> to vector<32x128xf32>
      %lt3A_2323 = arith.cmpf olt, %add3A_2321, %lt3A_2322 : vector<32x128xf32>
      %and3A_2324 = arith.andi %gt3A_2319, %lt3A_2323 : vector<32x128xi1>
      %jit3A_2325 = arith.constant 0.000000e+00 : f32
      %broadcast_in_dim3A_2326 = vector.broadcast %jit3A_2325 : f32 to vector<32x128xf32>
      %select_n3A_2327 = arith.select %and3A_2324, %slice3A_2309, %broadcast_in_dim3A_2326 : vector<32x128xi1>, vector<32x128xf32>
      %reduce_sum3A_2328 = arith.constant dense<0.000000e+00> : vector<32xf32>
      %reduce_sum3A_2329 = vector.multi_reduction <add>, %select_n3A_2327, %reduce_sum3A_2328 [1] : vector<32x128xf32> to vector<32xf32>
      %broadcast_in_dim3A_2330 = vector.shape_cast %reduce_sum3A_2329 : vector<32xf32> to vector<32x1xf32>
      %add3A_2331 = arith.addf %add3A_2303, %broadcast_in_dim3A_2330 : vector<32x1xf32>
      %reduce_sum3A_2332 = arith.constant dense<0.000000e+00> : vector<32xf32>
      %reduce_sum3A_2333 = vector.multi_reduction <add>, %convert_element_type3A_2313, %reduce_sum3A_2332 [1] : vector<32x128xf32> to vector<32xf32>
      %broadcast_in_dim3A_2334 = vector.shape_cast %reduce_sum3A_2333 : vector<32xf32> to vector<32x1xf32>
      %add3A_2335 = arith.addf %add3A_2307, %broadcast_in_dim3A_2334 : vector<32x1xf32>
      %slice3A_2336 = vector.extract_strided_slice %select_n3A_870 {offsets = [0, 6528], sizes = [32, 128], strides = [1, 1]} : vector<32x8960xi32> to vector<32x128xi32>
      %slice3A_2337 = vector.extract_strided_slice %get3A_865 {offsets = [0, 6528], sizes = [32, 128], strides = [1, 1]} : vector<32x8960xf32> to vector<32x128xf32>
      %eq3A_2338 = vector.broadcast %scan3A_885 : vector<32x1xi32> to vector<32x128xi32>
      %eq3A_2339 = arith.cmpi eq, %slice3A_2336, %eq3A_2338 : vector<32x128xi32>
      %convert_element_type3A_2340 = arith.extui %eq3A_2339 : vector<32x128xi1> to vector<32x128xi32>
      %convert_element_type3A_2341 = arith.sitofp %convert_element_type3A_2340 : vector<32x128xi32> to vector<32x128xf32>
      %dot_general3A_2342 = arith.constant dense<0.000000e+00> : vector<32x128xf32>
      %dot_general3A_2343 = tpu.matmul %convert_element_type3A_2341, %convert_element_type3A_904, %dot_general3A_2342 {dimension_numbers = #tpu.dot_dimension_numbers<[1], [0], [0], [1], [0, 0, 1, 1], [], []>, precision = #tpu.contract_precision<fp32>, transpose_lhs_hint = false} : vector<32x128xf32>, vector<128x128xf32>, vector<32x128xf32> -> vector<32x128xf32>
      %sub3A_2344 = arith.subf %dot_general3A_2343, %convert_element_type3A_2341 : vector<32x128xf32>
      %gt3A_2345 = arith.constant 0.000000e+00 : f32
      %gt3A_2346 = vector.broadcast %gt3A_2345 : f32 to vector<32x128xf32>
      %gt3A_2347 = arith.cmpf ogt, %convert_element_type3A_2341, %gt3A_2346 : vector<32x128xf32>
      %add3A_2348 = vector.broadcast %add3A_2335 : vector<32x1xf32> to vector<32x128xf32>
      %add3A_2349 = arith.addf %add3A_2348, %sub3A_2344 : vector<32x128xf32>
      %lt3A_2350 = vector.broadcast %sub3A_894 : vector<32x1xf32> to vector<32x128xf32>
      %lt3A_2351 = arith.cmpf olt, %add3A_2349, %lt3A_2350 : vector<32x128xf32>
      %and3A_2352 = arith.andi %gt3A_2347, %lt3A_2351 : vector<32x128xi1>
      %jit3A_2353 = arith.constant 0.000000e+00 : f32
      %broadcast_in_dim3A_2354 = vector.broadcast %jit3A_2353 : f32 to vector<32x128xf32>
      %select_n3A_2355 = arith.select %and3A_2352, %slice3A_2337, %broadcast_in_dim3A_2354 : vector<32x128xi1>, vector<32x128xf32>
      %reduce_sum3A_2356 = arith.constant dense<0.000000e+00> : vector<32xf32>
      %reduce_sum3A_2357 = vector.multi_reduction <add>, %select_n3A_2355, %reduce_sum3A_2356 [1] : vector<32x128xf32> to vector<32xf32>
      %broadcast_in_dim3A_2358 = vector.shape_cast %reduce_sum3A_2357 : vector<32xf32> to vector<32x1xf32>
      %add3A_2359 = arith.addf %add3A_2331, %broadcast_in_dim3A_2358 : vector<32x1xf32>
      %reduce_sum3A_2360 = arith.constant dense<0.000000e+00> : vector<32xf32>
      %reduce_sum3A_2361 = vector.multi_reduction <add>, %convert_element_type3A_2341, %reduce_sum3A_2360 [1] : vector<32x128xf32> to vector<32xf32>
      %broadcast_in_dim3A_2362 = vector.shape_cast %reduce_sum3A_2361 : vector<32xf32> to vector<32x1xf32>
      %add3A_2363 = arith.addf %add3A_2335, %broadcast_in_dim3A_2362 : vector<32x1xf32>
      %slice3A_2364 = vector.extract_strided_slice %select_n3A_870 {offsets = [0, 6656], sizes = [32, 128], strides = [1, 1]} : vector<32x8960xi32> to vector<32x128xi32>
      %slice3A_2365 = vector.extract_strided_slice %get3A_865 {offsets = [0, 6656], sizes = [32, 128], strides = [1, 1]} : vector<32x8960xf32> to vector<32x128xf32>
      %eq3A_2366 = vector.broadcast %scan3A_885 : vector<32x1xi32> to vector<32x128xi32>
      %eq3A_2367 = arith.cmpi eq, %slice3A_2364, %eq3A_2366 : vector<32x128xi32>
      %convert_element_type3A_2368 = arith.extui %eq3A_2367 : vector<32x128xi1> to vector<32x128xi32>
      %convert_element_type3A_2369 = arith.sitofp %convert_element_type3A_2368 : vector<32x128xi32> to vector<32x128xf32>
      %dot_general3A_2370 = arith.constant dense<0.000000e+00> : vector<32x128xf32>
      %dot_general3A_2371 = tpu.matmul %convert_element_type3A_2369, %convert_element_type3A_904, %dot_general3A_2370 {dimension_numbers = #tpu.dot_dimension_numbers<[1], [0], [0], [1], [0, 0, 1, 1], [], []>, precision = #tpu.contract_precision<fp32>, transpose_lhs_hint = false} : vector<32x128xf32>, vector<128x128xf32>, vector<32x128xf32> -> vector<32x128xf32>
      %sub3A_2372 = arith.subf %dot_general3A_2371, %convert_element_type3A_2369 : vector<32x128xf32>
      %gt3A_2373 = arith.constant 0.000000e+00 : f32
      %gt3A_2374 = vector.broadcast %gt3A_2373 : f32 to vector<32x128xf32>
      %gt3A_2375 = arith.cmpf ogt, %convert_element_type3A_2369, %gt3A_2374 : vector<32x128xf32>
      %add3A_2376 = vector.broadcast %add3A_2363 : vector<32x1xf32> to vector<32x128xf32>
      %add3A_2377 = arith.addf %add3A_2376, %sub3A_2372 : vector<32x128xf32>
      %lt3A_2378 = vector.broadcast %sub3A_894 : vector<32x1xf32> to vector<32x128xf32>
      %lt3A_2379 = arith.cmpf olt, %add3A_2377, %lt3A_2378 : vector<32x128xf32>
      %and3A_2380 = arith.andi %gt3A_2375, %lt3A_2379 : vector<32x128xi1>
      %jit3A_2381 = arith.constant 0.000000e+00 : f32
      %broadcast_in_dim3A_2382 = vector.broadcast %jit3A_2381 : f32 to vector<32x128xf32>
      %select_n3A_2383 = arith.select %and3A_2380, %slice3A_2365, %broadcast_in_dim3A_2382 : vector<32x128xi1>, vector<32x128xf32>
      %reduce_sum3A_2384 = arith.constant dense<0.000000e+00> : vector<32xf32>
      %reduce_sum3A_2385 = vector.multi_reduction <add>, %select_n3A_2383, %reduce_sum3A_2384 [1] : vector<32x128xf32> to vector<32xf32>
      %broadcast_in_dim3A_2386 = vector.shape_cast %reduce_sum3A_2385 : vector<32xf32> to vector<32x1xf32>
      %add3A_2387 = arith.addf %add3A_2359, %broadcast_in_dim3A_2386 : vector<32x1xf32>
      %reduce_sum3A_2388 = arith.constant dense<0.000000e+00> : vector<32xf32>
      %reduce_sum3A_2389 = vector.multi_reduction <add>, %convert_element_type3A_2369, %reduce_sum3A_2388 [1] : vector<32x128xf32> to vector<32xf32>
      %broadcast_in_dim3A_2390 = vector.shape_cast %reduce_sum3A_2389 : vector<32xf32> to vector<32x1xf32>
      %add3A_2391 = arith.addf %add3A_2363, %broadcast_in_dim3A_2390 : vector<32x1xf32>
      %slice3A_2392 = vector.extract_strided_slice %select_n3A_870 {offsets = [0, 6784], sizes = [32, 128], strides = [1, 1]} : vector<32x8960xi32> to vector<32x128xi32>
      %slice3A_2393 = vector.extract_strided_slice %get3A_865 {offsets = [0, 6784], sizes = [32, 128], strides = [1, 1]} : vector<32x8960xf32> to vector<32x128xf32>
      %eq3A_2394 = vector.broadcast %scan3A_885 : vector<32x1xi32> to vector<32x128xi32>
      %eq3A_2395 = arith.cmpi eq, %slice3A_2392, %eq3A_2394 : vector<32x128xi32>
      %convert_element_type3A_2396 = arith.extui %eq3A_2395 : vector<32x128xi1> to vector<32x128xi32>
      %convert_element_type3A_2397 = arith.sitofp %convert_element_type3A_2396 : vector<32x128xi32> to vector<32x128xf32>
      %dot_general3A_2398 = arith.constant dense<0.000000e+00> : vector<32x128xf32>
      %dot_general3A_2399 = tpu.matmul %convert_element_type3A_2397, %convert_element_type3A_904, %dot_general3A_2398 {dimension_numbers = #tpu.dot_dimension_numbers<[1], [0], [0], [1], [0, 0, 1, 1], [], []>, precision = #tpu.contract_precision<fp32>, transpose_lhs_hint = false} : vector<32x128xf32>, vector<128x128xf32>, vector<32x128xf32> -> vector<32x128xf32>
      %sub3A_2400 = arith.subf %dot_general3A_2399, %convert_element_type3A_2397 : vector<32x128xf32>
      %gt3A_2401 = arith.constant 0.000000e+00 : f32
      %gt3A_2402 = vector.broadcast %gt3A_2401 : f32 to vector<32x128xf32>
      %gt3A_2403 = arith.cmpf ogt, %convert_element_type3A_2397, %gt3A_2402 : vector<32x128xf32>
      %add3A_2404 = vector.broadcast %add3A_2391 : vector<32x1xf32> to vector<32x128xf32>
      %add3A_2405 = arith.addf %add3A_2404, %sub3A_2400 : vector<32x128xf32>
      %lt3A_2406 = vector.broadcast %sub3A_894 : vector<32x1xf32> to vector<32x128xf32>
      %lt3A_2407 = arith.cmpf olt, %add3A_2405, %lt3A_2406 : vector<32x128xf32>
      %and3A_2408 = arith.andi %gt3A_2403, %lt3A_2407 : vector<32x128xi1>
      %jit3A_2409 = arith.constant 0.000000e+00 : f32
      %broadcast_in_dim3A_2410 = vector.broadcast %jit3A_2409 : f32 to vector<32x128xf32>
      %select_n3A_2411 = arith.select %and3A_2408, %slice3A_2393, %broadcast_in_dim3A_2410 : vector<32x128xi1>, vector<32x128xf32>
      %reduce_sum3A_2412 = arith.constant dense<0.000000e+00> : vector<32xf32>
      %reduce_sum3A_2413 = vector.multi_reduction <add>, %select_n3A_2411, %reduce_sum3A_2412 [1] : vector<32x128xf32> to vector<32xf32>
      %broadcast_in_dim3A_2414 = vector.shape_cast %reduce_sum3A_2413 : vector<32xf32> to vector<32x1xf32>
      %add3A_2415 = arith.addf %add3A_2387, %broadcast_in_dim3A_2414 : vector<32x1xf32>
      %reduce_sum3A_2416 = arith.constant dense<0.000000e+00> : vector<32xf32>
      %reduce_sum3A_2417 = vector.multi_reduction <add>, %convert_element_type3A_2397, %reduce_sum3A_2416 [1] : vector<32x128xf32> to vector<32xf32>
      %broadcast_in_dim3A_2418 = vector.shape_cast %reduce_sum3A_2417 : vector<32xf32> to vector<32x1xf32>
      %add3A_2419 = arith.addf %add3A_2391, %broadcast_in_dim3A_2418 : vector<32x1xf32>
      %slice3A_2420 = vector.extract_strided_slice %select_n3A_870 {offsets = [0, 6912], sizes = [32, 128], strides = [1, 1]} : vector<32x8960xi32> to vector<32x128xi32>
      %slice3A_2421 = vector.extract_strided_slice %get3A_865 {offsets = [0, 6912], sizes = [32, 128], strides = [1, 1]} : vector<32x8960xf32> to vector<32x128xf32>
      %eq3A_2422 = vector.broadcast %scan3A_885 : vector<32x1xi32> to vector<32x128xi32>
      %eq3A_2423 = arith.cmpi eq, %slice3A_2420, %eq3A_2422 : vector<32x128xi32>
      %convert_element_type3A_2424 = arith.extui %eq3A_2423 : vector<32x128xi1> to vector<32x128xi32>
      %convert_element_type3A_2425 = arith.sitofp %convert_element_type3A_2424 : vector<32x128xi32> to vector<32x128xf32>
      %dot_general3A_2426 = arith.constant dense<0.000000e+00> : vector<32x128xf32>
      %dot_general3A_2427 = tpu.matmul %convert_element_type3A_2425, %convert_element_type3A_904, %dot_general3A_2426 {dimension_numbers = #tpu.dot_dimension_numbers<[1], [0], [0], [1], [0, 0, 1, 1], [], []>, precision = #tpu.contract_precision<fp32>, transpose_lhs_hint = false} : vector<32x128xf32>, vector<128x128xf32>, vector<32x128xf32> -> vector<32x128xf32>
      %sub3A_2428 = arith.subf %dot_general3A_2427, %convert_element_type3A_2425 : vector<32x128xf32>
      %gt3A_2429 = arith.constant 0.000000e+00 : f32
      %gt3A_2430 = vector.broadcast %gt3A_2429 : f32 to vector<32x128xf32>
      %gt3A_2431 = arith.cmpf ogt, %convert_element_type3A_2425, %gt3A_2430 : vector<32x128xf32>
      %add3A_2432 = vector.broadcast %add3A_2419 : vector<32x1xf32> to vector<32x128xf32>
      %add3A_2433 = arith.addf %add3A_2432, %sub3A_2428 : vector<32x128xf32>
      %lt3A_2434 = vector.broadcast %sub3A_894 : vector<32x1xf32> to vector<32x128xf32>
      %lt3A_2435 = arith.cmpf olt, %add3A_2433, %lt3A_2434 : vector<32x128xf32>
      %and3A_2436 = arith.andi %gt3A_2431, %lt3A_2435 : vector<32x128xi1>
      %jit3A_2437 = arith.constant 0.000000e+00 : f32
      %broadcast_in_dim3A_2438 = vector.broadcast %jit3A_2437 : f32 to vector<32x128xf32>
      %select_n3A_2439 = arith.select %and3A_2436, %slice3A_2421, %broadcast_in_dim3A_2438 : vector<32x128xi1>, vector<32x128xf32>
      %reduce_sum3A_2440 = arith.constant dense<0.000000e+00> : vector<32xf32>
      %reduce_sum3A_2441 = vector.multi_reduction <add>, %select_n3A_2439, %reduce_sum3A_2440 [1] : vector<32x128xf32> to vector<32xf32>
      %broadcast_in_dim3A_2442 = vector.shape_cast %reduce_sum3A_2441 : vector<32xf32> to vector<32x1xf32>
      %add3A_2443 = arith.addf %add3A_2415, %broadcast_in_dim3A_2442 : vector<32x1xf32>
      %reduce_sum3A_2444 = arith.constant dense<0.000000e+00> : vector<32xf32>
      %reduce_sum3A_2445 = vector.multi_reduction <add>, %convert_element_type3A_2425, %reduce_sum3A_2444 [1] : vector<32x128xf32> to vector<32xf32>
      %broadcast_in_dim3A_2446 = vector.shape_cast %reduce_sum3A_2445 : vector<32xf32> to vector<32x1xf32>
      %add3A_2447 = arith.addf %add3A_2419, %broadcast_in_dim3A_2446 : vector<32x1xf32>
      %slice3A_2448 = vector.extract_strided_slice %select_n3A_870 {offsets = [0, 7040], sizes = [32, 128], strides = [1, 1]} : vector<32x8960xi32> to vector<32x128xi32>
      %slice3A_2449 = vector.extract_strided_slice %get3A_865 {offsets = [0, 7040], sizes = [32, 128], strides = [1, 1]} : vector<32x8960xf32> to vector<32x128xf32>
      %eq3A_2450 = vector.broadcast %scan3A_885 : vector<32x1xi32> to vector<32x128xi32>
      %eq3A_2451 = arith.cmpi eq, %slice3A_2448, %eq3A_2450 : vector<32x128xi32>
      %convert_element_type3A_2452 = arith.extui %eq3A_2451 : vector<32x128xi1> to vector<32x128xi32>
      %convert_element_type3A_2453 = arith.sitofp %convert_element_type3A_2452 : vector<32x128xi32> to vector<32x128xf32>
      %dot_general3A_2454 = arith.constant dense<0.000000e+00> : vector<32x128xf32>
      %dot_general3A_2455 = tpu.matmul %convert_element_type3A_2453, %convert_element_type3A_904, %dot_general3A_2454 {dimension_numbers = #tpu.dot_dimension_numbers<[1], [0], [0], [1], [0, 0, 1, 1], [], []>, precision = #tpu.contract_precision<fp32>, transpose_lhs_hint = false} : vector<32x128xf32>, vector<128x128xf32>, vector<32x128xf32> -> vector<32x128xf32>
      %sub3A_2456 = arith.subf %dot_general3A_2455, %convert_element_type3A_2453 : vector<32x128xf32>
      %gt3A_2457 = arith.constant 0.000000e+00 : f32
      %gt3A_2458 = vector.broadcast %gt3A_2457 : f32 to vector<32x128xf32>
      %gt3A_2459 = arith.cmpf ogt, %convert_element_type3A_2453, %gt3A_2458 : vector<32x128xf32>
      %add3A_2460 = vector.broadcast %add3A_2447 : vector<32x1xf32> to vector<32x128xf32>
      %add3A_2461 = arith.addf %add3A_2460, %sub3A_2456 : vector<32x128xf32>
      %lt3A_2462 = vector.broadcast %sub3A_894 : vector<32x1xf32> to vector<32x128xf32>
      %lt3A_2463 = arith.cmpf olt, %add3A_2461, %lt3A_2462 : vector<32x128xf32>
      %and3A_2464 = arith.andi %gt3A_2459, %lt3A_2463 : vector<32x128xi1>
      %jit3A_2465 = arith.constant 0.000000e+00 : f32
      %broadcast_in_dim3A_2466 = vector.broadcast %jit3A_2465 : f32 to vector<32x128xf32>
      %select_n3A_2467 = arith.select %and3A_2464, %slice3A_2449, %broadcast_in_dim3A_2466 : vector<32x128xi1>, vector<32x128xf32>
      %reduce_sum3A_2468 = arith.constant dense<0.000000e+00> : vector<32xf32>
      %reduce_sum3A_2469 = vector.multi_reduction <add>, %select_n3A_2467, %reduce_sum3A_2468 [1] : vector<32x128xf32> to vector<32xf32>
      %broadcast_in_dim3A_2470 = vector.shape_cast %reduce_sum3A_2469 : vector<32xf32> to vector<32x1xf32>
      %add3A_2471 = arith.addf %add3A_2443, %broadcast_in_dim3A_2470 : vector<32x1xf32>
      %reduce_sum3A_2472 = arith.constant dense<0.000000e+00> : vector<32xf32>
      %reduce_sum3A_2473 = vector.multi_reduction <add>, %convert_element_type3A_2453, %reduce_sum3A_2472 [1] : vector<32x128xf32> to vector<32xf32>
      %broadcast_in_dim3A_2474 = vector.shape_cast %reduce_sum3A_2473 : vector<32xf32> to vector<32x1xf32>
      %add3A_2475 = arith.addf %add3A_2447, %broadcast_in_dim3A_2474 : vector<32x1xf32>
      %slice3A_2476 = vector.extract_strided_slice %select_n3A_870 {offsets = [0, 7168], sizes = [32, 128], strides = [1, 1]} : vector<32x8960xi32> to vector<32x128xi32>
      %slice3A_2477 = vector.extract_strided_slice %get3A_865 {offsets = [0, 7168], sizes = [32, 128], strides = [1, 1]} : vector<32x8960xf32> to vector<32x128xf32>
      %eq3A_2478 = vector.broadcast %scan3A_885 : vector<32x1xi32> to vector<32x128xi32>
      %eq3A_2479 = arith.cmpi eq, %slice3A_2476, %eq3A_2478 : vector<32x128xi32>
      %convert_element_type3A_2480 = arith.extui %eq3A_2479 : vector<32x128xi1> to vector<32x128xi32>
      %convert_element_type3A_2481 = arith.sitofp %convert_element_type3A_2480 : vector<32x128xi32> to vector<32x128xf32>
      %dot_general3A_2482 = arith.constant dense<0.000000e+00> : vector<32x128xf32>
      %dot_general3A_2483 = tpu.matmul %convert_element_type3A_2481, %convert_element_type3A_904, %dot_general3A_2482 {dimension_numbers = #tpu.dot_dimension_numbers<[1], [0], [0], [1], [0, 0, 1, 1], [], []>, precision = #tpu.contract_precision<fp32>, transpose_lhs_hint = false} : vector<32x128xf32>, vector<128x128xf32>, vector<32x128xf32> -> vector<32x128xf32>
      %sub3A_2484 = arith.subf %dot_general3A_2483, %convert_element_type3A_2481 : vector<32x128xf32>
      %gt3A_2485 = arith.constant 0.000000e+00 : f32
      %gt3A_2486 = vector.broadcast %gt3A_2485 : f32 to vector<32x128xf32>
      %gt3A_2487 = arith.cmpf ogt, %convert_element_type3A_2481, %gt3A_2486 : vector<32x128xf32>
      %add3A_2488 = vector.broadcast %add3A_2475 : vector<32x1xf32> to vector<32x128xf32>
      %add3A_2489 = arith.addf %add3A_2488, %sub3A_2484 : vector<32x128xf32>
      %lt3A_2490 = vector.broadcast %sub3A_894 : vector<32x1xf32> to vector<32x128xf32>
      %lt3A_2491 = arith.cmpf olt, %add3A_2489, %lt3A_2490 : vector<32x128xf32>
      %and3A_2492 = arith.andi %gt3A_2487, %lt3A_2491 : vector<32x128xi1>
      %jit3A_2493 = arith.constant 0.000000e+00 : f32
      %broadcast_in_dim3A_2494 = vector.broadcast %jit3A_2493 : f32 to vector<32x128xf32>
      %select_n3A_2495 = arith.select %and3A_2492, %slice3A_2477, %broadcast_in_dim3A_2494 : vector<32x128xi1>, vector<32x128xf32>
      %reduce_sum3A_2496 = arith.constant dense<0.000000e+00> : vector<32xf32>
      %reduce_sum3A_2497 = vector.multi_reduction <add>, %select_n3A_2495, %reduce_sum3A_2496 [1] : vector<32x128xf32> to vector<32xf32>
      %broadcast_in_dim3A_2498 = vector.shape_cast %reduce_sum3A_2497 : vector<32xf32> to vector<32x1xf32>
      %add3A_2499 = arith.addf %add3A_2471, %broadcast_in_dim3A_2498 : vector<32x1xf32>
      %reduce_sum3A_2500 = arith.constant dense<0.000000e+00> : vector<32xf32>
      %reduce_sum3A_2501 = vector.multi_reduction <add>, %convert_element_type3A_2481, %reduce_sum3A_2500 [1] : vector<32x128xf32> to vector<32xf32>
      %broadcast_in_dim3A_2502 = vector.shape_cast %reduce_sum3A_2501 : vector<32xf32> to vector<32x1xf32>
      %add3A_2503 = arith.addf %add3A_2475, %broadcast_in_dim3A_2502 : vector<32x1xf32>
      %slice3A_2504 = vector.extract_strided_slice %select_n3A_870 {offsets = [0, 7296], sizes = [32, 128], strides = [1, 1]} : vector<32x8960xi32> to vector<32x128xi32>
      %slice3A_2505 = vector.extract_strided_slice %get3A_865 {offsets = [0, 7296], sizes = [32, 128], strides = [1, 1]} : vector<32x8960xf32> to vector<32x128xf32>
      %eq3A_2506 = vector.broadcast %scan3A_885 : vector<32x1xi32> to vector<32x128xi32>
      %eq3A_2507 = arith.cmpi eq, %slice3A_2504, %eq3A_2506 : vector<32x128xi32>
      %convert_element_type3A_2508 = arith.extui %eq3A_2507 : vector<32x128xi1> to vector<32x128xi32>
      %convert_element_type3A_2509 = arith.sitofp %convert_element_type3A_2508 : vector<32x128xi32> to vector<32x128xf32>
      %dot_general3A_2510 = arith.constant dense<0.000000e+00> : vector<32x128xf32>
      %dot_general3A_2511 = tpu.matmul %convert_element_type3A_2509, %convert_element_type3A_904, %dot_general3A_2510 {dimension_numbers = #tpu.dot_dimension_numbers<[1], [0], [0], [1], [0, 0, 1, 1], [], []>, precision = #tpu.contract_precision<fp32>, transpose_lhs_hint = false} : vector<32x128xf32>, vector<128x128xf32>, vector<32x128xf32> -> vector<32x128xf32>
      %sub3A_2512 = arith.subf %dot_general3A_2511, %convert_element_type3A_2509 : vector<32x128xf32>
      %gt3A_2513 = arith.constant 0.000000e+00 : f32
      %gt3A_2514 = vector.broadcast %gt3A_2513 : f32 to vector<32x128xf32>
      %gt3A_2515 = arith.cmpf ogt, %convert_element_type3A_2509, %gt3A_2514 : vector<32x128xf32>
      %add3A_2516 = vector.broadcast %add3A_2503 : vector<32x1xf32> to vector<32x128xf32>
      %add3A_2517 = arith.addf %add3A_2516, %sub3A_2512 : vector<32x128xf32>
      %lt3A_2518 = vector.broadcast %sub3A_894 : vector<32x1xf32> to vector<32x128xf32>
      %lt3A_2519 = arith.cmpf olt, %add3A_2517, %lt3A_2518 : vector<32x128xf32>
      %and3A_2520 = arith.andi %gt3A_2515, %lt3A_2519 : vector<32x128xi1>
      %jit3A_2521 = arith.constant 0.000000e+00 : f32
      %broadcast_in_dim3A_2522 = vector.broadcast %jit3A_2521 : f32 to vector<32x128xf32>
      %select_n3A_2523 = arith.select %and3A_2520, %slice3A_2505, %broadcast_in_dim3A_2522 : vector<32x128xi1>, vector<32x128xf32>
      %reduce_sum3A_2524 = arith.constant dense<0.000000e+00> : vector<32xf32>
      %reduce_sum3A_2525 = vector.multi_reduction <add>, %select_n3A_2523, %reduce_sum3A_2524 [1] : vector<32x128xf32> to vector<32xf32>
      %broadcast_in_dim3A_2526 = vector.shape_cast %reduce_sum3A_2525 : vector<32xf32> to vector<32x1xf32>
      %add3A_2527 = arith.addf %add3A_2499, %broadcast_in_dim3A_2526 : vector<32x1xf32>
      %reduce_sum3A_2528 = arith.constant dense<0.000000e+00> : vector<32xf32>
      %reduce_sum3A_2529 = vector.multi_reduction <add>, %convert_element_type3A_2509, %reduce_sum3A_2528 [1] : vector<32x128xf32> to vector<32xf32>
      %broadcast_in_dim3A_2530 = vector.shape_cast %reduce_sum3A_2529 : vector<32xf32> to vector<32x1xf32>
      %add3A_2531 = arith.addf %add3A_2503, %broadcast_in_dim3A_2530 : vector<32x1xf32>
      %slice3A_2532 = vector.extract_strided_slice %select_n3A_870 {offsets = [0, 7424], sizes = [32, 128], strides = [1, 1]} : vector<32x8960xi32> to vector<32x128xi32>
      %slice3A_2533 = vector.extract_strided_slice %get3A_865 {offsets = [0, 7424], sizes = [32, 128], strides = [1, 1]} : vector<32x8960xf32> to vector<32x128xf32>
      %eq3A_2534 = vector.broadcast %scan3A_885 : vector<32x1xi32> to vector<32x128xi32>
      %eq3A_2535 = arith.cmpi eq, %slice3A_2532, %eq3A_2534 : vector<32x128xi32>
      %convert_element_type3A_2536 = arith.extui %eq3A_2535 : vector<32x128xi1> to vector<32x128xi32>
      %convert_element_type3A_2537 = arith.sitofp %convert_element_type3A_2536 : vector<32x128xi32> to vector<32x128xf32>
      %dot_general3A_2538 = arith.constant dense<0.000000e+00> : vector<32x128xf32>
      %dot_general3A_2539 = tpu.matmul %convert_element_type3A_2537, %convert_element_type3A_904, %dot_general3A_2538 {dimension_numbers = #tpu.dot_dimension_numbers<[1], [0], [0], [1], [0, 0, 1, 1], [], []>, precision = #tpu.contract_precision<fp32>, transpose_lhs_hint = false} : vector<32x128xf32>, vector<128x128xf32>, vector<32x128xf32> -> vector<32x128xf32>
      %sub3A_2540 = arith.subf %dot_general3A_2539, %convert_element_type3A_2537 : vector<32x128xf32>
      %gt3A_2541 = arith.constant 0.000000e+00 : f32
      %gt3A_2542 = vector.broadcast %gt3A_2541 : f32 to vector<32x128xf32>
      %gt3A_2543 = arith.cmpf ogt, %convert_element_type3A_2537, %gt3A_2542 : vector<32x128xf32>
      %add3A_2544 = vector.broadcast %add3A_2531 : vector<32x1xf32> to vector<32x128xf32>
      %add3A_2545 = arith.addf %add3A_2544, %sub3A_2540 : vector<32x128xf32>
      %lt3A_2546 = vector.broadcast %sub3A_894 : vector<32x1xf32> to vector<32x128xf32>
      %lt3A_2547 = arith.cmpf olt, %add3A_2545, %lt3A_2546 : vector<32x128xf32>
      %and3A_2548 = arith.andi %gt3A_2543, %lt3A_2547 : vector<32x128xi1>
      %jit3A_2549 = arith.constant 0.000000e+00 : f32
      %broadcast_in_dim3A_2550 = vector.broadcast %jit3A_2549 : f32 to vector<32x128xf32>
      %select_n3A_2551 = arith.select %and3A_2548, %slice3A_2533, %broadcast_in_dim3A_2550 : vector<32x128xi1>, vector<32x128xf32>
      %reduce_sum3A_2552 = arith.constant dense<0.000000e+00> : vector<32xf32>
      %reduce_sum3A_2553 = vector.multi_reduction <add>, %select_n3A_2551, %reduce_sum3A_2552 [1] : vector<32x128xf32> to vector<32xf32>
      %broadcast_in_dim3A_2554 = vector.shape_cast %reduce_sum3A_2553 : vector<32xf32> to vector<32x1xf32>
      %add3A_2555 = arith.addf %add3A_2527, %broadcast_in_dim3A_2554 : vector<32x1xf32>
      %reduce_sum3A_2556 = arith.constant dense<0.000000e+00> : vector<32xf32>
      %reduce_sum3A_2557 = vector.multi_reduction <add>, %convert_element_type3A_2537, %reduce_sum3A_2556 [1] : vector<32x128xf32> to vector<32xf32>
      %broadcast_in_dim3A_2558 = vector.shape_cast %reduce_sum3A_2557 : vector<32xf32> to vector<32x1xf32>
      %add3A_2559 = arith.addf %add3A_2531, %broadcast_in_dim3A_2558 : vector<32x1xf32>
      %slice3A_2560 = vector.extract_strided_slice %select_n3A_870 {offsets = [0, 7552], sizes = [32, 128], strides = [1, 1]} : vector<32x8960xi32> to vector<32x128xi32>
      %slice3A_2561 = vector.extract_strided_slice %get3A_865 {offsets = [0, 7552], sizes = [32, 128], strides = [1, 1]} : vector<32x8960xf32> to vector<32x128xf32>
      %eq3A_2562 = vector.broadcast %scan3A_885 : vector<32x1xi32> to vector<32x128xi32>
      %eq3A_2563 = arith.cmpi eq, %slice3A_2560, %eq3A_2562 : vector<32x128xi32>
      %convert_element_type3A_2564 = arith.extui %eq3A_2563 : vector<32x128xi1> to vector<32x128xi32>
      %convert_element_type3A_2565 = arith.sitofp %convert_element_type3A_2564 : vector<32x128xi32> to vector<32x128xf32>
      %dot_general3A_2566 = arith.constant dense<0.000000e+00> : vector<32x128xf32>
      %dot_general3A_2567 = tpu.matmul %convert_element_type3A_2565, %convert_element_type3A_904, %dot_general3A_2566 {dimension_numbers = #tpu.dot_dimension_numbers<[1], [0], [0], [1], [0, 0, 1, 1], [], []>, precision = #tpu.contract_precision<fp32>, transpose_lhs_hint = false} : vector<32x128xf32>, vector<128x128xf32>, vector<32x128xf32> -> vector<32x128xf32>
      %sub3A_2568 = arith.subf %dot_general3A_2567, %convert_element_type3A_2565 : vector<32x128xf32>
      %gt3A_2569 = arith.constant 0.000000e+00 : f32
      %gt3A_2570 = vector.broadcast %gt3A_2569 : f32 to vector<32x128xf32>
      %gt3A_2571 = arith.cmpf ogt, %convert_element_type3A_2565, %gt3A_2570 : vector<32x128xf32>
      %add3A_2572 = vector.broadcast %add3A_2559 : vector<32x1xf32> to vector<32x128xf32>
      %add3A_2573 = arith.addf %add3A_2572, %sub3A_2568 : vector<32x128xf32>
      %lt3A_2574 = vector.broadcast %sub3A_894 : vector<32x1xf32> to vector<32x128xf32>
      %lt3A_2575 = arith.cmpf olt, %add3A_2573, %lt3A_2574 : vector<32x128xf32>
      %and3A_2576 = arith.andi %gt3A_2571, %lt3A_2575 : vector<32x128xi1>
      %jit3A_2577 = arith.constant 0.000000e+00 : f32
      %broadcast_in_dim3A_2578 = vector.broadcast %jit3A_2577 : f32 to vector<32x128xf32>
      %select_n3A_2579 = arith.select %and3A_2576, %slice3A_2561, %broadcast_in_dim3A_2578 : vector<32x128xi1>, vector<32x128xf32>
      %reduce_sum3A_2580 = arith.constant dense<0.000000e+00> : vector<32xf32>
      %reduce_sum3A_2581 = vector.multi_reduction <add>, %select_n3A_2579, %reduce_sum3A_2580 [1] : vector<32x128xf32> to vector<32xf32>
      %broadcast_in_dim3A_2582 = vector.shape_cast %reduce_sum3A_2581 : vector<32xf32> to vector<32x1xf32>
      %add3A_2583 = arith.addf %add3A_2555, %broadcast_in_dim3A_2582 : vector<32x1xf32>
      %reduce_sum3A_2584 = arith.constant dense<0.000000e+00> : vector<32xf32>
      %reduce_sum3A_2585 = vector.multi_reduction <add>, %convert_element_type3A_2565, %reduce_sum3A_2584 [1] : vector<32x128xf32> to vector<32xf32>
      %broadcast_in_dim3A_2586 = vector.shape_cast %reduce_sum3A_2585 : vector<32xf32> to vector<32x1xf32>
      %add3A_2587 = arith.addf %add3A_2559, %broadcast_in_dim3A_2586 : vector<32x1xf32>
      %slice3A_2588 = vector.extract_strided_slice %select_n3A_870 {offsets = [0, 7680], sizes = [32, 128], strides = [1, 1]} : vector<32x8960xi32> to vector<32x128xi32>
      %slice3A_2589 = vector.extract_strided_slice %get3A_865 {offsets = [0, 7680], sizes = [32, 128], strides = [1, 1]} : vector<32x8960xf32> to vector<32x128xf32>
      %eq3A_2590 = vector.broadcast %scan3A_885 : vector<32x1xi32> to vector<32x128xi32>
      %eq3A_2591 = arith.cmpi eq, %slice3A_2588, %eq3A_2590 : vector<32x128xi32>
      %convert_element_type3A_2592 = arith.extui %eq3A_2591 : vector<32x128xi1> to vector<32x128xi32>
      %convert_element_type3A_2593 = arith.sitofp %convert_element_type3A_2592 : vector<32x128xi32> to vector<32x128xf32>
      %dot_general3A_2594 = arith.constant dense<0.000000e+00> : vector<32x128xf32>
      %dot_general3A_2595 = tpu.matmul %convert_element_type3A_2593, %convert_element_type3A_904, %dot_general3A_2594 {dimension_numbers = #tpu.dot_dimension_numbers<[1], [0], [0], [1], [0, 0, 1, 1], [], []>, precision = #tpu.contract_precision<fp32>, transpose_lhs_hint = false} : vector<32x128xf32>, vector<128x128xf32>, vector<32x128xf32> -> vector<32x128xf32>
      %sub3A_2596 = arith.subf %dot_general3A_2595, %convert_element_type3A_2593 : vector<32x128xf32>
      %gt3A_2597 = arith.constant 0.000000e+00 : f32
      %gt3A_2598 = vector.broadcast %gt3A_2597 : f32 to vector<32x128xf32>
      %gt3A_2599 = arith.cmpf ogt, %convert_element_type3A_2593, %gt3A_2598 : vector<32x128xf32>
      %add3A_2600 = vector.broadcast %add3A_2587 : vector<32x1xf32> to vector<32x128xf32>
      %add3A_2601 = arith.addf %add3A_2600, %sub3A_2596 : vector<32x128xf32>
      %lt3A_2602 = vector.broadcast %sub3A_894 : vector<32x1xf32> to vector<32x128xf32>
      %lt3A_2603 = arith.cmpf olt, %add3A_2601, %lt3A_2602 : vector<32x128xf32>
      %and3A_2604 = arith.andi %gt3A_2599, %lt3A_2603 : vector<32x128xi1>
      %jit3A_2605 = arith.constant 0.000000e+00 : f32
      %broadcast_in_dim3A_2606 = vector.broadcast %jit3A_2605 : f32 to vector<32x128xf32>
      %select_n3A_2607 = arith.select %and3A_2604, %slice3A_2589, %broadcast_in_dim3A_2606 : vector<32x128xi1>, vector<32x128xf32>
      %reduce_sum3A_2608 = arith.constant dense<0.000000e+00> : vector<32xf32>
      %reduce_sum3A_2609 = vector.multi_reduction <add>, %select_n3A_2607, %reduce_sum3A_2608 [1] : vector<32x128xf32> to vector<32xf32>
      %broadcast_in_dim3A_2610 = vector.shape_cast %reduce_sum3A_2609 : vector<32xf32> to vector<32x1xf32>
      %add3A_2611 = arith.addf %add3A_2583, %broadcast_in_dim3A_2610 : vector<32x1xf32>
      %reduce_sum3A_2612 = arith.constant dense<0.000000e+00> : vector<32xf32>
      %reduce_sum3A_2613 = vector.multi_reduction <add>, %convert_element_type3A_2593, %reduce_sum3A_2612 [1] : vector<32x128xf32> to vector<32xf32>
      %broadcast_in_dim3A_2614 = vector.shape_cast %reduce_sum3A_2613 : vector<32xf32> to vector<32x1xf32>
      %add3A_2615 = arith.addf %add3A_2587, %broadcast_in_dim3A_2614 : vector<32x1xf32>
      %slice3A_2616 = vector.extract_strided_slice %select_n3A_870 {offsets = [0, 7808], sizes = [32, 128], strides = [1, 1]} : vector<32x8960xi32> to vector<32x128xi32>
      %slice3A_2617 = vector.extract_strided_slice %get3A_865 {offsets = [0, 7808], sizes = [32, 128], strides = [1, 1]} : vector<32x8960xf32> to vector<32x128xf32>
      %eq3A_2618 = vector.broadcast %scan3A_885 : vector<32x1xi32> to vector<32x128xi32>
      %eq3A_2619 = arith.cmpi eq, %slice3A_2616, %eq3A_2618 : vector<32x128xi32>
      %convert_element_type3A_2620 = arith.extui %eq3A_2619 : vector<32x128xi1> to vector<32x128xi32>
      %convert_element_type3A_2621 = arith.sitofp %convert_element_type3A_2620 : vector<32x128xi32> to vector<32x128xf32>
      %dot_general3A_2622 = arith.constant dense<0.000000e+00> : vector<32x128xf32>
      %dot_general3A_2623 = tpu.matmul %convert_element_type3A_2621, %convert_element_type3A_904, %dot_general3A_2622 {dimension_numbers = #tpu.dot_dimension_numbers<[1], [0], [0], [1], [0, 0, 1, 1], [], []>, precision = #tpu.contract_precision<fp32>, transpose_lhs_hint = false} : vector<32x128xf32>, vector<128x128xf32>, vector<32x128xf32> -> vector<32x128xf32>
      %sub3A_2624 = arith.subf %dot_general3A_2623, %convert_element_type3A_2621 : vector<32x128xf32>
      %gt3A_2625 = arith.constant 0.000000e+00 : f32
      %gt3A_2626 = vector.broadcast %gt3A_2625 : f32 to vector<32x128xf32>
      %gt3A_2627 = arith.cmpf ogt, %convert_element_type3A_2621, %gt3A_2626 : vector<32x128xf32>
      %add3A_2628 = vector.broadcast %add3A_2615 : vector<32x1xf32> to vector<32x128xf32>
      %add3A_2629 = arith.addf %add3A_2628, %sub3A_2624 : vector<32x128xf32>
      %lt3A_2630 = vector.broadcast %sub3A_894 : vector<32x1xf32> to vector<32x128xf32>
      %lt3A_2631 = arith.cmpf olt, %add3A_2629, %lt3A_2630 : vector<32x128xf32>
      %and3A_2632 = arith.andi %gt3A_2627, %lt3A_2631 : vector<32x128xi1>
      %jit3A_2633 = arith.constant 0.000000e+00 : f32
      %broadcast_in_dim3A_2634 = vector.broadcast %jit3A_2633 : f32 to vector<32x128xf32>
      %select_n3A_2635 = arith.select %and3A_2632, %slice3A_2617, %broadcast_in_dim3A_2634 : vector<32x128xi1>, vector<32x128xf32>
      %reduce_sum3A_2636 = arith.constant dense<0.000000e+00> : vector<32xf32>
      %reduce_sum3A_2637 = vector.multi_reduction <add>, %select_n3A_2635, %reduce_sum3A_2636 [1] : vector<32x128xf32> to vector<32xf32>
      %broadcast_in_dim3A_2638 = vector.shape_cast %reduce_sum3A_2637 : vector<32xf32> to vector<32x1xf32>
      %add3A_2639 = arith.addf %add3A_2611, %broadcast_in_dim3A_2638 : vector<32x1xf32>
      %reduce_sum3A_2640 = arith.constant dense<0.000000e+00> : vector<32xf32>
      %reduce_sum3A_2641 = vector.multi_reduction <add>, %convert_element_type3A_2621, %reduce_sum3A_2640 [1] : vector<32x128xf32> to vector<32xf32>
      %broadcast_in_dim3A_2642 = vector.shape_cast %reduce_sum3A_2641 : vector<32xf32> to vector<32x1xf32>
      %add3A_2643 = arith.addf %add3A_2615, %broadcast_in_dim3A_2642 : vector<32x1xf32>
      %slice3A_2644 = vector.extract_strided_slice %select_n3A_870 {offsets = [0, 7936], sizes = [32, 128], strides = [1, 1]} : vector<32x8960xi32> to vector<32x128xi32>
      %slice3A_2645 = vector.extract_strided_slice %get3A_865 {offsets = [0, 7936], sizes = [32, 128], strides = [1, 1]} : vector<32x8960xf32> to vector<32x128xf32>
      %eq3A_2646 = vector.broadcast %scan3A_885 : vector<32x1xi32> to vector<32x128xi32>
      %eq3A_2647 = arith.cmpi eq, %slice3A_2644, %eq3A_2646 : vector<32x128xi32>
      %convert_element_type3A_2648 = arith.extui %eq3A_2647 : vector<32x128xi1> to vector<32x128xi32>
      %convert_element_type3A_2649 = arith.sitofp %convert_element_type3A_2648 : vector<32x128xi32> to vector<32x128xf32>
      %dot_general3A_2650 = arith.constant dense<0.000000e+00> : vector<32x128xf32>
      %dot_general3A_2651 = tpu.matmul %convert_element_type3A_2649, %convert_element_type3A_904, %dot_general3A_2650 {dimension_numbers = #tpu.dot_dimension_numbers<[1], [0], [0], [1], [0, 0, 1, 1], [], []>, precision = #tpu.contract_precision<fp32>, transpose_lhs_hint = false} : vector<32x128xf32>, vector<128x128xf32>, vector<32x128xf32> -> vector<32x128xf32>
      %sub3A_2652 = arith.subf %dot_general3A_2651, %convert_element_type3A_2649 : vector<32x128xf32>
      %gt3A_2653 = arith.constant 0.000000e+00 : f32
      %gt3A_2654 = vector.broadcast %gt3A_2653 : f32 to vector<32x128xf32>
      %gt3A_2655 = arith.cmpf ogt, %convert_element_type3A_2649, %gt3A_2654 : vector<32x128xf32>
      %add3A_2656 = vector.broadcast %add3A_2643 : vector<32x1xf32> to vector<32x128xf32>
      %add3A_2657 = arith.addf %add3A_2656, %sub3A_2652 : vector<32x128xf32>
      %lt3A_2658 = vector.broadcast %sub3A_894 : vector<32x1xf32> to vector<32x128xf32>
      %lt3A_2659 = arith.cmpf olt, %add3A_2657, %lt3A_2658 : vector<32x128xf32>
      %and3A_2660 = arith.andi %gt3A_2655, %lt3A_2659 : vector<32x128xi1>
      %jit3A_2661 = arith.constant 0.000000e+00 : f32
      %broadcast_in_dim3A_2662 = vector.broadcast %jit3A_2661 : f32 to vector<32x128xf32>
      %select_n3A_2663 = arith.select %and3A_2660, %slice3A_2645, %broadcast_in_dim3A_2662 : vector<32x128xi1>, vector<32x128xf32>
      %reduce_sum3A_2664 = arith.constant dense<0.000000e+00> : vector<32xf32>
      %reduce_sum3A_2665 = vector.multi_reduction <add>, %select_n3A_2663, %reduce_sum3A_2664 [1] : vector<32x128xf32> to vector<32xf32>
      %broadcast_in_dim3A_2666 = vector.shape_cast %reduce_sum3A_2665 : vector<32xf32> to vector<32x1xf32>
      %add3A_2667 = arith.addf %add3A_2639, %broadcast_in_dim3A_2666 : vector<32x1xf32>
      %reduce_sum3A_2668 = arith.constant dense<0.000000e+00> : vector<32xf32>
      %reduce_sum3A_2669 = vector.multi_reduction <add>, %convert_element_type3A_2649, %reduce_sum3A_2668 [1] : vector<32x128xf32> to vector<32xf32>
      %broadcast_in_dim3A_2670 = vector.shape_cast %reduce_sum3A_2669 : vector<32xf32> to vector<32x1xf32>
      %add3A_2671 = arith.addf %add3A_2643, %broadcast_in_dim3A_2670 : vector<32x1xf32>
      %slice3A_2672 = vector.extract_strided_slice %select_n3A_870 {offsets = [0, 8064], sizes = [32, 128], strides = [1, 1]} : vector<32x8960xi32> to vector<32x128xi32>
      %slice3A_2673 = vector.extract_strided_slice %get3A_865 {offsets = [0, 8064], sizes = [32, 128], strides = [1, 1]} : vector<32x8960xf32> to vector<32x128xf32>
      %eq3A_2674 = vector.broadcast %scan3A_885 : vector<32x1xi32> to vector<32x128xi32>
      %eq3A_2675 = arith.cmpi eq, %slice3A_2672, %eq3A_2674 : vector<32x128xi32>
      %convert_element_type3A_2676 = arith.extui %eq3A_2675 : vector<32x128xi1> to vector<32x128xi32>
      %convert_element_type3A_2677 = arith.sitofp %convert_element_type3A_2676 : vector<32x128xi32> to vector<32x128xf32>
      %dot_general3A_2678 = arith.constant dense<0.000000e+00> : vector<32x128xf32>
      %dot_general3A_2679 = tpu.matmul %convert_element_type3A_2677, %convert_element_type3A_904, %dot_general3A_2678 {dimension_numbers = #tpu.dot_dimension_numbers<[1], [0], [0], [1], [0, 0, 1, 1], [], []>, precision = #tpu.contract_precision<fp32>, transpose_lhs_hint = false} : vector<32x128xf32>, vector<128x128xf32>, vector<32x128xf32> -> vector<32x128xf32>
      %sub3A_2680 = arith.subf %dot_general3A_2679, %convert_element_type3A_2677 : vector<32x128xf32>
      %gt3A_2681 = arith.constant 0.000000e+00 : f32
      %gt3A_2682 = vector.broadcast %gt3A_2681 : f32 to vector<32x128xf32>
      %gt3A_2683 = arith.cmpf ogt, %convert_element_type3A_2677, %gt3A_2682 : vector<32x128xf32>
      %add3A_2684 = vector.broadcast %add3A_2671 : vector<32x1xf32> to vector<32x128xf32>
      %add3A_2685 = arith.addf %add3A_2684, %sub3A_2680 : vector<32x128xf32>
      %lt3A_2686 = vector.broadcast %sub3A_894 : vector<32x1xf32> to vector<32x128xf32>
      %lt3A_2687 = arith.cmpf olt, %add3A_2685, %lt3A_2686 : vector<32x128xf32>
      %and3A_2688 = arith.andi %gt3A_2683, %lt3A_2687 : vector<32x128xi1>
      %jit3A_2689 = arith.constant 0.000000e+00 : f32
      %broadcast_in_dim3A_2690 = vector.broadcast %jit3A_2689 : f32 to vector<32x128xf32>
      %select_n3A_2691 = arith.select %and3A_2688, %slice3A_2673, %broadcast_in_dim3A_2690 : vector<32x128xi1>, vector<32x128xf32>
      %reduce_sum3A_2692 = arith.constant dense<0.000000e+00> : vector<32xf32>
      %reduce_sum3A_2693 = vector.multi_reduction <add>, %select_n3A_2691, %reduce_sum3A_2692 [1] : vector<32x128xf32> to vector<32xf32>
      %broadcast_in_dim3A_2694 = vector.shape_cast %reduce_sum3A_2693 : vector<32xf32> to vector<32x1xf32>
      %add3A_2695 = arith.addf %add3A_2667, %broadcast_in_dim3A_2694 : vector<32x1xf32>
      %reduce_sum3A_2696 = arith.constant dense<0.000000e+00> : vector<32xf32>
      %reduce_sum3A_2697 = vector.multi_reduction <add>, %convert_element_type3A_2677, %reduce_sum3A_2696 [1] : vector<32x128xf32> to vector<32xf32>
      %broadcast_in_dim3A_2698 = vector.shape_cast %reduce_sum3A_2697 : vector<32xf32> to vector<32x1xf32>
      %add3A_2699 = arith.addf %add3A_2671, %broadcast_in_dim3A_2698 : vector<32x1xf32>
      %slice3A_2700 = vector.extract_strided_slice %select_n3A_870 {offsets = [0, 8192], sizes = [32, 128], strides = [1, 1]} : vector<32x8960xi32> to vector<32x128xi32>
      %slice3A_2701 = vector.extract_strided_slice %get3A_865 {offsets = [0, 8192], sizes = [32, 128], strides = [1, 1]} : vector<32x8960xf32> to vector<32x128xf32>
      %eq3A_2702 = vector.broadcast %scan3A_885 : vector<32x1xi32> to vector<32x128xi32>
      %eq3A_2703 = arith.cmpi eq, %slice3A_2700, %eq3A_2702 : vector<32x128xi32>
      %convert_element_type3A_2704 = arith.extui %eq3A_2703 : vector<32x128xi1> to vector<32x128xi32>
      %convert_element_type3A_2705 = arith.sitofp %convert_element_type3A_2704 : vector<32x128xi32> to vector<32x128xf32>
      %dot_general3A_2706 = arith.constant dense<0.000000e+00> : vector<32x128xf32>
      %dot_general3A_2707 = tpu.matmul %convert_element_type3A_2705, %convert_element_type3A_904, %dot_general3A_2706 {dimension_numbers = #tpu.dot_dimension_numbers<[1], [0], [0], [1], [0, 0, 1, 1], [], []>, precision = #tpu.contract_precision<fp32>, transpose_lhs_hint = false} : vector<32x128xf32>, vector<128x128xf32>, vector<32x128xf32> -> vector<32x128xf32>
      %sub3A_2708 = arith.subf %dot_general3A_2707, %convert_element_type3A_2705 : vector<32x128xf32>
      %gt3A_2709 = arith.constant 0.000000e+00 : f32
      %gt3A_2710 = vector.broadcast %gt3A_2709 : f32 to vector<32x128xf32>
      %gt3A_2711 = arith.cmpf ogt, %convert_element_type3A_2705, %gt3A_2710 : vector<32x128xf32>
      %add3A_2712 = vector.broadcast %add3A_2699 : vector<32x1xf32> to vector<32x128xf32>
      %add3A_2713 = arith.addf %add3A_2712, %sub3A_2708 : vector<32x128xf32>
      %lt3A_2714 = vector.broadcast %sub3A_894 : vector<32x1xf32> to vector<32x128xf32>
      %lt3A_2715 = arith.cmpf olt, %add3A_2713, %lt3A_2714 : vector<32x128xf32>
      %and3A_2716 = arith.andi %gt3A_2711, %lt3A_2715 : vector<32x128xi1>
      %jit3A_2717 = arith.constant 0.000000e+00 : f32
      %broadcast_in_dim3A_2718 = vector.broadcast %jit3A_2717 : f32 to vector<32x128xf32>
      %select_n3A_2719 = arith.select %and3A_2716, %slice3A_2701, %broadcast_in_dim3A_2718 : vector<32x128xi1>, vector<32x128xf32>
      %reduce_sum3A_2720 = arith.constant dense<0.000000e+00> : vector<32xf32>
      %reduce_sum3A_2721 = vector.multi_reduction <add>, %select_n3A_2719, %reduce_sum3A_2720 [1] : vector<32x128xf32> to vector<32xf32>
      %broadcast_in_dim3A_2722 = vector.shape_cast %reduce_sum3A_2721 : vector<32xf32> to vector<32x1xf32>
      %add3A_2723 = arith.addf %add3A_2695, %broadcast_in_dim3A_2722 : vector<32x1xf32>
      %reduce_sum3A_2724 = arith.constant dense<0.000000e+00> : vector<32xf32>
      %reduce_sum3A_2725 = vector.multi_reduction <add>, %convert_element_type3A_2705, %reduce_sum3A_2724 [1] : vector<32x128xf32> to vector<32xf32>
      %broadcast_in_dim3A_2726 = vector.shape_cast %reduce_sum3A_2725 : vector<32xf32> to vector<32x1xf32>
      %add3A_2727 = arith.addf %add3A_2699, %broadcast_in_dim3A_2726 : vector<32x1xf32>
      %slice3A_2728 = vector.extract_strided_slice %select_n3A_870 {offsets = [0, 8320], sizes = [32, 128], strides = [1, 1]} : vector<32x8960xi32> to vector<32x128xi32>
      %slice3A_2729 = vector.extract_strided_slice %get3A_865 {offsets = [0, 8320], sizes = [32, 128], strides = [1, 1]} : vector<32x8960xf32> to vector<32x128xf32>
      %eq3A_2730 = vector.broadcast %scan3A_885 : vector<32x1xi32> to vector<32x128xi32>
      %eq3A_2731 = arith.cmpi eq, %slice3A_2728, %eq3A_2730 : vector<32x128xi32>
      %convert_element_type3A_2732 = arith.extui %eq3A_2731 : vector<32x128xi1> to vector<32x128xi32>
      %convert_element_type3A_2733 = arith.sitofp %convert_element_type3A_2732 : vector<32x128xi32> to vector<32x128xf32>
      %dot_general3A_2734 = arith.constant dense<0.000000e+00> : vector<32x128xf32>
      %dot_general3A_2735 = tpu.matmul %convert_element_type3A_2733, %convert_element_type3A_904, %dot_general3A_2734 {dimension_numbers = #tpu.dot_dimension_numbers<[1], [0], [0], [1], [0, 0, 1, 1], [], []>, precision = #tpu.contract_precision<fp32>, transpose_lhs_hint = false} : vector<32x128xf32>, vector<128x128xf32>, vector<32x128xf32> -> vector<32x128xf32>
      %sub3A_2736 = arith.subf %dot_general3A_2735, %convert_element_type3A_2733 : vector<32x128xf32>
      %gt3A_2737 = arith.constant 0.000000e+00 : f32
      %gt3A_2738 = vector.broadcast %gt3A_2737 : f32 to vector<32x128xf32>
      %gt3A_2739 = arith.cmpf ogt, %convert_element_type3A_2733, %gt3A_2738 : vector<32x128xf32>
      %add3A_2740 = vector.broadcast %add3A_2727 : vector<32x1xf32> to vector<32x128xf32>
      %add3A_2741 = arith.addf %add3A_2740, %sub3A_2736 : vector<32x128xf32>
      %lt3A_2742 = vector.broadcast %sub3A_894 : vector<32x1xf32> to vector<32x128xf32>
      %lt3A_2743 = arith.cmpf olt, %add3A_2741, %lt3A_2742 : vector<32x128xf32>
      %and3A_2744 = arith.andi %gt3A_2739, %lt3A_2743 : vector<32x128xi1>
      %jit3A_2745 = arith.constant 0.000000e+00 : f32
      %broadcast_in_dim3A_2746 = vector.broadcast %jit3A_2745 : f32 to vector<32x128xf32>
      %select_n3A_2747 = arith.select %and3A_2744, %slice3A_2729, %broadcast_in_dim3A_2746 : vector<32x128xi1>, vector<32x128xf32>
      %reduce_sum3A_2748 = arith.constant dense<0.000000e+00> : vector<32xf32>
      %reduce_sum3A_2749 = vector.multi_reduction <add>, %select_n3A_2747, %reduce_sum3A_2748 [1] : vector<32x128xf32> to vector<32xf32>
      %broadcast_in_dim3A_2750 = vector.shape_cast %reduce_sum3A_2749 : vector<32xf32> to vector<32x1xf32>
      %add3A_2751 = arith.addf %add3A_2723, %broadcast_in_dim3A_2750 : vector<32x1xf32>
      %reduce_sum3A_2752 = arith.constant dense<0.000000e+00> : vector<32xf32>
      %reduce_sum3A_2753 = vector.multi_reduction <add>, %convert_element_type3A_2733, %reduce_sum3A_2752 [1] : vector<32x128xf32> to vector<32xf32>
      %broadcast_in_dim3A_2754 = vector.shape_cast %reduce_sum3A_2753 : vector<32xf32> to vector<32x1xf32>
      %add3A_2755 = arith.addf %add3A_2727, %broadcast_in_dim3A_2754 : vector<32x1xf32>
      %slice3A_2756 = vector.extract_strided_slice %select_n3A_870 {offsets = [0, 8448], sizes = [32, 128], strides = [1, 1]} : vector<32x8960xi32> to vector<32x128xi32>
      %slice3A_2757 = vector.extract_strided_slice %get3A_865 {offsets = [0, 8448], sizes = [32, 128], strides = [1, 1]} : vector<32x8960xf32> to vector<32x128xf32>
      %eq3A_2758 = vector.broadcast %scan3A_885 : vector<32x1xi32> to vector<32x128xi32>
      %eq3A_2759 = arith.cmpi eq, %slice3A_2756, %eq3A_2758 : vector<32x128xi32>
      %convert_element_type3A_2760 = arith.extui %eq3A_2759 : vector<32x128xi1> to vector<32x128xi32>
      %convert_element_type3A_2761 = arith.sitofp %convert_element_type3A_2760 : vector<32x128xi32> to vector<32x128xf32>
      %dot_general3A_2762 = arith.constant dense<0.000000e+00> : vector<32x128xf32>
      %dot_general3A_2763 = tpu.matmul %convert_element_type3A_2761, %convert_element_type3A_904, %dot_general3A_2762 {dimension_numbers = #tpu.dot_dimension_numbers<[1], [0], [0], [1], [0, 0, 1, 1], [], []>, precision = #tpu.contract_precision<fp32>, transpose_lhs_hint = false} : vector<32x128xf32>, vector<128x128xf32>, vector<32x128xf32> -> vector<32x128xf32>
      %sub3A_2764 = arith.subf %dot_general3A_2763, %convert_element_type3A_2761 : vector<32x128xf32>
      %gt3A_2765 = arith.constant 0.000000e+00 : f32
      %gt3A_2766 = vector.broadcast %gt3A_2765 : f32 to vector<32x128xf32>
      %gt3A_2767 = arith.cmpf ogt, %convert_element_type3A_2761, %gt3A_2766 : vector<32x128xf32>
      %add3A_2768 = vector.broadcast %add3A_2755 : vector<32x1xf32> to vector<32x128xf32>
      %add3A_2769 = arith.addf %add3A_2768, %sub3A_2764 : vector<32x128xf32>
      %lt3A_2770 = vector.broadcast %sub3A_894 : vector<32x1xf32> to vector<32x128xf32>
      %lt3A_2771 = arith.cmpf olt, %add3A_2769, %lt3A_2770 : vector<32x128xf32>
      %and3A_2772 = arith.andi %gt3A_2767, %lt3A_2771 : vector<32x128xi1>
      %jit3A_2773 = arith.constant 0.000000e+00 : f32
      %broadcast_in_dim3A_2774 = vector.broadcast %jit3A_2773 : f32 to vector<32x128xf32>
      %select_n3A_2775 = arith.select %and3A_2772, %slice3A_2757, %broadcast_in_dim3A_2774 : vector<32x128xi1>, vector<32x128xf32>
      %reduce_sum3A_2776 = arith.constant dense<0.000000e+00> : vector<32xf32>
      %reduce_sum3A_2777 = vector.multi_reduction <add>, %select_n3A_2775, %reduce_sum3A_2776 [1] : vector<32x128xf32> to vector<32xf32>
      %broadcast_in_dim3A_2778 = vector.shape_cast %reduce_sum3A_2777 : vector<32xf32> to vector<32x1xf32>
      %add3A_2779 = arith.addf %add3A_2751, %broadcast_in_dim3A_2778 : vector<32x1xf32>
      %reduce_sum3A_2780 = arith.constant dense<0.000000e+00> : vector<32xf32>
      %reduce_sum3A_2781 = vector.multi_reduction <add>, %convert_element_type3A_2761, %reduce_sum3A_2780 [1] : vector<32x128xf32> to vector<32xf32>
      %broadcast_in_dim3A_2782 = vector.shape_cast %reduce_sum3A_2781 : vector<32xf32> to vector<32x1xf32>
      %add3A_2783 = arith.addf %add3A_2755, %broadcast_in_dim3A_2782 : vector<32x1xf32>
      %slice3A_2784 = vector.extract_strided_slice %select_n3A_870 {offsets = [0, 8576], sizes = [32, 128], strides = [1, 1]} : vector<32x8960xi32> to vector<32x128xi32>
      %slice3A_2785 = vector.extract_strided_slice %get3A_865 {offsets = [0, 8576], sizes = [32, 128], strides = [1, 1]} : vector<32x8960xf32> to vector<32x128xf32>
      %eq3A_2786 = vector.broadcast %scan3A_885 : vector<32x1xi32> to vector<32x128xi32>
      %eq3A_2787 = arith.cmpi eq, %slice3A_2784, %eq3A_2786 : vector<32x128xi32>
      %convert_element_type3A_2788 = arith.extui %eq3A_2787 : vector<32x128xi1> to vector<32x128xi32>
      %convert_element_type3A_2789 = arith.sitofp %convert_element_type3A_2788 : vector<32x128xi32> to vector<32x128xf32>
      %dot_general3A_2790 = arith.constant dense<0.000000e+00> : vector<32x128xf32>
      %dot_general3A_2791 = tpu.matmul %convert_element_type3A_2789, %convert_element_type3A_904, %dot_general3A_2790 {dimension_numbers = #tpu.dot_dimension_numbers<[1], [0], [0], [1], [0, 0, 1, 1], [], []>, precision = #tpu.contract_precision<fp32>, transpose_lhs_hint = false} : vector<32x128xf32>, vector<128x128xf32>, vector<32x128xf32> -> vector<32x128xf32>
      %sub3A_2792 = arith.subf %dot_general3A_2791, %convert_element_type3A_2789 : vector<32x128xf32>
      %gt3A_2793 = arith.constant 0.000000e+00 : f32
      %gt3A_2794 = vector.broadcast %gt3A_2793 : f32 to vector<32x128xf32>
      %gt3A_2795 = arith.cmpf ogt, %convert_element_type3A_2789, %gt3A_2794 : vector<32x128xf32>
      %add3A_2796 = vector.broadcast %add3A_2783 : vector<32x1xf32> to vector<32x128xf32>
      %add3A_2797 = arith.addf %add3A_2796, %sub3A_2792 : vector<32x128xf32>
      %lt3A_2798 = vector.broadcast %sub3A_894 : vector<32x1xf32> to vector<32x128xf32>
      %lt3A_2799 = arith.cmpf olt, %add3A_2797, %lt3A_2798 : vector<32x128xf32>
      %and3A_2800 = arith.andi %gt3A_2795, %lt3A_2799 : vector<32x128xi1>
      %jit3A_2801 = arith.constant 0.000000e+00 : f32
      %broadcast_in_dim3A_2802 = vector.broadcast %jit3A_2801 : f32 to vector<32x128xf32>
      %select_n3A_2803 = arith.select %and3A_2800, %slice3A_2785, %broadcast_in_dim3A_2802 : vector<32x128xi1>, vector<32x128xf32>
      %reduce_sum3A_2804 = arith.constant dense<0.000000e+00> : vector<32xf32>
      %reduce_sum3A_2805 = vector.multi_reduction <add>, %select_n3A_2803, %reduce_sum3A_2804 [1] : vector<32x128xf32> to vector<32xf32>
      %broadcast_in_dim3A_2806 = vector.shape_cast %reduce_sum3A_2805 : vector<32xf32> to vector<32x1xf32>
      %add3A_2807 = arith.addf %add3A_2779, %broadcast_in_dim3A_2806 : vector<32x1xf32>
      %reduce_sum3A_2808 = arith.constant dense<0.000000e+00> : vector<32xf32>
      %reduce_sum3A_2809 = vector.multi_reduction <add>, %convert_element_type3A_2789, %reduce_sum3A_2808 [1] : vector<32x128xf32> to vector<32xf32>
      %broadcast_in_dim3A_2810 = vector.shape_cast %reduce_sum3A_2809 : vector<32xf32> to vector<32x1xf32>
      %add3A_2811 = arith.addf %add3A_2783, %broadcast_in_dim3A_2810 : vector<32x1xf32>
      %slice3A_2812 = vector.extract_strided_slice %select_n3A_870 {offsets = [0, 8704], sizes = [32, 128], strides = [1, 1]} : vector<32x8960xi32> to vector<32x128xi32>
      %slice3A_2813 = vector.extract_strided_slice %get3A_865 {offsets = [0, 8704], sizes = [32, 128], strides = [1, 1]} : vector<32x8960xf32> to vector<32x128xf32>
      %eq3A_2814 = vector.broadcast %scan3A_885 : vector<32x1xi32> to vector<32x128xi32>
      %eq3A_2815 = arith.cmpi eq, %slice3A_2812, %eq3A_2814 : vector<32x128xi32>
      %convert_element_type3A_2816 = arith.extui %eq3A_2815 : vector<32x128xi1> to vector<32x128xi32>
      %convert_element_type3A_2817 = arith.sitofp %convert_element_type3A_2816 : vector<32x128xi32> to vector<32x128xf32>
      %dot_general3A_2818 = arith.constant dense<0.000000e+00> : vector<32x128xf32>
      %dot_general3A_2819 = tpu.matmul %convert_element_type3A_2817, %convert_element_type3A_904, %dot_general3A_2818 {dimension_numbers = #tpu.dot_dimension_numbers<[1], [0], [0], [1], [0, 0, 1, 1], [], []>, precision = #tpu.contract_precision<fp32>, transpose_lhs_hint = false} : vector<32x128xf32>, vector<128x128xf32>, vector<32x128xf32> -> vector<32x128xf32>
      %sub3A_2820 = arith.subf %dot_general3A_2819, %convert_element_type3A_2817 : vector<32x128xf32>
      %gt3A_2821 = arith.constant 0.000000e+00 : f32
      %gt3A_2822 = vector.broadcast %gt3A_2821 : f32 to vector<32x128xf32>
      %gt3A_2823 = arith.cmpf ogt, %convert_element_type3A_2817, %gt3A_2822 : vector<32x128xf32>
      %add3A_2824 = vector.broadcast %add3A_2811 : vector<32x1xf32> to vector<32x128xf32>
      %add3A_2825 = arith.addf %add3A_2824, %sub3A_2820 : vector<32x128xf32>
      %lt3A_2826 = vector.broadcast %sub3A_894 : vector<32x1xf32> to vector<32x128xf32>
      %lt3A_2827 = arith.cmpf olt, %add3A_2825, %lt3A_2826 : vector<32x128xf32>
      %and3A_2828 = arith.andi %gt3A_2823, %lt3A_2827 : vector<32x128xi1>
      %jit3A_2829 = arith.constant 0.000000e+00 : f32
      %broadcast_in_dim3A_2830 = vector.broadcast %jit3A_2829 : f32 to vector<32x128xf32>
      %select_n3A_2831 = arith.select %and3A_2828, %slice3A_2813, %broadcast_in_dim3A_2830 : vector<32x128xi1>, vector<32x128xf32>
      %reduce_sum3A_2832 = arith.constant dense<0.000000e+00> : vector<32xf32>
      %reduce_sum3A_2833 = vector.multi_reduction <add>, %select_n3A_2831, %reduce_sum3A_2832 [1] : vector<32x128xf32> to vector<32xf32>
      %broadcast_in_dim3A_2834 = vector.shape_cast %reduce_sum3A_2833 : vector<32xf32> to vector<32x1xf32>
      %add3A_2835 = arith.addf %add3A_2807, %broadcast_in_dim3A_2834 : vector<32x1xf32>
      %reduce_sum3A_2836 = arith.constant dense<0.000000e+00> : vector<32xf32>
      %reduce_sum3A_2837 = vector.multi_reduction <add>, %convert_element_type3A_2817, %reduce_sum3A_2836 [1] : vector<32x128xf32> to vector<32xf32>
      %broadcast_in_dim3A_2838 = vector.shape_cast %reduce_sum3A_2837 : vector<32xf32> to vector<32x1xf32>
      %add3A_2839 = arith.addf %add3A_2811, %broadcast_in_dim3A_2838 : vector<32x1xf32>
      %slice3A_2840 = vector.extract_strided_slice %select_n3A_870 {offsets = [0, 8832], sizes = [32, 128], strides = [1, 1]} : vector<32x8960xi32> to vector<32x128xi32>
      %slice3A_2841 = vector.extract_strided_slice %get3A_865 {offsets = [0, 8832], sizes = [32, 128], strides = [1, 1]} : vector<32x8960xf32> to vector<32x128xf32>
      %eq3A_2842 = vector.broadcast %scan3A_885 : vector<32x1xi32> to vector<32x128xi32>
      %eq3A_2843 = arith.cmpi eq, %slice3A_2840, %eq3A_2842 : vector<32x128xi32>
      %convert_element_type3A_2844 = arith.extui %eq3A_2843 : vector<32x128xi1> to vector<32x128xi32>
      %convert_element_type3A_2845 = arith.sitofp %convert_element_type3A_2844 : vector<32x128xi32> to vector<32x128xf32>
      %dot_general3A_2846 = arith.constant dense<0.000000e+00> : vector<32x128xf32>
      %dot_general3A_2847 = tpu.matmul %convert_element_type3A_2845, %convert_element_type3A_904, %dot_general3A_2846 {dimension_numbers = #tpu.dot_dimension_numbers<[1], [0], [0], [1], [0, 0, 1, 1], [], []>, precision = #tpu.contract_precision<fp32>, transpose_lhs_hint = false} : vector<32x128xf32>, vector<128x128xf32>, vector<32x128xf32> -> vector<32x128xf32>
      %sub3A_2848 = arith.subf %dot_general3A_2847, %convert_element_type3A_2845 : vector<32x128xf32>
      %gt3A_2849 = arith.constant 0.000000e+00 : f32
      %gt3A_2850 = vector.broadcast %gt3A_2849 : f32 to vector<32x128xf32>
      %gt3A_2851 = arith.cmpf ogt, %convert_element_type3A_2845, %gt3A_2850 : vector<32x128xf32>
      %add3A_2852 = vector.broadcast %add3A_2839 : vector<32x1xf32> to vector<32x128xf32>
      %add3A_2853 = arith.addf %add3A_2852, %sub3A_2848 : vector<32x128xf32>
      %lt3A_2854 = vector.broadcast %sub3A_894 : vector<32x1xf32> to vector<32x128xf32>
      %lt3A_2855 = arith.cmpf olt, %add3A_2853, %lt3A_2854 : vector<32x128xf32>
      %and3A_2856 = arith.andi %gt3A_2851, %lt3A_2855 : vector<32x128xi1>
      %jit3A_2857 = arith.constant 0.000000e+00 : f32
      %broadcast_in_dim3A_2858 = vector.broadcast %jit3A_2857 : f32 to vector<32x128xf32>
      %select_n3A_2859 = arith.select %and3A_2856, %slice3A_2841, %broadcast_in_dim3A_2858 : vector<32x128xi1>, vector<32x128xf32>
      %reduce_sum3A_2860 = arith.constant dense<0.000000e+00> : vector<32xf32>
      %reduce_sum3A_2861 = vector.multi_reduction <add>, %select_n3A_2859, %reduce_sum3A_2860 [1] : vector<32x128xf32> to vector<32xf32>
      %broadcast_in_dim3A_2862 = vector.shape_cast %reduce_sum3A_2861 : vector<32xf32> to vector<32x1xf32>
      %add3A_2863 = arith.addf %add3A_2835, %broadcast_in_dim3A_2862 : vector<32x1xf32>
      %add3A_2864 = arith.addf %broadcast_in_dim3A_900, %add3A_2863 : vector<32x1xf32>
      %iota3A_2865 = tpu.iota {dimensions = array<i32: 1>} : vector<32x128xi32>
      %eq3A_2866 = arith.constant 0 : i32
      %eq3A_2867 = vector.broadcast %eq3A_2866 : i32 to vector<32x128xi32>
      %eq3A_2868 = arith.cmpi eq, %iota3A_2865, %eq3A_2867 : vector<32x128xi32>
      %jit3A_2869 = arith.constant 0.000000e+00 : f32
      %broadcast_in_dim3A_2870 = vector.shape_cast %add3A_2864 : vector<32x1xf32> to vector<32x1xf32>
      %broadcast_in_dim3A_2871 = vector.broadcast %broadcast_in_dim3A_2870 : vector<32x1xf32> to vector<32x128xf32>
      %broadcast_in_dim3A_2872 = vector.broadcast %jit3A_2869 : f32 to vector<32x128xf32>
      %select_n3A_2873 = arith.select %eq3A_2868, %broadcast_in_dim3A_2871, %broadcast_in_dim3A_2872 : vector<32x128xi1>, vector<32x128xf32>
      %eq3A_2874 = arith.constant 1 : i32
      %eq3A_2875 = vector.broadcast %eq3A_2874 : i32 to vector<32x128xi32>
      %eq3A_2876 = arith.cmpi eq, %iota3A_2865, %eq3A_2875 : vector<32x128xi32>
      %jit3A_2877 = arith.constant 0.000000e+00 : f32
      %broadcast_in_dim3A_2878 = vector.shape_cast %slice3A_874 : vector<32x1xf32> to vector<32x1xf32>
      %broadcast_in_dim3A_2879 = vector.broadcast %broadcast_in_dim3A_2878 : vector<32x1xf32> to vector<32x128xf32>
      %broadcast_in_dim3A_2880 = vector.broadcast %jit3A_2877 : f32 to vector<32x128xf32>
      %select_n3A_2881 = arith.select %eq3A_2876, %broadcast_in_dim3A_2879, %broadcast_in_dim3A_2880 : vector<32x128xi1>, vector<32x128xf32>
      %add3A_2882 = arith.addf %select_n3A_2873, %select_n3A_2881 : vector<32x128xf32>
      %eq3A_2883 = arith.constant 2 : i32
      %eq3A_2884 = vector.broadcast %eq3A_2883 : i32 to vector<32x128xi32>
      %eq3A_2885 = arith.cmpi eq, %iota3A_2865, %eq3A_2884 : vector<32x128xi32>
      %jit3A_2886 = arith.constant 0.000000e+00 : f32
      %broadcast_in_dim3A_2887 = vector.shape_cast %slice3A : vector<32x1xf32> to vector<32x1xf32>
      %broadcast_in_dim3A_2888 = vector.broadcast %broadcast_in_dim3A_2887 : vector<32x1xf32> to vector<32x128xf32>
      %broadcast_in_dim3A_2889 = vector.broadcast %jit3A_2886 : f32 to vector<32x128xf32>
      %select_n3A_2890 = arith.select %eq3A_2885, %broadcast_in_dim3A_2888, %broadcast_in_dim3A_2889 : vector<32x128xi1>, vector<32x128xf32>
      %add3A_2891 = arith.addf %add3A_2882, %select_n3A_2890 : vector<32x128xf32>
      %swap3A_2892 = arith.constant 0 : index
      %swap3A_2893 = arith.constant 0 : index
      %swap3A_2894 = vector.load %arg4[%swap3A_2892, %swap3A_2893] : memref<32x128xf32, #tpu.memory_space<vmem>>, vector<32x128xf32>
      tpu.vector_store %arg4[%swap3A_2892, %swap3A_2893], %add3A_2891 {strides = array<i32>} : memref<32x128xf32, #tpu.memory_space<vmem>>, vector<32x128xf32>,
    } else {
    }
    return
  }
  func.func @transform_0(%arg0: i32, %arg1: i32) -> (i32, i32, i32) {
    %c0_i32 = arith.constant 0 : i32
    %c0_i32_0 = arith.constant 0 : i32
    return %arg0, %c0_i32, %arg1 : i32, i32, i32
  }
  func.func @transform_1(%arg0: i32, %arg1: i32) -> (i32, i32) {
    %c0_i32 = arith.constant 0 : i32
    return %arg0, %arg1 : i32, i32
  }
  func.func @transform_2(%arg0: i32, %arg1: i32) -> (i32, i32) {
    %c0_i32 = arith.constant 0 : i32
    %c0_i32_0 = arith.constant 0 : i32
    %c0_i32_1 = arith.constant 0 : i32
    return %c0_i32, %c0_i32_0 : i32, i32
  }
}

module attributes {stable_mosaic.version = 14 : i64} {
  func.func @_combine(%arg0: memref<32x128xf32, #tpu.memory_space<vmem>>, %arg1: memref<32x128xf32, #tpu.memory_space<vmem>>, %arg2: memref<32x128xi32, #tpu.memory_space<vmem>>, %arg3: memref<1x128xf32, #tpu.memory_space<vmem>>) attributes {dimension_semantics = [], scalar_prefetch = 0 : i64, scratch_operands = 0 : i64, tpu.core_type = #tpu.core_type<tc>} {
    %get3A = arith.constant 0 : index
    %get3A_0 = arith.constant 0 : index
    %get3A_1 = vector.load %arg0[%get3A, %get3A_0] : memref<32x128xf32, #tpu.memory_space<vmem>>, vector<32x1xf32>
    %get3A_2 = arith.constant 0 : index
    %get3A_3 = arith.constant 1 : index
    %get3A_4 = vector.load %arg0[%get3A_2, %get3A_3] : memref<32x128xf32, #tpu.memory_space<vmem>>, vector<32x1xf32>
    %get3A_5 = arith.constant 0 : index
    %get3A_6 = arith.constant 2 : index
    %get3A_7 = vector.load %arg0[%get3A_5, %get3A_6] : memref<32x128xf32, #tpu.memory_space<vmem>>, vector<32x1xf32>
    %get3A_8 = arith.constant 0 : index
    %get3A_9 = arith.constant 0 : index
    %get3A_10 = vector.load %arg1[%get3A_8, %get3A_9] : memref<32x128xf32, #tpu.memory_space<vmem>>, vector<32x16xf32>
    %reduce_sum3A = arith.constant dense<0.000000e+00> : vector<32xf32>
    %reduce_sum3A_11 = vector.multi_reduction <add>, %get3A_10, %reduce_sum3A [1] : vector<32x16xf32> to vector<32xf32>
    %broadcast_in_dim3A = vector.shape_cast %reduce_sum3A_11 : vector<32xf32> to vector<32x1xf32>
    %get3A_12 = arith.constant 0 : index
    %get3A_13 = arith.constant 0 : index
    %get3A_14 = vector.load %arg2[%get3A_12, %get3A_13] : memref<32x128xi32, #tpu.memory_space<vmem>>, vector<32x1xi32>
    %eq3A = arith.constant 0 : i32
    %eq3A_15 = vector.broadcast %eq3A : i32 to vector<32x1xi32>
    %eq3A_16 = arith.cmpi eq, %get3A_14, %eq3A_15 : vector<32x1xi32>
    %convert_element_type3A = arith.extui %eq3A_16 : vector<32x1xi1> to vector<32x1xi32>
    %convert_element_type3A_17 = arith.sitofp %convert_element_type3A : vector<32x1xi32> to vector<32x1xf32>
    %mul3A = arith.mulf %get3A_4, %convert_element_type3A_17 : vector<32x1xf32>
    %add3A = arith.addf %mul3A, %get3A_1 : vector<32x1xf32>
    %mul3A_18 = arith.mulf %broadcast_in_dim3A, %convert_element_type3A_17 : vector<32x1xf32>
    %add3A_19 = arith.addf %mul3A_18, %add3A : vector<32x1xf32>
    %gt3A = arith.constant 0.000000e+00 : f32
    %gt3A_20 = vector.broadcast %gt3A : f32 to vector<32x1xf32>
    %gt3A_21 = arith.cmpf ogt, %get3A_7, %gt3A_20 : vector<32x1xf32>
    %convert_element_type3A_22 = arith.extui %gt3A_21 : vector<32x1xi1> to vector<32x1xi32>
    %convert_element_type3A_23 = arith.sitofp %convert_element_type3A_22 : vector<32x1xi32> to vector<32x1xf32>
    %max3A = arith.constant 9.99999997E-7 : f32
    %max3A_24 = vector.broadcast %max3A : f32 to vector<32x1xf32>
    %max3A_25 = arith.maximumf %get3A_7, %max3A_24 : vector<32x1xf32>
    %mul3A_26 = arith.mulf %add3A_19, %convert_element_type3A_23 : vector<32x1xf32>
    %div3A = arith.divf %mul3A_26, %max3A_25 : vector<32x1xf32>
    %broadcast_in_dim3A_27 = arith.constant 0.000000e+00 : f32
    %broadcast_in_dim3A_28 = vector.broadcast %broadcast_in_dim3A_27 : f32 to vector<1x128xf32>
    %reduce_sum3A_29 = vector.shape_cast %div3A : vector<32x1xf32> to vector<1x32x1xf32>
    %reduce_sum3A_30 = arith.constant dense<0.000000e+00> : vector<1xf32>
    %reduce_sum3A_31 = vector.multi_reduction <add>, %reduce_sum3A_29, %reduce_sum3A_30 [1, 2] : vector<1x32x1xf32> to vector<1xf32>
    %reduce_sum3A_32 = vector.shape_cast %reduce_sum3A_31 : vector<1xf32> to vector<1x1x1xf32>
    %reduce_sum3A_33 = vector.extract %reduce_sum3A_32[0, 0, 0] : f32 from vector<1x1x1xf32>
    %div3A_34 = arith.constant 3.200000e+01 : f32
    %div3A_35 = arith.divf %reduce_sum3A_33, %div3A_34 : f32
    %add3A_36 = vector.broadcast %div3A_35 : f32 to vector<1x128xf32>
    %add3A_37 = arith.addf %broadcast_in_dim3A_28, %add3A_36 : vector<1x128xf32>
    %swap3A = arith.constant 0 : index
    %swap3A_38 = arith.constant 0 : index
    %swap3A_39 = vector.load %arg3[%swap3A, %swap3A_38] : memref<1x128xf32, #tpu.memory_space<vmem>>, vector<1x128xf32>
    tpu.vector_store %arg3[%swap3A, %swap3A_38], %add3A_37 {strides = array<i32>} : memref<1x128xf32, #tpu.memory_space<vmem>>, vector<1x128xf32>,
    return
  }
}

</mosaic_0001>

<sc_bundles>
// kernel: kernel.5.cloned.1.call-start
scs
__scs_entry_jumppad:
0x0: {  	(pc) =	sbr.rel $0x88, $3  }
0x1: {  	(tag) =	ssettag $0x0;
	lr =	simm.s32 $0x1  }
0x2: {  	[smem:$0x3F9C] =	sst lr;
	_ =	strace $0xD0000000  }
0x3: {  	_ = 	snop  }
0x4: {  	_ = 	snop  }
0x5: {  	_ = 	snop  }
0x6: {  	_ = 	snop  }
0x7: {  	_ = 	snop  }
__scs_overlays_trampoline_lowered:
0x8: {  	[smem:$0x3FAB] =	sst s0  }
0x9: {  	[smem:$0x3FAC] =	sst s1  }
0xa: {  	[smem:$0x3FAD] =	sst s2  }
0xb: {  	[smem:$0x3FAE] =	sst s3  }
0xc: {  	[smem:$0x3FAF] =	sst s4  }
0xd: {  	[smem:$0x3FB0] =	sst s5  }
0xe: {  	[smem:$0x3FB1] =	sst s6  }
0xf: {  	[smem:$0x3FB2] =	sst s7  }
0x10: {  	[smem:$0x3FB3] =	sst s8  }
0x11: {  	[smem:$0x3FB4] =	sst s9;
	s0 =	simm.s32 @!p0 $0x0  }
0x12: {  	s1 =	sld [smem:$0x3F9A];
	s0 =	simm.s32 @p0 $0x1  }
0x13: {  	[smem:$0x3FB5] =	sst s0;
	s0 =	simm.s32 @!p1 $0x0  }
0x14: {  	s2 =	sld [smem:$0x3F99];
	s0 =	simm.s32 @p1 $0x1  }
0x15: {  	[smem:$0x3FB6] =	sst s0;
	s0 =	simm.s32 @!p2 $0x0  }
0x16: {  	s3 =	sld [smem:$0x3FDB];
	s0 =	simm.s32 @p2 $0x1  }
0x17: {  	s4 =	simm.s32 $0x1BF5;
	[smem:$0x3FB8] =	sst s0  }
0x18: {  	s0 =	sld [smem:$0x3F9B];
	_ =	swait.ge [sflag:s4], $0x0  }
0x19: {  	s7 =	sld [smem:$0x3F9C]  }
0x1a: {  	s8 =	sadd.s32 $0xFFFFE003, lr  }
0x1b: {  	s9 =	sadd.s32 $0xFFFFFEF7, lr;
	s5 =	simm.s32 $0xFFFFFFFF;
	p2 =	slt.u32 s8, $0xFFFFF086  }
0x1c: {  	p1 =	slt.u32 s9, $0xF7A;
	s5 =	simm.s32 @!p2 $0x0  }
0x1d: {  	s5 =	simm.s32 @p1 $0x1;
	p0 =	seq.s32 s7, s2  }
0x1e: {  	s7 =	smul.u32 @!p0 $0xF7A, s2;
	p2 =	seq.s32 @!p0 s5, $0x0  }
0x1f: {  	s9 =	smul.u32 $0xF7A, s1;
	s8 =	simm.s32 @!p0 $0x1BF5;
	p2 =	por !p2, p0  }
0x20: {  	[sflag:s8] =	ssyncset.s32 @!p0 $0xFFFFF086;
	s6 =	sadd.s32 @!p0 s3, s7;
	s7 =	simm.s32 @!p0 $0x108  }
0x21: {  	s3 =	sadd.s32 s3, s9;
	s6 =	sadd.s32 @!p0 $0x88, s6;
	s7 =	simm.s32 @p2 $0x1082  }
0x22: {  	[simem:s7], [sflag:s8] =	dma.local @!p0 [hbm:s6], $0xF7A  }
0x23: {  	s9 =	sor.u32 $0xD0000000, s2;
	s6 =	simm.s32 $0x108;
	_ =	swait.ge @!p0 [sflag:s8], $0x0  }
0x24: {  	s3 =	sadd.s32 $0x88, s3;
	s6 =	simm.s32 @!p1 $0x1082;
	[sflag:s4] =	ssyncset.s32 $0xFFFFF086  }
0x25: {  	[simem:s6], [sflag:s4] =	dma.local [hbm:s3], $0xF7A  }
0x26: {  	[smem:$0x3F9C] =	sst s1;
	(tag) =	ssettag s2;
	_ =	strace s9  }
0x27: {  	s1 =	sld [smem:$0x3FAC]  }
0x28: {  	s2 =	sld [smem:$0x3FAD]  }
0x29: {  	s4 =	sld [smem:$0x3FAF]  }
0x2a: {  	p0 =	seq.s32 s5, $0x0;
	s5 =	sld [smem:$0x3FB0]  }
0x2b: {  	s6 =	sld [smem:$0x3FB1]  }
0x2c: {  	s7 =	sld [smem:$0x3FB2]  }
0x2d: {  	s3 =	simm.s32 $0x108;
	s8 =	sld [smem:$0x3FB3]  }
0x2e: {  	s3 =	simm.s32 @!p0 $0x1082;
	s9 =	sld [smem:$0x3FB4]  }
0x2f: {  	lr =	sadd.s32 s0, s3;
	s0 =	sld [smem:$0x3FAB]  }
0x30: {  	s3 =	sld [smem:$0x3FAE]  }
0x31: {  	[smem:$0x3FB7] =	sst s10  }
0x32: {  	s10 =	sld [smem:$0x3FB5];
	_ =	sdelay $0x3  }
0x33: {  	p0 =	seq.s32 s10, $0x1;
	s10 =	sld [smem:$0x3FB7];
	_ =	sdelay $0x3  }
0x34: {  	[smem:$0x3FB7] =	sst s10  }
0x35: {  	s10 =	sld [smem:$0x3FB6];
	_ =	sdelay $0x3  }
0x36: {  	p1 =	seq.s32 s10, $0x1;
	s10 =	sld [smem:$0x3FB7];
	_ =	sdelay $0x3  }
0x37: {  	[smem:$0x3FB7] =	sst s10  }
0x38: {  	s10 =	sld [smem:$0x3FB8]  }
0x39: {  	_ = 	snop;
	(pc) =	sbr.ind lr, $3  }
0x3a: {  	_ = 	snop  }
0x3b: {  	_ = 	snop  }
0x3c: {  	p2 =	seq.s32 s10, $0x1;
	s10 =	sld [smem:$0x3FB7]  }
0x3d: {  	_ =	shalt  }
0x3e: {  	_ =	shalt  }
0x3f: {  	_ =	shalt  }
0x40: {  	_ =	shalt  }
0x41: {  	_ =	shalt  }
0x42: {  	_ =	shalt  }
0x43: {  	_ =	shalt  }
0x44: {  	_ =	shalt  }
0x45: {  	_ =	shalt  }
0x46: {  	_ =	shalt  }
0x47: {  	_ =	shalt  }
0x48: {  	_ =	shalt  }
0x49: {  	_ =	shalt  }
0x4a: {  	_ =	shalt  }
0x4b: {  	_ =	shalt  }
0x4c: {  	_ =	shalt  }
0x4d: {  	_ =	shalt  }
0x4e: {  	_ =	shalt  }
0x4f: {  	_ =	shalt  }
0x50: {  	_ =	shalt  }
0x51: {  	_ =	shalt  }
0x52: {  	_ =	shalt  }
0x53: {  	_ =	shalt  }
0x54: {  	_ =	shalt  }
0x55: {  	_ =	shalt  }
0x56: {  	_ =	shalt  }
0x57: {  	_ =	shalt  }
0x58: {  	_ =	shalt  }
0x59: {  	_ =	shalt  }
0x5a: {  	_ =	shalt  }
0x5b: {  	_ =	shalt  }
0x5c: {  	_ =	shalt  }
0x5d: {  	_ =	shalt  }
0x5e: {  	_ =	shalt  }
0x5f: {  	_ =	shalt  }
0x60: {  	_ =	shalt  }
0x61: {  	_ =	shalt  }
0x62: {  	_ =	shalt  }
0x63: {  	_ =	shalt  }
0x64: {  	_ =	shalt  }
0x65: {  	_ =	shalt  }
0x66: {  	_ =	shalt  }
0x67: {  	_ =	shalt  }
0x68: {  	_ =	shalt  }
0x69: {  	_ =	shalt  }
0x6a: {  	_ =	shalt  }
0x6b: {  	_ =	shalt  }
0x6c: {  	_ =	shalt  }
0x6d: {  	_ =	shalt  }
0x6e: {  	_ =	shalt  }
0x6f: {  	_ =	shalt  }
0x70: {  	_ =	shalt  }
0x71: {  	_ =	shalt  }
0x72: {  	_ =	shalt  }
0x73: {  	_ =	shalt  }
0x74: {  	_ =	shalt  }
0x75: {  	_ =	shalt  }
0x76: {  	_ =	shalt  }
0x77: {  	_ =	shalt  }
0x78: {  	_ =	shalt  }
0x79: {  	_ =	shalt  }
0x7a: {  	_ =	shalt  }
0x7b: {  	_ =	shalt  }
0x7c: {  	_ =	shalt  }
0x7d: {  	_ =	shalt  }
0x7e: {  	_ =	shalt  }
0x7f: {  	_ =	shalt  }
0x80: {  	_ =	shalt  }
0x81: {  	_ =	shalt  }
0x82: {  	_ =	shalt  }
0x83: {  	_ =	shalt  }
0x84: {  	_ =	shalt  }
0x85: {  	_ =	shalt  }
0x86: {  	_ =	shalt  }
0x87: {  	_ =	shalt  }
.Lfunc_end0:
.L_simem_size_0:
called_computation_lowered:
.L_overlay_start_0:
0x88: {  	s2 =	sld [smem:$0x3FD9]  }
0x89: {  	s3 =	sld [smem:$0x3FFE];
	_ =	sdelay $0x1  }
0x8a: {  	s1 =	srdreg.scid  }
0x8b: {  	s0 =	sand.u32 $0x1, s1  }
0x8c: {  	s16 =	sshll.u32 s0, $0xA;
	s2 =	sadd.s32 s3, s2  }
0x8d: {  	s2 =	sadd.s32 s2, s16  }
0x8e: {  	[smem:$0x3FC3] =	sst s2  }
0x8f: {  	_ = 	snop  }
0x90: {  	(tm) =	ssettm $0x1  }
0x91: {  	s17 =	sld [smem:$0x3FFB];
	_ =	sdelay $0x3  }
0x92: {  	_ =	strace s17  }
0x93: {  	s2 =	sld [smem:$0x3FFC];
	_ =	sdelay $0x3  }
0x94: {  	_ =	strace s2  }
0x95: {  	s2 =	sld [smem:$0x3FFD];
	_ =	sdelay $0x3  }
0x96: {  	_ =	strace s2  }
0x97: {  	_ =	strace $0x8FFFFFFF  }
0x98: {  	s18 =	sld [smem:$0x3FDB];
	_ =	sdelay $0x1  }
0x99: {  	s19 =	simm.s32 $_scs_section_size  }
0x9a: {  	s4 =	simm.s32 $_size__tile_overlayer_lowered;
	s5 =	simm.s32 $_tile_overlayer_lowered  }
0x9b: {  	s22 =	simm.s32 $0x1BFF;
	s21 =	sshll.u32 s5, $0x1;
	s2 =	sadd.s32 s19, s18  }
0x9c: {  	s6 =	simm.s32 $0x0;
	s20 =	sshll.u32 s4, $0x1;
	s4 =	sadd.s32 s21, s2  }
0x9d: {  	[timem:s6], [sflag:s22] =	dma.local [hbm:s4], s20  }
0x9e: {  	_ =	swait.ge [sflag:s22], s20  }
0x9f: {  	s3 =	ssub.s32 $0x0, s20;
	[sflag:s22] =	ssyncset.done $0x0  }
0xa0: {  	[sflag:s22] =	ssyncadd.s32 s3;
	_ =	sdelay $0x1  }
0xa1: {  	s23 =	simm.s32 $0x1B8B  }
0xa2: {  	_ =	swait.ge [sflag:s23], $0x1  }
0xa3: {  	[sflag:s23] =	ssyncset.done $0x0  }
0xa4: {  	s25 =	simm.s32 $0x1B8E;
	s24 =	sld [smem:$0x3FFE];
	[sflag:s23] =	ssyncadd.s32 $0xFFFFFFFF  }
0xa5: {  	s26 =	simm.s32 $execute0_lowered;
	[smem:$0x3FD2] =	sst s25  }
0xa6: {  	s4 =	sshll.u32 s26, $0x1;
	_ =	strace $0x80000046;
	[dreg:$0x1] =	wrdreg $0xFFFFFFFF  }
0xa7: {  	s28 =	simm.s32 $_size_execute0_lowered;
	s2 =	sadd.s32 s2, s4;
	[dreg:$0x0] =	wrdreg $0x0  }
0xa8: {  	s4 =	sshll.u32 s28, $0x1;
	[dreg:$0x2] =	wrdreg s2  }
0xa9: {  	[dreg:$0x3] =	wrdreg s4  }
0xaa: {  	[dreg:$0x4] =	wrdreg $0xC0  }
0xab: {  	_ =	task [dreg:s6], $0x5FFFF  }
0xac: {  	[dreg:$0x1] =	wrdreg $0xFFFFFFFF  }
0xad: {  	[dreg:$0x0] =	wrdreg $0x60  }
0xae: {  	[dreg:$0x2] =	wrdreg s24  }
0xaf: {  	[dreg:$0x3] =	wrdreg $0x9  }
0xb0: {  	_ =	task.clear_ibuf [dreg:s6], $0x4FFFF;
	_ =	strace $0x90000046  }
0xb1: {  	s29 =	simm.s32 $0x9;
	_ =	strace $0x80000048  }
0xb2: {  	_ =	swait.ge [sflag:s29], $0x1  }
0xb3: {  	[sflag:s29] =	ssyncadd.s32 $0xFFFFFFFF  }
0xb4: {  	_ =	strace $0x90000048  }
0xb5: {  	_ =	sfence  }
0xb6: {  	s30 =	sld [smem:$0x0];
	_ =	sdelay $0x2  }
0xb7: {  	s31 =	sshll.u32 s1, $0xD;
	s1 =	sshrl.u32 s1, $0x2  }
0xb8: {  	s3 =	sand.u32 $0x4000, s31;
	s1 =	sadd.s32 s1, s30  }
0xb9: {  	s0 =	sor.u32 s3, s0;
	s1 =	sshll.u32 s1, $0x11  }
0xba: {  	s0 =	sor.u32 s1, s0  }
0xbb: {  	s0 =	sadd.s32 $0x8F2B, s0  }
0xbc: {  	[sflag:s0] =	ssyncadd.remote.s32 $0x1  }
0xbd: {  	_ =	sfence.sel $0xFFFF  }
0xbe: {  	[dreg:$0x0] =	wrdreg $0xFFFFFFFF;
	(pc) =	sbr.abs _section_cstart, $3  }
0xbf: {  	[dreg:$0x1] =	wrdreg $0xFFFFFFFF  }
0xc0: {  	_ =	task.clear_ibuf [dreg:s6], $0x2FFFF;
	_ =	strace $0x9FFFFFFF  }
0xc1: {  	(tm) =	ssettm $0x7FFFFFFF  }
tec
execute0_lowered:
.L_overlay_start_1:
0x0: {  	(tag) =	ssettag $0x1  }
0x1: {  	v0 =	vimm.f32 $0.0e+00;
	v2 =	vlaneseq.u32;
	vm0 =	vcmask $0x2F00  }
0x2: {  	v3 =	vimm.s32 $0x221B;
	vm10 =	vcmask $0x300;
	vm9 =	vcmask $0x704  }
0x3: {  	v4 =	vimm.s32 $0x886C;
	vm8 =	vcmask $0xB08;
	vm7 =	vcmask $0xF0C  }
0x4: {  	vm6 =	vcmask $0x1310;
	vm5 =	vcmask $0x1714;
	vm4 =	vcmask $0x1B18  }
0x5: {  	vm3 =	vcmask $0x1F1C;
	vm2 =	vcmask $0x2320;
	vm1 =	vcmask $0x2724  }
0x6: {  	vm15 =	vcmask $0x2B28;
	v5 =	vimm.s32 $0x4437;
	v6 =	vimm.s32 $0x886D  }
0x7: {  	v7 =	vimm.s32 $0x6653;
	v8 =	vimm.s32 $0x886E;
	v9 =	vimm.s32 $0x886F  }
0x8: {  	v1 =	vsel vm0, $0x3F800000, v0;
	v3 =	vsel vm10, $0x2210, v3;
	v4 =	vsel vm10, $0x8840, v4  }
0x9: {  	v2 =	vmul.u32 $0x4, v2;
	v5 =	vsel vm10, $0x442C, v5;
	v6 =	vsel vm10, $0x8841, v6  }
0xa: {  	v7 =	vsel vm10, $0x6648, v7;
	v8 =	vsel vm10, $0x8842, v8;
	v10 =	vsel vm10, $0x8864, v9  }
0xb: {  	v9 =	vsel vm10, $0x8843, v9;
	v3 =	vsel vm9, $0x2211, v3;
	v4 =	vsel vm9, $0x8844, v4  }
0xc: {  	v5 =	vsel vm9, $0x442D, v5;
	v6 =	vsel vm9, $0x8845, v6;
	v7 =	vsel vm9, $0x6649, v7  }
0xd: {  	v8 =	vsel vm9, $0x8846, v8;
	v10 =	vsel vm9, $0x8865, v10;
	v9 =	vsel vm9, $0x8847, v9  }
0xe: {  	v3 =	vsel vm8, $0x2212, v3;
	v4 =	vsel vm8, $0x8848, v4;
	v5 =	vsel vm8, $0x442E, v5  }
0xf: {  	v6 =	vsel vm8, $0x8849, v6;
	v7 =	vsel vm8, $0x664A, v7;
	v8 =	vsel vm8, $0x884A, v8  }
0x10: {  	v10 =	vsel vm8, $0x8866, v10;
	v9 =	vsel vm8, $0x884B, v9;
	v3 =	vsel vm7, $0x2213, v3  }
0x11: {  	v4 =	vsel vm7, $0x884C, v4;
	v5 =	vsel vm7, $0x442F, v5;
	v6 =	vsel vm7, $0x884D, v6  }
0x12: {  	v7 =	vsel vm7, $0x664B, v7;
	v8 =	vsel vm7, $0x884E, v8;
	v10 =	vsel vm7, $0x8867, v10  }
0x13: {  	v9 =	vsel vm7, $0x884F, v9;
	v3 =	vsel vm6, $0x2214, v3;
	v4 =	vsel vm6, $0x8850, v4  }
0x14: {  	v5 =	vsel vm6, $0x4430, v5;
	v6 =	vsel vm6, $0x8851, v6;
	v7 =	vsel vm6, $0x664C, v7  }
0x15: {  	v8 =	vsel vm6, $0x8852, v8;
	v10 =	vsel vm6, $0x8868, v10;
	v9 =	vsel vm6, $0x8853, v9  }
0x16: {  	v3 =	vsel vm5, $0x2215, v3;
	v4 =	vsel vm5, $0x8854, v4;
	v5 =	vsel vm5, $0x4431, v5  }
0x17: {  	v6 =	vsel vm5, $0x8855, v6;
	v7 =	vsel vm5, $0x664D, v7;
	v8 =	vsel vm5, $0x8856, v8  }
0x18: {  	s3 =	rddreg [dreg:$0x0];
	v10 =	vsel vm5, $0x8869, v10;
	v9 =	vsel vm5, $0x8857, v9;
	v3 =	vsel vm4, $0x2216, v3  }
0x19: {  	s1 =	srdreg.scid;
	s0 =	stileid.u32;
	v4 =	vsel vm4, $0x8858, v4;
	v5 =	vsel vm4, $0x4432, v5;
	v6 =	vsel vm4, $0x8859, v6  }
0x1a: {  	s2 =	simm.s32 $0x0;
	s10 =	simm.s32 $0x1;
	s11 =	simm.s32 $0x8880;
	v7 =	vsel vm4, $0x664E, v7;
	v8 =	vsel vm4, $0x885A, v8;
	v10 =	vsel vm4, $0x886A, v10  }
0x1b: {  	s12 =	simm.s32 $0x13380;
	s13 =	simm.s32 $0x0;
	s4 =	sand.u32 $0x1, s1;
	v9 =	vsel vm4, $0x885B, v9;
	v3 =	vsel vm3, $0x2217, v3;
	v4 =	vsel vm3, $0x885C, v4  }
0x1c: {  	s5 =	sshrl.u32 s0, $0x2;
	s26 =	sshll.u32 s0, $0x8;
	s1 =	rddreg [dreg:$0x1];
	v5 =	vsel vm3, $0x4433, v5;
	v6 =	vsel vm3, $0x885D, v6;
	v7 =	vsel vm3, $0x664F, v7  }
0x1d: {  	[smem:$0x7FF] =	sst s2;
	s7 =	sand.u32 $0x300, s26;
	s8 =	smul.u32 $0x44400, s5;
	v8 =	vsel vm3, $0x885E, v8;
	v10 =	vsel vm3, $0x886B, v10;
	v9 =	vsel vm3, $0x885F, v9  }
0x1e: {  	s6 =	sshll.u32 s4, $0x7;
	s28 =	smul.u32 $0x11400, s5;
	_ =	strace $0x80000047;
	v3 =	vsel vm2, $0x2218, v3;
	v4 =	vsel vm2, $0x8860, v4;
	v5 =	vsel vm2, $0x4434, v5  }
0x1f: {  	s5 =	sshll.u32 s5, $0xA;
	s4 =	ssub.s32 $0x2, s4;
	s6 =	sor.u32 s6, s7;
	v6 =	vsel vm2, $0x8861, v6;
	v7 =	vsel vm2, $0x6650, v7;
	v8 =	vsel vm2, $0x8862, v8  }
0x20: {  	s31 =	sshrl.u32 s4, $0x1;
	s7 =	sor.u32 s8, s6;
	s8 =	sor.u32 s28, s6;
	v10 =	vsel vm2, $0x886C, v10;
	v9 =	vsel vm2, $0x8863, v9;
	v3 =	vsel vm1, $0x2219, v3  }
0x21: {  	s5 =	sor.u32 s5, s6;
	s9 =	ssub.s32 s4, s31;
	s7 =	sshrl.u32 s7, $0x3;
	v4 =	vsel vm1, $0x8864, v4;
	v5 =	vsel vm1, $0x4435, v5;
	v6 =	vsel vm1, $0x8865, v6  }
0x22: {  	s29 =	sshrl.u32 s8, $0x3;
	s5 =	sshrl.u32 s5, $0x3;
	s8 =	simm.s32 $0x80;
	v7 =	vsel vm1, $0x6651, v7;
	v8 =	vsel vm1, $0x8866, v8;
	v10 =	vsel vm1, $0x886D, v10  }
0x23: {  	s7 =	sadd.s32 s7, s3;
	s6 =	sadd.s32 s29, s3;
	s30 =	sadd.s32 s5, s3;
	v11 =	vsel vm1, $0x8867, v9;
	v3 =	vsel vm15, $0x221A, v3;
	v4 =	vsel vm15, $0x8868, v4  }
0x24: {  	s3 =	sadd.s32 $0x22E00, s7;
	s4 =	sadd.s32 $0xC00, s7;
	s5 =	sadd.s32 $0x45000, s6;
	v5 =	vsel vm15, $0x4436, v5;
	v6 =	vsel vm15, $0x8869, v6;
	v7 =	vsel vm15, $0x6652, v7  }
0x25: {  	s6 =	sadd.s32 $0x4DA00, s30;
	s7 =	smax.u32 s9, $0x1;
	s9 =	simm.s32 $0x400;
	v8 =	vsel vm15, $0x886A, v8;
	v9 =	vsel vm15, $0x886E, v10;
	v10 =	vsel vm15, $0x886B, v11  }
.LBB2_1:
0x26: {  	[tilespmem:s2], [sflag:$0x1] =	stream.strided.gather [hbm4b:s3+s8], $0x8880, s9, s8, $0x38;
	[tilespmem:$0x13400] =	vst v63  }
0x27: {  	_ =	swait.ge [sflag:s10], $0x8880  }
0x28: {  	[sflag:s10] =	ssyncset.done $0x0  }
0x29: {  	[sflag:s10] =	ssyncadd.s32 $0xFFFF7780  }
0x2a: {  	[tilespmem:s11], [sflag:$0x1] =	stream.strided.gather [hbm4b:s4+s8], $0x8880, s9, s8, $0x38;
	[tilespmem:$0x13400] =	vst v63  }
0x2b: {  	_ =	swait.ge [sflag:s10], $0x8880  }
0x2c: {  	[sflag:s10] =	ssyncset.done $0x0  }
0x2d: {  	s14 =	simm.s32 $0x11100;
	v11 =	vmov s2;
	[sflag:s10] =	ssyncadd.s32 $0xFFFF7780  }
0x2e: {  	v11 =	vshll.u32 v11, $0x2;
	[tilespmem:s14], [sflag:$0x1] =	stream.strided.gather [hbm4b:s5+s8], $0x2280, s9, s8, $0x38;
	[tilespmem:$0x13400] =	vst v63  }
0x2f: {  	v11 =	vor.u32 v2, v11;
	_ =	swait.ge [sflag:s10], $0x2280  }
0x30: {  	[sflag:s10] =	ssyncset.done $0x0  }
0x31: {  	[sflag:s10] =	ssyncadd.s32 $0xFFFFDD80  }
0x32: {  	s15 =	simm.s32 $0x6654;
	v13 =	vor.u32 $0x1, v11;
	v12 =	vld [tilespmem:s14+$0x0]  }
0x33: {  	v15 =	vld [tilespmem:s15+$0xFFFF99AC]  }
0x34: {  	v14 =	vor.u32 $0x2, v11;
	v16 =	vld.idx.msk [tilespmem:v11+s11+$0x0], $0xffff  }
0x35: {  	s30 =	simm.s32 $0x11110;
	v17 =	vld [tilespmem:s15+$0xFFFFBBC8]  }
0x36: {  	v18 =	vld [tilespmem:s30+$0x0]  }
0x37: {  	v13 =	vld.idx.msk [tilespmem:v13+s11+$0x0], $0xffff;
	_ =	sdelay $0x1  }
0x38: {  	v11 =	vor.u32 $0x3, v11;
	v14 =	vld.idx.msk [tilespmem:v14+s11+$0x0], $0xffff  }
0x39: {  	s31 =	simm.s32 $0x10;
	vm0 =	vgt.s32 v12, $0x0;
	v12 =	vsub.f32 v15, v16;
	v15 =	vld [tilespmem:s15+$0xFFFFDDE4]  }
0x3a: {  	v16 =	vmov s31;
	vm1 =	vgt.s32 v18, $0x0  }
0x3b: {  	v13 =	vsub.f32 v17, v13;
	vm0 =	vmmov vm0;
	v16 =	vshll.u32 v16, $0x2  }
0x3c: {  	v18 =	vmul.f32 $5.000000000e-01, v12;
	v16 =	vor.u32 v2, v16;
	v17 =	vand.u32 $0x7FFFFFFF, v12  }
0x3d: {  	v11 =	vld.idx.msk [tilespmem:v11+s11+$0x0], $0xffff;
	vm2 =	vmmov vm0;
	vm0 =	vmmov vm1;
	v21 =	vand.u32 $0x7FFFFFFF, v13  }
0x3e: {  	v19 =	vor.u32 $0x1, v16;
	v12 =	vmul.f32 v18, v12;
	v18 =	vld [tilespmem:s15+$0x0];
	s15 =	simm.s32 $0x11120;
	v14 =	vsub.f32 v15, v14  }
0x3f: {  	s14 =	simm.s32 $0x6664;
	v22 =	vmul.f32 $5.000000000e-01, v13;
	v20 =	vor.u32 $0x2, v16;
	vm1 =	vlt.f32 v21, $1.000000000e+00;
	v15 =	vld [tilespmem:s15+$0x0]  }
0x40: {  	v23 =	vld [tilespmem:s14+$0xFFFF99AC];
	v21 =	vadd.f32 $-5.000000000e-01, v21;
	v63 =	vor.u32 $0x3, v16;
	v25 =	vmul.f32 $5.000000000e-01, v14  }
0x41: {  	v13 =	vmul.f32 v22, v13;
	v12 =	vadd.f32 $0.0e+00, v12;
	v24 =	vand.u32 $0x7FFFFFFF, v14;
	v26 =	vld.idx.msk [tilespmem:v16+s11+$0x0], $0xffff  }
0x42: {  	v22 =	vld [tilespmem:s14+$0xFFFFBBC8];
	vm3 =	vlt.f32 v24, $1.000000000e+00;
	v24 =	vadd.f32 $-5.000000000e-01, v24;
	v14 =	vmul.f32 v25, v14  }
0x43: {  	v16 =	vsel vm1, v13, v21;
	v13 =	vadd.f32 $-5.000000000e-01, v17;
	v19 =	vld.idx.msk [tilespmem:v19+s11+$0x0], $0xffff;
	v11 =	vsub.f32 v18, v11  }
0x44: {  	vm1 =	vgt.s32 v15, $0x0;
	v24 =	vsel vm3, v14, v24;
	vm3 =	vlt.f32 v17, $1.000000000e+00  }
0x45: {  	v21 =	vand.u32 $0x7FFFFFFF, v11;
	v15 =	vmul.f32 $5.000000000e-01, v11;
	v14 =	vsel vm2, $0x3F800000, v0  }
0x46: {  	s16 =	simm.s32 $0x20;
	v12 =	vsel vm3, v12, v13;
	vm2 =	vlt.f32 v21, $1.000000000e+00;
	v17 =	vsub.f32 v23, v26  }
0x47: {  	v13 =	vld.idx.msk [tilespmem:v20+s11+$0x0], $0xffff;
	v23 =	vadd.f32 v16, v12;
	v18 =	vmul.f32 v15, v11;
	v11 =	vmov s16  }
0x48: {  	v21 =	vadd.f32 $-5.000000000e-01, v21;
	v16 =	vld [tilespmem:s14+$0xFFFFDDE4];
	v15 =	vsub.f32 v22, v19;
	v22 =	vshll.u32 v11, $0x2  }
0x49: {  	s16 =	simm.s32 $0x30;
	v12 =	vld.idx.msk [tilespmem:v63+s11+$0x0], $0xffff;
	v20 =	vmul.f32 $5.000000000e-01, v17;
	v11 =	vimm.f32 $0.0e+00;
	v19 =	vadd.f32 v24, v23  }
.LBB2_2:
0x4a: {  	v22 =	vor.u32 v2, v22;
	v23 =	vand.u32 $0x7FFFFFFF, v17  }
0x4b: {  	p0 =	sne.s32 s16, $0x2200;
	v18 =	vsel vm2, v18, v21;
	vm2 =	vmmov vm0;
	vm0 =	vmmov vm1;
	s17 =	smov.u32 s16;
	s16 =	sadd.s32 $0x10, s16  }
0x4c: {  	v21 =	vor.u32 $0x1, v22;
	v17 =	vmul.f32 v20, v17;
	v20 =	vld [tilespmem:s14+$0x0];
	s14 =	sadd.s32 $0x10, s14;
	v18 =	vadd.f32 v18, v19  }
0x4d: {  	s15 =	sadd.s32 $0x10, s15;
	v25 =	vand.u32 $0x7FFFFFFF, v15;
	v24 =	vor.u32 $0x2, v22;
	v19 =	vld [tilespmem:s14+$0xFFFFBBC8];
	v13 =	vsub.f32 v16, v13  }
0x4e: {  	v26 =	vmul.f32 $5.000000000e-01, v15;
	v16 =	vld [tilespmem:s15+$0x0];
	v17 =	vadd.f32 $0.0e+00, v17;
	v14 =	vmul.f32 v18, v14  }
0x4f: {  	vm1 =	vlt.f32 v25, $1.000000000e+00;
	v18 =	vld [tilespmem:s14+$0xFFFF99AC];
	v27 =	vand.u32 $0x7FFFFFFF, v13;
	v28 =	vmul.f32 $5.000000000e-01, v13  }
0x50: {  	v25 =	vadd.f32 $-5.000000000e-01, v25;
	v15 =	vmul.f32 v26, v15;
	v29 =	vld.idx.msk [tilespmem:v22+s11+$0x0], $0xffff;
	v11 =	vadd.f32 v14, v11  }
0x51: {  	vm3 =	vlt.f32 v27, $1.000000000e+00;
	v26 =	vadd.f32 $-5.000000000e-01, v27;
	v21 =	vld.idx.msk [tilespmem:v21+s11+$0x0], $0xffff;
	v14 =	vmul.f32 v28, v13  }
0x52: {  	v15 =	vsel vm1, v15, v25;
	v22 =	vor.u32 $0x3, v22;
	v12 =	vsub.f32 v20, v12;
	v13 =	vld.idx.msk [tilespmem:v24+s11+$0x0], $0xffff  }
0x53: {  	vm1 =	vgt.s32 v16, $0x0;
	v16 =	vadd.f32 $-5.000000000e-01, v23;
	v24 =	vsel vm3, v14, v26  }
.Ltmp0:
0x54: {  	vm3 =	vlt.f32 v23, $1.000000000e+00;
	v20 =	vand.u32 $0x7FFFFFFF, v12;
	v23 =	vmul.f32 $5.000000000e-01, v12;
	(pc) =	sbr.rel @p0 .LBB2_2-.Ltmp0, $4  }
0x55: {  	v14 =	vsel vm2, $0x3F800000, v0;
	vm2 =	vlt.f32 v20, $1.000000000e+00;
	v25 =	vsel vm3, v17, v16  }
0x56: {  	v17 =	vsub.f32 v18, v29;
	v18 =	vmul.f32 v23, v12;
	v16 =	vld [tilespmem:s14+$0xFFFFDDE4];
	v25 =	vadd.f32 v15, v25  }
0x57: {  	v23 =	vmov s17;
	v15 =	vsub.f32 v19, v21;
	v21 =	vadd.f32 $-5.000000000e-01, v20;
	v12 =	vld.idx.msk [tilespmem:v22+s11+$0x0], $0xffff  }
0x58: {  	v22 =	vshll.u32 v23, $0x2;
	v20 =	vmul.f32 $5.000000000e-01, v17;
	v19 =	vadd.f32 v24, v25  }
0x59: {  	_ =	sdelay $0x2  }
0x5a: {  	v22 =	vor.u32 v2, v22;
	v23 =	vand.u32 $0x7FFFFFFF, v17;
	v43 =	vld [tilespmem:s14+$0x0]  }
0x5b: {  	v18 =	vsel vm2, v18, v21;
	vm13 =	vmmov vm0;
	vm14 =	vmmov vm1;
	v29 =	vld.idx.msk [tilespmem:v3+s2+$0x0], $0xffff  }
0x5c: {  	v24 =	vand.u32 $0x7FFFFFFF, v15;
	v46 =	vmul.f32 $5.000000000e-01, v15;
	v31 =	vld.idx.msk [tilespmem:v4+s11+$0x0], $0xffff;
	v41 =	vor.u32 $0x1, v22  }
0x5d: {  	v33 =	vld.idx.msk [tilespmem:v5+s2+$0x0], $0xffff;
	v42 =	vmul.f32 v20, v17;
	v18 =	vadd.f32 v18, v19;
	v44 =	vor.u32 $0x2, v22  }
0x5e: {  	v35 =	vld.idx.msk [tilespmem:v6+s11+$0x0], $0xffff;
	vm15 =	vlt.f32 v24, $1.000000000e+00;
	v48 =	vadd.f32 $-5.000000000e-01, v24;
	v51 =	vadd.f32 $-5.000000000e-01, v23  }
0x5f: {  	s31 =	sadd.s32 $0x10, s14;
	v38 =	vld.idx.msk [tilespmem:v7+s2+$0x0], $0xffff;
	vm5 =	vlt.f32 v23, $1.000000000e+00;
	v55 =	vsel vm13, $0x3F800000, v0;
	v13 =	vsub.f32 v16, v13  }
0x60: {  	v47 =	vld [tilespmem:s31+$0xFFFF99AC];
	vm0 =	vmmov vm14;
	v15 =	vmul.f32 v46, v15;
	v14 =	vmul.f32 v18, v14  }
0x61: {  	v49 =	vld [tilespmem:s31+$0xFFFFBBC8];
	v45 =	vadd.f32 $0.0e+00, v42;
	v25 =	vand.u32 $0x7FFFFFFF, v13;
	v26 =	vmul.f32 $5.000000000e-01, v13  }
0x62: {  	v53 =	vld [tilespmem:s31+$0xFFFFDDE4];
	v15 =	vsel vm15, v15, v48;
	v11 =	vadd.f32 v14, v11;
	vm3 =	vlt.f32 v25, $1.000000000e+00  }
0x63: {  	v27 =	vld.idx.msk [tilespmem:v22+s11+$0x0], $0xffff;
	v50 =	vadd.f32 $-5.000000000e-01, v25;
	v22 =	vor.u32 $0x3, v22;
	v12 =	vsub.f32 v43, v12  }
0x64: {  	v16 =	vsel vm5, v45, v51;
	v40 =	vsub.f32 v29, v31;
	v19 =	vsub.f32 v33, v35;
	v21 =	vld.idx.msk [tilespmem:v41+s11+$0x0], $0xffff  }
0x65: {  	v13 =	vmul.f32 v26, v13;
	v20 =	vld.idx.msk [tilespmem:v44+s11+$0x0], $0xffff;
	v15 =	vadd.f32 v15, v16;
	v52 =	vmul.f32 $5.000000000e-01, v12  }
0x66: {  	v41 =	vld.idx.msk [tilespmem:v8+s11+$0x0], $0xffff;
	v54 =	vand.u32 $0x7FFFFFFF, v12;
	v23 =	vmul.f32 $5.000000000e-01, v40;
	v46 =	vand.u32 $0x7FFFFFFF, v40  }
0x67: {  	v48 =	vmul.f32 $5.000000000e-01, v19;
	v13 =	vsel vm3, v13, v50;
	v56 =	vadd.f32 $-5.000000000e-01, v54  }
0x68: {  	vm6 =	vlt.f32 v54, $1.000000000e+00;
	vm11 =	vlt.f32 v46, $1.000000000e+00;
	v12 =	vmul.f32 v52, v12  }
0x69: {  	v13 =	vadd.f32 v13, v15;
	v18 =	vsub.f32 v47, v27;
	v47 =	vmul.f32 v23, v40  }
0x6a: {  	v14 =	vsub.f32 v49, v21;
	v12 =	vsel vm6, v12, v56;
	v62 =	vsub.f32 v53, v20  }
0x6b: {  	v61 =	vld [tilespmem:s31+$0x0];
	v49 =	vand.u32 $0x7FFFFFFF, v19;
	v20 =	vsub.f32 v38, v41;
	v57 =	vmul.f32 $5.000000000e-01, v18  }
0x6c: {  	v58 =	vld.idx.msk [tilespmem:v22+s11+$0x0], $0xffff;
	v59 =	vand.u32 $0x7FFFFFFF, v18;
	v12 =	vadd.f32 v12, v13;
	v50 =	vadd.f32 $-5.000000000e-01, v49  }
0x6d: {  	vm12 =	vlt.f32 v49, $1.000000000e+00;
	v63 =	vand.u32 $0x7FFFFFFF, v14;
	v28 =	vmul.f32 $5.000000000e-01, v14  }
0x6e: {  	v30 =	vmul.f32 $5.000000000e-01, v62;
	v32 =	vand.u32 $0x7FFFFFFF, v62;
	v36 =	vadd.f32 $-5.000000000e-01, v59  }
0x6f: {  	vm9 =	vlt.f32 v59, $1.000000000e+00;
	v22 =	vmul.f32 $5.000000000e-01, v20;
	v52 =	vand.u32 $0x7FFFFFFF, v20  }
0x70: {  	v60 =	vmul.f32 v57, v18;
	v12 =	vmul.f32 v12, v55;
	v18 =	vadd.f32 $-5.000000000e-01, v63  }
0x71: {  	v43 =	vld.idx.msk [tilespmem:v9+s2+$0x0], $0xffff;
	vm7 =	vlt.f32 v63, $1.000000000e+00;
	v34 =	vadd.f32 $-5.000000000e-01, v32;
	v17 =	vsub.f32 v61, v58  }
0x72: {  	v44 =	vld.idx.msk [tilespmem:v10+s11+$0x0], $0xffff;
	vm8 =	vlt.f32 v32, $1.000000000e+00;
	v54 =	vadd.f32 $-5.000000000e-01, v52;
	v14 =	vmul.f32 v28, v14  }
0x73: {  	v13 =	vmul.f32 v30, v62;
	v16 =	vadd.f32 $0.0e+00, v60;
	v37 =	vmul.f32 $5.000000000e-01, v17  }
0x74: {  	v14 =	vsel vm7, v14, v18;
	v39 =	vand.u32 $0x7FFFFFFF, v17;
	v18 =	vmul.f32 v48, v19  }
0x75: {  	v16 =	vsel vm9, v16, v36;
	v42 =	vadd.f32 $-5.000000000e-01, v39;
	v15 =	vmul.f32 v37, v17  }
0x76: {  	vm10 =	vlt.f32 v39, $1.000000000e+00;
	v14 =	vadd.f32 v14, v16;
	v16 =	vadd.f32 $0.0e+00, v47  }
0x77: {  	v17 =	vsub.f32 v43, v44;
	v45 =	vsel vm10, v15, v42;
	v15 =	vadd.f32 $-5.000000000e-01, v46  }
0x78: {  	vm13 =	vlt.f32 v52, $1.000000000e+00;
	v20 =	vmul.f32 v22, v20;
	v13 =	vsel vm8, v13, v34  }
0x79: {  	v53 =	vld [tilespmem:$0x13310];
	v51 =	vsel vm12, v18, v50;
	v55 =	vmul.f32 $5.000000000e-01, v17;
	v15 =	vsel vm11, v16, v15  }
0x7a: {  	v13 =	vadd.f32 v13, v14;
	v56 =	vand.u32 $0x7FFFFFFF, v17;
	v15 =	vadd.f32 v51, v15  }
0x7b: {  	v18 =	vsel vm13, v20, v54;
	v57 =	vadd.f32 $-5.000000000e-01, v56;
	v17 =	vmul.f32 v55, v17  }
0x7c: {  	vm14 =	vlt.f32 v56, $1.000000000e+00;
	v13 =	vadd.f32 v45, v13;
	v58 =	vadd.f32 v18, v15  }
0x7d: {  	v59 =	vsel vm0, $0x3F800000, v0;
	v11 =	vadd.f32 v12, v11;
	v60 =	vsel vm14, v17, v57  }
0x7e: {  	vm15 =	vgt.s32 v53, $0x0;
	v12 =	vmul.f32 v13, v59;
	v61 =	vadd.f32 v60, v58  }
0x7f: {  	v62 =	vnsel vm15, $0x0, v1  }
0x80: {  	v11 =	vadd.f32 v12, v11;
	v63 =	vmul.f32 v61, v62;
	_ =	sdelay $0x1  }
0x81: {  	s13 =	sadd.s32 $0x1, s13;
	v11 =	vadd.f32 v63, v11  }
0x82: {  	p0 =	sne.s32 s13, s7  }
.Ltmp1:
0x83: {  	[tilespmem:$0x13380] =	vst v11;
	(pc) =	sbr.rel @p0 .LBB2_1-.Ltmp1, $4  }
0x84: {  	[hbm4b:s6+s2] =	stream.linear.scatter [tilespmem:s12], [sflag:$0x1], $0x10, $0x38;
	[tilespmem:$0x13400] =	vst v63  }
0x85: {  	_ =	swait.ge [sflag:s10], $0x10  }
0x86: {  	[sflag:s10] =	ssyncset.done $0x0  }
0x87: {  	[sflag:s10] =	ssyncadd.s32 $0xFFFFFFF0  }
0x88: {  	_ =	sfence.sel $0x180000  }
0x89: {  	[bflag:$0x0] =	sbarrier.arrive $0xFFFF  }
0x8a: {  	p0 =	sne.s32 s0, $0x0;
	_ =	strace $0x90000047  }
0x8b: {  	s0 =	sadd.s32 @!p0 $0x100000, s1;
	[bflag:$0x2] =	sbarrier.arrive $0xFFFF  }
0x8c: {  	[sflag:s0] =	ssyncadd.tile.s32 @!p0 $0x1;
	_ =	shalt  }
.Lfunc_end2:
_tile_overlayer_lowered:
.L_overlay_start_2:
0x8d: {  	(tag) =	ssettag $0x2  }
0x8e: {  	s0 =	rddreg [dreg:$0x0];
	s2 =	stileid.u32  }
0x8f: {  	s1 =	rddreg [dreg:$0x1];
	p0 =	sne.s32 s2, $0x0  }
0x90: {  	s3 =	rddreg [dreg:$0x2];
	[bflag:$0x3] =	sbarrier.arrive $0xFFFF;
	s2 =	simm.s32 @!p0 $0x1C01  }
0x91: {  	[timem:s3], [sflag:s2] =	dma.local @!p0 [hbm:s0], s1  }
0x92: {  	s0 =	simm.s32 @!p0 $0x1  }
0x93: {  	_ =	swait.ge @!p0 [sflag:s0], s1  }
0x94: {  	s1 =	ssub.s32 @!p0 $0x0, s1;
	[sflag:s0] =	ssyncset.done @!p0 $0x0  }
0x95: {  	[sflag:s0] =	ssyncadd.s32 @!p0 s1  }
0x96: {  	[bflag:$0x3] =	sbarrier.arrive $0xFFFF  }
0x97: {  	_ =	shalt  }

</sc_bundles>
